<compile_context>
chip_gen: v7x
topology: tpu7x:2x2x1
jax: 0.10.2.dev20260603
libtpu: 0.0.44.dev20260713+nightly
codegen_flags: <defaults>
</compile_context>

<pallas_src>
import functools

import jax
import jax.numpy as jnp
import numpy as np
from jax import lax
from jax.experimental import pallas as pl
from jax.experimental.pallas import tpu as pltpu
from jax.experimental.pallas import tpu_sc as plsc

NC = 2
NS = 16
NW = NC * NS
K = 80
L = 16

def _tables_kernel(h_ref, r_ref, ws_ref, wr_ref, wq_ref, b_ref,
                   hsp_ref, rlp_ref, qpp_ref, hb_ref, rb_ref, z_ref):
    h = h_ref[...]
    r = r_ref[...]
    hsp_ref[...] = jnp.dot(h, ws_ref[...],
                           preferred_element_type=jnp.float32).astype(jnp.bfloat16)
    rlp_ref[...] = jnp.dot(r, wr_ref[...],
                           preferred_element_type=jnp.float32).astype(jnp.bfloat16)
    qpp_ref[...] = (jnp.dot(r, wq_ref[...], preferred_element_type=jnp.float32)
                    + b_ref[...]).astype(jnp.bfloat16)
    hb_ref[...] = h.astype(jnp.bfloat16)
    rb_ref[...] = r.astype(jnp.bfloat16)
    z_ref[...] = jnp.zeros_like(z_ref)


def _final_kernel(p_ref, w_ref, o_ref):
    o_ref[...] = jnp.dot(p_ref[0] + p_ref[1], w_ref[...],
                         preferred_element_type=jnp.float32)


def _halves(xi):
    a = plsc.bitcast(lax.shift_left(xi, 16), jnp.float32)
    b = plsc.bitcast(lax.bitwise_and(xi, jnp.int32(-65536)), jnp.float32)
    return a, b


def _sc_edge_kernel(n_node, n_chunk, sub_h, rel_h, ridx_h, obj_h,
                    hid_h, hsp_h, rle_h, rlp_h, cq_h,
                    wp_h, zero_h, out_h, idx_b, obj_s, wp_v,
                    hid_b, hsp_b, rle_b, rlp_b, qp_b, msg_b,
                    acc, sem_g, sem_i, sem_s):
    c = lax.axis_index("c")
    s = lax.axis_index("s")
    wid = s * NC + c

    rows = (n_node // NS) & ~7
    tail = n_node - NS * rows
    pltpu.sync_copy(zero_h.at[pl.ds(s * rows, rows)], acc.at[pl.ds(s * rows, rows)])
    if tail:
        @pl.when(s == 0)
        def _zero_tail():
            pltpu.sync_copy(zero_h.at[pl.ds(NS * rows, tail)],
                            acc.at[pl.ds(NS * rows, tail)])
    pltpu.sync_copy(wp_h, wp_v)
    plsc.subcore_barrier()

    wa0 = wp_v[pl.ds(0, L)]
    wb0 = wp_v[pl.ds(L, L)]
    wa1 = wp_v[pl.ds(2 * L, L)]
    wb1 = wp_v[pl.ds(3 * L, L)]
    bias = wp_v[pl.ds(4 * L, L)]

    n_mine = (n_chunk - 1 - wid) // NW + 1

    def issue_idx(slot, j):
        base = (wid + j * NW) * K
        h1 = pltpu.async_copy(sub_h.at[pl.ds(base, K)],
                              idx_b.at[slot, pl.ds(0, K)], sem_i)
        h2 = pltpu.async_copy(rel_h.at[pl.ds(base, K)],
                              idx_b.at[slot, pl.ds(K, K)], sem_i)
        h3 = pltpu.async_copy(ridx_h.at[pl.ds(base, K)],
                              idx_b.at[slot, pl.ds(2 * K, K)], sem_i)
        h4 = pltpu.async_copy(obj_h.at[pl.ds(base, K)],
                              idx_b.at[slot, pl.ds(3 * K, K)], sem_i)
        return h1, h2, h3, h4

    def wait_idx(hs):
        for h in hs:
            h.wait()

    def compute(slot):
        @plsc.parallel_loop(0, K, unroll=2)
        def edge_body(e):
            zero = jnp.float32(0)
            xh0 = hsp_b[slot, e, pl.ds(0, L)]
            xr0 = rlp_b[slot, e, pl.ds(0, L)]
            xq0 = qp_b[slot, e, pl.ds(0, L)]
            ah0, bh0 = _halves(xh0)
            ar0, br0 = _halves(xr0)
            aq0, bq0 = _halves(xq0)
            pa0 = ah0 + ar0 + aq0
            pb0 = bh0 + br0 + bq0
            xh1 = hsp_b[slot, e, pl.ds(L, L)]
            xr1 = rlp_b[slot, e, pl.ds(L, L)]
            xq1 = qp_b[slot, e, pl.ds(L, L)]
            ah1, bh1 = _halves(xh1)
            ar1, br1 = _halves(xr1)
            aq1, bq1 = _halves(xq1)
            pa1 = ah1 + ar1 + aq1
            pb1 = bh1 + br1 + bq1
            t0 = jnp.maximum(pa0, zero) * wa0
            t1 = jnp.maximum(pb0, zero) * wb0
            t2 = jnp.maximum(pa1, zero) * wa1
            t3 = jnp.maximum(pb1, zero) * wb1
            tot = jnp.sum((t0 + t1) + (t2 + t3))
            x = lax.broadcast_in_dim(tot, (L,), ()) + bias
            alpha = 1.0 / (1.0 + jnp.exp(-x))
            for t in range(4):
                xh = hid_b[slot, e, pl.ds(t * L, L)]
                xr = rle_b[slot, e, pl.ds(t * L, L)]
                ah, bh = _halves(xh)
                ar, br = _halves(xr)
                msg_b[e, pl.ds(2 * t * L, L)] = ah * ar * alpha
                msg_b[e, pl.ds((2 * t + 1) * L, L)] = bh * br * alpha
        for t in range(K // L):
            obj_s[slot, pl.ds(t * L, L)] = idx_b[slot, pl.ds(3 * K + t * L, L)]

    def scatter(slot):
        return pltpu.async_copy(msg_b, acc.at[obj_s.at[slot]], sem_s, add=True)

    wait_idx(issue_idx(0, 0))

    def chunk_body(j, carry):
        p = j & 1
        q = 1 - p
        g1 = pltpu.async_copy(hid_h.at[idx_b.at[p, pl.ds(0, K)]],
                              hid_b.at[p], sem_g)
        g2 = pltpu.async_copy(hsp_h.at[idx_b.at[p, pl.ds(0, K)]],
                              hsp_b.at[p], sem_g)
        g3 = pltpu.async_copy(rle_h.at[idx_b.at[p, pl.ds(K, K)]],
                              rle_b.at[p], sem_g)
        g4 = pltpu.async_copy(rlp_h.at[idx_b.at[p, pl.ds(K, K)]],
                              rlp_b.at[p], sem_g)
        g5 = pltpu.async_copy(cq_h.at[idx_b.at[p, pl.ds(2 * K, K)]],
                              qp_b.at[p], sem_g)

        @pl.when(j > 0)
        def _steady():
            compute(q)
            sc_h = scatter(q)

            @pl.when(j + 1 < n_mine)
            def _prefetch_idx():
                wait_idx(issue_idx(q, j + 1))

            g1.wait()
            g2.wait()
            g3.wait()
            g4.wait()
            g5.wait()
            sc_h.wait()

        @pl.when(j == 0)
        def _first():
            @pl.when(n_mine > 1)
            def _prefetch_idx0():
                wait_idx(issue_idx(q, 1))

            g1.wait()
            g2.wait()
            g3.wait()
            g4.wait()
            g5.wait()

        return carry

    lax.fori_loop(0, n_mine, chunk_body, 0)
    last = (n_mine - 1) & 1
    compute(last)
    scatter(last).wait()

    plsc.subcore_barrier()
    pltpu.sync_copy(acc.at[pl.ds(s * rows, rows)],
                    out_h.at[pl.ds(c * n_node + s * rows, rows)])
    if tail:
        @pl.when(s == 0)
        def _out_tail():
            pltpu.sync_copy(acc.at[pl.ds(NS * rows, tail)],
                            out_h.at[pl.ds(c * n_node + NS * rows, tail)])


def _pack_i32(x_bf16):
    r, cc = x_bf16.shape
    return lax.bitcast_convert_type(x_bf16.reshape(r, cc // 2, 2), jnp.int32)


def _evens_odds_perm(width):
    perm = []
    for t in range(width // 32):
        perm += [32 * t + 2 * k for k in range(16)]
        perm += [32 * t + 2 * k + 1 for k in range(16)]
    return perm


def kernel(q_sub, q_rel, r_idx, hidden, edges, n_node, rela_embed, Ws_attn,
           Wr_attn, Wqr_W, Wqr_b, walpha_W, walpha_b, W_h):
    del q_sub
    n, d = hidden.shape
    v = rela_embed.shape[0]
    e = r_idx.shape[0]
    assert e % K == 0
    n_chunk = e // K

    e32 = edges.astype(jnp.int32)
    sub_i = e32[:, 0]
    rel_i = e32[:, 1]
    obj_i = jnp.minimum(e32[:, 2], jnp.int32(n_node) - 1)
    ridx_i = r_idx.astype(jnp.int32)
    qrel_i = q_rel.astype(jnp.int32)

    p64 = np.array(_evens_odds_perm(64), np.int32)
    wp = jnp.concatenate([walpha_W[p64, 0],
                          jnp.broadcast_to(walpha_b, (L,))]).astype(jnp.float32)

    nb = n // 10
    rb = 1024
    hs_proj, rl_proj, qp_proj, hid_bf, rle_bf, zero = pl.pallas_call(
        _tables_kernel,
        grid=(10,),
        in_specs=[pl.BlockSpec((nb, d), lambda i: (i, 0)),
                  pl.BlockSpec((rb, d), lambda i: (i, 0)),
                  pl.BlockSpec((d, 64), lambda i: (0, 0)),
                  pl.BlockSpec((d, 64), lambda i: (0, 0)),
                  pl.BlockSpec((d, 64), lambda i: (0, 0)),
                  pl.BlockSpec((1, 64), lambda i: (0, 0))],
        out_specs=[pl.BlockSpec((nb, 64), lambda i: (i, 0)),
                   pl.BlockSpec((rb, 64), lambda i: (i, 0)),
                   pl.BlockSpec((rb, 64), lambda i: (i, 0)),
                   pl.BlockSpec((nb, d), lambda i: (i, 0)),
                   pl.BlockSpec((rb, d), lambda i: (i, 0)),
                   pl.BlockSpec((nb, d), lambda i: (i, 0))],
        out_shape=[jax.ShapeDtypeStruct((n, 64), jnp.bfloat16),
                   jax.ShapeDtypeStruct((v, 64), jnp.bfloat16),
                   jax.ShapeDtypeStruct((v, 64), jnp.bfloat16),
                   jax.ShapeDtypeStruct((n, d), jnp.bfloat16),
                   jax.ShapeDtypeStruct((v, d), jnp.bfloat16),
                   jax.ShapeDtypeStruct((n, d), jnp.float32)],
    )(hidden, rela_embed, Ws_attn, Wr_attn, Wqr_W, Wqr_b.reshape(1, 64))

    hid_i = _pack_i32(hid_bf)
    rle_i = _pack_i32(rle_bf)
    hsp_i = _pack_i32(hs_proj)
    rlp_i = _pack_i32(rl_proj)
    qp_i = _pack_i32(qp_proj)

    cq = qp_i[qrel_i]

    sc = pl.kernel(
        functools.partial(_sc_edge_kernel, n, n_chunk),
        out_type=jax.ShapeDtypeStruct((NC * n, d), jnp.float32),
        mesh=plsc.VectorSubcoreMesh(core_axis_name="c", subcore_axis_name="s"),
        scratch_types=[
            pltpu.VMEM((2, 4 * K), jnp.int32),
            pltpu.VMEM((2, K), jnp.int32),
            pltpu.VMEM((5 * L,), jnp.float32),
            pltpu.VMEM((2, K, d // 2), jnp.int32),
            pltpu.VMEM((2, K, 32), jnp.int32),
            pltpu.VMEM((2, K, d // 2), jnp.int32),
            pltpu.VMEM((2, K, 32), jnp.int32),
            pltpu.VMEM((2, K, 32), jnp.int32),
            pltpu.VMEM((K, d), jnp.float32),
            pltpu.VMEM_SHARED((n, d), jnp.float32),
            pltpu.SemaphoreType.DMA,
            pltpu.SemaphoreType.DMA,
            pltpu.SemaphoreType.DMA,
        ],
        compiler_params=pltpu.CompilerParams(use_tc_tiling_on_sc=False,
                                             needs_layout_passes=False),
    )
    partial_out = sc(sub_i, rel_i, ridx_i, obj_i, hid_i, hsp_i, rle_i, rlp_i,
                     cq, wp, zero)

    p128 = np.array(_evens_odds_perm(d), np.int32)
    w_h_perm = W_h[p128, :]
    p = partial_out.reshape(NC, n, d)
    fb = 1000
    hidden_new = pl.pallas_call(
        _final_kernel,
        grid=(n // fb,),
        in_specs=[pl.BlockSpec((NC, fb, d), lambda i: (0, i, 0)),
                  pl.BlockSpec((d, d), lambda i: (0, 0))],
        out_specs=pl.BlockSpec((fb, d), lambda i: (i, 0)),
        out_shape=jax.ShapeDtypeStruct((n, d), jnp.float32),
    )(p, w_h_perm)
    return hidden_new

# --- scband reference (transcript-rebuilt; emitter-appended) ---
"""Pipeline reference for scband-gnnlayer-558345748961 (READ-ONLY COPY).

The authoritative reference and input builder live on the scoring server;
editing this copy changes nothing except your own understanding.
"""

import jax, jax.numpy as jnp
import numpy as np

IN_DIM = 128
OUT_DIM = 128
ATTN_DIM = 64
N_REL = 5000
N_NODE = 10000
N_EDGE = 320000
N_QUERY = 64
VOCAB = 2 * N_REL + 1  # 10001


def setup_inputs(seed: int = 0) -> dict:
    key = jax.random.key(seed)
    ks = jax.random.split(key, 16)
    q_sub = jax.random.randint(ks[0], (N_QUERY,), 0, N_NODE, dtype=jnp.int64)
    q_rel = jax.random.randint(ks[1], (N_QUERY,), 0, VOCAB, dtype=jnp.int64)
    r_idx = jax.random.randint(ks[2], (N_EDGE,), 0, N_QUERY, dtype=jnp.int64)
    hidden = jax.random.normal(ks[3], (N_NODE, IN_DIM), dtype=jnp.float32)
    edges = jax.random.randint(ks[4], (N_EDGE, 3), 0, N_NODE, dtype=jnp.int64)
    # learned parameters
    rela_embed = jax.random.normal(ks[5], (VOCAB, IN_DIM), dtype=jnp.float32) * 0.02
    Ws_attn = jax.random.normal(ks[6], (IN_DIM, ATTN_DIM), dtype=jnp.float32) * (1.0 / np.sqrt(IN_DIM))
    Wr_attn = jax.random.normal(ks[7], (IN_DIM, ATTN_DIM), dtype=jnp.float32) * (1.0 / np.sqrt(IN_DIM))
    Wqr_W = jax.random.normal(ks[8], (IN_DIM, ATTN_DIM), dtype=jnp.float32) * (1.0 / np.sqrt(IN_DIM))
    Wqr_b = jnp.zeros((ATTN_DIM,), dtype=jnp.float32)
    walpha_W = jax.random.normal(ks[9], (ATTN_DIM, 1), dtype=jnp.float32) * (1.0 / np.sqrt(ATTN_DIM))
    walpha_b = jnp.zeros((1,), dtype=jnp.float32)
    W_h = jax.random.normal(ks[10], (IN_DIM, OUT_DIM), dtype=jnp.float32) * (1.0 / np.sqrt(IN_DIM))
    return {
        'q_sub': q_sub, 'q_rel': q_rel, 'r_idx': r_idx, 'hidden': hidden,
        'edges': edges, 'n_node': N_NODE,
        'rela_embed': rela_embed, 'Ws_attn': Ws_attn, 'Wr_attn': Wr_attn,
        'Wqr_W': Wqr_W, 'Wqr_b': Wqr_b, 'walpha_W': walpha_W,
        'walpha_b': walpha_b, 'W_h': W_h,
    }


def reference(q_sub, q_rel, r_idx, hidden, edges, n_node,
              rela_embed, Ws_attn, Wr_attn, Wqr_W, Wqr_b,
              walpha_W, walpha_b, W_h):
    sub = edges[:, 0]
    rel = edges[:, 1]
    obj = jnp.minimum(edges[:, 2], n_node - 1)
    hs = jnp.take(hidden, sub, axis=0)                    # [E, in_dim] gather
    hr = jnp.take(rela_embed, rel, axis=0)                # [E, in_dim] embedding gather
    h_q = jnp.take(rela_embed, q_rel, axis=0)             # [B, in_dim]
    h_qr = jnp.take(h_q, r_idx, axis=0)                   # [E, in_dim]
    message = hs * hr
    pre = hs @ Ws_attn + hr @ Wr_attn + (h_qr @ Wqr_W + Wqr_b)
    alpha = jax.nn.sigmoid(jax.nn.relu(pre) @ walpha_W + walpha_b)  # [E, 1]
    message = alpha * message
    message_agg = jax.ops.segment_sum(message, obj, num_segments=hidden.shape[0])  # scatter-add
    hidden_new = message_agg @ W_h  # act is identity (default)
    return hidden_new

if __name__ == "__main__":
    import jax
    _d = setup_inputs()
    print(jax.jit(kernel)(*tuple(_d.values())))

</pallas_src>

<mosaic_0001>
#map = affine_map<(d0, d1) -> (0)>
#map1 = affine_map<(d0, d1) -> (0, 0)>
module attributes {stable_mosaic.version = 14 : i64} {
  func.func @_sc_edge_kernel(%arg0: i32, %arg1: i32, %arg2: memref<320000xi32, #tpu.memory_space<hbm>>, %arg3: memref<320000xi32, #tpu.memory_space<hbm>>, %arg4: memref<320000xi32, #tpu.memory_space<hbm>>, %arg5: memref<320000xi32, #tpu.memory_space<hbm>>, %arg6: memref<10000x64xi32, #tpu.memory_space<hbm>>, %arg7: memref<10000x32xi32, #tpu.memory_space<hbm>>, %arg8: memref<10001x64xi32, #tpu.memory_space<hbm>>, %arg9: memref<10001x32xi32, #tpu.memory_space<hbm>>, %arg10: memref<64x32xi32, #tpu.memory_space<hbm>>, %arg11: memref<80xf32, #tpu.memory_space<hbm>>, %arg12: memref<10000x128xf32, #tpu.memory_space<hbm>>, %arg13: memref<20000x128xf32, #tpu.memory_space<hbm>>, %arg14: memref<2x320xi32, #tpu.memory_space<vmem>>, %arg15: memref<2x80xi32, #tpu.memory_space<vmem>>, %arg16: memref<80xf32, #tpu.memory_space<vmem>>, %arg17: memref<2x80x64xi32, #tpu.memory_space<vmem>>, %arg18: memref<2x80x32xi32, #tpu.memory_space<vmem>>, %arg19: memref<2x80x64xi32, #tpu.memory_space<vmem>>, %arg20: memref<2x80x32xi32, #tpu.memory_space<vmem>>, %arg21: memref<2x80x32xi32, #tpu.memory_space<vmem>>, %arg22: memref<80x128xf32, #tpu.memory_space<vmem>>, %arg23: memref<10000x128xf32, #tpu.memory_space<vmem_shared>>, %arg24: memref<!tpu.dma_semaphore, #tpu.memory_space<semaphore_mem>>, %arg25: memref<!tpu.dma_semaphore, #tpu.memory_space<semaphore_mem>>, %arg26: memref<!tpu.dma_semaphore, #tpu.memory_space<semaphore_mem>>) attributes {dimension_semantics = [#tpu.dimension_semantics<core_parallel>, #tpu.dimension_semantics<subcore_parallel>], iteration_bounds = array<i64: 2, 16>, scalar_prefetch = 0 : i64, scratch_operands = 13 : i64, tpu.core_type = #tpu.core_type<sc_vector_subcore>, window_params = [{transform_indices = #map}, {transform_indices = #map}, {transform_indices = #map}, {transform_indices = #map}, {transform_indices = #map1}, {transform_indices = #map1}, {transform_indices = #map1}, {transform_indices = #map1}, {transform_indices = #map1}, {transform_indices = #map}, {transform_indices = #map1}, {transform_indices = #map1}]} {
    %mul3A = arith.constant 2 : i32
    %mul3A_0 = arith.muli %arg1, %mul3A : i32
    %add3A = arith.addi %mul3A_0, %arg0 : i32
    %mul3A_1 = arith.constant 624 : i32
    %mul3A_2 = arith.muli %arg1, %mul3A_1 : i32
    %mul3A_3 = arith.constant 624 : i32
    %mul3A_4 = arith.muli %arg1, %mul3A_3 : i32
    "tpu.region"() ({
      %run_scoped3A = tpu.sem_alloc : memref<!tpu.dma_semaphore, #tpu.memory_space<semaphore_mem>>
      %dma_start3A_179 = arith.constant 0 : i32
      %dma_start3A_180 = tpu.memref_slice %arg23[%mul3A_4, %dma_start3A_179] : memref<10000x128xf32, #tpu.memory_space<vmem_shared>> -> memref<624x128xf32, #tpu.memory_space<vmem_shared>>
      %dma_start3A_181 = arith.constant 0 : i32
      %dma_start3A_182 = tpu.memref_slice %arg12[%mul3A_2, %dma_start3A_181] : memref<10000x128xf32, #tpu.memory_space<hbm>> -> memref<624x128xf32, #tpu.memory_space<hbm>>
      tpu.enqueue_dma source(%dma_start3A_182 : memref<624x128xf32, #tpu.memory_space<hbm>>) target(%dma_start3A_180 : memref<624x128xf32, #tpu.memory_space<vmem_shared>>) target_semaphore(%run_scoped3A : memref<!tpu.dma_semaphore, #tpu.memory_space<semaphore_mem>>)
      %dma_wait3A_183 = arith.constant 0 : i32
      %dma_wait3A_184 = tpu.memref_slice %arg23[%mul3A_4, %dma_wait3A_183] : memref<10000x128xf32, #tpu.memory_space<vmem_shared>> -> memref<624x128xf32, #tpu.memory_space<vmem_shared>>
      %dma_wait3A_185 = arith.constant 0 : i32
      %dma_wait3A_186 = tpu.memref_slice %arg12[%mul3A_2, %dma_wait3A_185] : memref<10000x128xf32, #tpu.memory_space<hbm>> -> memref<624x128xf32, #tpu.memory_space<hbm>>
      tpu.wait_dma2 semaphore(%run_scoped3A : memref<!tpu.dma_semaphore, #tpu.memory_space<semaphore_mem>>) src(%dma_wait3A_186 : memref<624x128xf32, #tpu.memory_space<hbm>>) dst(%dma_wait3A_184 : memref<624x128xf32, #tpu.memory_space<vmem_shared>>)
      tpu.yield
    }) : () -> ()
    %eq3A = arith.constant 0 : i32
    %eq3A_5 = arith.cmpi eq, %arg1, %eq3A : i32
    %convert_element_type3A = arith.extui %eq3A_5 : i1 to i32
    %cond3A = arith.constant 0 : i32
    %cond3A_6 = arith.cmpi ne, %convert_element_type3A, %cond3A : i32
    scf.if %cond3A_6 {
      "tpu.region"() ({
        %run_scoped3A = tpu.sem_alloc : memref<!tpu.dma_semaphore, #tpu.memory_space<semaphore_mem>>
        %dma_start3A_179 = arith.constant 9984 : i32
        %dma_start3A_180 = arith.constant 0 : i32
        %dma_start3A_181 = tpu.memref_slice %arg23[%dma_start3A_179, %dma_start3A_180] : memref<10000x128xf32, #tpu.memory_space<vmem_shared>> -> memref<16x128xf32, #tpu.memory_space<vmem_shared>>
        %dma_start3A_182 = arith.constant 9984 : i32
        %dma_start3A_183 = arith.constant 0 : i32
        %dma_start3A_184 = tpu.memref_slice %arg12[%dma_start3A_182, %dma_start3A_183] : memref<10000x128xf32, #tpu.memory_space<hbm>> -> memref<16x128xf32, #tpu.memory_space<hbm>>
        tpu.enqueue_dma source(%dma_start3A_184 : memref<16x128xf32, #tpu.memory_space<hbm>>) target(%dma_start3A_181 : memref<16x128xf32, #tpu.memory_space<vmem_shared>>) target_semaphore(%run_scoped3A : memref<!tpu.dma_semaphore, #tpu.memory_space<semaphore_mem>>)
        %dma_wait3A_185 = arith.constant 9984 : i32
        %dma_wait3A_186 = arith.constant 0 : i32
        %dma_wait3A_187 = tpu.memref_slice %arg23[%dma_wait3A_185, %dma_wait3A_186] : memref<10000x128xf32, #tpu.memory_space<vmem_shared>> -> memref<16x128xf32, #tpu.memory_space<vmem_shared>>
        %dma_wait3A_188 = arith.constant 9984 : i32
        %dma_wait3A_189 = arith.constant 0 : i32
        %dma_wait3A_190 = tpu.memref_slice %arg12[%dma_wait3A_188, %dma_wait3A_189] : memref<10000x128xf32, #tpu.memory_space<hbm>> -> memref<16x128xf32, #tpu.memory_space<hbm>>
        tpu.wait_dma2 semaphore(%run_scoped3A : memref<!tpu.dma_semaphore, #tpu.memory_space<semaphore_mem>>) src(%dma_wait3A_190 : memref<16x128xf32, #tpu.memory_space<hbm>>) dst(%dma_wait3A_187 : memref<16x128xf32, #tpu.memory_space<vmem_shared>>)
        tpu.yield
      }) : () -> ()
    } else {
    }
    "tpu.region"() ({
      %run_scoped3A = tpu.sem_alloc : memref<!tpu.dma_semaphore, #tpu.memory_space<semaphore_mem>>
      tpu.enqueue_dma source(%arg11 : memref<80xf32, #tpu.memory_space<hbm>>) target(%arg16 : memref<80xf32, #tpu.memory_space<vmem>>) target_semaphore(%run_scoped3A : memref<!tpu.dma_semaphore, #tpu.memory_space<semaphore_mem>>)
      tpu.wait_dma2 semaphore(%run_scoped3A : memref<!tpu.dma_semaphore, #tpu.memory_space<semaphore_mem>>) src(%arg11 : memref<80xf32, #tpu.memory_space<hbm>>) dst(%arg16 : memref<80xf32, #tpu.memory_space<vmem>>)
      tpu.yield
    }) : () -> ()
    %barrier3A = arith.constant 0 : index
    tpu.barrier barrier_id(%barrier3A)
    %get3A = arith.constant 0 : index
    %get3A_7 = tpu.vector_load %arg16[%get3A] {strides = array<i32>} : memref<80xf32, #tpu.memory_space<vmem>>, vector<16xf32>,
    %get3A_8 = arith.constant 16 : index
    %get3A_9 = tpu.vector_load %arg16[%get3A_8] {strides = array<i32>} : memref<80xf32, #tpu.memory_space<vmem>>, vector<16xf32>,
    %get3A_10 = arith.constant 32 : index
    %get3A_11 = tpu.vector_load %arg16[%get3A_10] {strides = array<i32>} : memref<80xf32, #tpu.memory_space<vmem>>, vector<16xf32>,
    %get3A_12 = arith.constant 48 : index
    %get3A_13 = tpu.vector_load %arg16[%get3A_12] {strides = array<i32>} : memref<80xf32, #tpu.memory_space<vmem>>, vector<16xf32>,
    %get3A_14 = arith.constant 64 : index
    %get3A_15 = tpu.vector_load %arg16[%get3A_14] {strides = array<i32>} : memref<80xf32, #tpu.memory_space<vmem>>, vector<16xf32>,
    %sub3A = arith.constant 3999 : i32
    %sub3A_16 = arith.subi %sub3A, %add3A : i32
    %jit3A = arith.constant 32 : i32
    %div3A = arith.divsi %sub3A_16, %jit3A : i32
    %sign3A = arith.constant 0 : i32
    %sign3A_17 = arith.cmpi sgt, %sub3A_16, %sign3A : i32
    %sign3A_18 = arith.extui %sign3A_17 : i1 to i32
    %sign3A_19 = arith.constant 0 : i32
    %sign3A_20 = arith.cmpi slt, %sub3A_16, %sign3A_19 : i32
    %sign3A_21 = arith.extui %sign3A_20 : i1 to i32
    %sign3A_22 = arith.subi %sign3A_18, %sign3A_21 : i32
    %sign3A_23 = arith.constant 0 : i32
    %sign3A_24 = arith.cmpi sgt, %jit3A, %sign3A_23 : i32
    %sign3A_25 = arith.extui %sign3A_24 : i1 to i32
    %sign3A_26 = arith.constant 0 : i32
    %sign3A_27 = arith.cmpi slt, %jit3A, %sign3A_26 : i32
    %sign3A_28 = arith.extui %sign3A_27 : i1 to i32
    %sign3A_29 = arith.subi %sign3A_25, %sign3A_28 : i32
    %ne3A = arith.cmpi ne, %sign3A_22, %sign3A_29 : i32
    %rem3A = arith.remsi %sub3A_16, %jit3A : i32
    %ne3A_30 = arith.constant 0 : i32
    %ne3A_31 = arith.cmpi ne, %rem3A, %ne3A_30 : i32
    %and3A = arith.andi %ne3A, %ne3A_31 : i1
    %sub3A_32 = arith.constant 1 : i32
    %sub3A_33 = arith.subi %div3A, %sub3A_32 : i32
    %select_n3A = arith.select %and3A, %sub3A_33, %div3A : i32
    %add3A_34 = arith.constant 1 : i32
    %add3A_35 = arith.addi %select_n3A, %add3A_34 : i32
    %add3A_36 = arith.constant 0 : i32
    %add3A_37 = arith.addi %add3A, %add3A_36 : i32
    %mul3A_38 = arith.constant 80 : i32
    %mul3A_39 = arith.muli %add3A_37, %mul3A_38 : i32
    %dma_start3A = arith.constant 0 : i32
    %dma_start3A_40 = arith.constant 0 : i32
    %dma_start3A_41 = tpu.memref_slice %arg14[%dma_start3A, %dma_start3A_40] : memref<2x320xi32, #tpu.memory_space<vmem>> -> memref<1x80xi32, #tpu.memory_space<vmem>>
    %dma_start3A_42 = tpu.memref_squeeze %dma_start3A_41 : memref<1x80xi32, #tpu.memory_space<vmem>> -> memref<80xi32, #tpu.memory_space<vmem>>
    %dma_start3A_43 = tpu.memref_slice %arg2[%mul3A_39] : memref<320000xi32, #tpu.memory_space<hbm>> -> memref<80xi32, #tpu.memory_space<hbm>>
    %dma_start3A_44 = arith.constant 0 : i32
    %dma_start3A_45 = tpu.memref_slice %arg14[%dma_start3A, %dma_start3A_44] : memref<2x320xi32, #tpu.memory_space<vmem>> -> memref<1x80xi32, #tpu.memory_space<vmem>>
    %dma_start3A_46 = tpu.memref_squeeze %dma_start3A_45 : memref<1x80xi32, #tpu.memory_space<vmem>> -> memref<80xi32, #tpu.memory_space<vmem>>
    %dma_start3A_47 = tpu.memref_slice %arg2[%mul3A_39] : memref<320000xi32, #tpu.memory_space<hbm>> -> memref<80xi32, #tpu.memory_space<hbm>>
    tpu.enqueue_dma source(%dma_start3A_47 : memref<80xi32, #tpu.memory_space<hbm>>) target(%dma_start3A_46 : memref<80xi32, #tpu.memory_space<vmem>>) target_semaphore(%arg25 : memref<!tpu.dma_semaphore, #tpu.memory_space<semaphore_mem>>)
    %dma_start3A_48 = arith.constant 0 : i32
    %dma_start3A_49 = arith.constant 80 : i32
    %dma_start3A_50 = tpu.memref_slice %arg14[%dma_start3A_48, %dma_start3A_49] : memref<2x320xi32, #tpu.memory_space<vmem>> -> memref<1x80xi32, #tpu.memory_space<vmem>>
    %dma_start3A_51 = tpu.memref_squeeze %dma_start3A_50 : memref<1x80xi32, #tpu.memory_space<vmem>> -> memref<80xi32, #tpu.memory_space<vmem>>
    %dma_start3A_52 = tpu.memref_slice %arg3[%mul3A_39] : memref<320000xi32, #tpu.memory_space<hbm>> -> memref<80xi32, #tpu.memory_space<hbm>>
    %dma_start3A_53 = arith.constant 80 : i32
    %dma_start3A_54 = tpu.memref_slice %arg14[%dma_start3A_48, %dma_start3A_53] : memref<2x320xi32, #tpu.memory_space<vmem>> -> memref<1x80xi32, #tpu.memory_space<vmem>>
    %dma_start3A_55 = tpu.memref_squeeze %dma_start3A_54 : memref<1x80xi32, #tpu.memory_space<vmem>> -> memref<80xi32, #tpu.memory_space<vmem>>
    %dma_start3A_56 = tpu.memref_slice %arg3[%mul3A_39] : memref<320000xi32, #tpu.memory_space<hbm>> -> memref<80xi32, #tpu.memory_space<hbm>>
    tpu.enqueue_dma source(%dma_start3A_56 : memref<80xi32, #tpu.memory_space<hbm>>) target(%dma_start3A_55 : memref<80xi32, #tpu.memory_space<vmem>>) target_semaphore(%arg25 : memref<!tpu.dma_semaphore, #tpu.memory_space<semaphore_mem>>)
    %dma_start3A_57 = arith.constant 0 : i32
    %dma_start3A_58 = arith.constant 160 : i32
    %dma_start3A_59 = tpu.memref_slice %arg14[%dma_start3A_57, %dma_start3A_58] : memref<2x320xi32, #tpu.memory_space<vmem>> -> memref<1x80xi32, #tpu.memory_space<vmem>>
    %dma_start3A_60 = tpu.memref_squeeze %dma_start3A_59 : memref<1x80xi32, #tpu.memory_space<vmem>> -> memref<80xi32, #tpu.memory_space<vmem>>
    %dma_start3A_61 = tpu.memref_slice %arg4[%mul3A_39] : memref<320000xi32, #tpu.memory_space<hbm>> -> memref<80xi32, #tpu.memory_space<hbm>>
    %dma_start3A_62 = arith.constant 160 : i32
    %dma_start3A_63 = tpu.memref_slice %arg14[%dma_start3A_57, %dma_start3A_62] : memref<2x320xi32, #tpu.memory_space<vmem>> -> memref<1x80xi32, #tpu.memory_space<vmem>>
    %dma_start3A_64 = tpu.memref_squeeze %dma_start3A_63 : memref<1x80xi32, #tpu.memory_space<vmem>> -> memref<80xi32, #tpu.memory_space<vmem>>
    %dma_start3A_65 = tpu.memref_slice %arg4[%mul3A_39] : memref<320000xi32, #tpu.memory_space<hbm>> -> memref<80xi32, #tpu.memory_space<hbm>>
    tpu.enqueue_dma source(%dma_start3A_65 : memref<80xi32, #tpu.memory_space<hbm>>) target(%dma_start3A_64 : memref<80xi32, #tpu.memory_space<vmem>>) target_semaphore(%arg25 : memref<!tpu.dma_semaphore, #tpu.memory_space<semaphore_mem>>)
    %dma_start3A_66 = arith.constant 0 : i32
    %dma_start3A_67 = arith.constant 240 : i32
    %dma_start3A_68 = tpu.memref_slice %arg14[%dma_start3A_66, %dma_start3A_67] : memref<2x320xi32, #tpu.memory_space<vmem>> -> memref<1x80xi32, #tpu.memory_space<vmem>>
    %dma_start3A_69 = tpu.memref_squeeze %dma_start3A_68 : memref<1x80xi32, #tpu.memory_space<vmem>> -> memref<80xi32, #tpu.memory_space<vmem>>
    %dma_start3A_70 = tpu.memref_slice %arg5[%mul3A_39] : memref<320000xi32, #tpu.memory_space<hbm>> -> memref<80xi32, #tpu.memory_space<hbm>>
    %dma_start3A_71 = arith.constant 240 : i32
    %dma_start3A_72 = tpu.memref_slice %arg14[%dma_start3A_66, %dma_start3A_71] : memref<2x320xi32, #tpu.memory_space<vmem>> -> memref<1x80xi32, #tpu.memory_space<vmem>>
    %dma_start3A_73 = tpu.memref_squeeze %dma_start3A_72 : memref<1x80xi32, #tpu.memory_space<vmem>> -> memref<80xi32, #tpu.memory_space<vmem>>
    %dma_start3A_74 = tpu.memref_slice %arg5[%mul3A_39] : memref<320000xi32, #tpu.memory_space<hbm>> -> memref<80xi32, #tpu.memory_space<hbm>>
    tpu.enqueue_dma source(%dma_start3A_74 : memref<80xi32, #tpu.memory_space<hbm>>) target(%dma_start3A_73 : memref<80xi32, #tpu.memory_space<vmem>>) target_semaphore(%arg25 : memref<!tpu.dma_semaphore, #tpu.memory_space<semaphore_mem>>)
    %dma_wait3A = arith.constant 0 : i32
    %dma_wait3A_75 = arith.constant 0 : i32
    %dma_wait3A_76 = tpu.memref_slice %arg14[%dma_wait3A, %dma_wait3A_75] : memref<2x320xi32, #tpu.memory_space<vmem>> -> memref<1x80xi32, #tpu.memory_space<vmem>>
    %dma_wait3A_77 = tpu.memref_squeeze %dma_wait3A_76 : memref<1x80xi32, #tpu.memory_space<vmem>> -> memref<80xi32, #tpu.memory_space<vmem>>
    %dma_wait3A_78 = tpu.memref_slice %arg2[%mul3A_39] : memref<320000xi32, #tpu.memory_space<hbm>> -> memref<80xi32, #tpu.memory_space<hbm>>
    %dma_wait3A_79 = arith.constant 0 : i32
    %dma_wait3A_80 = tpu.memref_slice %arg14[%dma_wait3A, %dma_wait3A_79] : memref<2x320xi32, #tpu.memory_space<vmem>> -> memref<1x80xi32, #tpu.memory_space<vmem>>
    %dma_wait3A_81 = tpu.memref_squeeze %dma_wait3A_80 : memref<1x80xi32, #tpu.memory_space<vmem>> -> memref<80xi32, #tpu.memory_space<vmem>>
    %dma_wait3A_82 = tpu.memref_slice %arg2[%mul3A_39] : memref<320000xi32, #tpu.memory_space<hbm>> -> memref<80xi32, #tpu.memory_space<hbm>>
    tpu.wait_dma2 semaphore(%arg25 : memref<!tpu.dma_semaphore, #tpu.memory_space<semaphore_mem>>) src(%dma_wait3A_82 : memref<80xi32, #tpu.memory_space<hbm>>) dst(%dma_wait3A_81 : memref<80xi32, #tpu.memory_space<vmem>>)
    %dma_wait3A_83 = arith.constant 0 : i32
    %dma_wait3A_84 = arith.constant 80 : i32
    %dma_wait3A_85 = tpu.memref_slice %arg14[%dma_wait3A_83, %dma_wait3A_84] : memref<2x320xi32, #tpu.memory_space<vmem>> -> memref<1x80xi32, #tpu.memory_space<vmem>>
    %dma_wait3A_86 = tpu.memref_squeeze %dma_wait3A_85 : memref<1x80xi32, #tpu.memory_space<vmem>> -> memref<80xi32, #tpu.memory_space<vmem>>
    %dma_wait3A_87 = tpu.memref_slice %arg3[%mul3A_39] : memref<320000xi32, #tpu.memory_space<hbm>> -> memref<80xi32, #tpu.memory_space<hbm>>
    %dma_wait3A_88 = arith.constant 80 : i32
    %dma_wait3A_89 = tpu.memref_slice %arg14[%dma_wait3A_83, %dma_wait3A_88] : memref<2x320xi32, #tpu.memory_space<vmem>> -> memref<1x80xi32, #tpu.memory_space<vmem>>
    %dma_wait3A_90 = tpu.memref_squeeze %dma_wait3A_89 : memref<1x80xi32, #tpu.memory_space<vmem>> -> memref<80xi32, #tpu.memory_space<vmem>>
    %dma_wait3A_91 = tpu.memref_slice %arg3[%mul3A_39] : memref<320000xi32, #tpu.memory_space<hbm>> -> memref<80xi32, #tpu.memory_space<hbm>>
    tpu.wait_dma2 semaphore(%arg25 : memref<!tpu.dma_semaphore, #tpu.memory_space<semaphore_mem>>) src(%dma_wait3A_91 : memref<80xi32, #tpu.memory_space<hbm>>) dst(%dma_wait3A_90 : memref<80xi32, #tpu.memory_space<vmem>>)
    %dma_wait3A_92 = arith.constant 0 : i32
    %dma_wait3A_93 = arith.constant 160 : i32
    %dma_wait3A_94 = tpu.memref_slice %arg14[%dma_wait3A_92, %dma_wait3A_93] : memref<2x320xi32, #tpu.memory_space<vmem>> -> memref<1x80xi32, #tpu.memory_space<vmem>>
    %dma_wait3A_95 = tpu.memref_squeeze %dma_wait3A_94 : memref<1x80xi32, #tpu.memory_space<vmem>> -> memref<80xi32, #tpu.memory_space<vmem>>
    %dma_wait3A_96 = tpu.memref_slice %arg4[%mul3A_39] : memref<320000xi32, #tpu.memory_space<hbm>> -> memref<80xi32, #tpu.memory_space<hbm>>
    %dma_wait3A_97 = arith.constant 160 : i32
    %dma_wait3A_98 = tpu.memref_slice %arg14[%dma_wait3A_92, %dma_wait3A_97] : memref<2x320xi32, #tpu.memory_space<vmem>> -> memref<1x80xi32, #tpu.memory_space<vmem>>
    %dma_wait3A_99 = tpu.memref_squeeze %dma_wait3A_98 : memref<1x80xi32, #tpu.memory_space<vmem>> -> memref<80xi32, #tpu.memory_space<vmem>>
    %dma_wait3A_100 = tpu.memref_slice %arg4[%mul3A_39] : memref<320000xi32, #tpu.memory_space<hbm>> -> memref<80xi32, #tpu.memory_space<hbm>>
    tpu.wait_dma2 semaphore(%arg25 : memref<!tpu.dma_semaphore, #tpu.memory_space<semaphore_mem>>) src(%dma_wait3A_100 : memref<80xi32, #tpu.memory_space<hbm>>) dst(%dma_wait3A_99 : memref<80xi32, #tpu.memory_space<vmem>>)
    %dma_wait3A_101 = arith.constant 0 : i32
    %dma_wait3A_102 = arith.constant 240 : i32
    %dma_wait3A_103 = tpu.memref_slice %arg14[%dma_wait3A_101, %dma_wait3A_102] : memref<2x320xi32, #tpu.memory_space<vmem>> -> memref<1x80xi32, #tpu.memory_space<vmem>>
    %dma_wait3A_104 = tpu.memref_squeeze %dma_wait3A_103 : memref<1x80xi32, #tpu.memory_space<vmem>> -> memref<80xi32, #tpu.memory_space<vmem>>
    %dma_wait3A_105 = tpu.memref_slice %arg5[%mul3A_39] : memref<320000xi32, #tpu.memory_space<hbm>> -> memref<80xi32, #tpu.memory_space<hbm>>
    %dma_wait3A_106 = arith.constant 240 : i32
    %dma_wait3A_107 = tpu.memref_slice %arg14[%dma_wait3A_101, %dma_wait3A_106] : memref<2x320xi32, #tpu.memory_space<vmem>> -> memref<1x80xi32, #tpu.memory_space<vmem>>
    %dma_wait3A_108 = tpu.memref_squeeze %dma_wait3A_107 : memref<1x80xi32, #tpu.memory_space<vmem>> -> memref<80xi32, #tpu.memory_space<vmem>>
    %dma_wait3A_109 = tpu.memref_slice %arg5[%mul3A_39] : memref<320000xi32, #tpu.memory_space<hbm>> -> memref<80xi32, #tpu.memory_space<hbm>>
    tpu.wait_dma2 semaphore(%arg25 : memref<!tpu.dma_semaphore, #tpu.memory_space<semaphore_mem>>) src(%dma_wait3A_109 : memref<80xi32, #tpu.memory_space<hbm>>) dst(%dma_wait3A_108 : memref<80xi32, #tpu.memory_space<vmem>>)
    %while3A = arith.constant 0 : i32
    %while3A_110 = arith.constant 0 : i32
    %while3A_111 = arith.subi %add3A_35, %while3A_110 : i32
    %while3A_112 = arith.addi %while3A_110, %while3A_111 : i32
    %while3A_113 = arith.constant 1 : i32
    %while3A_114 = arith.divsi %while3A_111, %while3A_113 : i32
    %while3A_115 = arith.muli %while3A_114, %while3A_113 : i32
    %while3A_116 = arith.addi %while3A_110, %while3A_115 : i32
    %while3A_117 = arith.constant 1 : i32
    scf.for %while3A_179 = %while3A_110 to %while3A_116 step %while3A_117  : i32 {
      %and3A_180 = arith.constant 1 : i32
      %and3A_181 = arith.andi %while3A_179, %and3A_180 : i32
      %sub3A_182 = arith.constant 1 : i32
      %sub3A_183 = arith.subi %sub3A_182, %and3A_181 : i32
      %dma_start3A_184 = arith.constant 0 : i32
      %dma_start3A_185 = arith.constant 0 : i32
      %dma_start3A_186 = tpu.memref_slice %arg17[%and3A_181, %dma_start3A_184, %dma_start3A_185] : memref<2x80x64xi32, #tpu.memory_space<vmem>> -> memref<1x80x64xi32, #tpu.memory_space<vmem>>
      %dma_start3A_187 = tpu.memref_squeeze %dma_start3A_186 : memref<1x80x64xi32, #tpu.memory_space<vmem>> -> memref<80x64xi32, #tpu.memory_space<vmem>>
      %dma_start3A_188 = arith.constant 0 : i32
      %dma_start3A_189 = tpu.memref_slice %arg14[%and3A_181, %dma_start3A_188] : memref<2x320xi32, #tpu.memory_space<vmem>> -> memref<1x80xi32, #tpu.memory_space<vmem>>
      %dma_start3A_190 = tpu.memref_squeeze %dma_start3A_189 : memref<1x80xi32, #tpu.memory_space<vmem>> -> memref<80xi32, #tpu.memory_space<vmem>>
      %dma_start3A_191 = arith.constant 0 : i32
      %dma_start3A_192 = arith.constant 0 : i32
      %dma_start3A_193 = tpu.memref_slice %arg6[%dma_start3A_191, %dma_start3A_192] : memref<10000x64xi32, #tpu.memory_space<hbm>> -> memref<10000x64xi32, #tpu.memory_space<hbm>>
      tpu.enqueue_indirect_dma source(%dma_start3A_193 : memref<10000x64xi32, #tpu.memory_space<hbm>>) target(%dma_start3A_187 : memref<80x64xi32, #tpu.memory_space<vmem>>) offsets(%dma_start3A_190 : memref<80xi32, #tpu.memory_space<vmem>>) semaphore(%arg24 : memref<!tpu.dma_semaphore, #tpu.memory_space<semaphore_mem>>)
      %dma_start3A_194 = arith.constant 0 : i32
      %dma_start3A_195 = arith.constant 0 : i32
      %dma_start3A_196 = tpu.memref_slice %arg18[%and3A_181, %dma_start3A_194, %dma_start3A_195] : memref<2x80x32xi32, #tpu.memory_space<vmem>> -> memref<1x80x32xi32, #tpu.memory_space<vmem>>
      %dma_start3A_197 = tpu.memref_squeeze %dma_start3A_196 : memref<1x80x32xi32, #tpu.memory_space<vmem>> -> memref<80x32xi32, #tpu.memory_space<vmem>>
      %dma_start3A_198 = arith.constant 0 : i32
      %dma_start3A_199 = tpu.memref_slice %arg14[%and3A_181, %dma_start3A_198] : memref<2x320xi32, #tpu.memory_space<vmem>> -> memref<1x80xi32, #tpu.memory_space<vmem>>
      %dma_start3A_200 = tpu.memref_squeeze %dma_start3A_199 : memref<1x80xi32, #tpu.memory_space<vmem>> -> memref<80xi32, #tpu.memory_space<vmem>>
      %dma_start3A_201 = arith.constant 0 : i32
      %dma_start3A_202 = arith.constant 0 : i32
      %dma_start3A_203 = tpu.memref_slice %arg7[%dma_start3A_201, %dma_start3A_202] : memref<10000x32xi32, #tpu.memory_space<hbm>> -> memref<10000x32xi32, #tpu.memory_space<hbm>>
      tpu.enqueue_indirect_dma source(%dma_start3A_203 : memref<10000x32xi32, #tpu.memory_space<hbm>>) target(%dma_start3A_197 : memref<80x32xi32, #tpu.memory_space<vmem>>) offsets(%dma_start3A_200 : memref<80xi32, #tpu.memory_space<vmem>>) semaphore(%arg24 : memref<!tpu.dma_semaphore, #tpu.memory_space<semaphore_mem>>)
      %dma_start3A_204 = arith.constant 0 : i32
      %dma_start3A_205 = arith.constant 0 : i32
      %dma_start3A_206 = tpu.memref_slice %arg19[%and3A_181, %dma_start3A_204, %dma_start3A_205] : memref<2x80x64xi32, #tpu.memory_space<vmem>> -> memref<1x80x64xi32, #tpu.memory_space<vmem>>
      %dma_start3A_207 = tpu.memref_squeeze %dma_start3A_206 : memref<1x80x64xi32, #tpu.memory_space<vmem>> -> memref<80x64xi32, #tpu.memory_space<vmem>>
      %dma_start3A_208 = arith.constant 80 : i32
      %dma_start3A_209 = tpu.memref_slice %arg14[%and3A_181, %dma_start3A_208] : memref<2x320xi32, #tpu.memory_space<vmem>> -> memref<1x80xi32, #tpu.memory_space<vmem>>
      %dma_start3A_210 = tpu.memref_squeeze %dma_start3A_209 : memref<1x80xi32, #tpu.memory_space<vmem>> -> memref<80xi32, #tpu.memory_space<vmem>>
      %dma_start3A_211 = arith.constant 0 : i32
      %dma_start3A_212 = arith.constant 0 : i32
      %dma_start3A_213 = tpu.memref_slice %arg8[%dma_start3A_211, %dma_start3A_212] : memref<10001x64xi32, #tpu.memory_space<hbm>> -> memref<10001x64xi32, #tpu.memory_space<hbm>>
      tpu.enqueue_indirect_dma source(%dma_start3A_213 : memref<10001x64xi32, #tpu.memory_space<hbm>>) target(%dma_start3A_207 : memref<80x64xi32, #tpu.memory_space<vmem>>) offsets(%dma_start3A_210 : memref<80xi32, #tpu.memory_space<vmem>>) semaphore(%arg24 : memref<!tpu.dma_semaphore, #tpu.memory_space<semaphore_mem>>)
      %dma_start3A_214 = arith.constant 0 : i32
      %dma_start3A_215 = arith.constant 0 : i32
      %dma_start3A_216 = tpu.memref_slice %arg20[%and3A_181, %dma_start3A_214, %dma_start3A_215] : memref<2x80x32xi32, #tpu.memory_space<vmem>> -> memref<1x80x32xi32, #tpu.memory_space<vmem>>
      %dma_start3A_217 = tpu.memref_squeeze %dma_start3A_216 : memref<1x80x32xi32, #tpu.memory_space<vmem>> -> memref<80x32xi32, #tpu.memory_space<vmem>>
      %dma_start3A_218 = arith.constant 80 : i32
      %dma_start3A_219 = tpu.memref_slice %arg14[%and3A_181, %dma_start3A_218] : memref<2x320xi32, #tpu.memory_space<vmem>> -> memref<1x80xi32, #tpu.memory_space<vmem>>
      %dma_start3A_220 = tpu.memref_squeeze %dma_start3A_219 : memref<1x80xi32, #tpu.memory_space<vmem>> -> memref<80xi32, #tpu.memory_space<vmem>>
      %dma_start3A_221 = arith.constant 0 : i32
      %dma_start3A_222 = arith.constant 0 : i32
      %dma_start3A_223 = tpu.memref_slice %arg9[%dma_start3A_221, %dma_start3A_222] : memref<10001x32xi32, #tpu.memory_space<hbm>> -> memref<10001x32xi32, #tpu.memory_space<hbm>>
      tpu.enqueue_indirect_dma source(%dma_start3A_223 : memref<10001x32xi32, #tpu.memory_space<hbm>>) target(%dma_start3A_217 : memref<80x32xi32, #tpu.memory_space<vmem>>) offsets(%dma_start3A_220 : memref<80xi32, #tpu.memory_space<vmem>>) semaphore(%arg24 : memref<!tpu.dma_semaphore, #tpu.memory_space<semaphore_mem>>)
      %dma_start3A_224 = arith.constant 0 : i32
      %dma_start3A_225 = arith.constant 0 : i32
      %dma_start3A_226 = tpu.memref_slice %arg21[%and3A_181, %dma_start3A_224, %dma_start3A_225] : memref<2x80x32xi32, #tpu.memory_space<vmem>> -> memref<1x80x32xi32, #tpu.memory_space<vmem>>
      %dma_start3A_227 = tpu.memref_squeeze %dma_start3A_226 : memref<1x80x32xi32, #tpu.memory_space<vmem>> -> memref<80x32xi32, #tpu.memory_space<vmem>>
      %dma_start3A_228 = arith.constant 160 : i32
      %dma_start3A_229 = tpu.memref_slice %arg14[%and3A_181, %dma_start3A_228] : memref<2x320xi32, #tpu.memory_space<vmem>> -> memref<1x80xi32, #tpu.memory_space<vmem>>
      %dma_start3A_230 = tpu.memref_squeeze %dma_start3A_229 : memref<1x80xi32, #tpu.memory_space<vmem>> -> memref<80xi32, #tpu.memory_space<vmem>>
      %dma_start3A_231 = arith.constant 0 : i32
      %dma_start3A_232 = arith.constant 0 : i32
      %dma_start3A_233 = tpu.memref_slice %arg10[%dma_start3A_231, %dma_start3A_232] : memref<64x32xi32, #tpu.memory_space<hbm>> -> memref<64x32xi32, #tpu.memory_space<hbm>>
      tpu.enqueue_indirect_dma source(%dma_start3A_233 : memref<64x32xi32, #tpu.memory_space<hbm>>) target(%dma_start3A_227 : memref<80x32xi32, #tpu.memory_space<vmem>>) offsets(%dma_start3A_230 : memref<80xi32, #tpu.memory_space<vmem>>) semaphore(%arg24 : memref<!tpu.dma_semaphore, #tpu.memory_space<semaphore_mem>>)
      %gt3A = arith.constant 0 : i32
      %gt3A_234 = arith.cmpi sgt, %while3A_179, %gt3A : i32
      %convert_element_type3A_235 = arith.extui %gt3A_234 : i1 to i32
      %cond3A_236 = arith.constant 0 : i32
      %cond3A_237 = arith.cmpi ne, %convert_element_type3A_235, %cond3A_236 : i32
      scf.if %cond3A_237 {
        %parallel_loop3A_243 = arith.constant 0 : i32
        %parallel_loop3A_244 = arith.constant 80 : i32
        %parallel_loop3A_245 = arith.constant 1 : i32
        scf.for %parallel_loop3A_343 = %parallel_loop3A_243 to %parallel_loop3A_244 step %parallel_loop3A_245  : i32 {
          %parallel_loop3A_344 = arith.index_cast %sub3A_183 : i32 to index
          %parallel_loop3A_345 = arith.index_cast %parallel_loop3A_343 : i32 to index
          %parallel_loop3A_346 = arith.constant 0 : index
          %parallel_loop3A_347 = tpu.vector_load %arg18[%parallel_loop3A_344, %parallel_loop3A_345, %parallel_loop3A_346] {strides = array<i32>} : memref<2x80x32xi32, #tpu.memory_space<vmem>>, vector<16xi32>,
          %parallel_loop3A_348 = arith.index_cast %sub3A_183 : i32 to index
          %parallel_loop3A_349 = arith.index_cast %parallel_loop3A_343 : i32 to index
          %parallel_loop3A_350 = arith.constant 0 : index
          %parallel_loop3A_351 = tpu.vector_load %arg20[%parallel_loop3A_348, %parallel_loop3A_349, %parallel_loop3A_350] {strides = array<i32>} : memref<2x80x32xi32, #tpu.memory_space<vmem>>, vector<16xi32>,
          %parallel_loop3A_352 = arith.index_cast %sub3A_183 : i32 to index
          %parallel_loop3A_353 = arith.index_cast %parallel_loop3A_343 : i32 to index
          %parallel_loop3A_354 = arith.constant 0 : index
          %parallel_loop3A_355 = tpu.vector_load %arg21[%parallel_loop3A_352, %parallel_loop3A_353, %parallel_loop3A_354] {strides = array<i32>} : memref<2x80x32xi32, #tpu.memory_space<vmem>>, vector<16xi32>,
          %parallel_loop3A_356 = arith.constant 16 : i32
          %parallel_loop3A_357 = vector.broadcast %parallel_loop3A_356 : i32 to vector<16xi32>
          %parallel_loop3A_358 = arith.shli %parallel_loop3A_347, %parallel_loop3A_357 : vector<16xi32>
          %parallel_loop3A_359 = vector.bitcast %parallel_loop3A_358 : vector<16xi32> to vector<16xf32>
          %parallel_loop3A_360 = arith.constant -65536 : i32
          %parallel_loop3A_361 = vector.broadcast %parallel_loop3A_360 : i32 to vector<16xi32>
          %parallel_loop3A_362 = arith.andi %parallel_loop3A_347, %parallel_loop3A_361 : vector<16xi32>
          %parallel_loop3A_363 = vector.bitcast %parallel_loop3A_362 : vector<16xi32> to vector<16xf32>
          %parallel_loop3A_364 = arith.constant 16 : i32
          %parallel_loop3A_365 = vector.broadcast %parallel_loop3A_364 : i32 to vector<16xi32>
          %parallel_loop3A_366 = arith.shli %parallel_loop3A_351, %parallel_loop3A_365 : vector<16xi32>
          %parallel_loop3A_367 = vector.bitcast %parallel_loop3A_366 : vector<16xi32> to vector<16xf32>
          %parallel_loop3A_368 = arith.constant -65536 : i32
          %parallel_loop3A_369 = vector.broadcast %parallel_loop3A_368 : i32 to vector<16xi32>
          %parallel_loop3A_370 = arith.andi %parallel_loop3A_351, %parallel_loop3A_369 : vector<16xi32>
          %parallel_loop3A_371 = vector.bitcast %parallel_loop3A_370 : vector<16xi32> to vector<16xf32>
          %parallel_loop3A_372 = arith.constant 16 : i32
          %parallel_loop3A_373 = vector.broadcast %parallel_loop3A_372 : i32 to vector<16xi32>
          %parallel_loop3A_374 = arith.shli %parallel_loop3A_355, %parallel_loop3A_373 : vector<16xi32>
          %parallel_loop3A_375 = vector.bitcast %parallel_loop3A_374 : vector<16xi32> to vector<16xf32>
          %parallel_loop3A_376 = arith.constant -65536 : i32
          %parallel_loop3A_377 = vector.broadcast %parallel_loop3A_376 : i32 to vector<16xi32>
          %parallel_loop3A_378 = arith.andi %parallel_loop3A_355, %parallel_loop3A_377 : vector<16xi32>
          %parallel_loop3A_379 = vector.bitcast %parallel_loop3A_378 : vector<16xi32> to vector<16xf32>
          %parallel_loop3A_380 = arith.addf %parallel_loop3A_359, %parallel_loop3A_367 : vector<16xf32>
          %parallel_loop3A_381 = arith.addf %parallel_loop3A_380, %parallel_loop3A_375 : vector<16xf32>
          %parallel_loop3A_382 = arith.addf %parallel_loop3A_363, %parallel_loop3A_371 : vector<16xf32>
          %parallel_loop3A_383 = arith.addf %parallel_loop3A_382, %parallel_loop3A_379 : vector<16xf32>
          %parallel_loop3A_384 = arith.index_cast %sub3A_183 : i32 to index
          %parallel_loop3A_385 = arith.index_cast %parallel_loop3A_343 : i32 to index
          %parallel_loop3A_386 = arith.constant 16 : index
          %parallel_loop3A_387 = tpu.vector_load %arg18[%parallel_loop3A_384, %parallel_loop3A_385, %parallel_loop3A_386] {strides = array<i32>} : memref<2x80x32xi32, #tpu.memory_space<vmem>>, vector<16xi32>,
          %parallel_loop3A_388 = arith.index_cast %sub3A_183 : i32 to index
          %parallel_loop3A_389 = arith.index_cast %parallel_loop3A_343 : i32 to index
          %parallel_loop3A_390 = arith.constant 16 : index
          %parallel_loop3A_391 = tpu.vector_load %arg20[%parallel_loop3A_388, %parallel_loop3A_389, %parallel_loop3A_390] {strides = array<i32>} : memref<2x80x32xi32, #tpu.memory_space<vmem>>, vector<16xi32>,
          %parallel_loop3A_392 = arith.index_cast %sub3A_183 : i32 to index
          %parallel_loop3A_393 = arith.index_cast %parallel_loop3A_343 : i32 to index
          %parallel_loop3A_394 = arith.constant 16 : index
          %parallel_loop3A_395 = tpu.vector_load %arg21[%parallel_loop3A_392, %parallel_loop3A_393, %parallel_loop3A_394] {strides = array<i32>} : memref<2x80x32xi32, #tpu.memory_space<vmem>>, vector<16xi32>,
          %parallel_loop3A_396 = arith.constant 16 : i32
          %parallel_loop3A_397 = vector.broadcast %parallel_loop3A_396 : i32 to vector<16xi32>
          %parallel_loop3A_398 = arith.shli %parallel_loop3A_387, %parallel_loop3A_397 : vector<16xi32>
          %parallel_loop3A_399 = vector.bitcast %parallel_loop3A_398 : vector<16xi32> to vector<16xf32>
          %parallel_loop3A_400 = arith.constant -65536 : i32
          %parallel_loop3A_401 = vector.broadcast %parallel_loop3A_400 : i32 to vector<16xi32>
          %parallel_loop3A_402 = arith.andi %parallel_loop3A_387, %parallel_loop3A_401 : vector<16xi32>
          %parallel_loop3A_403 = vector.bitcast %parallel_loop3A_402 : vector<16xi32> to vector<16xf32>
          %parallel_loop3A_404 = arith.constant 16 : i32
          %parallel_loop3A_405 = vector.broadcast %parallel_loop3A_404 : i32 to vector<16xi32>
          %parallel_loop3A_406 = arith.shli %parallel_loop3A_391, %parallel_loop3A_405 : vector<16xi32>
          %parallel_loop3A_407 = vector.bitcast %parallel_loop3A_406 : vector<16xi32> to vector<16xf32>
          %parallel_loop3A_408 = arith.constant -65536 : i32
          %parallel_loop3A_409 = vector.broadcast %parallel_loop3A_408 : i32 to vector<16xi32>
          %parallel_loop3A_410 = arith.andi %parallel_loop3A_391, %parallel_loop3A_409 : vector<16xi32>
          %parallel_loop3A_411 = vector.bitcast %parallel_loop3A_410 : vector<16xi32> to vector<16xf32>
          %parallel_loop3A_412 = arith.constant 16 : i32
          %parallel_loop3A_413 = vector.broadcast %parallel_loop3A_412 : i32 to vector<16xi32>
          %parallel_loop3A_414 = arith.shli %parallel_loop3A_395, %parallel_loop3A_413 : vector<16xi32>
          %parallel_loop3A_415 = vector.bitcast %parallel_loop3A_414 : vector<16xi32> to vector<16xf32>
          %parallel_loop3A_416 = arith.constant -65536 : i32
          %parallel_loop3A_417 = vector.broadcast %parallel_loop3A_416 : i32 to vector<16xi32>
          %parallel_loop3A_418 = arith.andi %parallel_loop3A_395, %parallel_loop3A_417 : vector<16xi32>
          %parallel_loop3A_419 = vector.bitcast %parallel_loop3A_418 : vector<16xi32> to vector<16xf32>
          %parallel_loop3A_420 = arith.addf %parallel_loop3A_399, %parallel_loop3A_407 : vector<16xf32>
          %parallel_loop3A_421 = arith.addf %parallel_loop3A_420, %parallel_loop3A_415 : vector<16xf32>
          %parallel_loop3A_422 = arith.addf %parallel_loop3A_403, %parallel_loop3A_411 : vector<16xf32>
          %parallel_loop3A_423 = arith.addf %parallel_loop3A_422, %parallel_loop3A_419 : vector<16xf32>
          %parallel_loop3A_424 = arith.constant 0.000000e+00 : f32
          %parallel_loop3A_425 = vector.broadcast %parallel_loop3A_424 : f32 to vector<16xf32>
          %parallel_loop3A_426 = arith.maximumf %parallel_loop3A_381, %parallel_loop3A_425 : vector<16xf32>
          %parallel_loop3A_427 = arith.mulf %parallel_loop3A_426, %get3A_7 : vector<16xf32>
          %parallel_loop3A_428 = arith.constant 0.000000e+00 : f32
          %parallel_loop3A_429 = vector.broadcast %parallel_loop3A_428 : f32 to vector<16xf32>
          %parallel_loop3A_430 = arith.maximumf %parallel_loop3A_383, %parallel_loop3A_429 : vector<16xf32>
          %parallel_loop3A_431 = arith.mulf %parallel_loop3A_430, %get3A_9 : vector<16xf32>
          %parallel_loop3A_432 = arith.constant 0.000000e+00 : f32
          %parallel_loop3A_433 = vector.broadcast %parallel_loop3A_432 : f32 to vector<16xf32>
          %parallel_loop3A_434 = arith.maximumf %parallel_loop3A_421, %parallel_loop3A_433 : vector<16xf32>
          %parallel_loop3A_435 = arith.mulf %parallel_loop3A_434, %get3A_11 : vector<16xf32>
          %parallel_loop3A_436 = arith.constant 0.000000e+00 : f32
          %parallel_loop3A_437 = vector.broadcast %parallel_loop3A_436 : f32 to vector<16xf32>
          %parallel_loop3A_438 = arith.maximumf %parallel_loop3A_423, %parallel_loop3A_437 : vector<16xf32>
          %parallel_loop3A_439 = arith.mulf %parallel_loop3A_438, %get3A_13 : vector<16xf32>
          %parallel_loop3A_440 = arith.addf %parallel_loop3A_427, %parallel_loop3A_431 : vector<16xf32>
          %parallel_loop3A_441 = arith.addf %parallel_loop3A_435, %parallel_loop3A_439 : vector<16xf32>
          %parallel_loop3A_442 = arith.addf %parallel_loop3A_440, %parallel_loop3A_441 : vector<16xf32>
          %parallel_loop3A_443 = arith.constant true
          %parallel_loop3A_444 = vector.broadcast %parallel_loop3A_443 : i1 to vector<16xi1>
          %parallel_loop3A_445 = tpu.scan <sum>, %parallel_loop3A_442 masked %parallel_loop3A_444 : vector<16xf32>, vector<16xi1> -> vector<16xf32>
          %parallel_loop3A_446 = vector.extract %parallel_loop3A_445[15] : f32 from vector<16xf32>
          %parallel_loop3A_447 = vector.broadcast %parallel_loop3A_446 : f32 to vector<16xf32>
          %parallel_loop3A_448 = arith.addf %parallel_loop3A_447, %get3A_15 : vector<16xf32>
          %parallel_loop3A_449 = arith.constant 0.000000e+00 : f32
          %parallel_loop3A_450 = vector.broadcast %parallel_loop3A_449 : f32 to vector<16xf32>
          %parallel_loop3A_451 = arith.subf %parallel_loop3A_450, %parallel_loop3A_448 : vector<16xf32>
          %parallel_loop3A_452 = math.exp %parallel_loop3A_451 : vector<16xf32>
          %parallel_loop3A_453 = arith.constant 1.000000e+00 : f32
          %parallel_loop3A_454 = vector.broadcast %parallel_loop3A_453 : f32 to vector<16xf32>
          %parallel_loop3A_455 = arith.addf %parallel_loop3A_454, %parallel_loop3A_452 : vector<16xf32>
          %parallel_loop3A_456 = arith.constant 1.000000e+00 : f32
          %parallel_loop3A_457 = vector.broadcast %parallel_loop3A_456 : f32 to vector<16xf32>
          %parallel_loop3A_458 = arith.divf %parallel_loop3A_457, %parallel_loop3A_455 : vector<16xf32>
          %parallel_loop3A_459 = arith.index_cast %sub3A_183 : i32 to index
          %parallel_loop3A_460 = arith.index_cast %parallel_loop3A_343 : i32 to index
          %parallel_loop3A_461 = arith.constant 0 : index
          %parallel_loop3A_462 = tpu.vector_load %arg17[%parallel_loop3A_459, %parallel_loop3A_460, %parallel_loop3A_461] {strides = array<i32>} : memref<2x80x64xi32, #tpu.memory_space<vmem>>, vector<16xi32>,
          %parallel_loop3A_463 = arith.index_cast %sub3A_183 : i32 to index
          %parallel_loop3A_464 = arith.index_cast %parallel_loop3A_343 : i32 to index
          %parallel_loop3A_465 = arith.constant 0 : index
          %parallel_loop3A_466 = tpu.vector_load %arg19[%parallel_loop3A_463, %parallel_loop3A_464, %parallel_loop3A_465] {strides = array<i32>} : memref<2x80x64xi32, #tpu.memory_space<vmem>>, vector<16xi32>,
          %parallel_loop3A_467 = arith.constant 16 : i32
          %parallel_loop3A_468 = vector.broadcast %parallel_loop3A_467 : i32 to vector<16xi32>
          %parallel_loop3A_469 = arith.shli %parallel_loop3A_462, %parallel_loop3A_468 : vector<16xi32>
          %parallel_loop3A_470 = vector.bitcast %parallel_loop3A_469 : vector<16xi32> to vector<16xf32>
          %parallel_loop3A_471 = arith.constant -65536 : i32
          %parallel_loop3A_472 = vector.broadcast %parallel_loop3A_471 : i32 to vector<16xi32>
          %parallel_loop3A_473 = arith.andi %parallel_loop3A_462, %parallel_loop3A_472 : vector<16xi32>
          %parallel_loop3A_474 = vector.bitcast %parallel_loop3A_473 : vector<16xi32> to vector<16xf32>
          %parallel_loop3A_475 = arith.constant 16 : i32
          %parallel_loop3A_476 = vector.broadcast %parallel_loop3A_475 : i32 to vector<16xi32>
          %parallel_loop3A_477 = arith.shli %parallel_loop3A_466, %parallel_loop3A_476 : vector<16xi32>
          %parallel_loop3A_478 = vector.bitcast %parallel_loop3A_477 : vector<16xi32> to vector<16xf32>
          %parallel_loop3A_479 = arith.constant -65536 : i32
          %parallel_loop3A_480 = vector.broadcast %parallel_loop3A_479 : i32 to vector<16xi32>
          %parallel_loop3A_481 = arith.andi %parallel_loop3A_466, %parallel_loop3A_480 : vector<16xi32>
          %parallel_loop3A_482 = vector.bitcast %parallel_loop3A_481 : vector<16xi32> to vector<16xf32>
          %parallel_loop3A_483 = arith.mulf %parallel_loop3A_470, %parallel_loop3A_478 : vector<16xf32>
          %parallel_loop3A_484 = arith.mulf %parallel_loop3A_483, %parallel_loop3A_458 : vector<16xf32>
          %parallel_loop3A_485 = arith.index_cast %parallel_loop3A_343 : i32 to index
          %parallel_loop3A_486 = arith.constant 0 : index
          %parallel_loop3A_487 = tpu.vector_load %arg22[%parallel_loop3A_485, %parallel_loop3A_486] {strides = array<i32>} : memref<80x128xf32, #tpu.memory_space<vmem>>, vector<16xf32>,
          tpu.vector_store %arg22[%parallel_loop3A_485, %parallel_loop3A_486], %parallel_loop3A_484 {strides = array<i32>} : memref<80x128xf32, #tpu.memory_space<vmem>>, vector<16xf32>,
          %parallel_loop3A_488 = arith.mulf %parallel_loop3A_474, %parallel_loop3A_482 : vector<16xf32>
          %parallel_loop3A_489 = arith.mulf %parallel_loop3A_488, %parallel_loop3A_458 : vector<16xf32>
          %parallel_loop3A_490 = arith.index_cast %parallel_loop3A_343 : i32 to index
          %parallel_loop3A_491 = arith.constant 16 : index
          %parallel_loop3A_492 = tpu.vector_load %arg22[%parallel_loop3A_490, %parallel_loop3A_491] {strides = array<i32>} : memref<80x128xf32, #tpu.memory_space<vmem>>, vector<16xf32>,
          tpu.vector_store %arg22[%parallel_loop3A_490, %parallel_loop3A_491], %parallel_loop3A_489 {strides = array<i32>} : memref<80x128xf32, #tpu.memory_space<vmem>>, vector<16xf32>,
          %parallel_loop3A_493 = arith.index_cast %sub3A_183 : i32 to index
          %parallel_loop3A_494 = arith.index_cast %parallel_loop3A_343 : i32 to index
          %parallel_loop3A_495 = arith.constant 16 : index
          %parallel_loop3A_496 = tpu.vector_load %arg17[%parallel_loop3A_493, %parallel_loop3A_494, %parallel_loop3A_495] {strides = array<i32>} : memref<2x80x64xi32, #tpu.memory_space<vmem>>, vector<16xi32>,
          %parallel_loop3A_497 = arith.index_cast %sub3A_183 : i32 to index
          %parallel_loop3A_498 = arith.index_cast %parallel_loop3A_343 : i32 to index
          %parallel_loop3A_499 = arith.constant 16 : index
          %parallel_loop3A_500 = tpu.vector_load %arg19[%parallel_loop3A_497, %parallel_loop3A_498, %parallel_loop3A_499] {strides = array<i32>} : memref<2x80x64xi32, #tpu.memory_space<vmem>>, vector<16xi32>,
          %parallel_loop3A_501 = arith.constant 16 : i32
          %parallel_loop3A_502 = vector.broadcast %parallel_loop3A_501 : i32 to vector<16xi32>
          %parallel_loop3A_503 = arith.shli %parallel_loop3A_496, %parallel_loop3A_502 : vector<16xi32>
          %parallel_loop3A_504 = vector.bitcast %parallel_loop3A_503 : vector<16xi32> to vector<16xf32>
          %parallel_loop3A_505 = arith.constant -65536 : i32
          %parallel_loop3A_506 = vector.broadcast %parallel_loop3A_505 : i32 to vector<16xi32>
          %parallel_loop3A_507 = arith.andi %parallel_loop3A_496, %parallel_loop3A_506 : vector<16xi32>
          %parallel_loop3A_508 = vector.bitcast %parallel_loop3A_507 : vector<16xi32> to vector<16xf32>
          %parallel_loop3A_509 = arith.constant 16 : i32
          %parallel_loop3A_510 = vector.broadcast %parallel_loop3A_509 : i32 to vector<16xi32>
          %parallel_loop3A_511 = arith.shli %parallel_loop3A_500, %parallel_loop3A_510 : vector<16xi32>
          %parallel_loop3A_512 = vector.bitcast %parallel_loop3A_511 : vector<16xi32> to vector<16xf32>
          %parallel_loop3A_513 = arith.constant -65536 : i32
          %parallel_loop3A_514 = vector.broadcast %parallel_loop3A_513 : i32 to vector<16xi32>
          %parallel_loop3A_515 = arith.andi %parallel_loop3A_500, %parallel_loop3A_514 : vector<16xi32>
          %parallel_loop3A_516 = vector.bitcast %parallel_loop3A_515 : vector<16xi32> to vector<16xf32>
          %parallel_loop3A_517 = arith.mulf %parallel_loop3A_504, %parallel_loop3A_512 : vector<16xf32>
          %parallel_loop3A_518 = arith.mulf %parallel_loop3A_517, %parallel_loop3A_458 : vector<16xf32>
          %parallel_loop3A_519 = arith.index_cast %parallel_loop3A_343 : i32 to index
          %parallel_loop3A_520 = arith.constant 32 : index
          %parallel_loop3A_521 = tpu.vector_load %arg22[%parallel_loop3A_519, %parallel_loop3A_520] {strides = array<i32>} : memref<80x128xf32, #tpu.memory_space<vmem>>, vector<16xf32>,
          tpu.vector_store %arg22[%parallel_loop3A_519, %parallel_loop3A_520], %parallel_loop3A_518 {strides = array<i32>} : memref<80x128xf32, #tpu.memory_space<vmem>>, vector<16xf32>,
          %parallel_loop3A_522 = arith.mulf %parallel_loop3A_508, %parallel_loop3A_516 : vector<16xf32>
          %parallel_loop3A_523 = arith.mulf %parallel_loop3A_522, %parallel_loop3A_458 : vector<16xf32>
          %parallel_loop3A_524 = arith.index_cast %parallel_loop3A_343 : i32 to index
          %parallel_loop3A_525 = arith.constant 48 : index
          %parallel_loop3A_526 = tpu.vector_load %arg22[%parallel_loop3A_524, %parallel_loop3A_525] {strides = array<i32>} : memref<80x128xf32, #tpu.memory_space<vmem>>, vector<16xf32>,
          tpu.vector_store %arg22[%parallel_loop3A_524, %parallel_loop3A_525], %parallel_loop3A_523 {strides = array<i32>} : memref<80x128xf32, #tpu.memory_space<vmem>>, vector<16xf32>,
          %parallel_loop3A_527 = arith.index_cast %sub3A_183 : i32 to index
          %parallel_loop3A_528 = arith.index_cast %parallel_loop3A_343 : i32 to index
          %parallel_loop3A_529 = arith.constant 32 : index
          %parallel_loop3A_530 = tpu.vector_load %arg17[%parallel_loop3A_527, %parallel_loop3A_528, %parallel_loop3A_529] {strides = array<i32>} : memref<2x80x64xi32, #tpu.memory_space<vmem>>, vector<16xi32>,
          %parallel_loop3A_531 = arith.index_cast %sub3A_183 : i32 to index
          %parallel_loop3A_532 = arith.index_cast %parallel_loop3A_343 : i32 to index
          %parallel_loop3A_533 = arith.constant 32 : index
          %parallel_loop3A_534 = tpu.vector_load %arg19[%parallel_loop3A_531, %parallel_loop3A_532, %parallel_loop3A_533] {strides = array<i32>} : memref<2x80x64xi32, #tpu.memory_space<vmem>>, vector<16xi32>,
          %parallel_loop3A_535 = arith.constant 16 : i32
          %parallel_loop3A_536 = vector.broadcast %parallel_loop3A_535 : i32 to vector<16xi32>
          %parallel_loop3A_537 = arith.shli %parallel_loop3A_530, %parallel_loop3A_536 : vector<16xi32>
          %parallel_loop3A_538 = vector.bitcast %parallel_loop3A_537 : vector<16xi32> to vector<16xf32>
          %parallel_loop3A_539 = arith.constant -65536 : i32
          %parallel_loop3A_540 = vector.broadcast %parallel_loop3A_539 : i32 to vector<16xi32>
          %parallel_loop3A_541 = arith.andi %parallel_loop3A_530, %parallel_loop3A_540 : vector<16xi32>
          %parallel_loop3A_542 = vector.bitcast %parallel_loop3A_541 : vector<16xi32> to vector<16xf32>
          %parallel_loop3A_543 = arith.constant 16 : i32
          %parallel_loop3A_544 = vector.broadcast %parallel_loop3A_543 : i32 to vector<16xi32>
          %parallel_loop3A_545 = arith.shli %parallel_loop3A_534, %parallel_loop3A_544 : vector<16xi32>
          %parallel_loop3A_546 = vector.bitcast %parallel_loop3A_545 : vector<16xi32> to vector<16xf32>
          %parallel_loop3A_547 = arith.constant -65536 : i32
          %parallel_loop3A_548 = vector.broadcast %parallel_loop3A_547 : i32 to vector<16xi32>
          %parallel_loop3A_549 = arith.andi %parallel_loop3A_534, %parallel_loop3A_548 : vector<16xi32>
          %parallel_loop3A_550 = vector.bitcast %parallel_loop3A_549 : vector<16xi32> to vector<16xf32>
          %parallel_loop3A_551 = arith.mulf %parallel_loop3A_538, %parallel_loop3A_546 : vector<16xf32>
          %parallel_loop3A_552 = arith.mulf %parallel_loop3A_551, %parallel_loop3A_458 : vector<16xf32>
          %parallel_loop3A_553 = arith.index_cast %parallel_loop3A_343 : i32 to index
          %parallel_loop3A_554 = arith.constant 64 : index
          %parallel_loop3A_555 = tpu.vector_load %arg22[%parallel_loop3A_553, %parallel_loop3A_554] {strides = array<i32>} : memref<80x128xf32, #tpu.memory_space<vmem>>, vector<16xf32>,
          tpu.vector_store %arg22[%parallel_loop3A_553, %parallel_loop3A_554], %parallel_loop3A_552 {strides = array<i32>} : memref<80x128xf32, #tpu.memory_space<vmem>>, vector<16xf32>,
          %parallel_loop3A_556 = arith.mulf %parallel_loop3A_542, %parallel_loop3A_550 : vector<16xf32>
          %parallel_loop3A_557 = arith.mulf %parallel_loop3A_556, %parallel_loop3A_458 : vector<16xf32>
          %parallel_loop3A_558 = arith.index_cast %parallel_loop3A_343 : i32 to index
          %parallel_loop3A_559 = arith.constant 80 : index
          %parallel_loop3A_560 = tpu.vector_load %arg22[%parallel_loop3A_558, %parallel_loop3A_559] {strides = array<i32>} : memref<80x128xf32, #tpu.memory_space<vmem>>, vector<16xf32>,
          tpu.vector_store %arg22[%parallel_loop3A_558, %parallel_loop3A_559], %parallel_loop3A_557 {strides = array<i32>} : memref<80x128xf32, #tpu.memory_space<vmem>>, vector<16xf32>,
          %parallel_loop3A_561 = arith.index_cast %sub3A_183 : i32 to index
          %parallel_loop3A_562 = arith.index_cast %parallel_loop3A_343 : i32 to index
          %parallel_loop3A_563 = arith.constant 48 : index
          %parallel_loop3A_564 = tpu.vector_load %arg17[%parallel_loop3A_561, %parallel_loop3A_562, %parallel_loop3A_563] {strides = array<i32>} : memref<2x80x64xi32, #tpu.memory_space<vmem>>, vector<16xi32>,
          %parallel_loop3A_565 = arith.index_cast %sub3A_183 : i32 to index
          %parallel_loop3A_566 = arith.index_cast %parallel_loop3A_343 : i32 to index
          %parallel_loop3A_567 = arith.constant 48 : index
          %parallel_loop3A_568 = tpu.vector_load %arg19[%parallel_loop3A_565, %parallel_loop3A_566, %parallel_loop3A_567] {strides = array<i32>} : memref<2x80x64xi32, #tpu.memory_space<vmem>>, vector<16xi32>,
          %parallel_loop3A_569 = arith.constant 16 : i32
          %parallel_loop3A_570 = vector.broadcast %parallel_loop3A_569 : i32 to vector<16xi32>
          %parallel_loop3A_571 = arith.shli %parallel_loop3A_564, %parallel_loop3A_570 : vector<16xi32>
          %parallel_loop3A_572 = vector.bitcast %parallel_loop3A_571 : vector<16xi32> to vector<16xf32>
          %parallel_loop3A_573 = arith.constant -65536 : i32
          %parallel_loop3A_574 = vector.broadcast %parallel_loop3A_573 : i32 to vector<16xi32>
          %parallel_loop3A_575 = arith.andi %parallel_loop3A_564, %parallel_loop3A_574 : vector<16xi32>
          %parallel_loop3A_576 = vector.bitcast %parallel_loop3A_575 : vector<16xi32> to vector<16xf32>
          %parallel_loop3A_577 = arith.constant 16 : i32
          %parallel_loop3A_578 = vector.broadcast %parallel_loop3A_577 : i32 to vector<16xi32>
          %parallel_loop3A_579 = arith.shli %parallel_loop3A_568, %parallel_loop3A_578 : vector<16xi32>
          %parallel_loop3A_580 = vector.bitcast %parallel_loop3A_579 : vector<16xi32> to vector<16xf32>
          %parallel_loop3A_581 = arith.constant -65536 : i32
          %parallel_loop3A_582 = vector.broadcast %parallel_loop3A_581 : i32 to vector<16xi32>
          %parallel_loop3A_583 = arith.andi %parallel_loop3A_568, %parallel_loop3A_582 : vector<16xi32>
          %parallel_loop3A_584 = vector.bitcast %parallel_loop3A_583 : vector<16xi32> to vector<16xf32>
          %parallel_loop3A_585 = arith.mulf %parallel_loop3A_572, %parallel_loop3A_580 : vector<16xf32>
          %parallel_loop3A_586 = arith.mulf %parallel_loop3A_585, %parallel_loop3A_458 : vector<16xf32>
          %parallel_loop3A_587 = arith.index_cast %parallel_loop3A_343 : i32 to index
          %parallel_loop3A_588 = arith.constant 96 : index
          %parallel_loop3A_589 = tpu.vector_load %arg22[%parallel_loop3A_587, %parallel_loop3A_588] {strides = array<i32>} : memref<80x128xf32, #tpu.memory_space<vmem>>, vector<16xf32>,
          tpu.vector_store %arg22[%parallel_loop3A_587, %parallel_loop3A_588], %parallel_loop3A_586 {strides = array<i32>} : memref<80x128xf32, #tpu.memory_space<vmem>>, vector<16xf32>,
          %parallel_loop3A_590 = arith.mulf %parallel_loop3A_576, %parallel_loop3A_584 : vector<16xf32>
          %parallel_loop3A_591 = arith.mulf %parallel_loop3A_590, %parallel_loop3A_458 : vector<16xf32>
          %parallel_loop3A_592 = arith.index_cast %parallel_loop3A_343 : i32 to index
          %parallel_loop3A_593 = arith.constant 112 : index
          %parallel_loop3A_594 = tpu.vector_load %arg22[%parallel_loop3A_592, %parallel_loop3A_593] {strides = array<i32>} : memref<80x128xf32, #tpu.memory_space<vmem>>, vector<16xf32>,
          tpu.vector_store %arg22[%parallel_loop3A_592, %parallel_loop3A_593], %parallel_loop3A_591 {strides = array<i32>} : memref<80x128xf32, #tpu.memory_space<vmem>>, vector<16xf32>,
        } {sc.loop_unroll_factor = 2 : i64, sc.parallel_access}
        %get3A_246 = arith.index_cast %sub3A_183 : i32 to index
        %get3A_247 = arith.constant 240 : index
        %get3A_248 = tpu.vector_load %arg14[%get3A_246, %get3A_247] {strides = array<i32>} : memref<2x320xi32, #tpu.memory_space<vmem>>, vector<16xi32>,
        %swap3A_249 = arith.index_cast %sub3A_183 : i32 to index
        %swap3A_250 = arith.constant 0 : index
        %swap3A_251 = tpu.vector_load %arg15[%swap3A_249, %swap3A_250] {strides = array<i32>} : memref<2x80xi32, #tpu.memory_space<vmem>>, vector<16xi32>,
        tpu.vector_store %arg15[%swap3A_249, %swap3A_250], %get3A_248 {strides = array<i32>} : memref<2x80xi32, #tpu.memory_space<vmem>>, vector<16xi32>,
        %get3A_252 = arith.index_cast %sub3A_183 : i32 to index
        %get3A_253 = arith.constant 256 : index
        %get3A_254 = tpu.vector_load %arg14[%get3A_252, %get3A_253] {strides = array<i32>} : memref<2x320xi32, #tpu.memory_space<vmem>>, vector<16xi32>,
        %swap3A_255 = arith.index_cast %sub3A_183 : i32 to index
        %swap3A_256 = arith.constant 16 : index
        %swap3A_257 = tpu.vector_load %arg15[%swap3A_255, %swap3A_256] {strides = array<i32>} : memref<2x80xi32, #tpu.memory_space<vmem>>, vector<16xi32>,
        tpu.vector_store %arg15[%swap3A_255, %swap3A_256], %get3A_254 {strides = array<i32>} : memref<2x80xi32, #tpu.memory_space<vmem>>, vector<16xi32>,
        %get3A_258 = arith.index_cast %sub3A_183 : i32 to index
        %get3A_259 = arith.constant 272 : index
        %get3A_260 = tpu.vector_load %arg14[%get3A_258, %get3A_259] {strides = array<i32>} : memref<2x320xi32, #tpu.memory_space<vmem>>, vector<16xi32>,
        %swap3A_261 = arith.index_cast %sub3A_183 : i32 to index
        %swap3A_262 = arith.constant 32 : index
        %swap3A_263 = tpu.vector_load %arg15[%swap3A_261, %swap3A_262] {strides = array<i32>} : memref<2x80xi32, #tpu.memory_space<vmem>>, vector<16xi32>,
        tpu.vector_store %arg15[%swap3A_261, %swap3A_262], %get3A_260 {strides = array<i32>} : memref<2x80xi32, #tpu.memory_space<vmem>>, vector<16xi32>,
        %get3A_264 = arith.index_cast %sub3A_183 : i32 to index
        %get3A_265 = arith.constant 288 : index
        %get3A_266 = tpu.vector_load %arg14[%get3A_264, %get3A_265] {strides = array<i32>} : memref<2x320xi32, #tpu.memory_space<vmem>>, vector<16xi32>,
        %swap3A_267 = arith.index_cast %sub3A_183 : i32 to index
        %swap3A_268 = arith.constant 48 : index
        %swap3A_269 = tpu.vector_load %arg15[%swap3A_267, %swap3A_268] {strides = array<i32>} : memref<2x80xi32, #tpu.memory_space<vmem>>, vector<16xi32>,
        tpu.vector_store %arg15[%swap3A_267, %swap3A_268], %get3A_266 {strides = array<i32>} : memref<2x80xi32, #tpu.memory_space<vmem>>, vector<16xi32>,
        %get3A_270 = arith.index_cast %sub3A_183 : i32 to index
        %get3A_271 = arith.constant 304 : index
        %get3A_272 = tpu.vector_load %arg14[%get3A_270, %get3A_271] {strides = array<i32>} : memref<2x320xi32, #tpu.memory_space<vmem>>, vector<16xi32>,
        %swap3A_273 = arith.index_cast %sub3A_183 : i32 to index
        %swap3A_274 = arith.constant 64 : index
        %swap3A_275 = tpu.vector_load %arg15[%swap3A_273, %swap3A_274] {strides = array<i32>} : memref<2x80xi32, #tpu.memory_space<vmem>>, vector<16xi32>,
        tpu.vector_store %arg15[%swap3A_273, %swap3A_274], %get3A_272 {strides = array<i32>} : memref<2x80xi32, #tpu.memory_space<vmem>>, vector<16xi32>,
        %dma_start3A_276 = arith.constant 0 : i32
        %dma_start3A_277 = tpu.memref_slice %arg15[%sub3A_183, %dma_start3A_276] : memref<2x80xi32, #tpu.memory_space<vmem>> -> memref<1x80xi32, #tpu.memory_space<vmem>>
        %dma_start3A_278 = tpu.memref_squeeze %dma_start3A_277 : memref<1x80xi32, #tpu.memory_space<vmem>> -> memref<80xi32, #tpu.memory_space<vmem>>
        %dma_start3A_279 = arith.constant 0 : i32
        %dma_start3A_280 = arith.constant 0 : i32
        %dma_start3A_281 = tpu.memref_slice %arg23[%dma_start3A_279, %dma_start3A_280] : memref<10000x128xf32, #tpu.memory_space<vmem_shared>> -> memref<10000x128xf32, #tpu.memory_space<vmem_shared>>
        tpu.enqueue_indirect_dma source(%arg22 : memref<80x128xf32, #tpu.memory_space<vmem>>) target(%dma_start3A_281 : memref<10000x128xf32, #tpu.memory_space<vmem_shared>>) offsets(%dma_start3A_278 : memref<80xi32, #tpu.memory_space<vmem>>) semaphore(%arg26 : memref<!tpu.dma_semaphore, #tpu.memory_space<semaphore_mem>>) {add = true}
        %add3A_282 = arith.constant 1 : i32
        %add3A_283 = arith.addi %while3A_179, %add3A_282 : i32
        %lt3A = arith.cmpi slt, %add3A_283, %add3A_35 : i32
        %convert_element_type3A_284 = arith.extui %lt3A : i1 to i32
        %cond3A_285 = arith.constant 0 : i32
        %cond3A_286 = arith.cmpi ne, %convert_element_type3A_284, %cond3A_285 : i32
        scf.if %cond3A_286 {
          %add3A_343 = arith.constant 1 : i32
          %add3A_344 = arith.addi %while3A_179, %add3A_343 : i32
          %mul3A_345 = arith.constant 32 : i32
          %mul3A_346 = arith.muli %add3A_344, %mul3A_345 : i32
          %add3A_347 = arith.addi %add3A, %mul3A_346 : i32
          %mul3A_348 = arith.constant 80 : i32
          %mul3A_349 = arith.muli %add3A_347, %mul3A_348 : i32
          %dma_start3A_350 = arith.constant 0 : i32
          %dma_start3A_351 = tpu.memref_slice %arg14[%sub3A_183, %dma_start3A_350] : memref<2x320xi32, #tpu.memory_space<vmem>> -> memref<1x80xi32, #tpu.memory_space<vmem>>
          %dma_start3A_352 = tpu.memref_squeeze %dma_start3A_351 : memref<1x80xi32, #tpu.memory_space<vmem>> -> memref<80xi32, #tpu.memory_space<vmem>>
          %dma_start3A_353 = tpu.memref_slice %arg2[%mul3A_349] : memref<320000xi32, #tpu.memory_space<hbm>> -> memref<80xi32, #tpu.memory_space<hbm>>
          %dma_start3A_354 = arith.constant 0 : i32
          %dma_start3A_355 = tpu.memref_slice %arg14[%sub3A_183, %dma_start3A_354] : memref<2x320xi32, #tpu.memory_space<vmem>> -> memref<1x80xi32, #tpu.memory_space<vmem>>
          %dma_start3A_356 = tpu.memref_squeeze %dma_start3A_355 : memref<1x80xi32, #tpu.memory_space<vmem>> -> memref<80xi32, #tpu.memory_space<vmem>>
          %dma_start3A_357 = tpu.memref_slice %arg2[%mul3A_349] : memref<320000xi32, #tpu.memory_space<hbm>> -> memref<80xi32, #tpu.memory_space<hbm>>
          tpu.enqueue_dma source(%dma_start3A_357 : memref<80xi32, #tpu.memory_space<hbm>>) target(%dma_start3A_356 : memref<80xi32, #tpu.memory_space<vmem>>) target_semaphore(%arg25 : memref<!tpu.dma_semaphore, #tpu.memory_space<semaphore_mem>>)
          %dma_start3A_358 = arith.constant 80 : i32
          %dma_start3A_359 = tpu.memref_slice %arg14[%sub3A_183, %dma_start3A_358] : memref<2x320xi32, #tpu.memory_space<vmem>> -> memref<1x80xi32, #tpu.memory_space<vmem>>
          %dma_start3A_360 = tpu.memref_squeeze %dma_start3A_359 : memref<1x80xi32, #tpu.memory_space<vmem>> -> memref<80xi32, #tpu.memory_space<vmem>>
          %dma_start3A_361 = tpu.memref_slice %arg3[%mul3A_349] : memref<320000xi32, #tpu.memory_space<hbm>> -> memref<80xi32, #tpu.memory_space<hbm>>
          %dma_start3A_362 = arith.constant 80 : i32
          %dma_start3A_363 = tpu.memref_slice %arg14[%sub3A_183, %dma_start3A_362] : memref<2x320xi32, #tpu.memory_space<vmem>> -> memref<1x80xi32, #tpu.memory_space<vmem>>
          %dma_start3A_364 = tpu.memref_squeeze %dma_start3A_363 : memref<1x80xi32, #tpu.memory_space<vmem>> -> memref<80xi32, #tpu.memory_space<vmem>>
          %dma_start3A_365 = tpu.memref_slice %arg3[%mul3A_349] : memref<320000xi32, #tpu.memory_space<hbm>> -> memref<80xi32, #tpu.memory_space<hbm>>
          tpu.enqueue_dma source(%dma_start3A_365 : memref<80xi32, #tpu.memory_space<hbm>>) target(%dma_start3A_364 : memref<80xi32, #tpu.memory_space<vmem>>) target_semaphore(%arg25 : memref<!tpu.dma_semaphore, #tpu.memory_space<semaphore_mem>>)
          %dma_start3A_366 = arith.constant 160 : i32
          %dma_start3A_367 = tpu.memref_slice %arg14[%sub3A_183, %dma_start3A_366] : memref<2x320xi32, #tpu.memory_space<vmem>> -> memref<1x80xi32, #tpu.memory_space<vmem>>
          %dma_start3A_368 = tpu.memref_squeeze %dma_start3A_367 : memref<1x80xi32, #tpu.memory_space<vmem>> -> memref<80xi32, #tpu.memory_space<vmem>>
          %dma_start3A_369 = tpu.memref_slice %arg4[%mul3A_349] : memref<320000xi32, #tpu.memory_space<hbm>> -> memref<80xi32, #tpu.memory_space<hbm>>
          %dma_start3A_370 = arith.constant 160 : i32
          %dma_start3A_371 = tpu.memref_slice %arg14[%sub3A_183, %dma_start3A_370] : memref<2x320xi32, #tpu.memory_space<vmem>> -> memref<1x80xi32, #tpu.memory_space<vmem>>
          %dma_start3A_372 = tpu.memref_squeeze %dma_start3A_371 : memref<1x80xi32, #tpu.memory_space<vmem>> -> memref<80xi32, #tpu.memory_space<vmem>>
          %dma_start3A_373 = tpu.memref_slice %arg4[%mul3A_349] : memref<320000xi32, #tpu.memory_space<hbm>> -> memref<80xi32, #tpu.memory_space<hbm>>
          tpu.enqueue_dma source(%dma_start3A_373 : memref<80xi32, #tpu.memory_space<hbm>>) target(%dma_start3A_372 : memref<80xi32, #tpu.memory_space<vmem>>) target_semaphore(%arg25 : memref<!tpu.dma_semaphore, #tpu.memory_space<semaphore_mem>>)
          %dma_start3A_374 = arith.constant 240 : i32
          %dma_start3A_375 = tpu.memref_slice %arg14[%sub3A_183, %dma_start3A_374] : memref<2x320xi32, #tpu.memory_space<vmem>> -> memref<1x80xi32, #tpu.memory_space<vmem>>
          %dma_start3A_376 = tpu.memref_squeeze %dma_start3A_375 : memref<1x80xi32, #tpu.memory_space<vmem>> -> memref<80xi32, #tpu.memory_space<vmem>>
          %dma_start3A_377 = tpu.memref_slice %arg5[%mul3A_349] : memref<320000xi32, #tpu.memory_space<hbm>> -> memref<80xi32, #tpu.memory_space<hbm>>
          %dma_start3A_378 = arith.constant 240 : i32
          %dma_start3A_379 = tpu.memref_slice %arg14[%sub3A_183, %dma_start3A_378] : memref<2x320xi32, #tpu.memory_space<vmem>> -> memref<1x80xi32, #tpu.memory_space<vmem>>
          %dma_start3A_380 = tpu.memref_squeeze %dma_start3A_379 : memref<1x80xi32, #tpu.memory_space<vmem>> -> memref<80xi32, #tpu.memory_space<vmem>>
          %dma_start3A_381 = tpu.memref_slice %arg5[%mul3A_349] : memref<320000xi32, #tpu.memory_space<hbm>> -> memref<80xi32, #tpu.memory_space<hbm>>
          tpu.enqueue_dma source(%dma_start3A_381 : memref<80xi32, #tpu.memory_space<hbm>>) target(%dma_start3A_380 : memref<80xi32, #tpu.memory_space<vmem>>) target_semaphore(%arg25 : memref<!tpu.dma_semaphore, #tpu.memory_space<semaphore_mem>>)
          %dma_wait3A_382 = arith.constant 0 : i32
          %dma_wait3A_383 = tpu.memref_slice %arg14[%sub3A_183, %dma_wait3A_382] : memref<2x320xi32, #tpu.memory_space<vmem>> -> memref<1x80xi32, #tpu.memory_space<vmem>>
          %dma_wait3A_384 = tpu.memref_squeeze %dma_wait3A_383 : memref<1x80xi32, #tpu.memory_space<vmem>> -> memref<80xi32, #tpu.memory_space<vmem>>
          %dma_wait3A_385 = tpu.memref_slice %arg2[%mul3A_349] : memref<320000xi32, #tpu.memory_space<hbm>> -> memref<80xi32, #tpu.memory_space<hbm>>
          %dma_wait3A_386 = arith.constant 0 : i32
          %dma_wait3A_387 = tpu.memref_slice %arg14[%sub3A_183, %dma_wait3A_386] : memref<2x320xi32, #tpu.memory_space<vmem>> -> memref<1x80xi32, #tpu.memory_space<vmem>>
          %dma_wait3A_388 = tpu.memref_squeeze %dma_wait3A_387 : memref<1x80xi32, #tpu.memory_space<vmem>> -> memref<80xi32, #tpu.memory_space<vmem>>
          %dma_wait3A_389 = tpu.memref_slice %arg2[%mul3A_349] : memref<320000xi32, #tpu.memory_space<hbm>> -> memref<80xi32, #tpu.memory_space<hbm>>
          tpu.wait_dma2 semaphore(%arg25 : memref<!tpu.dma_semaphore, #tpu.memory_space<semaphore_mem>>) src(%dma_wait3A_389 : memref<80xi32, #tpu.memory_space<hbm>>) dst(%dma_wait3A_388 : memref<80xi32, #tpu.memory_space<vmem>>)
          %dma_wait3A_390 = arith.constant 80 : i32
          %dma_wait3A_391 = tpu.memref_slice %arg14[%sub3A_183, %dma_wait3A_390] : memref<2x320xi32, #tpu.memory_space<vmem>> -> memref<1x80xi32, #tpu.memory_space<vmem>>
          %dma_wait3A_392 = tpu.memref_squeeze %dma_wait3A_391 : memref<1x80xi32, #tpu.memory_space<vmem>> -> memref<80xi32, #tpu.memory_space<vmem>>
          %dma_wait3A_393 = tpu.memref_slice %arg3[%mul3A_349] : memref<320000xi32, #tpu.memory_space<hbm>> -> memref<80xi32, #tpu.memory_space<hbm>>
          %dma_wait3A_394 = arith.constant 80 : i32
          %dma_wait3A_395 = tpu.memref_slice %arg14[%sub3A_183, %dma_wait3A_394] : memref<2x320xi32, #tpu.memory_space<vmem>> -> memref<1x80xi32, #tpu.memory_space<vmem>>
          %dma_wait3A_396 = tpu.memref_squeeze %dma_wait3A_395 : memref<1x80xi32, #tpu.memory_space<vmem>> -> memref<80xi32, #tpu.memory_space<vmem>>
          %dma_wait3A_397 = tpu.memref_slice %arg3[%mul3A_349] : memref<320000xi32, #tpu.memory_space<hbm>> -> memref<80xi32, #tpu.memory_space<hbm>>
          tpu.wait_dma2 semaphore(%arg25 : memref<!tpu.dma_semaphore, #tpu.memory_space<semaphore_mem>>) src(%dma_wait3A_397 : memref<80xi32, #tpu.memory_space<hbm>>) dst(%dma_wait3A_396 : memref<80xi32, #tpu.memory_space<vmem>>)
          %dma_wait3A_398 = arith.constant 160 : i32
          %dma_wait3A_399 = tpu.memref_slice %arg14[%sub3A_183, %dma_wait3A_398] : memref<2x320xi32, #tpu.memory_space<vmem>> -> memref<1x80xi32, #tpu.memory_space<vmem>>
          %dma_wait3A_400 = tpu.memref_squeeze %dma_wait3A_399 : memref<1x80xi32, #tpu.memory_space<vmem>> -> memref<80xi32, #tpu.memory_space<vmem>>
          %dma_wait3A_401 = tpu.memref_slice %arg4[%mul3A_349] : memref<320000xi32, #tpu.memory_space<hbm>> -> memref<80xi32, #tpu.memory_space<hbm>>
          %dma_wait3A_402 = arith.constant 160 : i32
          %dma_wait3A_403 = tpu.memref_slice %arg14[%sub3A_183, %dma_wait3A_402] : memref<2x320xi32, #tpu.memory_space<vmem>> -> memref<1x80xi32, #tpu.memory_space<vmem>>
          %dma_wait3A_404 = tpu.memref_squeeze %dma_wait3A_403 : memref<1x80xi32, #tpu.memory_space<vmem>> -> memref<80xi32, #tpu.memory_space<vmem>>
          %dma_wait3A_405 = tpu.memref_slice %arg4[%mul3A_349] : memref<320000xi32, #tpu.memory_space<hbm>> -> memref<80xi32, #tpu.memory_space<hbm>>
          tpu.wait_dma2 semaphore(%arg25 : memref<!tpu.dma_semaphore, #tpu.memory_space<semaphore_mem>>) src(%dma_wait3A_405 : memref<80xi32, #tpu.memory_space<hbm>>) dst(%dma_wait3A_404 : memref<80xi32, #tpu.memory_space<vmem>>)
          %dma_wait3A_406 = arith.constant 240 : i32
          %dma_wait3A_407 = tpu.memref_slice %arg14[%sub3A_183, %dma_wait3A_406] : memref<2x320xi32, #tpu.memory_space<vmem>> -> memref<1x80xi32, #tpu.memory_space<vmem>>
          %dma_wait3A_408 = tpu.memref_squeeze %dma_wait3A_407 : memref<1x80xi32, #tpu.memory_space<vmem>> -> memref<80xi32, #tpu.memory_space<vmem>>
          %dma_wait3A_409 = tpu.memref_slice %arg5[%mul3A_349] : memref<320000xi32, #tpu.memory_space<hbm>> -> memref<80xi32, #tpu.memory_space<hbm>>
          %dma_wait3A_410 = arith.constant 240 : i32
          %dma_wait3A_411 = tpu.memref_slice %arg14[%sub3A_183, %dma_wait3A_410] : memref<2x320xi32, #tpu.memory_space<vmem>> -> memref<1x80xi32, #tpu.memory_space<vmem>>
          %dma_wait3A_412 = tpu.memref_squeeze %dma_wait3A_411 : memref<1x80xi32, #tpu.memory_space<vmem>> -> memref<80xi32, #tpu.memory_space<vmem>>
          %dma_wait3A_413 = tpu.memref_slice %arg5[%mul3A_349] : memref<320000xi32, #tpu.memory_space<hbm>> -> memref<80xi32, #tpu.memory_space<hbm>>
          tpu.wait_dma2 semaphore(%arg25 : memref<!tpu.dma_semaphore, #tpu.memory_space<semaphore_mem>>) src(%dma_wait3A_413 : memref<80xi32, #tpu.memory_space<hbm>>) dst(%dma_wait3A_412 : memref<80xi32, #tpu.memory_space<vmem>>)
        } else {
        }
        %dma_wait3A_287 = arith.constant 0 : i32
        %dma_wait3A_288 = arith.constant 0 : i32
        %dma_wait3A_289 = tpu.memref_slice %arg17[%and3A_181, %dma_wait3A_287, %dma_wait3A_288] : memref<2x80x64xi32, #tpu.memory_space<vmem>> -> memref<1x80x64xi32, #tpu.memory_space<vmem>>
        %dma_wait3A_290 = tpu.memref_squeeze %dma_wait3A_289 : memref<1x80x64xi32, #tpu.memory_space<vmem>> -> memref<80x64xi32, #tpu.memory_space<vmem>>
        %dma_wait3A_291 = arith.constant 0 : i32
        %dma_wait3A_292 = tpu.memref_slice %arg14[%and3A_181, %dma_wait3A_291] : memref<2x320xi32, #tpu.memory_space<vmem>> -> memref<1x80xi32, #tpu.memory_space<vmem>>
        %dma_wait3A_293 = tpu.memref_squeeze %dma_wait3A_292 : memref<1x80xi32, #tpu.memory_space<vmem>> -> memref<80xi32, #tpu.memory_space<vmem>>
        %dma_wait3A_294 = arith.constant 0 : i32
        %dma_wait3A_295 = arith.constant 0 : i32
        %dma_wait3A_296 = tpu.memref_slice %arg6[%dma_wait3A_294, %dma_wait3A_295] : memref<10000x64xi32, #tpu.memory_space<hbm>> -> memref<10000x64xi32, #tpu.memory_space<hbm>>
        tpu.wait_indirect_dma semaphore(%arg24 : memref<!tpu.dma_semaphore, #tpu.memory_space<semaphore_mem>>) src(%dma_wait3A_296 : memref<10000x64xi32, #tpu.memory_space<hbm>>) dst(%dma_wait3A_290 : memref<80x64xi32, #tpu.memory_space<vmem>>)
        %dma_wait3A_297 = arith.constant 0 : i32
        %dma_wait3A_298 = arith.constant 0 : i32
        %dma_wait3A_299 = tpu.memref_slice %arg18[%and3A_181, %dma_wait3A_297, %dma_wait3A_298] : memref<2x80x32xi32, #tpu.memory_space<vmem>> -> memref<1x80x32xi32, #tpu.memory_space<vmem>>
        %dma_wait3A_300 = tpu.memref_squeeze %dma_wait3A_299 : memref<1x80x32xi32, #tpu.memory_space<vmem>> -> memref<80x32xi32, #tpu.memory_space<vmem>>
        %dma_wait3A_301 = arith.constant 0 : i32
        %dma_wait3A_302 = tpu.memref_slice %arg14[%and3A_181, %dma_wait3A_301] : memref<2x320xi32, #tpu.memory_space<vmem>> -> memref<1x80xi32, #tpu.memory_space<vmem>>
        %dma_wait3A_303 = tpu.memref_squeeze %dma_wait3A_302 : memref<1x80xi32, #tpu.memory_space<vmem>> -> memref<80xi32, #tpu.memory_space<vmem>>
        %dma_wait3A_304 = arith.constant 0 : i32
        %dma_wait3A_305 = arith.constant 0 : i32
        %dma_wait3A_306 = tpu.memref_slice %arg7[%dma_wait3A_304, %dma_wait3A_305] : memref<10000x32xi32, #tpu.memory_space<hbm>> -> memref<10000x32xi32, #tpu.memory_space<hbm>>
        tpu.wait_indirect_dma semaphore(%arg24 : memref<!tpu.dma_semaphore, #tpu.memory_space<semaphore_mem>>) src(%dma_wait3A_306 : memref<10000x32xi32, #tpu.memory_space<hbm>>) dst(%dma_wait3A_300 : memref<80x32xi32, #tpu.memory_space<vmem>>)
        %dma_wait3A_307 = arith.constant 0 : i32
        %dma_wait3A_308 = arith.constant 0 : i32
        %dma_wait3A_309 = tpu.memref_slice %arg19[%and3A_181, %dma_wait3A_307, %dma_wait3A_308] : memref<2x80x64xi32, #tpu.memory_space<vmem>> -> memref<1x80x64xi32, #tpu.memory_space<vmem>>
        %dma_wait3A_310 = tpu.memref_squeeze %dma_wait3A_309 : memref<1x80x64xi32, #tpu.memory_space<vmem>> -> memref<80x64xi32, #tpu.memory_space<vmem>>
        %dma_wait3A_311 = arith.constant 80 : i32
        %dma_wait3A_312 = tpu.memref_slice %arg14[%and3A_181, %dma_wait3A_311] : memref<2x320xi32, #tpu.memory_space<vmem>> -> memref<1x80xi32, #tpu.memory_space<vmem>>
        %dma_wait3A_313 = tpu.memref_squeeze %dma_wait3A_312 : memref<1x80xi32, #tpu.memory_space<vmem>> -> memref<80xi32, #tpu.memory_space<vmem>>
        %dma_wait3A_314 = arith.constant 0 : i32
        %dma_wait3A_315 = arith.constant 0 : i32
        %dma_wait3A_316 = tpu.memref_slice %arg8[%dma_wait3A_314, %dma_wait3A_315] : memref<10001x64xi32, #tpu.memory_space<hbm>> -> memref<10001x64xi32, #tpu.memory_space<hbm>>
        tpu.wait_indirect_dma semaphore(%arg24 : memref<!tpu.dma_semaphore, #tpu.memory_space<semaphore_mem>>) src(%dma_wait3A_316 : memref<10001x64xi32, #tpu.memory_space<hbm>>) dst(%dma_wait3A_310 : memref<80x64xi32, #tpu.memory_space<vmem>>)
        %dma_wait3A_317 = arith.constant 0 : i32
        %dma_wait3A_318 = arith.constant 0 : i32
        %dma_wait3A_319 = tpu.memref_slice %arg20[%and3A_181, %dma_wait3A_317, %dma_wait3A_318] : memref<2x80x32xi32, #tpu.memory_space<vmem>> -> memref<1x80x32xi32, #tpu.memory_space<vmem>>
        %dma_wait3A_320 = tpu.memref_squeeze %dma_wait3A_319 : memref<1x80x32xi32, #tpu.memory_space<vmem>> -> memref<80x32xi32, #tpu.memory_space<vmem>>
        %dma_wait3A_321 = arith.constant 80 : i32
        %dma_wait3A_322 = tpu.memref_slice %arg14[%and3A_181, %dma_wait3A_321] : memref<2x320xi32, #tpu.memory_space<vmem>> -> memref<1x80xi32, #tpu.memory_space<vmem>>
        %dma_wait3A_323 = tpu.memref_squeeze %dma_wait3A_322 : memref<1x80xi32, #tpu.memory_space<vmem>> -> memref<80xi32, #tpu.memory_space<vmem>>
        %dma_wait3A_324 = arith.constant 0 : i32
        %dma_wait3A_325 = arith.constant 0 : i32
        %dma_wait3A_326 = tpu.memref_slice %arg9[%dma_wait3A_324, %dma_wait3A_325] : memref<10001x32xi32, #tpu.memory_space<hbm>> -> memref<10001x32xi32, #tpu.memory_space<hbm>>
        tpu.wait_indirect_dma semaphore(%arg24 : memref<!tpu.dma_semaphore, #tpu.memory_space<semaphore_mem>>) src(%dma_wait3A_326 : memref<10001x32xi32, #tpu.memory_space<hbm>>) dst(%dma_wait3A_320 : memref<80x32xi32, #tpu.memory_space<vmem>>)
        %dma_wait3A_327 = arith.constant 0 : i32
        %dma_wait3A_328 = arith.constant 0 : i32
        %dma_wait3A_329 = tpu.memref_slice %arg21[%and3A_181, %dma_wait3A_327, %dma_wait3A_328] : memref<2x80x32xi32, #tpu.memory_space<vmem>> -> memref<1x80x32xi32, #tpu.memory_space<vmem>>
        %dma_wait3A_330 = tpu.memref_squeeze %dma_wait3A_329 : memref<1x80x32xi32, #tpu.memory_space<vmem>> -> memref<80x32xi32, #tpu.memory_space<vmem>>
        %dma_wait3A_331 = arith.constant 160 : i32
        %dma_wait3A_332 = tpu.memref_slice %arg14[%and3A_181, %dma_wait3A_331] : memref<2x320xi32, #tpu.memory_space<vmem>> -> memref<1x80xi32, #tpu.memory_space<vmem>>
        %dma_wait3A_333 = tpu.memref_squeeze %dma_wait3A_332 : memref<1x80xi32, #tpu.memory_space<vmem>> -> memref<80xi32, #tpu.memory_space<vmem>>
        %dma_wait3A_334 = arith.constant 0 : i32
        %dma_wait3A_335 = arith.constant 0 : i32
        %dma_wait3A_336 = tpu.memref_slice %arg10[%dma_wait3A_334, %dma_wait3A_335] : memref<64x32xi32, #tpu.memory_space<hbm>> -> memref<64x32xi32, #tpu.memory_space<hbm>>
        tpu.wait_indirect_dma semaphore(%arg24 : memref<!tpu.dma_semaphore, #tpu.memory_space<semaphore_mem>>) src(%dma_wait3A_336 : memref<64x32xi32, #tpu.memory_space<hbm>>) dst(%dma_wait3A_330 : memref<80x32xi32, #tpu.memory_space<vmem>>)
        %dma_wait3A_337 = arith.constant 0 : i32
        %dma_wait3A_338 = tpu.memref_slice %arg15[%sub3A_183, %dma_wait3A_337] : memref<2x80xi32, #tpu.memory_space<vmem>> -> memref<1x80xi32, #tpu.memory_space<vmem>>
        %dma_wait3A_339 = tpu.memref_squeeze %dma_wait3A_338 : memref<1x80xi32, #tpu.memory_space<vmem>> -> memref<80xi32, #tpu.memory_space<vmem>>
        %dma_wait3A_340 = arith.constant 0 : i32
        %dma_wait3A_341 = arith.constant 0 : i32
        %dma_wait3A_342 = tpu.memref_slice %arg23[%dma_wait3A_340, %dma_wait3A_341] : memref<10000x128xf32, #tpu.memory_space<vmem_shared>> -> memref<10000x128xf32, #tpu.memory_space<vmem_shared>>
        tpu.wait_indirect_dma semaphore(%arg26 : memref<!tpu.dma_semaphore, #tpu.memory_space<semaphore_mem>>) src(%arg22 : memref<80x128xf32, #tpu.memory_space<vmem>>) dst(%dma_wait3A_342 : memref<10000x128xf32, #tpu.memory_space<vmem_shared>>)
      } else {
      }
      %eq3A_238 = arith.constant 0 : i32
      %eq3A_239 = arith.cmpi eq, %while3A_179, %eq3A_238 : i32
      %convert_element_type3A_240 = arith.extui %eq3A_239 : i1 to i32
      %cond3A_241 = arith.constant 0 : i32
      %cond3A_242 = arith.cmpi ne, %convert_element_type3A_240, %cond3A_241 : i32
      scf.if %cond3A_242 {
        %gt3A_243 = arith.constant 1 : i32
        %gt3A_244 = arith.cmpi sgt, %add3A_35, %gt3A_243 : i32
        %convert_element_type3A_245 = arith.extui %gt3A_244 : i1 to i32
        %cond3A_246 = arith.constant 0 : i32
        %cond3A_247 = arith.cmpi ne, %convert_element_type3A_245, %cond3A_246 : i32
        scf.if %cond3A_247 {
          %add3A_298 = arith.constant 32 : i32
          %add3A_299 = arith.addi %add3A, %add3A_298 : i32
          %mul3A_300 = arith.constant 80 : i32
          %mul3A_301 = arith.muli %add3A_299, %mul3A_300 : i32
          %dma_start3A_302 = arith.constant 0 : i32
          %dma_start3A_303 = tpu.memref_slice %arg14[%sub3A_183, %dma_start3A_302] : memref<2x320xi32, #tpu.memory_space<vmem>> -> memref<1x80xi32, #tpu.memory_space<vmem>>
          %dma_start3A_304 = tpu.memref_squeeze %dma_start3A_303 : memref<1x80xi32, #tpu.memory_space<vmem>> -> memref<80xi32, #tpu.memory_space<vmem>>
          %dma_start3A_305 = tpu.memref_slice %arg2[%mul3A_301] : memref<320000xi32, #tpu.memory_space<hbm>> -> memref<80xi32, #tpu.memory_space<hbm>>
          %dma_start3A_306 = arith.constant 0 : i32
          %dma_start3A_307 = tpu.memref_slice %arg14[%sub3A_183, %dma_start3A_306] : memref<2x320xi32, #tpu.memory_space<vmem>> -> memref<1x80xi32, #tpu.memory_space<vmem>>
          %dma_start3A_308 = tpu.memref_squeeze %dma_start3A_307 : memref<1x80xi32, #tpu.memory_space<vmem>> -> memref<80xi32, #tpu.memory_space<vmem>>
          %dma_start3A_309 = tpu.memref_slice %arg2[%mul3A_301] : memref<320000xi32, #tpu.memory_space<hbm>> -> memref<80xi32, #tpu.memory_space<hbm>>
          tpu.enqueue_dma source(%dma_start3A_309 : memref<80xi32, #tpu.memory_space<hbm>>) target(%dma_start3A_308 : memref<80xi32, #tpu.memory_space<vmem>>) target_semaphore(%arg25 : memref<!tpu.dma_semaphore, #tpu.memory_space<semaphore_mem>>)
          %dma_start3A_310 = arith.constant 80 : i32
          %dma_start3A_311 = tpu.memref_slice %arg14[%sub3A_183, %dma_start3A_310] : memref<2x320xi32, #tpu.memory_space<vmem>> -> memref<1x80xi32, #tpu.memory_space<vmem>>
          %dma_start3A_312 = tpu.memref_squeeze %dma_start3A_311 : memref<1x80xi32, #tpu.memory_space<vmem>> -> memref<80xi32, #tpu.memory_space<vmem>>
          %dma_start3A_313 = tpu.memref_slice %arg3[%mul3A_301] : memref<320000xi32, #tpu.memory_space<hbm>> -> memref<80xi32, #tpu.memory_space<hbm>>
          %dma_start3A_314 = arith.constant 80 : i32
          %dma_start3A_315 = tpu.memref_slice %arg14[%sub3A_183, %dma_start3A_314] : memref<2x320xi32, #tpu.memory_space<vmem>> -> memref<1x80xi32, #tpu.memory_space<vmem>>
          %dma_start3A_316 = tpu.memref_squeeze %dma_start3A_315 : memref<1x80xi32, #tpu.memory_space<vmem>> -> memref<80xi32, #tpu.memory_space<vmem>>
          %dma_start3A_317 = tpu.memref_slice %arg3[%mul3A_301] : memref<320000xi32, #tpu.memory_space<hbm>> -> memref<80xi32, #tpu.memory_space<hbm>>
          tpu.enqueue_dma source(%dma_start3A_317 : memref<80xi32, #tpu.memory_space<hbm>>) target(%dma_start3A_316 : memref<80xi32, #tpu.memory_space<vmem>>) target_semaphore(%arg25 : memref<!tpu.dma_semaphore, #tpu.memory_space<semaphore_mem>>)
          %dma_start3A_318 = arith.constant 160 : i32
          %dma_start3A_319 = tpu.memref_slice %arg14[%sub3A_183, %dma_start3A_318] : memref<2x320xi32, #tpu.memory_space<vmem>> -> memref<1x80xi32, #tpu.memory_space<vmem>>
          %dma_start3A_320 = tpu.memref_squeeze %dma_start3A_319 : memref<1x80xi32, #tpu.memory_space<vmem>> -> memref<80xi32, #tpu.memory_space<vmem>>
          %dma_start3A_321 = tpu.memref_slice %arg4[%mul3A_301] : memref<320000xi32, #tpu.memory_space<hbm>> -> memref<80xi32, #tpu.memory_space<hbm>>
          %dma_start3A_322 = arith.constant 160 : i32
          %dma_start3A_323 = tpu.memref_slice %arg14[%sub3A_183, %dma_start3A_322] : memref<2x320xi32, #tpu.memory_space<vmem>> -> memref<1x80xi32, #tpu.memory_space<vmem>>
          %dma_start3A_324 = tpu.memref_squeeze %dma_start3A_323 : memref<1x80xi32, #tpu.memory_space<vmem>> -> memref<80xi32, #tpu.memory_space<vmem>>
          %dma_start3A_325 = tpu.memref_slice %arg4[%mul3A_301] : memref<320000xi32, #tpu.memory_space<hbm>> -> memref<80xi32, #tpu.memory_space<hbm>>
          tpu.enqueue_dma source(%dma_start3A_325 : memref<80xi32, #tpu.memory_space<hbm>>) target(%dma_start3A_324 : memref<80xi32, #tpu.memory_space<vmem>>) target_semaphore(%arg25 : memref<!tpu.dma_semaphore, #tpu.memory_space<semaphore_mem>>)
          %dma_start3A_326 = arith.constant 240 : i32
          %dma_start3A_327 = tpu.memref_slice %arg14[%sub3A_183, %dma_start3A_326] : memref<2x320xi32, #tpu.memory_space<vmem>> -> memref<1x80xi32, #tpu.memory_space<vmem>>
          %dma_start3A_328 = tpu.memref_squeeze %dma_start3A_327 : memref<1x80xi32, #tpu.memory_space<vmem>> -> memref<80xi32, #tpu.memory_space<vmem>>
          %dma_start3A_329 = tpu.memref_slice %arg5[%mul3A_301] : memref<320000xi32, #tpu.memory_space<hbm>> -> memref<80xi32, #tpu.memory_space<hbm>>
          %dma_start3A_330 = arith.constant 240 : i32
          %dma_start3A_331 = tpu.memref_slice %arg14[%sub3A_183, %dma_start3A_330] : memref<2x320xi32, #tpu.memory_space<vmem>> -> memref<1x80xi32, #tpu.memory_space<vmem>>
          %dma_start3A_332 = tpu.memref_squeeze %dma_start3A_331 : memref<1x80xi32, #tpu.memory_space<vmem>> -> memref<80xi32, #tpu.memory_space<vmem>>
          %dma_start3A_333 = tpu.memref_slice %arg5[%mul3A_301] : memref<320000xi32, #tpu.memory_space<hbm>> -> memref<80xi32, #tpu.memory_space<hbm>>
          tpu.enqueue_dma source(%dma_start3A_333 : memref<80xi32, #tpu.memory_space<hbm>>) target(%dma_start3A_332 : memref<80xi32, #tpu.memory_space<vmem>>) target_semaphore(%arg25 : memref<!tpu.dma_semaphore, #tpu.memory_space<semaphore_mem>>)
          %dma_wait3A_334 = arith.constant 0 : i32
          %dma_wait3A_335 = tpu.memref_slice %arg14[%sub3A_183, %dma_wait3A_334] : memref<2x320xi32, #tpu.memory_space<vmem>> -> memref<1x80xi32, #tpu.memory_space<vmem>>
          %dma_wait3A_336 = tpu.memref_squeeze %dma_wait3A_335 : memref<1x80xi32, #tpu.memory_space<vmem>> -> memref<80xi32, #tpu.memory_space<vmem>>
          %dma_wait3A_337 = tpu.memref_slice %arg2[%mul3A_301] : memref<320000xi32, #tpu.memory_space<hbm>> -> memref<80xi32, #tpu.memory_space<hbm>>
          %dma_wait3A_338 = arith.constant 0 : i32
          %dma_wait3A_339 = tpu.memref_slice %arg14[%sub3A_183, %dma_wait3A_338] : memref<2x320xi32, #tpu.memory_space<vmem>> -> memref<1x80xi32, #tpu.memory_space<vmem>>
          %dma_wait3A_340 = tpu.memref_squeeze %dma_wait3A_339 : memref<1x80xi32, #tpu.memory_space<vmem>> -> memref<80xi32, #tpu.memory_space<vmem>>
          %dma_wait3A_341 = tpu.memref_slice %arg2[%mul3A_301] : memref<320000xi32, #tpu.memory_space<hbm>> -> memref<80xi32, #tpu.memory_space<hbm>>
          tpu.wait_dma2 semaphore(%arg25 : memref<!tpu.dma_semaphore, #tpu.memory_space<semaphore_mem>>) src(%dma_wait3A_341 : memref<80xi32, #tpu.memory_space<hbm>>) dst(%dma_wait3A_340 : memref<80xi32, #tpu.memory_space<vmem>>)
          %dma_wait3A_342 = arith.constant 80 : i32
          %dma_wait3A_343 = tpu.memref_slice %arg14[%sub3A_183, %dma_wait3A_342] : memref<2x320xi32, #tpu.memory_space<vmem>> -> memref<1x80xi32, #tpu.memory_space<vmem>>
          %dma_wait3A_344 = tpu.memref_squeeze %dma_wait3A_343 : memref<1x80xi32, #tpu.memory_space<vmem>> -> memref<80xi32, #tpu.memory_space<vmem>>
          %dma_wait3A_345 = tpu.memref_slice %arg3[%mul3A_301] : memref<320000xi32, #tpu.memory_space<hbm>> -> memref<80xi32, #tpu.memory_space<hbm>>
          %dma_wait3A_346 = arith.constant 80 : i32
          %dma_wait3A_347 = tpu.memref_slice %arg14[%sub3A_183, %dma_wait3A_346] : memref<2x320xi32, #tpu.memory_space<vmem>> -> memref<1x80xi32, #tpu.memory_space<vmem>>
          %dma_wait3A_348 = tpu.memref_squeeze %dma_wait3A_347 : memref<1x80xi32, #tpu.memory_space<vmem>> -> memref<80xi32, #tpu.memory_space<vmem>>
          %dma_wait3A_349 = tpu.memref_slice %arg3[%mul3A_301] : memref<320000xi32, #tpu.memory_space<hbm>> -> memref<80xi32, #tpu.memory_space<hbm>>
          tpu.wait_dma2 semaphore(%arg25 : memref<!tpu.dma_semaphore, #tpu.memory_space<semaphore_mem>>) src(%dma_wait3A_349 : memref<80xi32, #tpu.memory_space<hbm>>) dst(%dma_wait3A_348 : memref<80xi32, #tpu.memory_space<vmem>>)
          %dma_wait3A_350 = arith.constant 160 : i32
          %dma_wait3A_351 = tpu.memref_slice %arg14[%sub3A_183, %dma_wait3A_350] : memref<2x320xi32, #tpu.memory_space<vmem>> -> memref<1x80xi32, #tpu.memory_space<vmem>>
          %dma_wait3A_352 = tpu.memref_squeeze %dma_wait3A_351 : memref<1x80xi32, #tpu.memory_space<vmem>> -> memref<80xi32, #tpu.memory_space<vmem>>
          %dma_wait3A_353 = tpu.memref_slice %arg4[%mul3A_301] : memref<320000xi32, #tpu.memory_space<hbm>> -> memref<80xi32, #tpu.memory_space<hbm>>
          %dma_wait3A_354 = arith.constant 160 : i32
          %dma_wait3A_355 = tpu.memref_slice %arg14[%sub3A_183, %dma_wait3A_354] : memref<2x320xi32, #tpu.memory_space<vmem>> -> memref<1x80xi32, #tpu.memory_space<vmem>>
          %dma_wait3A_356 = tpu.memref_squeeze %dma_wait3A_355 : memref<1x80xi32, #tpu.memory_space<vmem>> -> memref<80xi32, #tpu.memory_space<vmem>>
          %dma_wait3A_357 = tpu.memref_slice %arg4[%mul3A_301] : memref<320000xi32, #tpu.memory_space<hbm>> -> memref<80xi32, #tpu.memory_space<hbm>>
          tpu.wait_dma2 semaphore(%arg25 : memref<!tpu.dma_semaphore, #tpu.memory_space<semaphore_mem>>) src(%dma_wait3A_357 : memref<80xi32, #tpu.memory_space<hbm>>) dst(%dma_wait3A_356 : memref<80xi32, #tpu.memory_space<vmem>>)
          %dma_wait3A_358 = arith.constant 240 : i32
          %dma_wait3A_359 = tpu.memref_slice %arg14[%sub3A_183, %dma_wait3A_358] : memref<2x320xi32, #tpu.memory_space<vmem>> -> memref<1x80xi32, #tpu.memory_space<vmem>>
          %dma_wait3A_360 = tpu.memref_squeeze %dma_wait3A_359 : memref<1x80xi32, #tpu.memory_space<vmem>> -> memref<80xi32, #tpu.memory_space<vmem>>
          %dma_wait3A_361 = tpu.memref_slice %arg5[%mul3A_301] : memref<320000xi32, #tpu.memory_space<hbm>> -> memref<80xi32, #tpu.memory_space<hbm>>
          %dma_wait3A_362 = arith.constant 240 : i32
          %dma_wait3A_363 = tpu.memref_slice %arg14[%sub3A_183, %dma_wait3A_362] : memref<2x320xi32, #tpu.memory_space<vmem>> -> memref<1x80xi32, #tpu.memory_space<vmem>>
          %dma_wait3A_364 = tpu.memref_squeeze %dma_wait3A_363 : memref<1x80xi32, #tpu.memory_space<vmem>> -> memref<80xi32, #tpu.memory_space<vmem>>
          %dma_wait3A_365 = tpu.memref_slice %arg5[%mul3A_301] : memref<320000xi32, #tpu.memory_space<hbm>> -> memref<80xi32, #tpu.memory_space<hbm>>
          tpu.wait_dma2 semaphore(%arg25 : memref<!tpu.dma_semaphore, #tpu.memory_space<semaphore_mem>>) src(%dma_wait3A_365 : memref<80xi32, #tpu.memory_space<hbm>>) dst(%dma_wait3A_364 : memref<80xi32, #tpu.memory_space<vmem>>)
        } else {
        }
        %dma_wait3A_248 = arith.constant 0 : i32
        %dma_wait3A_249 = arith.constant 0 : i32
        %dma_wait3A_250 = tpu.memref_slice %arg17[%and3A_181, %dma_wait3A_248, %dma_wait3A_249] : memref<2x80x64xi32, #tpu.memory_space<vmem>> -> memref<1x80x64xi32, #tpu.memory_space<vmem>>
        %dma_wait3A_251 = tpu.memref_squeeze %dma_wait3A_250 : memref<1x80x64xi32, #tpu.memory_space<vmem>> -> memref<80x64xi32, #tpu.memory_space<vmem>>
        %dma_wait3A_252 = arith.constant 0 : i32
        %dma_wait3A_253 = tpu.memref_slice %arg14[%and3A_181, %dma_wait3A_252] : memref<2x320xi32, #tpu.memory_space<vmem>> -> memref<1x80xi32, #tpu.memory_space<vmem>>
        %dma_wait3A_254 = tpu.memref_squeeze %dma_wait3A_253 : memref<1x80xi32, #tpu.memory_space<vmem>> -> memref<80xi32, #tpu.memory_space<vmem>>
        %dma_wait3A_255 = arith.constant 0 : i32
        %dma_wait3A_256 = arith.constant 0 : i32
        %dma_wait3A_257 = tpu.memref_slice %arg6[%dma_wait3A_255, %dma_wait3A_256] : memref<10000x64xi32, #tpu.memory_space<hbm>> -> memref<10000x64xi32, #tpu.memory_space<hbm>>
        tpu.wait_indirect_dma semaphore(%arg24 : memref<!tpu.dma_semaphore, #tpu.memory_space<semaphore_mem>>) src(%dma_wait3A_257 : memref<10000x64xi32, #tpu.memory_space<hbm>>) dst(%dma_wait3A_251 : memref<80x64xi32, #tpu.memory_space<vmem>>)
        %dma_wait3A_258 = arith.constant 0 : i32
        %dma_wait3A_259 = arith.constant 0 : i32
        %dma_wait3A_260 = tpu.memref_slice %arg18[%and3A_181, %dma_wait3A_258, %dma_wait3A_259] : memref<2x80x32xi32, #tpu.memory_space<vmem>> -> memref<1x80x32xi32, #tpu.memory_space<vmem>>
        %dma_wait3A_261 = tpu.memref_squeeze %dma_wait3A_260 : memref<1x80x32xi32, #tpu.memory_space<vmem>> -> memref<80x32xi32, #tpu.memory_space<vmem>>
        %dma_wait3A_262 = arith.constant 0 : i32
        %dma_wait3A_263 = tpu.memref_slice %arg14[%and3A_181, %dma_wait3A_262] : memref<2x320xi32, #tpu.memory_space<vmem>> -> memref<1x80xi32, #tpu.memory_space<vmem>>
        %dma_wait3A_264 = tpu.memref_squeeze %dma_wait3A_263 : memref<1x80xi32, #tpu.memory_space<vmem>> -> memref<80xi32, #tpu.memory_space<vmem>>
        %dma_wait3A_265 = arith.constant 0 : i32
        %dma_wait3A_266 = arith.constant 0 : i32
        %dma_wait3A_267 = tpu.memref_slice %arg7[%dma_wait3A_265, %dma_wait3A_266] : memref<10000x32xi32, #tpu.memory_space<hbm>> -> memref<10000x32xi32, #tpu.memory_space<hbm>>
        tpu.wait_indirect_dma semaphore(%arg24 : memref<!tpu.dma_semaphore, #tpu.memory_space<semaphore_mem>>) src(%dma_wait3A_267 : memref<10000x32xi32, #tpu.memory_space<hbm>>) dst(%dma_wait3A_261 : memref<80x32xi32, #tpu.memory_space<vmem>>)
        %dma_wait3A_268 = arith.constant 0 : i32
        %dma_wait3A_269 = arith.constant 0 : i32
        %dma_wait3A_270 = tpu.memref_slice %arg19[%and3A_181, %dma_wait3A_268, %dma_wait3A_269] : memref<2x80x64xi32, #tpu.memory_space<vmem>> -> memref<1x80x64xi32, #tpu.memory_space<vmem>>
        %dma_wait3A_271 = tpu.memref_squeeze %dma_wait3A_270 : memref<1x80x64xi32, #tpu.memory_space<vmem>> -> memref<80x64xi32, #tpu.memory_space<vmem>>
        %dma_wait3A_272 = arith.constant 80 : i32
        %dma_wait3A_273 = tpu.memref_slice %arg14[%and3A_181, %dma_wait3A_272] : memref<2x320xi32, #tpu.memory_space<vmem>> -> memref<1x80xi32, #tpu.memory_space<vmem>>
        %dma_wait3A_274 = tpu.memref_squeeze %dma_wait3A_273 : memref<1x80xi32, #tpu.memory_space<vmem>> -> memref<80xi32, #tpu.memory_space<vmem>>
        %dma_wait3A_275 = arith.constant 0 : i32
        %dma_wait3A_276 = arith.constant 0 : i32
        %dma_wait3A_277 = tpu.memref_slice %arg8[%dma_wait3A_275, %dma_wait3A_276] : memref<10001x64xi32, #tpu.memory_space<hbm>> -> memref<10001x64xi32, #tpu.memory_space<hbm>>
        tpu.wait_indirect_dma semaphore(%arg24 : memref<!tpu.dma_semaphore, #tpu.memory_space<semaphore_mem>>) src(%dma_wait3A_277 : memref<10001x64xi32, #tpu.memory_space<hbm>>) dst(%dma_wait3A_271 : memref<80x64xi32, #tpu.memory_space<vmem>>)
        %dma_wait3A_278 = arith.constant 0 : i32
        %dma_wait3A_279 = arith.constant 0 : i32
        %dma_wait3A_280 = tpu.memref_slice %arg20[%and3A_181, %dma_wait3A_278, %dma_wait3A_279] : memref<2x80x32xi32, #tpu.memory_space<vmem>> -> memref<1x80x32xi32, #tpu.memory_space<vmem>>
        %dma_wait3A_281 = tpu.memref_squeeze %dma_wait3A_280 : memref<1x80x32xi32, #tpu.memory_space<vmem>> -> memref<80x32xi32, #tpu.memory_space<vmem>>
        %dma_wait3A_282 = arith.constant 80 : i32
        %dma_wait3A_283 = tpu.memref_slice %arg14[%and3A_181, %dma_wait3A_282] : memref<2x320xi32, #tpu.memory_space<vmem>> -> memref<1x80xi32, #tpu.memory_space<vmem>>
        %dma_wait3A_284 = tpu.memref_squeeze %dma_wait3A_283 : memref<1x80xi32, #tpu.memory_space<vmem>> -> memref<80xi32, #tpu.memory_space<vmem>>
        %dma_wait3A_285 = arith.constant 0 : i32
        %dma_wait3A_286 = arith.constant 0 : i32
        %dma_wait3A_287 = tpu.memref_slice %arg9[%dma_wait3A_285, %dma_wait3A_286] : memref<10001x32xi32, #tpu.memory_space<hbm>> -> memref<10001x32xi32, #tpu.memory_space<hbm>>
        tpu.wait_indirect_dma semaphore(%arg24 : memref<!tpu.dma_semaphore, #tpu.memory_space<semaphore_mem>>) src(%dma_wait3A_287 : memref<10001x32xi32, #tpu.memory_space<hbm>>) dst(%dma_wait3A_281 : memref<80x32xi32, #tpu.memory_space<vmem>>)
        %dma_wait3A_288 = arith.constant 0 : i32
        %dma_wait3A_289 = arith.constant 0 : i32
        %dma_wait3A_290 = tpu.memref_slice %arg21[%and3A_181, %dma_wait3A_288, %dma_wait3A_289] : memref<2x80x32xi32, #tpu.memory_space<vmem>> -> memref<1x80x32xi32, #tpu.memory_space<vmem>>
        %dma_wait3A_291 = tpu.memref_squeeze %dma_wait3A_290 : memref<1x80x32xi32, #tpu.memory_space<vmem>> -> memref<80x32xi32, #tpu.memory_space<vmem>>
        %dma_wait3A_292 = arith.constant 160 : i32
        %dma_wait3A_293 = tpu.memref_slice %arg14[%and3A_181, %dma_wait3A_292] : memref<2x320xi32, #tpu.memory_space<vmem>> -> memref<1x80xi32, #tpu.memory_space<vmem>>
        %dma_wait3A_294 = tpu.memref_squeeze %dma_wait3A_293 : memref<1x80xi32, #tpu.memory_space<vmem>> -> memref<80xi32, #tpu.memory_space<vmem>>
        %dma_wait3A_295 = arith.constant 0 : i32
        %dma_wait3A_296 = arith.constant 0 : i32
        %dma_wait3A_297 = tpu.memref_slice %arg10[%dma_wait3A_295, %dma_wait3A_296] : memref<64x32xi32, #tpu.memory_space<hbm>> -> memref<64x32xi32, #tpu.memory_space<hbm>>
        tpu.wait_indirect_dma semaphore(%arg24 : memref<!tpu.dma_semaphore, #tpu.memory_space<semaphore_mem>>) src(%dma_wait3A_297 : memref<64x32xi32, #tpu.memory_space<hbm>>) dst(%dma_wait3A_291 : memref<80x32xi32, #tpu.memory_space<vmem>>)
      } else {
      }
    }
    %while3A_118 = arith.constant 1 : i32
    scf.for %while3A_179 = %while3A_116 to %while3A_112 step %while3A_118  : i32 {
      %and3A_180 = arith.constant 1 : i32
      %and3A_181 = arith.andi %while3A_179, %and3A_180 : i32
      %sub3A_182 = arith.constant 1 : i32
      %sub3A_183 = arith.subi %sub3A_182, %and3A_181 : i32
      %dma_start3A_184 = arith.constant 0 : i32
      %dma_start3A_185 = arith.constant 0 : i32
      %dma_start3A_186 = tpu.memref_slice %arg17[%and3A_181, %dma_start3A_184, %dma_start3A_185] : memref<2x80x64xi32, #tpu.memory_space<vmem>> -> memref<1x80x64xi32, #tpu.memory_space<vmem>>
      %dma_start3A_187 = tpu.memref_squeeze %dma_start3A_186 : memref<1x80x64xi32, #tpu.memory_space<vmem>> -> memref<80x64xi32, #tpu.memory_space<vmem>>
      %dma_start3A_188 = arith.constant 0 : i32
      %dma_start3A_189 = tpu.memref_slice %arg14[%and3A_181, %dma_start3A_188] : memref<2x320xi32, #tpu.memory_space<vmem>> -> memref<1x80xi32, #tpu.memory_space<vmem>>
      %dma_start3A_190 = tpu.memref_squeeze %dma_start3A_189 : memref<1x80xi32, #tpu.memory_space<vmem>> -> memref<80xi32, #tpu.memory_space<vmem>>
      %dma_start3A_191 = arith.constant 0 : i32
      %dma_start3A_192 = arith.constant 0 : i32
      %dma_start3A_193 = tpu.memref_slice %arg6[%dma_start3A_191, %dma_start3A_192] : memref<10000x64xi32, #tpu.memory_space<hbm>> -> memref<10000x64xi32, #tpu.memory_space<hbm>>
      tpu.enqueue_indirect_dma source(%dma_start3A_193 : memref<10000x64xi32, #tpu.memory_space<hbm>>) target(%dma_start3A_187 : memref<80x64xi32, #tpu.memory_space<vmem>>) offsets(%dma_start3A_190 : memref<80xi32, #tpu.memory_space<vmem>>) semaphore(%arg24 : memref<!tpu.dma_semaphore, #tpu.memory_space<semaphore_mem>>)
      %dma_start3A_194 = arith.constant 0 : i32
      %dma_start3A_195 = arith.constant 0 : i32
      %dma_start3A_196 = tpu.memref_slice %arg18[%and3A_181, %dma_start3A_194, %dma_start3A_195] : memref<2x80x32xi32, #tpu.memory_space<vmem>> -> memref<1x80x32xi32, #tpu.memory_space<vmem>>
      %dma_start3A_197 = tpu.memref_squeeze %dma_start3A_196 : memref<1x80x32xi32, #tpu.memory_space<vmem>> -> memref<80x32xi32, #tpu.memory_space<vmem>>
      %dma_start3A_198 = arith.constant 0 : i32
      %dma_start3A_199 = tpu.memref_slice %arg14[%and3A_181, %dma_start3A_198] : memref<2x320xi32, #tpu.memory_space<vmem>> -> memref<1x80xi32, #tpu.memory_space<vmem>>
      %dma_start3A_200 = tpu.memref_squeeze %dma_start3A_199 : memref<1x80xi32, #tpu.memory_space<vmem>> -> memref<80xi32, #tpu.memory_space<vmem>>
      %dma_start3A_201 = arith.constant 0 : i32
      %dma_start3A_202 = arith.constant 0 : i32
      %dma_start3A_203 = tpu.memref_slice %arg7[%dma_start3A_201, %dma_start3A_202] : memref<10000x32xi32, #tpu.memory_space<hbm>> -> memref<10000x32xi32, #tpu.memory_space<hbm>>
      tpu.enqueue_indirect_dma source(%dma_start3A_203 : memref<10000x32xi32, #tpu.memory_space<hbm>>) target(%dma_start3A_197 : memref<80x32xi32, #tpu.memory_space<vmem>>) offsets(%dma_start3A_200 : memref<80xi32, #tpu.memory_space<vmem>>) semaphore(%arg24 : memref<!tpu.dma_semaphore, #tpu.memory_space<semaphore_mem>>)
      %dma_start3A_204 = arith.constant 0 : i32
      %dma_start3A_205 = arith.constant 0 : i32
      %dma_start3A_206 = tpu.memref_slice %arg19[%and3A_181, %dma_start3A_204, %dma_start3A_205] : memref<2x80x64xi32, #tpu.memory_space<vmem>> -> memref<1x80x64xi32, #tpu.memory_space<vmem>>
      %dma_start3A_207 = tpu.memref_squeeze %dma_start3A_206 : memref<1x80x64xi32, #tpu.memory_space<vmem>> -> memref<80x64xi32, #tpu.memory_space<vmem>>
      %dma_start3A_208 = arith.constant 80 : i32
      %dma_start3A_209 = tpu.memref_slice %arg14[%and3A_181, %dma_start3A_208] : memref<2x320xi32, #tpu.memory_space<vmem>> -> memref<1x80xi32, #tpu.memory_space<vmem>>
      %dma_start3A_210 = tpu.memref_squeeze %dma_start3A_209 : memref<1x80xi32, #tpu.memory_space<vmem>> -> memref<80xi32, #tpu.memory_space<vmem>>
      %dma_start3A_211 = arith.constant 0 : i32
      %dma_start3A_212 = arith.constant 0 : i32
      %dma_start3A_213 = tpu.memref_slice %arg8[%dma_start3A_211, %dma_start3A_212] : memref<10001x64xi32, #tpu.memory_space<hbm>> -> memref<10001x64xi32, #tpu.memory_space<hbm>>
      tpu.enqueue_indirect_dma source(%dma_start3A_213 : memref<10001x64xi32, #tpu.memory_space<hbm>>) target(%dma_start3A_207 : memref<80x64xi32, #tpu.memory_space<vmem>>) offsets(%dma_start3A_210 : memref<80xi32, #tpu.memory_space<vmem>>) semaphore(%arg24 : memref<!tpu.dma_semaphore, #tpu.memory_space<semaphore_mem>>)
      %dma_start3A_214 = arith.constant 0 : i32
      %dma_start3A_215 = arith.constant 0 : i32
      %dma_start3A_216 = tpu.memref_slice %arg20[%and3A_181, %dma_start3A_214, %dma_start3A_215] : memref<2x80x32xi32, #tpu.memory_space<vmem>> -> memref<1x80x32xi32, #tpu.memory_space<vmem>>
      %dma_start3A_217 = tpu.memref_squeeze %dma_start3A_216 : memref<1x80x32xi32, #tpu.memory_space<vmem>> -> memref<80x32xi32, #tpu.memory_space<vmem>>
      %dma_start3A_218 = arith.constant 80 : i32
      %dma_start3A_219 = tpu.memref_slice %arg14[%and3A_181, %dma_start3A_218] : memref<2x320xi32, #tpu.memory_space<vmem>> -> memref<1x80xi32, #tpu.memory_space<vmem>>
      %dma_start3A_220 = tpu.memref_squeeze %dma_start3A_219 : memref<1x80xi32, #tpu.memory_space<vmem>> -> memref<80xi32, #tpu.memory_space<vmem>>
      %dma_start3A_221 = arith.constant 0 : i32
      %dma_start3A_222 = arith.constant 0 : i32
      %dma_start3A_223 = tpu.memref_slice %arg9[%dma_start3A_221, %dma_start3A_222] : memref<10001x32xi32, #tpu.memory_space<hbm>> -> memref<10001x32xi32, #tpu.memory_space<hbm>>
      tpu.enqueue_indirect_dma source(%dma_start3A_223 : memref<10001x32xi32, #tpu.memory_space<hbm>>) target(%dma_start3A_217 : memref<80x32xi32, #tpu.memory_space<vmem>>) offsets(%dma_start3A_220 : memref<80xi32, #tpu.memory_space<vmem>>) semaphore(%arg24 : memref<!tpu.dma_semaphore, #tpu.memory_space<semaphore_mem>>)
      %dma_start3A_224 = arith.constant 0 : i32
      %dma_start3A_225 = arith.constant 0 : i32
      %dma_start3A_226 = tpu.memref_slice %arg21[%and3A_181, %dma_start3A_224, %dma_start3A_225] : memref<2x80x32xi32, #tpu.memory_space<vmem>> -> memref<1x80x32xi32, #tpu.memory_space<vmem>>
      %dma_start3A_227 = tpu.memref_squeeze %dma_start3A_226 : memref<1x80x32xi32, #tpu.memory_space<vmem>> -> memref<80x32xi32, #tpu.memory_space<vmem>>
      %dma_start3A_228 = arith.constant 160 : i32
      %dma_start3A_229 = tpu.memref_slice %arg14[%and3A_181, %dma_start3A_228] : memref<2x320xi32, #tpu.memory_space<vmem>> -> memref<1x80xi32, #tpu.memory_space<vmem>>
      %dma_start3A_230 = tpu.memref_squeeze %dma_start3A_229 : memref<1x80xi32, #tpu.memory_space<vmem>> -> memref<80xi32, #tpu.memory_space<vmem>>
      %dma_start3A_231 = arith.constant 0 : i32
      %dma_start3A_232 = arith.constant 0 : i32
      %dma_start3A_233 = tpu.memref_slice %arg10[%dma_start3A_231, %dma_start3A_232] : memref<64x32xi32, #tpu.memory_space<hbm>> -> memref<64x32xi32, #tpu.memory_space<hbm>>
      tpu.enqueue_indirect_dma source(%dma_start3A_233 : memref<64x32xi32, #tpu.memory_space<hbm>>) target(%dma_start3A_227 : memref<80x32xi32, #tpu.memory_space<vmem>>) offsets(%dma_start3A_230 : memref<80xi32, #tpu.memory_space<vmem>>) semaphore(%arg24 : memref<!tpu.dma_semaphore, #tpu.memory_space<semaphore_mem>>)
      %gt3A = arith.constant 0 : i32
      %gt3A_234 = arith.cmpi sgt, %while3A_179, %gt3A : i32
      %convert_element_type3A_235 = arith.extui %gt3A_234 : i1 to i32
      %cond3A_236 = arith.constant 0 : i32
      %cond3A_237 = arith.cmpi ne, %convert_element_type3A_235, %cond3A_236 : i32
      scf.if %cond3A_237 {
        %parallel_loop3A_243 = arith.constant 0 : i32
        %parallel_loop3A_244 = arith.constant 80 : i32
        %parallel_loop3A_245 = arith.constant 1 : i32
        scf.for %parallel_loop3A_343 = %parallel_loop3A_243 to %parallel_loop3A_244 step %parallel_loop3A_245  : i32 {
          %parallel_loop3A_344 = arith.index_cast %sub3A_183 : i32 to index
          %parallel_loop3A_345 = arith.index_cast %parallel_loop3A_343 : i32 to index
          %parallel_loop3A_346 = arith.constant 0 : index
          %parallel_loop3A_347 = tpu.vector_load %arg18[%parallel_loop3A_344, %parallel_loop3A_345, %parallel_loop3A_346] {strides = array<i32>} : memref<2x80x32xi32, #tpu.memory_space<vmem>>, vector<16xi32>,
          %parallel_loop3A_348 = arith.index_cast %sub3A_183 : i32 to index
          %parallel_loop3A_349 = arith.index_cast %parallel_loop3A_343 : i32 to index
          %parallel_loop3A_350 = arith.constant 0 : index
          %parallel_loop3A_351 = tpu.vector_load %arg20[%parallel_loop3A_348, %parallel_loop3A_349, %parallel_loop3A_350] {strides = array<i32>} : memref<2x80x32xi32, #tpu.memory_space<vmem>>, vector<16xi32>,
          %parallel_loop3A_352 = arith.index_cast %sub3A_183 : i32 to index
          %parallel_loop3A_353 = arith.index_cast %parallel_loop3A_343 : i32 to index
          %parallel_loop3A_354 = arith.constant 0 : index
          %parallel_loop3A_355 = tpu.vector_load %arg21[%parallel_loop3A_352, %parallel_loop3A_353, %parallel_loop3A_354] {strides = array<i32>} : memref<2x80x32xi32, #tpu.memory_space<vmem>>, vector<16xi32>,
          %parallel_loop3A_356 = arith.constant 16 : i32
          %parallel_loop3A_357 = vector.broadcast %parallel_loop3A_356 : i32 to vector<16xi32>
          %parallel_loop3A_358 = arith.shli %parallel_loop3A_347, %parallel_loop3A_357 : vector<16xi32>
          %parallel_loop3A_359 = vector.bitcast %parallel_loop3A_358 : vector<16xi32> to vector<16xf32>
          %parallel_loop3A_360 = arith.constant -65536 : i32
          %parallel_loop3A_361 = vector.broadcast %parallel_loop3A_360 : i32 to vector<16xi32>
          %parallel_loop3A_362 = arith.andi %parallel_loop3A_347, %parallel_loop3A_361 : vector<16xi32>
          %parallel_loop3A_363 = vector.bitcast %parallel_loop3A_362 : vector<16xi32> to vector<16xf32>
          %parallel_loop3A_364 = arith.constant 16 : i32
          %parallel_loop3A_365 = vector.broadcast %parallel_loop3A_364 : i32 to vector<16xi32>
          %parallel_loop3A_366 = arith.shli %parallel_loop3A_351, %parallel_loop3A_365 : vector<16xi32>
          %parallel_loop3A_367 = vector.bitcast %parallel_loop3A_366 : vector<16xi32> to vector<16xf32>
          %parallel_loop3A_368 = arith.constant -65536 : i32
          %parallel_loop3A_369 = vector.broadcast %parallel_loop3A_368 : i32 to vector<16xi32>
          %parallel_loop3A_370 = arith.andi %parallel_loop3A_351, %parallel_loop3A_369 : vector<16xi32>
          %parallel_loop3A_371 = vector.bitcast %parallel_loop3A_370 : vector<16xi32> to vector<16xf32>
          %parallel_loop3A_372 = arith.constant 16 : i32
          %parallel_loop3A_373 = vector.broadcast %parallel_loop3A_372 : i32 to vector<16xi32>
          %parallel_loop3A_374 = arith.shli %parallel_loop3A_355, %parallel_loop3A_373 : vector<16xi32>
          %parallel_loop3A_375 = vector.bitcast %parallel_loop3A_374 : vector<16xi32> to vector<16xf32>
          %parallel_loop3A_376 = arith.constant -65536 : i32
          %parallel_loop3A_377 = vector.broadcast %parallel_loop3A_376 : i32 to vector<16xi32>
          %parallel_loop3A_378 = arith.andi %parallel_loop3A_355, %parallel_loop3A_377 : vector<16xi32>
          %parallel_loop3A_379 = vector.bitcast %parallel_loop3A_378 : vector<16xi32> to vector<16xf32>
          %parallel_loop3A_380 = arith.addf %parallel_loop3A_359, %parallel_loop3A_367 : vector<16xf32>
          %parallel_loop3A_381 = arith.addf %parallel_loop3A_380, %parallel_loop3A_375 : vector<16xf32>
          %parallel_loop3A_382 = arith.addf %parallel_loop3A_363, %parallel_loop3A_371 : vector<16xf32>
          %parallel_loop3A_383 = arith.addf %parallel_loop3A_382, %parallel_loop3A_379 : vector<16xf32>
          %parallel_loop3A_384 = arith.index_cast %sub3A_183 : i32 to index
          %parallel_loop3A_385 = arith.index_cast %parallel_loop3A_343 : i32 to index
          %parallel_loop3A_386 = arith.constant 16 : index
          %parallel_loop3A_387 = tpu.vector_load %arg18[%parallel_loop3A_384, %parallel_loop3A_385, %parallel_loop3A_386] {strides = array<i32>} : memref<2x80x32xi32, #tpu.memory_space<vmem>>, vector<16xi32>,
          %parallel_loop3A_388 = arith.index_cast %sub3A_183 : i32 to index
          %parallel_loop3A_389 = arith.index_cast %parallel_loop3A_343 : i32 to index
          %parallel_loop3A_390 = arith.constant 16 : index
          %parallel_loop3A_391 = tpu.vector_load %arg20[%parallel_loop3A_388, %parallel_loop3A_389, %parallel_loop3A_390] {strides = array<i32>} : memref<2x80x32xi32, #tpu.memory_space<vmem>>, vector<16xi32>,
          %parallel_loop3A_392 = arith.index_cast %sub3A_183 : i32 to index
          %parallel_loop3A_393 = arith.index_cast %parallel_loop3A_343 : i32 to index
          %parallel_loop3A_394 = arith.constant 16 : index
          %parallel_loop3A_395 = tpu.vector_load %arg21[%parallel_loop3A_392, %parallel_loop3A_393, %parallel_loop3A_394] {strides = array<i32>} : memref<2x80x32xi32, #tpu.memory_space<vmem>>, vector<16xi32>,
          %parallel_loop3A_396 = arith.constant 16 : i32
          %parallel_loop3A_397 = vector.broadcast %parallel_loop3A_396 : i32 to vector<16xi32>
          %parallel_loop3A_398 = arith.shli %parallel_loop3A_387, %parallel_loop3A_397 : vector<16xi32>
          %parallel_loop3A_399 = vector.bitcast %parallel_loop3A_398 : vector<16xi32> to vector<16xf32>
          %parallel_loop3A_400 = arith.constant -65536 : i32
          %parallel_loop3A_401 = vector.broadcast %parallel_loop3A_400 : i32 to vector<16xi32>
          %parallel_loop3A_402 = arith.andi %parallel_loop3A_387, %parallel_loop3A_401 : vector<16xi32>
          %parallel_loop3A_403 = vector.bitcast %parallel_loop3A_402 : vector<16xi32> to vector<16xf32>
          %parallel_loop3A_404 = arith.constant 16 : i32
          %parallel_loop3A_405 = vector.broadcast %parallel_loop3A_404 : i32 to vector<16xi32>
          %parallel_loop3A_406 = arith.shli %parallel_loop3A_391, %parallel_loop3A_405 : vector<16xi32>
          %parallel_loop3A_407 = vector.bitcast %parallel_loop3A_406 : vector<16xi32> to vector<16xf32>
          %parallel_loop3A_408 = arith.constant -65536 : i32
          %parallel_loop3A_409 = vector.broadcast %parallel_loop3A_408 : i32 to vector<16xi32>
          %parallel_loop3A_410 = arith.andi %parallel_loop3A_391, %parallel_loop3A_409 : vector<16xi32>
          %parallel_loop3A_411 = vector.bitcast %parallel_loop3A_410 : vector<16xi32> to vector<16xf32>
          %parallel_loop3A_412 = arith.constant 16 : i32
          %parallel_loop3A_413 = vector.broadcast %parallel_loop3A_412 : i32 to vector<16xi32>
          %parallel_loop3A_414 = arith.shli %parallel_loop3A_395, %parallel_loop3A_413 : vector<16xi32>
          %parallel_loop3A_415 = vector.bitcast %parallel_loop3A_414 : vector<16xi32> to vector<16xf32>
          %parallel_loop3A_416 = arith.constant -65536 : i32
          %parallel_loop3A_417 = vector.broadcast %parallel_loop3A_416 : i32 to vector<16xi32>
          %parallel_loop3A_418 = arith.andi %parallel_loop3A_395, %parallel_loop3A_417 : vector<16xi32>
          %parallel_loop3A_419 = vector.bitcast %parallel_loop3A_418 : vector<16xi32> to vector<16xf32>
          %parallel_loop3A_420 = arith.addf %parallel_loop3A_399, %parallel_loop3A_407 : vector<16xf32>
          %parallel_loop3A_421 = arith.addf %parallel_loop3A_420, %parallel_loop3A_415 : vector<16xf32>
          %parallel_loop3A_422 = arith.addf %parallel_loop3A_403, %parallel_loop3A_411 : vector<16xf32>
          %parallel_loop3A_423 = arith.addf %parallel_loop3A_422, %parallel_loop3A_419 : vector<16xf32>
          %parallel_loop3A_424 = arith.constant 0.000000e+00 : f32
          %parallel_loop3A_425 = vector.broadcast %parallel_loop3A_424 : f32 to vector<16xf32>
          %parallel_loop3A_426 = arith.maximumf %parallel_loop3A_381, %parallel_loop3A_425 : vector<16xf32>
          %parallel_loop3A_427 = arith.mulf %parallel_loop3A_426, %get3A_7 : vector<16xf32>
          %parallel_loop3A_428 = arith.constant 0.000000e+00 : f32
          %parallel_loop3A_429 = vector.broadcast %parallel_loop3A_428 : f32 to vector<16xf32>
          %parallel_loop3A_430 = arith.maximumf %parallel_loop3A_383, %parallel_loop3A_429 : vector<16xf32>
          %parallel_loop3A_431 = arith.mulf %parallel_loop3A_430, %get3A_9 : vector<16xf32>
          %parallel_loop3A_432 = arith.constant 0.000000e+00 : f32
          %parallel_loop3A_433 = vector.broadcast %parallel_loop3A_432 : f32 to vector<16xf32>
          %parallel_loop3A_434 = arith.maximumf %parallel_loop3A_421, %parallel_loop3A_433 : vector<16xf32>
          %parallel_loop3A_435 = arith.mulf %parallel_loop3A_434, %get3A_11 : vector<16xf32>
          %parallel_loop3A_436 = arith.constant 0.000000e+00 : f32
          %parallel_loop3A_437 = vector.broadcast %parallel_loop3A_436 : f32 to vector<16xf32>
          %parallel_loop3A_438 = arith.maximumf %parallel_loop3A_423, %parallel_loop3A_437 : vector<16xf32>
          %parallel_loop3A_439 = arith.mulf %parallel_loop3A_438, %get3A_13 : vector<16xf32>
          %parallel_loop3A_440 = arith.addf %parallel_loop3A_427, %parallel_loop3A_431 : vector<16xf32>
          %parallel_loop3A_441 = arith.addf %parallel_loop3A_435, %parallel_loop3A_439 : vector<16xf32>
          %parallel_loop3A_442 = arith.addf %parallel_loop3A_440, %parallel_loop3A_441 : vector<16xf32>
          %parallel_loop3A_443 = arith.constant true
          %parallel_loop3A_444 = vector.broadcast %parallel_loop3A_443 : i1 to vector<16xi1>
          %parallel_loop3A_445 = tpu.scan <sum>, %parallel_loop3A_442 masked %parallel_loop3A_444 : vector<16xf32>, vector<16xi1> -> vector<16xf32>
          %parallel_loop3A_446 = vector.extract %parallel_loop3A_445[15] : f32 from vector<16xf32>
          %parallel_loop3A_447 = vector.broadcast %parallel_loop3A_446 : f32 to vector<16xf32>
          %parallel_loop3A_448 = arith.addf %parallel_loop3A_447, %get3A_15 : vector<16xf32>
          %parallel_loop3A_449 = arith.constant 0.000000e+00 : f32
          %parallel_loop3A_450 = vector.broadcast %parallel_loop3A_449 : f32 to vector<16xf32>
          %parallel_loop3A_451 = arith.subf %parallel_loop3A_450, %parallel_loop3A_448 : vector<16xf32>
          %parallel_loop3A_452 = math.exp %parallel_loop3A_451 : vector<16xf32>
          %parallel_loop3A_453 = arith.constant 1.000000e+00 : f32
          %parallel_loop3A_454 = vector.broadcast %parallel_loop3A_453 : f32 to vector<16xf32>
          %parallel_loop3A_455 = arith.addf %parallel_loop3A_454, %parallel_loop3A_452 : vector<16xf32>
          %parallel_loop3A_456 = arith.constant 1.000000e+00 : f32
          %parallel_loop3A_457 = vector.broadcast %parallel_loop3A_456 : f32 to vector<16xf32>
          %parallel_loop3A_458 = arith.divf %parallel_loop3A_457, %parallel_loop3A_455 : vector<16xf32>
          %parallel_loop3A_459 = arith.index_cast %sub3A_183 : i32 to index
          %parallel_loop3A_460 = arith.index_cast %parallel_loop3A_343 : i32 to index
          %parallel_loop3A_461 = arith.constant 0 : index
          %parallel_loop3A_462 = tpu.vector_load %arg17[%parallel_loop3A_459, %parallel_loop3A_460, %parallel_loop3A_461] {strides = array<i32>} : memref<2x80x64xi32, #tpu.memory_space<vmem>>, vector<16xi32>,
          %parallel_loop3A_463 = arith.index_cast %sub3A_183 : i32 to index
          %parallel_loop3A_464 = arith.index_cast %parallel_loop3A_343 : i32 to index
          %parallel_loop3A_465 = arith.constant 0 : index
          %parallel_loop3A_466 = tpu.vector_load %arg19[%parallel_loop3A_463, %parallel_loop3A_464, %parallel_loop3A_465] {strides = array<i32>} : memref<2x80x64xi32, #tpu.memory_space<vmem>>, vector<16xi32>,
          %parallel_loop3A_467 = arith.constant 16 : i32
          %parallel_loop3A_468 = vector.broadcast %parallel_loop3A_467 : i32 to vector<16xi32>
          %parallel_loop3A_469 = arith.shli %parallel_loop3A_462, %parallel_loop3A_468 : vector<16xi32>
          %parallel_loop3A_470 = vector.bitcast %parallel_loop3A_469 : vector<16xi32> to vector<16xf32>
          %parallel_loop3A_471 = arith.constant -65536 : i32
          %parallel_loop3A_472 = vector.broadcast %parallel_loop3A_471 : i32 to vector<16xi32>
          %parallel_loop3A_473 = arith.andi %parallel_loop3A_462, %parallel_loop3A_472 : vector<16xi32>
          %parallel_loop3A_474 = vector.bitcast %parallel_loop3A_473 : vector<16xi32> to vector<16xf32>
          %parallel_loop3A_475 = arith.constant 16 : i32
          %parallel_loop3A_476 = vector.broadcast %parallel_loop3A_475 : i32 to vector<16xi32>
          %parallel_loop3A_477 = arith.shli %parallel_loop3A_466, %parallel_loop3A_476 : vector<16xi32>
          %parallel_loop3A_478 = vector.bitcast %parallel_loop3A_477 : vector<16xi32> to vector<16xf32>
          %parallel_loop3A_479 = arith.constant -65536 : i32
          %parallel_loop3A_480 = vector.broadcast %parallel_loop3A_479 : i32 to vector<16xi32>
          %parallel_loop3A_481 = arith.andi %parallel_loop3A_466, %parallel_loop3A_480 : vector<16xi32>
          %parallel_loop3A_482 = vector.bitcast %parallel_loop3A_481 : vector<16xi32> to vector<16xf32>
          %parallel_loop3A_483 = arith.mulf %parallel_loop3A_470, %parallel_loop3A_478 : vector<16xf32>
          %parallel_loop3A_484 = arith.mulf %parallel_loop3A_483, %parallel_loop3A_458 : vector<16xf32>
          %parallel_loop3A_485 = arith.index_cast %parallel_loop3A_343 : i32 to index
          %parallel_loop3A_486 = arith.constant 0 : index
          %parallel_loop3A_487 = tpu.vector_load %arg22[%parallel_loop3A_485, %parallel_loop3A_486] {strides = array<i32>} : memref<80x128xf32, #tpu.memory_space<vmem>>, vector<16xf32>,
          tpu.vector_store %arg22[%parallel_loop3A_485, %parallel_loop3A_486], %parallel_loop3A_484 {strides = array<i32>} : memref<80x128xf32, #tpu.memory_space<vmem>>, vector<16xf32>,
          %parallel_loop3A_488 = arith.mulf %parallel_loop3A_474, %parallel_loop3A_482 : vector<16xf32>
          %parallel_loop3A_489 = arith.mulf %parallel_loop3A_488, %parallel_loop3A_458 : vector<16xf32>
          %parallel_loop3A_490 = arith.index_cast %parallel_loop3A_343 : i32 to index
          %parallel_loop3A_491 = arith.constant 16 : index
          %parallel_loop3A_492 = tpu.vector_load %arg22[%parallel_loop3A_490, %parallel_loop3A_491] {strides = array<i32>} : memref<80x128xf32, #tpu.memory_space<vmem>>, vector<16xf32>,
          tpu.vector_store %arg22[%parallel_loop3A_490, %parallel_loop3A_491], %parallel_loop3A_489 {strides = array<i32>} : memref<80x128xf32, #tpu.memory_space<vmem>>, vector<16xf32>,
          %parallel_loop3A_493 = arith.index_cast %sub3A_183 : i32 to index
          %parallel_loop3A_494 = arith.index_cast %parallel_loop3A_343 : i32 to index
          %parallel_loop3A_495 = arith.constant 16 : index
          %parallel_loop3A_496 = tpu.vector_load %arg17[%parallel_loop3A_493, %parallel_loop3A_494, %parallel_loop3A_495] {strides = array<i32>} : memref<2x80x64xi32, #tpu.memory_space<vmem>>, vector<16xi32>,
          %parallel_loop3A_497 = arith.index_cast %sub3A_183 : i32 to index
          %parallel_loop3A_498 = arith.index_cast %parallel_loop3A_343 : i32 to index
          %parallel_loop3A_499 = arith.constant 16 : index
          %parallel_loop3A_500 = tpu.vector_load %arg19[%parallel_loop3A_497, %parallel_loop3A_498, %parallel_loop3A_499] {strides = array<i32>} : memref<2x80x64xi32, #tpu.memory_space<vmem>>, vector<16xi32>,
          %parallel_loop3A_501 = arith.constant 16 : i32
          %parallel_loop3A_502 = vector.broadcast %parallel_loop3A_501 : i32 to vector<16xi32>
          %parallel_loop3A_503 = arith.shli %parallel_loop3A_496, %parallel_loop3A_502 : vector<16xi32>
          %parallel_loop3A_504 = vector.bitcast %parallel_loop3A_503 : vector<16xi32> to vector<16xf32>
          %parallel_loop3A_505 = arith.constant -65536 : i32
          %parallel_loop3A_506 = vector.broadcast %parallel_loop3A_505 : i32 to vector<16xi32>
          %parallel_loop3A_507 = arith.andi %parallel_loop3A_496, %parallel_loop3A_506 : vector<16xi32>
          %parallel_loop3A_508 = vector.bitcast %parallel_loop3A_507 : vector<16xi32> to vector<16xf32>
          %parallel_loop3A_509 = arith.constant 16 : i32
          %parallel_loop3A_510 = vector.broadcast %parallel_loop3A_509 : i32 to vector<16xi32>
          %parallel_loop3A_511 = arith.shli %parallel_loop3A_500, %parallel_loop3A_510 : vector<16xi32>
          %parallel_loop3A_512 = vector.bitcast %parallel_loop3A_511 : vector<16xi32> to vector<16xf32>
          %parallel_loop3A_513 = arith.constant -65536 : i32
          %parallel_loop3A_514 = vector.broadcast %parallel_loop3A_513 : i32 to vector<16xi32>
          %parallel_loop3A_515 = arith.andi %parallel_loop3A_500, %parallel_loop3A_514 : vector<16xi32>
          %parallel_loop3A_516 = vector.bitcast %parallel_loop3A_515 : vector<16xi32> to vector<16xf32>
          %parallel_loop3A_517 = arith.mulf %parallel_loop3A_504, %parallel_loop3A_512 : vector<16xf32>
          %parallel_loop3A_518 = arith.mulf %parallel_loop3A_517, %parallel_loop3A_458 : vector<16xf32>
          %parallel_loop3A_519 = arith.index_cast %parallel_loop3A_343 : i32 to index
          %parallel_loop3A_520 = arith.constant 32 : index
          %parallel_loop3A_521 = tpu.vector_load %arg22[%parallel_loop3A_519, %parallel_loop3A_520] {strides = array<i32>} : memref<80x128xf32, #tpu.memory_space<vmem>>, vector<16xf32>,
          tpu.vector_store %arg22[%parallel_loop3A_519, %parallel_loop3A_520], %parallel_loop3A_518 {strides = array<i32>} : memref<80x128xf32, #tpu.memory_space<vmem>>, vector<16xf32>,
          %parallel_loop3A_522 = arith.mulf %parallel_loop3A_508, %parallel_loop3A_516 : vector<16xf32>
          %parallel_loop3A_523 = arith.mulf %parallel_loop3A_522, %parallel_loop3A_458 : vector<16xf32>
          %parallel_loop3A_524 = arith.index_cast %parallel_loop3A_343 : i32 to index
          %parallel_loop3A_525 = arith.constant 48 : index
          %parallel_loop3A_526 = tpu.vector_load %arg22[%parallel_loop3A_524, %parallel_loop3A_525] {strides = array<i32>} : memref<80x128xf32, #tpu.memory_space<vmem>>, vector<16xf32>,
          tpu.vector_store %arg22[%parallel_loop3A_524, %parallel_loop3A_525], %parallel_loop3A_523 {strides = array<i32>} : memref<80x128xf32, #tpu.memory_space<vmem>>, vector<16xf32>,
          %parallel_loop3A_527 = arith.index_cast %sub3A_183 : i32 to index
          %parallel_loop3A_528 = arith.index_cast %parallel_loop3A_343 : i32 to index
          %parallel_loop3A_529 = arith.constant 32 : index
          %parallel_loop3A_530 = tpu.vector_load %arg17[%parallel_loop3A_527, %parallel_loop3A_528, %parallel_loop3A_529] {strides = array<i32>} : memref<2x80x64xi32, #tpu.memory_space<vmem>>, vector<16xi32>,
          %parallel_loop3A_531 = arith.index_cast %sub3A_183 : i32 to index
          %parallel_loop3A_532 = arith.index_cast %parallel_loop3A_343 : i32 to index
          %parallel_loop3A_533 = arith.constant 32 : index
          %parallel_loop3A_534 = tpu.vector_load %arg19[%parallel_loop3A_531, %parallel_loop3A_532, %parallel_loop3A_533] {strides = array<i32>} : memref<2x80x64xi32, #tpu.memory_space<vmem>>, vector<16xi32>,
          %parallel_loop3A_535 = arith.constant 16 : i32
          %parallel_loop3A_536 = vector.broadcast %parallel_loop3A_535 : i32 to vector<16xi32>
          %parallel_loop3A_537 = arith.shli %parallel_loop3A_530, %parallel_loop3A_536 : vector<16xi32>
          %parallel_loop3A_538 = vector.bitcast %parallel_loop3A_537 : vector<16xi32> to vector<16xf32>
          %parallel_loop3A_539 = arith.constant -65536 : i32
          %parallel_loop3A_540 = vector.broadcast %parallel_loop3A_539 : i32 to vector<16xi32>
          %parallel_loop3A_541 = arith.andi %parallel_loop3A_530, %parallel_loop3A_540 : vector<16xi32>
          %parallel_loop3A_542 = vector.bitcast %parallel_loop3A_541 : vector<16xi32> to vector<16xf32>
          %parallel_loop3A_543 = arith.constant 16 : i32
          %parallel_loop3A_544 = vector.broadcast %parallel_loop3A_543 : i32 to vector<16xi32>
          %parallel_loop3A_545 = arith.shli %parallel_loop3A_534, %parallel_loop3A_544 : vector<16xi32>
          %parallel_loop3A_546 = vector.bitcast %parallel_loop3A_545 : vector<16xi32> to vector<16xf32>
          %parallel_loop3A_547 = arith.constant -65536 : i32
          %parallel_loop3A_548 = vector.broadcast %parallel_loop3A_547 : i32 to vector<16xi32>
          %parallel_loop3A_549 = arith.andi %parallel_loop3A_534, %parallel_loop3A_548 : vector<16xi32>
          %parallel_loop3A_550 = vector.bitcast %parallel_loop3A_549 : vector<16xi32> to vector<16xf32>
          %parallel_loop3A_551 = arith.mulf %parallel_loop3A_538, %parallel_loop3A_546 : vector<16xf32>
          %parallel_loop3A_552 = arith.mulf %parallel_loop3A_551, %parallel_loop3A_458 : vector<16xf32>
          %parallel_loop3A_553 = arith.index_cast %parallel_loop3A_343 : i32 to index
          %parallel_loop3A_554 = arith.constant 64 : index
          %parallel_loop3A_555 = tpu.vector_load %arg22[%parallel_loop3A_553, %parallel_loop3A_554] {strides = array<i32>} : memref<80x128xf32, #tpu.memory_space<vmem>>, vector<16xf32>,
          tpu.vector_store %arg22[%parallel_loop3A_553, %parallel_loop3A_554], %parallel_loop3A_552 {strides = array<i32>} : memref<80x128xf32, #tpu.memory_space<vmem>>, vector<16xf32>,
          %parallel_loop3A_556 = arith.mulf %parallel_loop3A_542, %parallel_loop3A_550 : vector<16xf32>
          %parallel_loop3A_557 = arith.mulf %parallel_loop3A_556, %parallel_loop3A_458 : vector<16xf32>
          %parallel_loop3A_558 = arith.index_cast %parallel_loop3A_343 : i32 to index
          %parallel_loop3A_559 = arith.constant 80 : index
          %parallel_loop3A_560 = tpu.vector_load %arg22[%parallel_loop3A_558, %parallel_loop3A_559] {strides = array<i32>} : memref<80x128xf32, #tpu.memory_space<vmem>>, vector<16xf32>,
          tpu.vector_store %arg22[%parallel_loop3A_558, %parallel_loop3A_559], %parallel_loop3A_557 {strides = array<i32>} : memref<80x128xf32, #tpu.memory_space<vmem>>, vector<16xf32>,
          %parallel_loop3A_561 = arith.index_cast %sub3A_183 : i32 to index
          %parallel_loop3A_562 = arith.index_cast %parallel_loop3A_343 : i32 to index
          %parallel_loop3A_563 = arith.constant 48 : index
          %parallel_loop3A_564 = tpu.vector_load %arg17[%parallel_loop3A_561, %parallel_loop3A_562, %parallel_loop3A_563] {strides = array<i32>} : memref<2x80x64xi32, #tpu.memory_space<vmem>>, vector<16xi32>,
          %parallel_loop3A_565 = arith.index_cast %sub3A_183 : i32 to index
          %parallel_loop3A_566 = arith.index_cast %parallel_loop3A_343 : i32 to index
          %parallel_loop3A_567 = arith.constant 48 : index
          %parallel_loop3A_568 = tpu.vector_load %arg19[%parallel_loop3A_565, %parallel_loop3A_566, %parallel_loop3A_567] {strides = array<i32>} : memref<2x80x64xi32, #tpu.memory_space<vmem>>, vector<16xi32>,
          %parallel_loop3A_569 = arith.constant 16 : i32
          %parallel_loop3A_570 = vector.broadcast %parallel_loop3A_569 : i32 to vector<16xi32>
          %parallel_loop3A_571 = arith.shli %parallel_loop3A_564, %parallel_loop3A_570 : vector<16xi32>
          %parallel_loop3A_572 = vector.bitcast %parallel_loop3A_571 : vector<16xi32> to vector<16xf32>
          %parallel_loop3A_573 = arith.constant -65536 : i32
          %parallel_loop3A_574 = vector.broadcast %parallel_loop3A_573 : i32 to vector<16xi32>
          %parallel_loop3A_575 = arith.andi %parallel_loop3A_564, %parallel_loop3A_574 : vector<16xi32>
          %parallel_loop3A_576 = vector.bitcast %parallel_loop3A_575 : vector<16xi32> to vector<16xf32>
          %parallel_loop3A_577 = arith.constant 16 : i32
          %parallel_loop3A_578 = vector.broadcast %parallel_loop3A_577 : i32 to vector<16xi32>
          %parallel_loop3A_579 = arith.shli %parallel_loop3A_568, %parallel_loop3A_578 : vector<16xi32>
          %parallel_loop3A_580 = vector.bitcast %parallel_loop3A_579 : vector<16xi32> to vector<16xf32>
          %parallel_loop3A_581 = arith.constant -65536 : i32
          %parallel_loop3A_582 = vector.broadcast %parallel_loop3A_581 : i32 to vector<16xi32>
          %parallel_loop3A_583 = arith.andi %parallel_loop3A_568, %parallel_loop3A_582 : vector<16xi32>
          %parallel_loop3A_584 = vector.bitcast %parallel_loop3A_583 : vector<16xi32> to vector<16xf32>
          %parallel_loop3A_585 = arith.mulf %parallel_loop3A_572, %parallel_loop3A_580 : vector<16xf32>
          %parallel_loop3A_586 = arith.mulf %parallel_loop3A_585, %parallel_loop3A_458 : vector<16xf32>
          %parallel_loop3A_587 = arith.index_cast %parallel_loop3A_343 : i32 to index
          %parallel_loop3A_588 = arith.constant 96 : index
          %parallel_loop3A_589 = tpu.vector_load %arg22[%parallel_loop3A_587, %parallel_loop3A_588] {strides = array<i32>} : memref<80x128xf32, #tpu.memory_space<vmem>>, vector<16xf32>,
          tpu.vector_store %arg22[%parallel_loop3A_587, %parallel_loop3A_588], %parallel_loop3A_586 {strides = array<i32>} : memref<80x128xf32, #tpu.memory_space<vmem>>, vector<16xf32>,
          %parallel_loop3A_590 = arith.mulf %parallel_loop3A_576, %parallel_loop3A_584 : vector<16xf32>
          %parallel_loop3A_591 = arith.mulf %parallel_loop3A_590, %parallel_loop3A_458 : vector<16xf32>
          %parallel_loop3A_592 = arith.index_cast %parallel_loop3A_343 : i32 to index
          %parallel_loop3A_593 = arith.constant 112 : index
          %parallel_loop3A_594 = tpu.vector_load %arg22[%parallel_loop3A_592, %parallel_loop3A_593] {strides = array<i32>} : memref<80x128xf32, #tpu.memory_space<vmem>>, vector<16xf32>,
          tpu.vector_store %arg22[%parallel_loop3A_592, %parallel_loop3A_593], %parallel_loop3A_591 {strides = array<i32>} : memref<80x128xf32, #tpu.memory_space<vmem>>, vector<16xf32>,
        } {sc.loop_unroll_factor = 2 : i64, sc.parallel_access}
        %get3A_246 = arith.index_cast %sub3A_183 : i32 to index
        %get3A_247 = arith.constant 240 : index
        %get3A_248 = tpu.vector_load %arg14[%get3A_246, %get3A_247] {strides = array<i32>} : memref<2x320xi32, #tpu.memory_space<vmem>>, vector<16xi32>,
        %swap3A_249 = arith.index_cast %sub3A_183 : i32 to index
        %swap3A_250 = arith.constant 0 : index
        %swap3A_251 = tpu.vector_load %arg15[%swap3A_249, %swap3A_250] {strides = array<i32>} : memref<2x80xi32, #tpu.memory_space<vmem>>, vector<16xi32>,
        tpu.vector_store %arg15[%swap3A_249, %swap3A_250], %get3A_248 {strides = array<i32>} : memref<2x80xi32, #tpu.memory_space<vmem>>, vector<16xi32>,
        %get3A_252 = arith.index_cast %sub3A_183 : i32 to index
        %get3A_253 = arith.constant 256 : index
        %get3A_254 = tpu.vector_load %arg14[%get3A_252, %get3A_253] {strides = array<i32>} : memref<2x320xi32, #tpu.memory_space<vmem>>, vector<16xi32>,
        %swap3A_255 = arith.index_cast %sub3A_183 : i32 to index
        %swap3A_256 = arith.constant 16 : index
        %swap3A_257 = tpu.vector_load %arg15[%swap3A_255, %swap3A_256] {strides = array<i32>} : memref<2x80xi32, #tpu.memory_space<vmem>>, vector<16xi32>,
        tpu.vector_store %arg15[%swap3A_255, %swap3A_256], %get3A_254 {strides = array<i32>} : memref<2x80xi32, #tpu.memory_space<vmem>>, vector<16xi32>,
        %get3A_258 = arith.index_cast %sub3A_183 : i32 to index
        %get3A_259 = arith.constant 272 : index
        %get3A_260 = tpu.vector_load %arg14[%get3A_258, %get3A_259] {strides = array<i32>} : memref<2x320xi32, #tpu.memory_space<vmem>>, vector<16xi32>,
        %swap3A_261 = arith.index_cast %sub3A_183 : i32 to index
        %swap3A_262 = arith.constant 32 : index
        %swap3A_263 = tpu.vector_load %arg15[%swap3A_261, %swap3A_262] {strides = array<i32>} : memref<2x80xi32, #tpu.memory_space<vmem>>, vector<16xi32>,
        tpu.vector_store %arg15[%swap3A_261, %swap3A_262], %get3A_260 {strides = array<i32>} : memref<2x80xi32, #tpu.memory_space<vmem>>, vector<16xi32>,
        %get3A_264 = arith.index_cast %sub3A_183 : i32 to index
        %get3A_265 = arith.constant 288 : index
        %get3A_266 = tpu.vector_load %arg14[%get3A_264, %get3A_265] {strides = array<i32>} : memref<2x320xi32, #tpu.memory_space<vmem>>, vector<16xi32>,
        %swap3A_267 = arith.index_cast %sub3A_183 : i32 to index
        %swap3A_268 = arith.constant 48 : index
        %swap3A_269 = tpu.vector_load %arg15[%swap3A_267, %swap3A_268] {strides = array<i32>} : memref<2x80xi32, #tpu.memory_space<vmem>>, vector<16xi32>,
        tpu.vector_store %arg15[%swap3A_267, %swap3A_268], %get3A_266 {strides = array<i32>} : memref<2x80xi32, #tpu.memory_space<vmem>>, vector<16xi32>,
        %get3A_270 = arith.index_cast %sub3A_183 : i32 to index
        %get3A_271 = arith.constant 304 : index
        %get3A_272 = tpu.vector_load %arg14[%get3A_270, %get3A_271] {strides = array<i32>} : memref<2x320xi32, #tpu.memory_space<vmem>>, vector<16xi32>,
        %swap3A_273 = arith.index_cast %sub3A_183 : i32 to index
        %swap3A_274 = arith.constant 64 : index
        %swap3A_275 = tpu.vector_load %arg15[%swap3A_273, %swap3A_274] {strides = array<i32>} : memref<2x80xi32, #tpu.memory_space<vmem>>, vector<16xi32>,
        tpu.vector_store %arg15[%swap3A_273, %swap3A_274], %get3A_272 {strides = array<i32>} : memref<2x80xi32, #tpu.memory_space<vmem>>, vector<16xi32>,
        %dma_start3A_276 = arith.constant 0 : i32
        %dma_start3A_277 = tpu.memref_slice %arg15[%sub3A_183, %dma_start3A_276] : memref<2x80xi32, #tpu.memory_space<vmem>> -> memref<1x80xi32, #tpu.memory_space<vmem>>
        %dma_start3A_278 = tpu.memref_squeeze %dma_start3A_277 : memref<1x80xi32, #tpu.memory_space<vmem>> -> memref<80xi32, #tpu.memory_space<vmem>>
        %dma_start3A_279 = arith.constant 0 : i32
        %dma_start3A_280 = arith.constant 0 : i32
        %dma_start3A_281 = tpu.memref_slice %arg23[%dma_start3A_279, %dma_start3A_280] : memref<10000x128xf32, #tpu.memory_space<vmem_shared>> -> memref<10000x128xf32, #tpu.memory_space<vmem_shared>>
        tpu.enqueue_indirect_dma source(%arg22 : memref<80x128xf32, #tpu.memory_space<vmem>>) target(%dma_start3A_281 : memref<10000x128xf32, #tpu.memory_space<vmem_shared>>) offsets(%dma_start3A_278 : memref<80xi32, #tpu.memory_space<vmem>>) semaphore(%arg26 : memref<!tpu.dma_semaphore, #tpu.memory_space<semaphore_mem>>) {add = true}
        %add3A_282 = arith.constant 1 : i32
        %add3A_283 = arith.addi %while3A_179, %add3A_282 : i32
        %lt3A = arith.cmpi slt, %add3A_283, %add3A_35 : i32
        %convert_element_type3A_284 = arith.extui %lt3A : i1 to i32
        %cond3A_285 = arith.constant 0 : i32
        %cond3A_286 = arith.cmpi ne, %convert_element_type3A_284, %cond3A_285 : i32
        scf.if %cond3A_286 {
          %add3A_343 = arith.constant 1 : i32
          %add3A_344 = arith.addi %while3A_179, %add3A_343 : i32
          %mul3A_345 = arith.constant 32 : i32
          %mul3A_346 = arith.muli %add3A_344, %mul3A_345 : i32
          %add3A_347 = arith.addi %add3A, %mul3A_346 : i32
          %mul3A_348 = arith.constant 80 : i32
          %mul3A_349 = arith.muli %add3A_347, %mul3A_348 : i32
          %dma_start3A_350 = arith.constant 0 : i32
          %dma_start3A_351 = tpu.memref_slice %arg14[%sub3A_183, %dma_start3A_350] : memref<2x320xi32, #tpu.memory_space<vmem>> -> memref<1x80xi32, #tpu.memory_space<vmem>>
          %dma_start3A_352 = tpu.memref_squeeze %dma_start3A_351 : memref<1x80xi32, #tpu.memory_space<vmem>> -> memref<80xi32, #tpu.memory_space<vmem>>
          %dma_start3A_353 = tpu.memref_slice %arg2[%mul3A_349] : memref<320000xi32, #tpu.memory_space<hbm>> -> memref<80xi32, #tpu.memory_space<hbm>>
          %dma_start3A_354 = arith.constant 0 : i32
          %dma_start3A_355 = tpu.memref_slice %arg14[%sub3A_183, %dma_start3A_354] : memref<2x320xi32, #tpu.memory_space<vmem>> -> memref<1x80xi32, #tpu.memory_space<vmem>>
          %dma_start3A_356 = tpu.memref_squeeze %dma_start3A_355 : memref<1x80xi32, #tpu.memory_space<vmem>> -> memref<80xi32, #tpu.memory_space<vmem>>
          %dma_start3A_357 = tpu.memref_slice %arg2[%mul3A_349] : memref<320000xi32, #tpu.memory_space<hbm>> -> memref<80xi32, #tpu.memory_space<hbm>>
          tpu.enqueue_dma source(%dma_start3A_357 : memref<80xi32, #tpu.memory_space<hbm>>) target(%dma_start3A_356 : memref<80xi32, #tpu.memory_space<vmem>>) target_semaphore(%arg25 : memref<!tpu.dma_semaphore, #tpu.memory_space<semaphore_mem>>)
          %dma_start3A_358 = arith.constant 80 : i32
          %dma_start3A_359 = tpu.memref_slice %arg14[%sub3A_183, %dma_start3A_358] : memref<2x320xi32, #tpu.memory_space<vmem>> -> memref<1x80xi32, #tpu.memory_space<vmem>>
          %dma_start3A_360 = tpu.memref_squeeze %dma_start3A_359 : memref<1x80xi32, #tpu.memory_space<vmem>> -> memref<80xi32, #tpu.memory_space<vmem>>
          %dma_start3A_361 = tpu.memref_slice %arg3[%mul3A_349] : memref<320000xi32, #tpu.memory_space<hbm>> -> memref<80xi32, #tpu.memory_space<hbm>>
          %dma_start3A_362 = arith.constant 80 : i32
          %dma_start3A_363 = tpu.memref_slice %arg14[%sub3A_183, %dma_start3A_362] : memref<2x320xi32, #tpu.memory_space<vmem>> -> memref<1x80xi32, #tpu.memory_space<vmem>>
          %dma_start3A_364 = tpu.memref_squeeze %dma_start3A_363 : memref<1x80xi32, #tpu.memory_space<vmem>> -> memref<80xi32, #tpu.memory_space<vmem>>
          %dma_start3A_365 = tpu.memref_slice %arg3[%mul3A_349] : memref<320000xi32, #tpu.memory_space<hbm>> -> memref<80xi32, #tpu.memory_space<hbm>>
          tpu.enqueue_dma source(%dma_start3A_365 : memref<80xi32, #tpu.memory_space<hbm>>) target(%dma_start3A_364 : memref<80xi32, #tpu.memory_space<vmem>>) target_semaphore(%arg25 : memref<!tpu.dma_semaphore, #tpu.memory_space<semaphore_mem>>)
          %dma_start3A_366 = arith.constant 160 : i32
          %dma_start3A_367 = tpu.memref_slice %arg14[%sub3A_183, %dma_start3A_366] : memref<2x320xi32, #tpu.memory_space<vmem>> -> memref<1x80xi32, #tpu.memory_space<vmem>>
          %dma_start3A_368 = tpu.memref_squeeze %dma_start3A_367 : memref<1x80xi32, #tpu.memory_space<vmem>> -> memref<80xi32, #tpu.memory_space<vmem>>
          %dma_start3A_369 = tpu.memref_slice %arg4[%mul3A_349] : memref<320000xi32, #tpu.memory_space<hbm>> -> memref<80xi32, #tpu.memory_space<hbm>>
          %dma_start3A_370 = arith.constant 160 : i32
          %dma_start3A_371 = tpu.memref_slice %arg14[%sub3A_183, %dma_start3A_370] : memref<2x320xi32, #tpu.memory_space<vmem>> -> memref<1x80xi32, #tpu.memory_space<vmem>>
          %dma_start3A_372 = tpu.memref_squeeze %dma_start3A_371 : memref<1x80xi32, #tpu.memory_space<vmem>> -> memref<80xi32, #tpu.memory_space<vmem>>
          %dma_start3A_373 = tpu.memref_slice %arg4[%mul3A_349] : memref<320000xi32, #tpu.memory_space<hbm>> -> memref<80xi32, #tpu.memory_space<hbm>>
          tpu.enqueue_dma source(%dma_start3A_373 : memref<80xi32, #tpu.memory_space<hbm>>) target(%dma_start3A_372 : memref<80xi32, #tpu.memory_space<vmem>>) target_semaphore(%arg25 : memref<!tpu.dma_semaphore, #tpu.memory_space<semaphore_mem>>)
          %dma_start3A_374 = arith.constant 240 : i32
          %dma_start3A_375 = tpu.memref_slice %arg14[%sub3A_183, %dma_start3A_374] : memref<2x320xi32, #tpu.memory_space<vmem>> -> memref<1x80xi32, #tpu.memory_space<vmem>>
          %dma_start3A_376 = tpu.memref_squeeze %dma_start3A_375 : memref<1x80xi32, #tpu.memory_space<vmem>> -> memref<80xi32, #tpu.memory_space<vmem>>
          %dma_start3A_377 = tpu.memref_slice %arg5[%mul3A_349] : memref<320000xi32, #tpu.memory_space<hbm>> -> memref<80xi32, #tpu.memory_space<hbm>>
          %dma_start3A_378 = arith.constant 240 : i32
          %dma_start3A_379 = tpu.memref_slice %arg14[%sub3A_183, %dma_start3A_378] : memref<2x320xi32, #tpu.memory_space<vmem>> -> memref<1x80xi32, #tpu.memory_space<vmem>>
          %dma_start3A_380 = tpu.memref_squeeze %dma_start3A_379 : memref<1x80xi32, #tpu.memory_space<vmem>> -> memref<80xi32, #tpu.memory_space<vmem>>
          %dma_start3A_381 = tpu.memref_slice %arg5[%mul3A_349] : memref<320000xi32, #tpu.memory_space<hbm>> -> memref<80xi32, #tpu.memory_space<hbm>>
          tpu.enqueue_dma source(%dma_start3A_381 : memref<80xi32, #tpu.memory_space<hbm>>) target(%dma_start3A_380 : memref<80xi32, #tpu.memory_space<vmem>>) target_semaphore(%arg25 : memref<!tpu.dma_semaphore, #tpu.memory_space<semaphore_mem>>)
          %dma_wait3A_382 = arith.constant 0 : i32
          %dma_wait3A_383 = tpu.memref_slice %arg14[%sub3A_183, %dma_wait3A_382] : memref<2x320xi32, #tpu.memory_space<vmem>> -> memref<1x80xi32, #tpu.memory_space<vmem>>
          %dma_wait3A_384 = tpu.memref_squeeze %dma_wait3A_383 : memref<1x80xi32, #tpu.memory_space<vmem>> -> memref<80xi32, #tpu.memory_space<vmem>>
          %dma_wait3A_385 = tpu.memref_slice %arg2[%mul3A_349] : memref<320000xi32, #tpu.memory_space<hbm>> -> memref<80xi32, #tpu.memory_space<hbm>>
          %dma_wait3A_386 = arith.constant 0 : i32
          %dma_wait3A_387 = tpu.memref_slice %arg14[%sub3A_183, %dma_wait3A_386] : memref<2x320xi32, #tpu.memory_space<vmem>> -> memref<1x80xi32, #tpu.memory_space<vmem>>
          %dma_wait3A_388 = tpu.memref_squeeze %dma_wait3A_387 : memref<1x80xi32, #tpu.memory_space<vmem>> -> memref<80xi32, #tpu.memory_space<vmem>>
          %dma_wait3A_389 = tpu.memref_slice %arg2[%mul3A_349] : memref<320000xi32, #tpu.memory_space<hbm>> -> memref<80xi32, #tpu.memory_space<hbm>>
          tpu.wait_dma2 semaphore(%arg25 : memref<!tpu.dma_semaphore, #tpu.memory_space<semaphore_mem>>) src(%dma_wait3A_389 : memref<80xi32, #tpu.memory_space<hbm>>) dst(%dma_wait3A_388 : memref<80xi32, #tpu.memory_space<vmem>>)
          %dma_wait3A_390 = arith.constant 80 : i32
          %dma_wait3A_391 = tpu.memref_slice %arg14[%sub3A_183, %dma_wait3A_390] : memref<2x320xi32, #tpu.memory_space<vmem>> -> memref<1x80xi32, #tpu.memory_space<vmem>>
          %dma_wait3A_392 = tpu.memref_squeeze %dma_wait3A_391 : memref<1x80xi32, #tpu.memory_space<vmem>> -> memref<80xi32, #tpu.memory_space<vmem>>
          %dma_wait3A_393 = tpu.memref_slice %arg3[%mul3A_349] : memref<320000xi32, #tpu.memory_space<hbm>> -> memref<80xi32, #tpu.memory_space<hbm>>
          %dma_wait3A_394 = arith.constant 80 : i32
          %dma_wait3A_395 = tpu.memref_slice %arg14[%sub3A_183, %dma_wait3A_394] : memref<2x320xi32, #tpu.memory_space<vmem>> -> memref<1x80xi32, #tpu.memory_space<vmem>>
          %dma_wait3A_396 = tpu.memref_squeeze %dma_wait3A_395 : memref<1x80xi32, #tpu.memory_space<vmem>> -> memref<80xi32, #tpu.memory_space<vmem>>
          %dma_wait3A_397 = tpu.memref_slice %arg3[%mul3A_349] : memref<320000xi32, #tpu.memory_space<hbm>> -> memref<80xi32, #tpu.memory_space<hbm>>
          tpu.wait_dma2 semaphore(%arg25 : memref<!tpu.dma_semaphore, #tpu.memory_space<semaphore_mem>>) src(%dma_wait3A_397 : memref<80xi32, #tpu.memory_space<hbm>>) dst(%dma_wait3A_396 : memref<80xi32, #tpu.memory_space<vmem>>)
          %dma_wait3A_398 = arith.constant 160 : i32
          %dma_wait3A_399 = tpu.memref_slice %arg14[%sub3A_183, %dma_wait3A_398] : memref<2x320xi32, #tpu.memory_space<vmem>> -> memref<1x80xi32, #tpu.memory_space<vmem>>
          %dma_wait3A_400 = tpu.memref_squeeze %dma_wait3A_399 : memref<1x80xi32, #tpu.memory_space<vmem>> -> memref<80xi32, #tpu.memory_space<vmem>>
          %dma_wait3A_401 = tpu.memref_slice %arg4[%mul3A_349] : memref<320000xi32, #tpu.memory_space<hbm>> -> memref<80xi32, #tpu.memory_space<hbm>>
          %dma_wait3A_402 = arith.constant 160 : i32
          %dma_wait3A_403 = tpu.memref_slice %arg14[%sub3A_183, %dma_wait3A_402] : memref<2x320xi32, #tpu.memory_space<vmem>> -> memref<1x80xi32, #tpu.memory_space<vmem>>
          %dma_wait3A_404 = tpu.memref_squeeze %dma_wait3A_403 : memref<1x80xi32, #tpu.memory_space<vmem>> -> memref<80xi32, #tpu.memory_space<vmem>>
          %dma_wait3A_405 = tpu.memref_slice %arg4[%mul3A_349] : memref<320000xi32, #tpu.memory_space<hbm>> -> memref<80xi32, #tpu.memory_space<hbm>>
          tpu.wait_dma2 semaphore(%arg25 : memref<!tpu.dma_semaphore, #tpu.memory_space<semaphore_mem>>) src(%dma_wait3A_405 : memref<80xi32, #tpu.memory_space<hbm>>) dst(%dma_wait3A_404 : memref<80xi32, #tpu.memory_space<vmem>>)
          %dma_wait3A_406 = arith.constant 240 : i32
          %dma_wait3A_407 = tpu.memref_slice %arg14[%sub3A_183, %dma_wait3A_406] : memref<2x320xi32, #tpu.memory_space<vmem>> -> memref<1x80xi32, #tpu.memory_space<vmem>>
          %dma_wait3A_408 = tpu.memref_squeeze %dma_wait3A_407 : memref<1x80xi32, #tpu.memory_space<vmem>> -> memref<80xi32, #tpu.memory_space<vmem>>
          %dma_wait3A_409 = tpu.memref_slice %arg5[%mul3A_349] : memref<320000xi32, #tpu.memory_space<hbm>> -> memref<80xi32, #tpu.memory_space<hbm>>
          %dma_wait3A_410 = arith.constant 240 : i32
          %dma_wait3A_411 = tpu.memref_slice %arg14[%sub3A_183, %dma_wait3A_410] : memref<2x320xi32, #tpu.memory_space<vmem>> -> memref<1x80xi32, #tpu.memory_space<vmem>>
          %dma_wait3A_412 = tpu.memref_squeeze %dma_wait3A_411 : memref<1x80xi32, #tpu.memory_space<vmem>> -> memref<80xi32, #tpu.memory_space<vmem>>
          %dma_wait3A_413 = tpu.memref_slice %arg5[%mul3A_349] : memref<320000xi32, #tpu.memory_space<hbm>> -> memref<80xi32, #tpu.memory_space<hbm>>
          tpu.wait_dma2 semaphore(%arg25 : memref<!tpu.dma_semaphore, #tpu.memory_space<semaphore_mem>>) src(%dma_wait3A_413 : memref<80xi32, #tpu.memory_space<hbm>>) dst(%dma_wait3A_412 : memref<80xi32, #tpu.memory_space<vmem>>)
        } else {
        }
        %dma_wait3A_287 = arith.constant 0 : i32
        %dma_wait3A_288 = arith.constant 0 : i32
        %dma_wait3A_289 = tpu.memref_slice %arg17[%and3A_181, %dma_wait3A_287, %dma_wait3A_288] : memref<2x80x64xi32, #tpu.memory_space<vmem>> -> memref<1x80x64xi32, #tpu.memory_space<vmem>>
        %dma_wait3A_290 = tpu.memref_squeeze %dma_wait3A_289 : memref<1x80x64xi32, #tpu.memory_space<vmem>> -> memref<80x64xi32, #tpu.memory_space<vmem>>
        %dma_wait3A_291 = arith.constant 0 : i32
        %dma_wait3A_292 = tpu.memref_slice %arg14[%and3A_181, %dma_wait3A_291] : memref<2x320xi32, #tpu.memory_space<vmem>> -> memref<1x80xi32, #tpu.memory_space<vmem>>
        %dma_wait3A_293 = tpu.memref_squeeze %dma_wait3A_292 : memref<1x80xi32, #tpu.memory_space<vmem>> -> memref<80xi32, #tpu.memory_space<vmem>>
        %dma_wait3A_294 = arith.constant 0 : i32
        %dma_wait3A_295 = arith.constant 0 : i32
        %dma_wait3A_296 = tpu.memref_slice %arg6[%dma_wait3A_294, %dma_wait3A_295] : memref<10000x64xi32, #tpu.memory_space<hbm>> -> memref<10000x64xi32, #tpu.memory_space<hbm>>
        tpu.wait_indirect_dma semaphore(%arg24 : memref<!tpu.dma_semaphore, #tpu.memory_space<semaphore_mem>>) src(%dma_wait3A_296 : memref<10000x64xi32, #tpu.memory_space<hbm>>) dst(%dma_wait3A_290 : memref<80x64xi32, #tpu.memory_space<vmem>>)
        %dma_wait3A_297 = arith.constant 0 : i32
        %dma_wait3A_298 = arith.constant 0 : i32
        %dma_wait3A_299 = tpu.memref_slice %arg18[%and3A_181, %dma_wait3A_297, %dma_wait3A_298] : memref<2x80x32xi32, #tpu.memory_space<vmem>> -> memref<1x80x32xi32, #tpu.memory_space<vmem>>
        %dma_wait3A_300 = tpu.memref_squeeze %dma_wait3A_299 : memref<1x80x32xi32, #tpu.memory_space<vmem>> -> memref<80x32xi32, #tpu.memory_space<vmem>>
        %dma_wait3A_301 = arith.constant 0 : i32
        %dma_wait3A_302 = tpu.memref_slice %arg14[%and3A_181, %dma_wait3A_301] : memref<2x320xi32, #tpu.memory_space<vmem>> -> memref<1x80xi32, #tpu.memory_space<vmem>>
        %dma_wait3A_303 = tpu.memref_squeeze %dma_wait3A_302 : memref<1x80xi32, #tpu.memory_space<vmem>> -> memref<80xi32, #tpu.memory_space<vmem>>
        %dma_wait3A_304 = arith.constant 0 : i32
        %dma_wait3A_305 = arith.constant 0 : i32
        %dma_wait3A_306 = tpu.memref_slice %arg7[%dma_wait3A_304, %dma_wait3A_305] : memref<10000x32xi32, #tpu.memory_space<hbm>> -> memref<10000x32xi32, #tpu.memory_space<hbm>>
        tpu.wait_indirect_dma semaphore(%arg24 : memref<!tpu.dma_semaphore, #tpu.memory_space<semaphore_mem>>) src(%dma_wait3A_306 : memref<10000x32xi32, #tpu.memory_space<hbm>>) dst(%dma_wait3A_300 : memref<80x32xi32, #tpu.memory_space<vmem>>)
        %dma_wait3A_307 = arith.constant 0 : i32
        %dma_wait3A_308 = arith.constant 0 : i32
        %dma_wait3A_309 = tpu.memref_slice %arg19[%and3A_181, %dma_wait3A_307, %dma_wait3A_308] : memref<2x80x64xi32, #tpu.memory_space<vmem>> -> memref<1x80x64xi32, #tpu.memory_space<vmem>>
        %dma_wait3A_310 = tpu.memref_squeeze %dma_wait3A_309 : memref<1x80x64xi32, #tpu.memory_space<vmem>> -> memref<80x64xi32, #tpu.memory_space<vmem>>
        %dma_wait3A_311 = arith.constant 80 : i32
        %dma_wait3A_312 = tpu.memref_slice %arg14[%and3A_181, %dma_wait3A_311] : memref<2x320xi32, #tpu.memory_space<vmem>> -> memref<1x80xi32, #tpu.memory_space<vmem>>
        %dma_wait3A_313 = tpu.memref_squeeze %dma_wait3A_312 : memref<1x80xi32, #tpu.memory_space<vmem>> -> memref<80xi32, #tpu.memory_space<vmem>>
        %dma_wait3A_314 = arith.constant 0 : i32
        %dma_wait3A_315 = arith.constant 0 : i32
        %dma_wait3A_316 = tpu.memref_slice %arg8[%dma_wait3A_314, %dma_wait3A_315] : memref<10001x64xi32, #tpu.memory_space<hbm>> -> memref<10001x64xi32, #tpu.memory_space<hbm>>
        tpu.wait_indirect_dma semaphore(%arg24 : memref<!tpu.dma_semaphore, #tpu.memory_space<semaphore_mem>>) src(%dma_wait3A_316 : memref<10001x64xi32, #tpu.memory_space<hbm>>) dst(%dma_wait3A_310 : memref<80x64xi32, #tpu.memory_space<vmem>>)
        %dma_wait3A_317 = arith.constant 0 : i32
        %dma_wait3A_318 = arith.constant 0 : i32
        %dma_wait3A_319 = tpu.memref_slice %arg20[%and3A_181, %dma_wait3A_317, %dma_wait3A_318] : memref<2x80x32xi32, #tpu.memory_space<vmem>> -> memref<1x80x32xi32, #tpu.memory_space<vmem>>
        %dma_wait3A_320 = tpu.memref_squeeze %dma_wait3A_319 : memref<1x80x32xi32, #tpu.memory_space<vmem>> -> memref<80x32xi32, #tpu.memory_space<vmem>>
        %dma_wait3A_321 = arith.constant 80 : i32
        %dma_wait3A_322 = tpu.memref_slice %arg14[%and3A_181, %dma_wait3A_321] : memref<2x320xi32, #tpu.memory_space<vmem>> -> memref<1x80xi32, #tpu.memory_space<vmem>>
        %dma_wait3A_323 = tpu.memref_squeeze %dma_wait3A_322 : memref<1x80xi32, #tpu.memory_space<vmem>> -> memref<80xi32, #tpu.memory_space<vmem>>
        %dma_wait3A_324 = arith.constant 0 : i32
        %dma_wait3A_325 = arith.constant 0 : i32
        %dma_wait3A_326 = tpu.memref_slice %arg9[%dma_wait3A_324, %dma_wait3A_325] : memref<10001x32xi32, #tpu.memory_space<hbm>> -> memref<10001x32xi32, #tpu.memory_space<hbm>>
        tpu.wait_indirect_dma semaphore(%arg24 : memref<!tpu.dma_semaphore, #tpu.memory_space<semaphore_mem>>) src(%dma_wait3A_326 : memref<10001x32xi32, #tpu.memory_space<hbm>>) dst(%dma_wait3A_320 : memref<80x32xi32, #tpu.memory_space<vmem>>)
        %dma_wait3A_327 = arith.constant 0 : i32
        %dma_wait3A_328 = arith.constant 0 : i32
        %dma_wait3A_329 = tpu.memref_slice %arg21[%and3A_181, %dma_wait3A_327, %dma_wait3A_328] : memref<2x80x32xi32, #tpu.memory_space<vmem>> -> memref<1x80x32xi32, #tpu.memory_space<vmem>>
        %dma_wait3A_330 = tpu.memref_squeeze %dma_wait3A_329 : memref<1x80x32xi32, #tpu.memory_space<vmem>> -> memref<80x32xi32, #tpu.memory_space<vmem>>
        %dma_wait3A_331 = arith.constant 160 : i32
        %dma_wait3A_332 = tpu.memref_slice %arg14[%and3A_181, %dma_wait3A_331] : memref<2x320xi32, #tpu.memory_space<vmem>> -> memref<1x80xi32, #tpu.memory_space<vmem>>
        %dma_wait3A_333 = tpu.memref_squeeze %dma_wait3A_332 : memref<1x80xi32, #tpu.memory_space<vmem>> -> memref<80xi32, #tpu.memory_space<vmem>>
        %dma_wait3A_334 = arith.constant 0 : i32
        %dma_wait3A_335 = arith.constant 0 : i32
        %dma_wait3A_336 = tpu.memref_slice %arg10[%dma_wait3A_334, %dma_wait3A_335] : memref<64x32xi32, #tpu.memory_space<hbm>> -> memref<64x32xi32, #tpu.memory_space<hbm>>
        tpu.wait_indirect_dma semaphore(%arg24 : memref<!tpu.dma_semaphore, #tpu.memory_space<semaphore_mem>>) src(%dma_wait3A_336 : memref<64x32xi32, #tpu.memory_space<hbm>>) dst(%dma_wait3A_330 : memref<80x32xi32, #tpu.memory_space<vmem>>)
        %dma_wait3A_337 = arith.constant 0 : i32
        %dma_wait3A_338 = tpu.memref_slice %arg15[%sub3A_183, %dma_wait3A_337] : memref<2x80xi32, #tpu.memory_space<vmem>> -> memref<1x80xi32, #tpu.memory_space<vmem>>
        %dma_wait3A_339 = tpu.memref_squeeze %dma_wait3A_338 : memref<1x80xi32, #tpu.memory_space<vmem>> -> memref<80xi32, #tpu.memory_space<vmem>>
        %dma_wait3A_340 = arith.constant 0 : i32
        %dma_wait3A_341 = arith.constant 0 : i32
        %dma_wait3A_342 = tpu.memref_slice %arg23[%dma_wait3A_340, %dma_wait3A_341] : memref<10000x128xf32, #tpu.memory_space<vmem_shared>> -> memref<10000x128xf32, #tpu.memory_space<vmem_shared>>
        tpu.wait_indirect_dma semaphore(%arg26 : memref<!tpu.dma_semaphore, #tpu.memory_space<semaphore_mem>>) src(%arg22 : memref<80x128xf32, #tpu.memory_space<vmem>>) dst(%dma_wait3A_342 : memref<10000x128xf32, #tpu.memory_space<vmem_shared>>)
      } else {
      }
      %eq3A_238 = arith.constant 0 : i32
      %eq3A_239 = arith.cmpi eq, %while3A_179, %eq3A_238 : i32
      %convert_element_type3A_240 = arith.extui %eq3A_239 : i1 to i32
      %cond3A_241 = arith.constant 0 : i32
      %cond3A_242 = arith.cmpi ne, %convert_element_type3A_240, %cond3A_241 : i32
      scf.if %cond3A_242 {
        %gt3A_243 = arith.constant 1 : i32
        %gt3A_244 = arith.cmpi sgt, %add3A_35, %gt3A_243 : i32
        %convert_element_type3A_245 = arith.extui %gt3A_244 : i1 to i32
        %cond3A_246 = arith.constant 0 : i32
        %cond3A_247 = arith.cmpi ne, %convert_element_type3A_245, %cond3A_246 : i32
        scf.if %cond3A_247 {
          %add3A_298 = arith.constant 32 : i32
          %add3A_299 = arith.addi %add3A, %add3A_298 : i32
          %mul3A_300 = arith.constant 80 : i32
          %mul3A_301 = arith.muli %add3A_299, %mul3A_300 : i32
          %dma_start3A_302 = arith.constant 0 : i32
          %dma_start3A_303 = tpu.memref_slice %arg14[%sub3A_183, %dma_start3A_302] : memref<2x320xi32, #tpu.memory_space<vmem>> -> memref<1x80xi32, #tpu.memory_space<vmem>>
          %dma_start3A_304 = tpu.memref_squeeze %dma_start3A_303 : memref<1x80xi32, #tpu.memory_space<vmem>> -> memref<80xi32, #tpu.memory_space<vmem>>
          %dma_start3A_305 = tpu.memref_slice %arg2[%mul3A_301] : memref<320000xi32, #tpu.memory_space<hbm>> -> memref<80xi32, #tpu.memory_space<hbm>>
          %dma_start3A_306 = arith.constant 0 : i32
          %dma_start3A_307 = tpu.memref_slice %arg14[%sub3A_183, %dma_start3A_306] : memref<2x320xi32, #tpu.memory_space<vmem>> -> memref<1x80xi32, #tpu.memory_space<vmem>>
          %dma_start3A_308 = tpu.memref_squeeze %dma_start3A_307 : memref<1x80xi32, #tpu.memory_space<vmem>> -> memref<80xi32, #tpu.memory_space<vmem>>
          %dma_start3A_309 = tpu.memref_slice %arg2[%mul3A_301] : memref<320000xi32, #tpu.memory_space<hbm>> -> memref<80xi32, #tpu.memory_space<hbm>>
          tpu.enqueue_dma source(%dma_start3A_309 : memref<80xi32, #tpu.memory_space<hbm>>) target(%dma_start3A_308 : memref<80xi32, #tpu.memory_space<vmem>>) target_semaphore(%arg25 : memref<!tpu.dma_semaphore, #tpu.memory_space<semaphore_mem>>)
          %dma_start3A_310 = arith.constant 80 : i32
          %dma_start3A_311 = tpu.memref_slice %arg14[%sub3A_183, %dma_start3A_310] : memref<2x320xi32, #tpu.memory_space<vmem>> -> memref<1x80xi32, #tpu.memory_space<vmem>>
          %dma_start3A_312 = tpu.memref_squeeze %dma_start3A_311 : memref<1x80xi32, #tpu.memory_space<vmem>> -> memref<80xi32, #tpu.memory_space<vmem>>
          %dma_start3A_313 = tpu.memref_slice %arg3[%mul3A_301] : memref<320000xi32, #tpu.memory_space<hbm>> -> memref<80xi32, #tpu.memory_space<hbm>>
          %dma_start3A_314 = arith.constant 80 : i32
          %dma_start3A_315 = tpu.memref_slice %arg14[%sub3A_183, %dma_start3A_314] : memref<2x320xi32, #tpu.memory_space<vmem>> -> memref<1x80xi32, #tpu.memory_space<vmem>>
          %dma_start3A_316 = tpu.memref_squeeze %dma_start3A_315 : memref<1x80xi32, #tpu.memory_space<vmem>> -> memref<80xi32, #tpu.memory_space<vmem>>
          %dma_start3A_317 = tpu.memref_slice %arg3[%mul3A_301] : memref<320000xi32, #tpu.memory_space<hbm>> -> memref<80xi32, #tpu.memory_space<hbm>>
          tpu.enqueue_dma source(%dma_start3A_317 : memref<80xi32, #tpu.memory_space<hbm>>) target(%dma_start3A_316 : memref<80xi32, #tpu.memory_space<vmem>>) target_semaphore(%arg25 : memref<!tpu.dma_semaphore, #tpu.memory_space<semaphore_mem>>)
          %dma_start3A_318 = arith.constant 160 : i32
          %dma_start3A_319 = tpu.memref_slice %arg14[%sub3A_183, %dma_start3A_318] : memref<2x320xi32, #tpu.memory_space<vmem>> -> memref<1x80xi32, #tpu.memory_space<vmem>>
          %dma_start3A_320 = tpu.memref_squeeze %dma_start3A_319 : memref<1x80xi32, #tpu.memory_space<vmem>> -> memref<80xi32, #tpu.memory_space<vmem>>
          %dma_start3A_321 = tpu.memref_slice %arg4[%mul3A_301] : memref<320000xi32, #tpu.memory_space<hbm>> -> memref<80xi32, #tpu.memory_space<hbm>>
          %dma_start3A_322 = arith.constant 160 : i32
          %dma_start3A_323 = tpu.memref_slice %arg14[%sub3A_183, %dma_start3A_322] : memref<2x320xi32, #tpu.memory_space<vmem>> -> memref<1x80xi32, #tpu.memory_space<vmem>>
          %dma_start3A_324 = tpu.memref_squeeze %dma_start3A_323 : memref<1x80xi32, #tpu.memory_space<vmem>> -> memref<80xi32, #tpu.memory_space<vmem>>
          %dma_start3A_325 = tpu.memref_slice %arg4[%mul3A_301] : memref<320000xi32, #tpu.memory_space<hbm>> -> memref<80xi32, #tpu.memory_space<hbm>>
          tpu.enqueue_dma source(%dma_start3A_325 : memref<80xi32, #tpu.memory_space<hbm>>) target(%dma_start3A_324 : memref<80xi32, #tpu.memory_space<vmem>>) target_semaphore(%arg25 : memref<!tpu.dma_semaphore, #tpu.memory_space<semaphore_mem>>)
          %dma_start3A_326 = arith.constant 240 : i32
          %dma_start3A_327 = tpu.memref_slice %arg14[%sub3A_183, %dma_start3A_326] : memref<2x320xi32, #tpu.memory_space<vmem>> -> memref<1x80xi32, #tpu.memory_space<vmem>>
          %dma_start3A_328 = tpu.memref_squeeze %dma_start3A_327 : memref<1x80xi32, #tpu.memory_space<vmem>> -> memref<80xi32, #tpu.memory_space<vmem>>
          %dma_start3A_329 = tpu.memref_slice %arg5[%mul3A_301] : memref<320000xi32, #tpu.memory_space<hbm>> -> memref<80xi32, #tpu.memory_space<hbm>>
          %dma_start3A_330 = arith.constant 240 : i32
          %dma_start3A_331 = tpu.memref_slice %arg14[%sub3A_183, %dma_start3A_330] : memref<2x320xi32, #tpu.memory_space<vmem>> -> memref<1x80xi32, #tpu.memory_space<vmem>>
          %dma_start3A_332 = tpu.memref_squeeze %dma_start3A_331 : memref<1x80xi32, #tpu.memory_space<vmem>> -> memref<80xi32, #tpu.memory_space<vmem>>
          %dma_start3A_333 = tpu.memref_slice %arg5[%mul3A_301] : memref<320000xi32, #tpu.memory_space<hbm>> -> memref<80xi32, #tpu.memory_space<hbm>>
          tpu.enqueue_dma source(%dma_start3A_333 : memref<80xi32, #tpu.memory_space<hbm>>) target(%dma_start3A_332 : memref<80xi32, #tpu.memory_space<vmem>>) target_semaphore(%arg25 : memref<!tpu.dma_semaphore, #tpu.memory_space<semaphore_mem>>)
          %dma_wait3A_334 = arith.constant 0 : i32
          %dma_wait3A_335 = tpu.memref_slice %arg14[%sub3A_183, %dma_wait3A_334] : memref<2x320xi32, #tpu.memory_space<vmem>> -> memref<1x80xi32, #tpu.memory_space<vmem>>
          %dma_wait3A_336 = tpu.memref_squeeze %dma_wait3A_335 : memref<1x80xi32, #tpu.memory_space<vmem>> -> memref<80xi32, #tpu.memory_space<vmem>>
          %dma_wait3A_337 = tpu.memref_slice %arg2[%mul3A_301] : memref<320000xi32, #tpu.memory_space<hbm>> -> memref<80xi32, #tpu.memory_space<hbm>>
          %dma_wait3A_338 = arith.constant 0 : i32
          %dma_wait3A_339 = tpu.memref_slice %arg14[%sub3A_183, %dma_wait3A_338] : memref<2x320xi32, #tpu.memory_space<vmem>> -> memref<1x80xi32, #tpu.memory_space<vmem>>
          %dma_wait3A_340 = tpu.memref_squeeze %dma_wait3A_339 : memref<1x80xi32, #tpu.memory_space<vmem>> -> memref<80xi32, #tpu.memory_space<vmem>>
          %dma_wait3A_341 = tpu.memref_slice %arg2[%mul3A_301] : memref<320000xi32, #tpu.memory_space<hbm>> -> memref<80xi32, #tpu.memory_space<hbm>>
          tpu.wait_dma2 semaphore(%arg25 : memref<!tpu.dma_semaphore, #tpu.memory_space<semaphore_mem>>) src(%dma_wait3A_341 : memref<80xi32, #tpu.memory_space<hbm>>) dst(%dma_wait3A_340 : memref<80xi32, #tpu.memory_space<vmem>>)
          %dma_wait3A_342 = arith.constant 80 : i32
          %dma_wait3A_343 = tpu.memref_slice %arg14[%sub3A_183, %dma_wait3A_342] : memref<2x320xi32, #tpu.memory_space<vmem>> -> memref<1x80xi32, #tpu.memory_space<vmem>>
          %dma_wait3A_344 = tpu.memref_squeeze %dma_wait3A_343 : memref<1x80xi32, #tpu.memory_space<vmem>> -> memref<80xi32, #tpu.memory_space<vmem>>
          %dma_wait3A_345 = tpu.memref_slice %arg3[%mul3A_301] : memref<320000xi32, #tpu.memory_space<hbm>> -> memref<80xi32, #tpu.memory_space<hbm>>
          %dma_wait3A_346 = arith.constant 80 : i32
          %dma_wait3A_347 = tpu.memref_slice %arg14[%sub3A_183, %dma_wait3A_346] : memref<2x320xi32, #tpu.memory_space<vmem>> -> memref<1x80xi32, #tpu.memory_space<vmem>>
          %dma_wait3A_348 = tpu.memref_squeeze %dma_wait3A_347 : memref<1x80xi32, #tpu.memory_space<vmem>> -> memref<80xi32, #tpu.memory_space<vmem>>
          %dma_wait3A_349 = tpu.memref_slice %arg3[%mul3A_301] : memref<320000xi32, #tpu.memory_space<hbm>> -> memref<80xi32, #tpu.memory_space<hbm>>
          tpu.wait_dma2 semaphore(%arg25 : memref<!tpu.dma_semaphore, #tpu.memory_space<semaphore_mem>>) src(%dma_wait3A_349 : memref<80xi32, #tpu.memory_space<hbm>>) dst(%dma_wait3A_348 : memref<80xi32, #tpu.memory_space<vmem>>)
          %dma_wait3A_350 = arith.constant 160 : i32
          %dma_wait3A_351 = tpu.memref_slice %arg14[%sub3A_183, %dma_wait3A_350] : memref<2x320xi32, #tpu.memory_space<vmem>> -> memref<1x80xi32, #tpu.memory_space<vmem>>
          %dma_wait3A_352 = tpu.memref_squeeze %dma_wait3A_351 : memref<1x80xi32, #tpu.memory_space<vmem>> -> memref<80xi32, #tpu.memory_space<vmem>>
          %dma_wait3A_353 = tpu.memref_slice %arg4[%mul3A_301] : memref<320000xi32, #tpu.memory_space<hbm>> -> memref<80xi32, #tpu.memory_space<hbm>>
          %dma_wait3A_354 = arith.constant 160 : i32
          %dma_wait3A_355 = tpu.memref_slice %arg14[%sub3A_183, %dma_wait3A_354] : memref<2x320xi32, #tpu.memory_space<vmem>> -> memref<1x80xi32, #tpu.memory_space<vmem>>
          %dma_wait3A_356 = tpu.memref_squeeze %dma_wait3A_355 : memref<1x80xi32, #tpu.memory_space<vmem>> -> memref<80xi32, #tpu.memory_space<vmem>>
          %dma_wait3A_357 = tpu.memref_slice %arg4[%mul3A_301] : memref<320000xi32, #tpu.memory_space<hbm>> -> memref<80xi32, #tpu.memory_space<hbm>>
          tpu.wait_dma2 semaphore(%arg25 : memref<!tpu.dma_semaphore, #tpu.memory_space<semaphore_mem>>) src(%dma_wait3A_357 : memref<80xi32, #tpu.memory_space<hbm>>) dst(%dma_wait3A_356 : memref<80xi32, #tpu.memory_space<vmem>>)
          %dma_wait3A_358 = arith.constant 240 : i32
          %dma_wait3A_359 = tpu.memref_slice %arg14[%sub3A_183, %dma_wait3A_358] : memref<2x320xi32, #tpu.memory_space<vmem>> -> memref<1x80xi32, #tpu.memory_space<vmem>>
          %dma_wait3A_360 = tpu.memref_squeeze %dma_wait3A_359 : memref<1x80xi32, #tpu.memory_space<vmem>> -> memref<80xi32, #tpu.memory_space<vmem>>
          %dma_wait3A_361 = tpu.memref_slice %arg5[%mul3A_301] : memref<320000xi32, #tpu.memory_space<hbm>> -> memref<80xi32, #tpu.memory_space<hbm>>
          %dma_wait3A_362 = arith.constant 240 : i32
          %dma_wait3A_363 = tpu.memref_slice %arg14[%sub3A_183, %dma_wait3A_362] : memref<2x320xi32, #tpu.memory_space<vmem>> -> memref<1x80xi32, #tpu.memory_space<vmem>>
          %dma_wait3A_364 = tpu.memref_squeeze %dma_wait3A_363 : memref<1x80xi32, #tpu.memory_space<vmem>> -> memref<80xi32, #tpu.memory_space<vmem>>
          %dma_wait3A_365 = tpu.memref_slice %arg5[%mul3A_301] : memref<320000xi32, #tpu.memory_space<hbm>> -> memref<80xi32, #tpu.memory_space<hbm>>
          tpu.wait_dma2 semaphore(%arg25 : memref<!tpu.dma_semaphore, #tpu.memory_space<semaphore_mem>>) src(%dma_wait3A_365 : memref<80xi32, #tpu.memory_space<hbm>>) dst(%dma_wait3A_364 : memref<80xi32, #tpu.memory_space<vmem>>)
        } else {
        }
        %dma_wait3A_248 = arith.constant 0 : i32
        %dma_wait3A_249 = arith.constant 0 : i32
        %dma_wait3A_250 = tpu.memref_slice %arg17[%and3A_181, %dma_wait3A_248, %dma_wait3A_249] : memref<2x80x64xi32, #tpu.memory_space<vmem>> -> memref<1x80x64xi32, #tpu.memory_space<vmem>>
        %dma_wait3A_251 = tpu.memref_squeeze %dma_wait3A_250 : memref<1x80x64xi32, #tpu.memory_space<vmem>> -> memref<80x64xi32, #tpu.memory_space<vmem>>
        %dma_wait3A_252 = arith.constant 0 : i32
        %dma_wait3A_253 = tpu.memref_slice %arg14[%and3A_181, %dma_wait3A_252] : memref<2x320xi32, #tpu.memory_space<vmem>> -> memref<1x80xi32, #tpu.memory_space<vmem>>
        %dma_wait3A_254 = tpu.memref_squeeze %dma_wait3A_253 : memref<1x80xi32, #tpu.memory_space<vmem>> -> memref<80xi32, #tpu.memory_space<vmem>>
        %dma_wait3A_255 = arith.constant 0 : i32
        %dma_wait3A_256 = arith.constant 0 : i32
        %dma_wait3A_257 = tpu.memref_slice %arg6[%dma_wait3A_255, %dma_wait3A_256] : memref<10000x64xi32, #tpu.memory_space<hbm>> -> memref<10000x64xi32, #tpu.memory_space<hbm>>
        tpu.wait_indirect_dma semaphore(%arg24 : memref<!tpu.dma_semaphore, #tpu.memory_space<semaphore_mem>>) src(%dma_wait3A_257 : memref<10000x64xi32, #tpu.memory_space<hbm>>) dst(%dma_wait3A_251 : memref<80x64xi32, #tpu.memory_space<vmem>>)
        %dma_wait3A_258 = arith.constant 0 : i32
        %dma_wait3A_259 = arith.constant 0 : i32
        %dma_wait3A_260 = tpu.memref_slice %arg18[%and3A_181, %dma_wait3A_258, %dma_wait3A_259] : memref<2x80x32xi32, #tpu.memory_space<vmem>> -> memref<1x80x32xi32, #tpu.memory_space<vmem>>
        %dma_wait3A_261 = tpu.memref_squeeze %dma_wait3A_260 : memref<1x80x32xi32, #tpu.memory_space<vmem>> -> memref<80x32xi32, #tpu.memory_space<vmem>>
        %dma_wait3A_262 = arith.constant 0 : i32
        %dma_wait3A_263 = tpu.memref_slice %arg14[%and3A_181, %dma_wait3A_262] : memref<2x320xi32, #tpu.memory_space<vmem>> -> memref<1x80xi32, #tpu.memory_space<vmem>>
        %dma_wait3A_264 = tpu.memref_squeeze %dma_wait3A_263 : memref<1x80xi32, #tpu.memory_space<vmem>> -> memref<80xi32, #tpu.memory_space<vmem>>
        %dma_wait3A_265 = arith.constant 0 : i32
        %dma_wait3A_266 = arith.constant 0 : i32
        %dma_wait3A_267 = tpu.memref_slice %arg7[%dma_wait3A_265, %dma_wait3A_266] : memref<10000x32xi32, #tpu.memory_space<hbm>> -> memref<10000x32xi32, #tpu.memory_space<hbm>>
        tpu.wait_indirect_dma semaphore(%arg24 : memref<!tpu.dma_semaphore, #tpu.memory_space<semaphore_mem>>) src(%dma_wait3A_267 : memref<10000x32xi32, #tpu.memory_space<hbm>>) dst(%dma_wait3A_261 : memref<80x32xi32, #tpu.memory_space<vmem>>)
        %dma_wait3A_268 = arith.constant 0 : i32
        %dma_wait3A_269 = arith.constant 0 : i32
        %dma_wait3A_270 = tpu.memref_slice %arg19[%and3A_181, %dma_wait3A_268, %dma_wait3A_269] : memref<2x80x64xi32, #tpu.memory_space<vmem>> -> memref<1x80x64xi32, #tpu.memory_space<vmem>>
        %dma_wait3A_271 = tpu.memref_squeeze %dma_wait3A_270 : memref<1x80x64xi32, #tpu.memory_space<vmem>> -> memref<80x64xi32, #tpu.memory_space<vmem>>
        %dma_wait3A_272 = arith.constant 80 : i32
        %dma_wait3A_273 = tpu.memref_slice %arg14[%and3A_181, %dma_wait3A_272] : memref<2x320xi32, #tpu.memory_space<vmem>> -> memref<1x80xi32, #tpu.memory_space<vmem>>
        %dma_wait3A_274 = tpu.memref_squeeze %dma_wait3A_273 : memref<1x80xi32, #tpu.memory_space<vmem>> -> memref<80xi32, #tpu.memory_space<vmem>>
        %dma_wait3A_275 = arith.constant 0 : i32
        %dma_wait3A_276 = arith.constant 0 : i32
        %dma_wait3A_277 = tpu.memref_slice %arg8[%dma_wait3A_275, %dma_wait3A_276] : memref<10001x64xi32, #tpu.memory_space<hbm>> -> memref<10001x64xi32, #tpu.memory_space<hbm>>
        tpu.wait_indirect_dma semaphore(%arg24 : memref<!tpu.dma_semaphore, #tpu.memory_space<semaphore_mem>>) src(%dma_wait3A_277 : memref<10001x64xi32, #tpu.memory_space<hbm>>) dst(%dma_wait3A_271 : memref<80x64xi32, #tpu.memory_space<vmem>>)
        %dma_wait3A_278 = arith.constant 0 : i32
        %dma_wait3A_279 = arith.constant 0 : i32
        %dma_wait3A_280 = tpu.memref_slice %arg20[%and3A_181, %dma_wait3A_278, %dma_wait3A_279] : memref<2x80x32xi32, #tpu.memory_space<vmem>> -> memref<1x80x32xi32, #tpu.memory_space<vmem>>
        %dma_wait3A_281 = tpu.memref_squeeze %dma_wait3A_280 : memref<1x80x32xi32, #tpu.memory_space<vmem>> -> memref<80x32xi32, #tpu.memory_space<vmem>>
        %dma_wait3A_282 = arith.constant 80 : i32
        %dma_wait3A_283 = tpu.memref_slice %arg14[%and3A_181, %dma_wait3A_282] : memref<2x320xi32, #tpu.memory_space<vmem>> -> memref<1x80xi32, #tpu.memory_space<vmem>>
        %dma_wait3A_284 = tpu.memref_squeeze %dma_wait3A_283 : memref<1x80xi32, #tpu.memory_space<vmem>> -> memref<80xi32, #tpu.memory_space<vmem>>
        %dma_wait3A_285 = arith.constant 0 : i32
        %dma_wait3A_286 = arith.constant 0 : i32
        %dma_wait3A_287 = tpu.memref_slice %arg9[%dma_wait3A_285, %dma_wait3A_286] : memref<10001x32xi32, #tpu.memory_space<hbm>> -> memref<10001x32xi32, #tpu.memory_space<hbm>>
        tpu.wait_indirect_dma semaphore(%arg24 : memref<!tpu.dma_semaphore, #tpu.memory_space<semaphore_mem>>) src(%dma_wait3A_287 : memref<10001x32xi32, #tpu.memory_space<hbm>>) dst(%dma_wait3A_281 : memref<80x32xi32, #tpu.memory_space<vmem>>)
        %dma_wait3A_288 = arith.constant 0 : i32
        %dma_wait3A_289 = arith.constant 0 : i32
        %dma_wait3A_290 = tpu.memref_slice %arg21[%and3A_181, %dma_wait3A_288, %dma_wait3A_289] : memref<2x80x32xi32, #tpu.memory_space<vmem>> -> memref<1x80x32xi32, #tpu.memory_space<vmem>>
        %dma_wait3A_291 = tpu.memref_squeeze %dma_wait3A_290 : memref<1x80x32xi32, #tpu.memory_space<vmem>> -> memref<80x32xi32, #tpu.memory_space<vmem>>
        %dma_wait3A_292 = arith.constant 160 : i32
        %dma_wait3A_293 = tpu.memref_slice %arg14[%and3A_181, %dma_wait3A_292] : memref<2x320xi32, #tpu.memory_space<vmem>> -> memref<1x80xi32, #tpu.memory_space<vmem>>
        %dma_wait3A_294 = tpu.memref_squeeze %dma_wait3A_293 : memref<1x80xi32, #tpu.memory_space<vmem>> -> memref<80xi32, #tpu.memory_space<vmem>>
        %dma_wait3A_295 = arith.constant 0 : i32
        %dma_wait3A_296 = arith.constant 0 : i32
        %dma_wait3A_297 = tpu.memref_slice %arg10[%dma_wait3A_295, %dma_wait3A_296] : memref<64x32xi32, #tpu.memory_space<hbm>> -> memref<64x32xi32, #tpu.memory_space<hbm>>
        tpu.wait_indirect_dma semaphore(%arg24 : memref<!tpu.dma_semaphore, #tpu.memory_space<semaphore_mem>>) src(%dma_wait3A_297 : memref<64x32xi32, #tpu.memory_space<hbm>>) dst(%dma_wait3A_291 : memref<80x32xi32, #tpu.memory_space<vmem>>)
      } else {
      }
    }
    %sub3A_119 = arith.constant 1 : i32
    %sub3A_120 = arith.subi %add3A_35, %sub3A_119 : i32
    %and3A_121 = arith.constant 1 : i32
    %and3A_122 = arith.andi %sub3A_120, %and3A_121 : i32
    %parallel_loop3A = arith.constant 0 : i32
    %parallel_loop3A_123 = arith.constant 80 : i32
    %parallel_loop3A_124 = arith.constant 1 : i32
    scf.for %parallel_loop3A_179 = %parallel_loop3A to %parallel_loop3A_123 step %parallel_loop3A_124  : i32 {
      %parallel_loop3A_180 = arith.index_cast %and3A_122 : i32 to index
      %parallel_loop3A_181 = arith.index_cast %parallel_loop3A_179 : i32 to index
      %parallel_loop3A_182 = arith.constant 0 : index
      %parallel_loop3A_183 = tpu.vector_load %arg18[%parallel_loop3A_180, %parallel_loop3A_181, %parallel_loop3A_182] {strides = array<i32>} : memref<2x80x32xi32, #tpu.memory_space<vmem>>, vector<16xi32>,
      %parallel_loop3A_184 = arith.index_cast %and3A_122 : i32 to index
      %parallel_loop3A_185 = arith.index_cast %parallel_loop3A_179 : i32 to index
      %parallel_loop3A_186 = arith.constant 0 : index
      %parallel_loop3A_187 = tpu.vector_load %arg20[%parallel_loop3A_184, %parallel_loop3A_185, %parallel_loop3A_186] {strides = array<i32>} : memref<2x80x32xi32, #tpu.memory_space<vmem>>, vector<16xi32>,
      %parallel_loop3A_188 = arith.index_cast %and3A_122 : i32 to index
      %parallel_loop3A_189 = arith.index_cast %parallel_loop3A_179 : i32 to index
      %parallel_loop3A_190 = arith.constant 0 : index
      %parallel_loop3A_191 = tpu.vector_load %arg21[%parallel_loop3A_188, %parallel_loop3A_189, %parallel_loop3A_190] {strides = array<i32>} : memref<2x80x32xi32, #tpu.memory_space<vmem>>, vector<16xi32>,
      %parallel_loop3A_192 = arith.constant 16 : i32
      %parallel_loop3A_193 = vector.broadcast %parallel_loop3A_192 : i32 to vector<16xi32>
      %parallel_loop3A_194 = arith.shli %parallel_loop3A_183, %parallel_loop3A_193 : vector<16xi32>
      %parallel_loop3A_195 = vector.bitcast %parallel_loop3A_194 : vector<16xi32> to vector<16xf32>
      %parallel_loop3A_196 = arith.constant -65536 : i32
      %parallel_loop3A_197 = vector.broadcast %parallel_loop3A_196 : i32 to vector<16xi32>
      %parallel_loop3A_198 = arith.andi %parallel_loop3A_183, %parallel_loop3A_197 : vector<16xi32>
      %parallel_loop3A_199 = vector.bitcast %parallel_loop3A_198 : vector<16xi32> to vector<16xf32>
      %parallel_loop3A_200 = arith.constant 16 : i32
      %parallel_loop3A_201 = vector.broadcast %parallel_loop3A_200 : i32 to vector<16xi32>
      %parallel_loop3A_202 = arith.shli %parallel_loop3A_187, %parallel_loop3A_201 : vector<16xi32>
      %parallel_loop3A_203 = vector.bitcast %parallel_loop3A_202 : vector<16xi32> to vector<16xf32>
      %parallel_loop3A_204 = arith.constant -65536 : i32
      %parallel_loop3A_205 = vector.broadcast %parallel_loop3A_204 : i32 to vector<16xi32>
      %parallel_loop3A_206 = arith.andi %parallel_loop3A_187, %parallel_loop3A_205 : vector<16xi32>
      %parallel_loop3A_207 = vector.bitcast %parallel_loop3A_206 : vector<16xi32> to vector<16xf32>
      %parallel_loop3A_208 = arith.constant 16 : i32
      %parallel_loop3A_209 = vector.broadcast %parallel_loop3A_208 : i32 to vector<16xi32>
      %parallel_loop3A_210 = arith.shli %parallel_loop3A_191, %parallel_loop3A_209 : vector<16xi32>
      %parallel_loop3A_211 = vector.bitcast %parallel_loop3A_210 : vector<16xi32> to vector<16xf32>
      %parallel_loop3A_212 = arith.constant -65536 : i32
      %parallel_loop3A_213 = vector.broadcast %parallel_loop3A_212 : i32 to vector<16xi32>
      %parallel_loop3A_214 = arith.andi %parallel_loop3A_191, %parallel_loop3A_213 : vector<16xi32>
      %parallel_loop3A_215 = vector.bitcast %parallel_loop3A_214 : vector<16xi32> to vector<16xf32>
      %parallel_loop3A_216 = arith.addf %parallel_loop3A_195, %parallel_loop3A_203 : vector<16xf32>
      %parallel_loop3A_217 = arith.addf %parallel_loop3A_216, %parallel_loop3A_211 : vector<16xf32>
      %parallel_loop3A_218 = arith.addf %parallel_loop3A_199, %parallel_loop3A_207 : vector<16xf32>
      %parallel_loop3A_219 = arith.addf %parallel_loop3A_218, %parallel_loop3A_215 : vector<16xf32>
      %parallel_loop3A_220 = arith.index_cast %and3A_122 : i32 to index
      %parallel_loop3A_221 = arith.index_cast %parallel_loop3A_179 : i32 to index
      %parallel_loop3A_222 = arith.constant 16 : index
      %parallel_loop3A_223 = tpu.vector_load %arg18[%parallel_loop3A_220, %parallel_loop3A_221, %parallel_loop3A_222] {strides = array<i32>} : memref<2x80x32xi32, #tpu.memory_space<vmem>>, vector<16xi32>,
      %parallel_loop3A_224 = arith.index_cast %and3A_122 : i32 to index
      %parallel_loop3A_225 = arith.index_cast %parallel_loop3A_179 : i32 to index
      %parallel_loop3A_226 = arith.constant 16 : index
      %parallel_loop3A_227 = tpu.vector_load %arg20[%parallel_loop3A_224, %parallel_loop3A_225, %parallel_loop3A_226] {strides = array<i32>} : memref<2x80x32xi32, #tpu.memory_space<vmem>>, vector<16xi32>,
      %parallel_loop3A_228 = arith.index_cast %and3A_122 : i32 to index
      %parallel_loop3A_229 = arith.index_cast %parallel_loop3A_179 : i32 to index
      %parallel_loop3A_230 = arith.constant 16 : index
      %parallel_loop3A_231 = tpu.vector_load %arg21[%parallel_loop3A_228, %parallel_loop3A_229, %parallel_loop3A_230] {strides = array<i32>} : memref<2x80x32xi32, #tpu.memory_space<vmem>>, vector<16xi32>,
      %parallel_loop3A_232 = arith.constant 16 : i32
      %parallel_loop3A_233 = vector.broadcast %parallel_loop3A_232 : i32 to vector<16xi32>
      %parallel_loop3A_234 = arith.shli %parallel_loop3A_223, %parallel_loop3A_233 : vector<16xi32>
      %parallel_loop3A_235 = vector.bitcast %parallel_loop3A_234 : vector<16xi32> to vector<16xf32>
      %parallel_loop3A_236 = arith.constant -65536 : i32
      %parallel_loop3A_237 = vector.broadcast %parallel_loop3A_236 : i32 to vector<16xi32>
      %parallel_loop3A_238 = arith.andi %parallel_loop3A_223, %parallel_loop3A_237 : vector<16xi32>
      %parallel_loop3A_239 = vector.bitcast %parallel_loop3A_238 : vector<16xi32> to vector<16xf32>
      %parallel_loop3A_240 = arith.constant 16 : i32
      %parallel_loop3A_241 = vector.broadcast %parallel_loop3A_240 : i32 to vector<16xi32>
      %parallel_loop3A_242 = arith.shli %parallel_loop3A_227, %parallel_loop3A_241 : vector<16xi32>
      %parallel_loop3A_243 = vector.bitcast %parallel_loop3A_242 : vector<16xi32> to vector<16xf32>
      %parallel_loop3A_244 = arith.constant -65536 : i32
      %parallel_loop3A_245 = vector.broadcast %parallel_loop3A_244 : i32 to vector<16xi32>
      %parallel_loop3A_246 = arith.andi %parallel_loop3A_227, %parallel_loop3A_245 : vector<16xi32>
      %parallel_loop3A_247 = vector.bitcast %parallel_loop3A_246 : vector<16xi32> to vector<16xf32>
      %parallel_loop3A_248 = arith.constant 16 : i32
      %parallel_loop3A_249 = vector.broadcast %parallel_loop3A_248 : i32 to vector<16xi32>
      %parallel_loop3A_250 = arith.shli %parallel_loop3A_231, %parallel_loop3A_249 : vector<16xi32>
      %parallel_loop3A_251 = vector.bitcast %parallel_loop3A_250 : vector<16xi32> to vector<16xf32>
      %parallel_loop3A_252 = arith.constant -65536 : i32
      %parallel_loop3A_253 = vector.broadcast %parallel_loop3A_252 : i32 to vector<16xi32>
      %parallel_loop3A_254 = arith.andi %parallel_loop3A_231, %parallel_loop3A_253 : vector<16xi32>
      %parallel_loop3A_255 = vector.bitcast %parallel_loop3A_254 : vector<16xi32> to vector<16xf32>
      %parallel_loop3A_256 = arith.addf %parallel_loop3A_235, %parallel_loop3A_243 : vector<16xf32>
      %parallel_loop3A_257 = arith.addf %parallel_loop3A_256, %parallel_loop3A_251 : vector<16xf32>
      %parallel_loop3A_258 = arith.addf %parallel_loop3A_239, %parallel_loop3A_247 : vector<16xf32>
      %parallel_loop3A_259 = arith.addf %parallel_loop3A_258, %parallel_loop3A_255 : vector<16xf32>
      %parallel_loop3A_260 = arith.constant 0.000000e+00 : f32
      %parallel_loop3A_261 = vector.broadcast %parallel_loop3A_260 : f32 to vector<16xf32>
      %parallel_loop3A_262 = arith.maximumf %parallel_loop3A_217, %parallel_loop3A_261 : vector<16xf32>
      %parallel_loop3A_263 = arith.mulf %parallel_loop3A_262, %get3A_7 : vector<16xf32>
      %parallel_loop3A_264 = arith.constant 0.000000e+00 : f32
      %parallel_loop3A_265 = vector.broadcast %parallel_loop3A_264 : f32 to vector<16xf32>
      %parallel_loop3A_266 = arith.maximumf %parallel_loop3A_219, %parallel_loop3A_265 : vector<16xf32>
      %parallel_loop3A_267 = arith.mulf %parallel_loop3A_266, %get3A_9 : vector<16xf32>
      %parallel_loop3A_268 = arith.constant 0.000000e+00 : f32
      %parallel_loop3A_269 = vector.broadcast %parallel_loop3A_268 : f32 to vector<16xf32>
      %parallel_loop3A_270 = arith.maximumf %parallel_loop3A_257, %parallel_loop3A_269 : vector<16xf32>
      %parallel_loop3A_271 = arith.mulf %parallel_loop3A_270, %get3A_11 : vector<16xf32>
      %parallel_loop3A_272 = arith.constant 0.000000e+00 : f32
      %parallel_loop3A_273 = vector.broadcast %parallel_loop3A_272 : f32 to vector<16xf32>
      %parallel_loop3A_274 = arith.maximumf %parallel_loop3A_259, %parallel_loop3A_273 : vector<16xf32>
      %parallel_loop3A_275 = arith.mulf %parallel_loop3A_274, %get3A_13 : vector<16xf32>
      %parallel_loop3A_276 = arith.addf %parallel_loop3A_263, %parallel_loop3A_267 : vector<16xf32>
      %parallel_loop3A_277 = arith.addf %parallel_loop3A_271, %parallel_loop3A_275 : vector<16xf32>
      %parallel_loop3A_278 = arith.addf %parallel_loop3A_276, %parallel_loop3A_277 : vector<16xf32>
      %parallel_loop3A_279 = arith.constant true
      %parallel_loop3A_280 = vector.broadcast %parallel_loop3A_279 : i1 to vector<16xi1>
      %parallel_loop3A_281 = tpu.scan <sum>, %parallel_loop3A_278 masked %parallel_loop3A_280 : vector<16xf32>, vector<16xi1> -> vector<16xf32>
      %parallel_loop3A_282 = vector.extract %parallel_loop3A_281[15] : f32 from vector<16xf32>
      %parallel_loop3A_283 = vector.broadcast %parallel_loop3A_282 : f32 to vector<16xf32>
      %parallel_loop3A_284 = arith.addf %parallel_loop3A_283, %get3A_15 : vector<16xf32>
      %parallel_loop3A_285 = arith.constant 0.000000e+00 : f32
      %parallel_loop3A_286 = vector.broadcast %parallel_loop3A_285 : f32 to vector<16xf32>
      %parallel_loop3A_287 = arith.subf %parallel_loop3A_286, %parallel_loop3A_284 : vector<16xf32>
      %parallel_loop3A_288 = math.exp %parallel_loop3A_287 : vector<16xf32>
      %parallel_loop3A_289 = arith.constant 1.000000e+00 : f32
      %parallel_loop3A_290 = vector.broadcast %parallel_loop3A_289 : f32 to vector<16xf32>
      %parallel_loop3A_291 = arith.addf %parallel_loop3A_290, %parallel_loop3A_288 : vector<16xf32>
      %parallel_loop3A_292 = arith.constant 1.000000e+00 : f32
      %parallel_loop3A_293 = vector.broadcast %parallel_loop3A_292 : f32 to vector<16xf32>
      %parallel_loop3A_294 = arith.divf %parallel_loop3A_293, %parallel_loop3A_291 : vector<16xf32>
      %parallel_loop3A_295 = arith.index_cast %and3A_122 : i32 to index
      %parallel_loop3A_296 = arith.index_cast %parallel_loop3A_179 : i32 to index
      %parallel_loop3A_297 = arith.constant 0 : index
      %parallel_loop3A_298 = tpu.vector_load %arg17[%parallel_loop3A_295, %parallel_loop3A_296, %parallel_loop3A_297] {strides = array<i32>} : memref<2x80x64xi32, #tpu.memory_space<vmem>>, vector<16xi32>,
      %parallel_loop3A_299 = arith.index_cast %and3A_122 : i32 to index
      %parallel_loop3A_300 = arith.index_cast %parallel_loop3A_179 : i32 to index
      %parallel_loop3A_301 = arith.constant 0 : index
      %parallel_loop3A_302 = tpu.vector_load %arg19[%parallel_loop3A_299, %parallel_loop3A_300, %parallel_loop3A_301] {strides = array<i32>} : memref<2x80x64xi32, #tpu.memory_space<vmem>>, vector<16xi32>,
      %parallel_loop3A_303 = arith.constant 16 : i32
      %parallel_loop3A_304 = vector.broadcast %parallel_loop3A_303 : i32 to vector<16xi32>
      %parallel_loop3A_305 = arith.shli %parallel_loop3A_298, %parallel_loop3A_304 : vector<16xi32>
      %parallel_loop3A_306 = vector.bitcast %parallel_loop3A_305 : vector<16xi32> to vector<16xf32>
      %parallel_loop3A_307 = arith.constant -65536 : i32
      %parallel_loop3A_308 = vector.broadcast %parallel_loop3A_307 : i32 to vector<16xi32>
      %parallel_loop3A_309 = arith.andi %parallel_loop3A_298, %parallel_loop3A_308 : vector<16xi32>
      %parallel_loop3A_310 = vector.bitcast %parallel_loop3A_309 : vector<16xi32> to vector<16xf32>
      %parallel_loop3A_311 = arith.constant 16 : i32
      %parallel_loop3A_312 = vector.broadcast %parallel_loop3A_311 : i32 to vector<16xi32>
      %parallel_loop3A_313 = arith.shli %parallel_loop3A_302, %parallel_loop3A_312 : vector<16xi32>
      %parallel_loop3A_314 = vector.bitcast %parallel_loop3A_313 : vector<16xi32> to vector<16xf32>
      %parallel_loop3A_315 = arith.constant -65536 : i32
      %parallel_loop3A_316 = vector.broadcast %parallel_loop3A_315 : i32 to vector<16xi32>
      %parallel_loop3A_317 = arith.andi %parallel_loop3A_302, %parallel_loop3A_316 : vector<16xi32>
      %parallel_loop3A_318 = vector.bitcast %parallel_loop3A_317 : vector<16xi32> to vector<16xf32>
      %parallel_loop3A_319 = arith.mulf %parallel_loop3A_306, %parallel_loop3A_314 : vector<16xf32>
      %parallel_loop3A_320 = arith.mulf %parallel_loop3A_319, %parallel_loop3A_294 : vector<16xf32>
      %parallel_loop3A_321 = arith.index_cast %parallel_loop3A_179 : i32 to index
      %parallel_loop3A_322 = arith.constant 0 : index
      %parallel_loop3A_323 = tpu.vector_load %arg22[%parallel_loop3A_321, %parallel_loop3A_322] {strides = array<i32>} : memref<80x128xf32, #tpu.memory_space<vmem>>, vector<16xf32>,
      tpu.vector_store %arg22[%parallel_loop3A_321, %parallel_loop3A_322], %parallel_loop3A_320 {strides = array<i32>} : memref<80x128xf32, #tpu.memory_space<vmem>>, vector<16xf32>,
      %parallel_loop3A_324 = arith.mulf %parallel_loop3A_310, %parallel_loop3A_318 : vector<16xf32>
      %parallel_loop3A_325 = arith.mulf %parallel_loop3A_324, %parallel_loop3A_294 : vector<16xf32>
      %parallel_loop3A_326 = arith.index_cast %parallel_loop3A_179 : i32 to index
      %parallel_loop3A_327 = arith.constant 16 : index
      %parallel_loop3A_328 = tpu.vector_load %arg22[%parallel_loop3A_326, %parallel_loop3A_327] {strides = array<i32>} : memref<80x128xf32, #tpu.memory_space<vmem>>, vector<16xf32>,
      tpu.vector_store %arg22[%parallel_loop3A_326, %parallel_loop3A_327], %parallel_loop3A_325 {strides = array<i32>} : memref<80x128xf32, #tpu.memory_space<vmem>>, vector<16xf32>,
      %parallel_loop3A_329 = arith.index_cast %and3A_122 : i32 to index
      %parallel_loop3A_330 = arith.index_cast %parallel_loop3A_179 : i32 to index
      %parallel_loop3A_331 = arith.constant 16 : index
      %parallel_loop3A_332 = tpu.vector_load %arg17[%parallel_loop3A_329, %parallel_loop3A_330, %parallel_loop3A_331] {strides = array<i32>} : memref<2x80x64xi32, #tpu.memory_space<vmem>>, vector<16xi32>,
      %parallel_loop3A_333 = arith.index_cast %and3A_122 : i32 to index
      %parallel_loop3A_334 = arith.index_cast %parallel_loop3A_179 : i32 to index
      %parallel_loop3A_335 = arith.constant 16 : index
      %parallel_loop3A_336 = tpu.vector_load %arg19[%parallel_loop3A_333, %parallel_loop3A_334, %parallel_loop3A_335] {strides = array<i32>} : memref<2x80x64xi32, #tpu.memory_space<vmem>>, vector<16xi32>,
      %parallel_loop3A_337 = arith.constant 16 : i32
      %parallel_loop3A_338 = vector.broadcast %parallel_loop3A_337 : i32 to vector<16xi32>
      %parallel_loop3A_339 = arith.shli %parallel_loop3A_332, %parallel_loop3A_338 : vector<16xi32>
      %parallel_loop3A_340 = vector.bitcast %parallel_loop3A_339 : vector<16xi32> to vector<16xf32>
      %parallel_loop3A_341 = arith.constant -65536 : i32
      %parallel_loop3A_342 = vector.broadcast %parallel_loop3A_341 : i32 to vector<16xi32>
      %parallel_loop3A_343 = arith.andi %parallel_loop3A_332, %parallel_loop3A_342 : vector<16xi32>
      %parallel_loop3A_344 = vector.bitcast %parallel_loop3A_343 : vector<16xi32> to vector<16xf32>
      %parallel_loop3A_345 = arith.constant 16 : i32
      %parallel_loop3A_346 = vector.broadcast %parallel_loop3A_345 : i32 to vector<16xi32>
      %parallel_loop3A_347 = arith.shli %parallel_loop3A_336, %parallel_loop3A_346 : vector<16xi32>
      %parallel_loop3A_348 = vector.bitcast %parallel_loop3A_347 : vector<16xi32> to vector<16xf32>
      %parallel_loop3A_349 = arith.constant -65536 : i32
      %parallel_loop3A_350 = vector.broadcast %parallel_loop3A_349 : i32 to vector<16xi32>
      %parallel_loop3A_351 = arith.andi %parallel_loop3A_336, %parallel_loop3A_350 : vector<16xi32>
      %parallel_loop3A_352 = vector.bitcast %parallel_loop3A_351 : vector<16xi32> to vector<16xf32>
      %parallel_loop3A_353 = arith.mulf %parallel_loop3A_340, %parallel_loop3A_348 : vector<16xf32>
      %parallel_loop3A_354 = arith.mulf %parallel_loop3A_353, %parallel_loop3A_294 : vector<16xf32>
      %parallel_loop3A_355 = arith.index_cast %parallel_loop3A_179 : i32 to index
      %parallel_loop3A_356 = arith.constant 32 : index
      %parallel_loop3A_357 = tpu.vector_load %arg22[%parallel_loop3A_355, %parallel_loop3A_356] {strides = array<i32>} : memref<80x128xf32, #tpu.memory_space<vmem>>, vector<16xf32>,
      tpu.vector_store %arg22[%parallel_loop3A_355, %parallel_loop3A_356], %parallel_loop3A_354 {strides = array<i32>} : memref<80x128xf32, #tpu.memory_space<vmem>>, vector<16xf32>,
      %parallel_loop3A_358 = arith.mulf %parallel_loop3A_344, %parallel_loop3A_352 : vector<16xf32>
      %parallel_loop3A_359 = arith.mulf %parallel_loop3A_358, %parallel_loop3A_294 : vector<16xf32>
      %parallel_loop3A_360 = arith.index_cast %parallel_loop3A_179 : i32 to index
      %parallel_loop3A_361 = arith.constant 48 : index
      %parallel_loop3A_362 = tpu.vector_load %arg22[%parallel_loop3A_360, %parallel_loop3A_361] {strides = array<i32>} : memref<80x128xf32, #tpu.memory_space<vmem>>, vector<16xf32>,
      tpu.vector_store %arg22[%parallel_loop3A_360, %parallel_loop3A_361], %parallel_loop3A_359 {strides = array<i32>} : memref<80x128xf32, #tpu.memory_space<vmem>>, vector<16xf32>,
      %parallel_loop3A_363 = arith.index_cast %and3A_122 : i32 to index
      %parallel_loop3A_364 = arith.index_cast %parallel_loop3A_179 : i32 to index
      %parallel_loop3A_365 = arith.constant 32 : index
      %parallel_loop3A_366 = tpu.vector_load %arg17[%parallel_loop3A_363, %parallel_loop3A_364, %parallel_loop3A_365] {strides = array<i32>} : memref<2x80x64xi32, #tpu.memory_space<vmem>>, vector<16xi32>,
      %parallel_loop3A_367 = arith.index_cast %and3A_122 : i32 to index
      %parallel_loop3A_368 = arith.index_cast %parallel_loop3A_179 : i32 to index
      %parallel_loop3A_369 = arith.constant 32 : index
      %parallel_loop3A_370 = tpu.vector_load %arg19[%parallel_loop3A_367, %parallel_loop3A_368, %parallel_loop3A_369] {strides = array<i32>} : memref<2x80x64xi32, #tpu.memory_space<vmem>>, vector<16xi32>,
      %parallel_loop3A_371 = arith.constant 16 : i32
      %parallel_loop3A_372 = vector.broadcast %parallel_loop3A_371 : i32 to vector<16xi32>
      %parallel_loop3A_373 = arith.shli %parallel_loop3A_366, %parallel_loop3A_372 : vector<16xi32>
      %parallel_loop3A_374 = vector.bitcast %parallel_loop3A_373 : vector<16xi32> to vector<16xf32>
      %parallel_loop3A_375 = arith.constant -65536 : i32
      %parallel_loop3A_376 = vector.broadcast %parallel_loop3A_375 : i32 to vector<16xi32>
      %parallel_loop3A_377 = arith.andi %parallel_loop3A_366, %parallel_loop3A_376 : vector<16xi32>
      %parallel_loop3A_378 = vector.bitcast %parallel_loop3A_377 : vector<16xi32> to vector<16xf32>
      %parallel_loop3A_379 = arith.constant 16 : i32
      %parallel_loop3A_380 = vector.broadcast %parallel_loop3A_379 : i32 to vector<16xi32>
      %parallel_loop3A_381 = arith.shli %parallel_loop3A_370, %parallel_loop3A_380 : vector<16xi32>
      %parallel_loop3A_382 = vector.bitcast %parallel_loop3A_381 : vector<16xi32> to vector<16xf32>
      %parallel_loop3A_383 = arith.constant -65536 : i32
      %parallel_loop3A_384 = vector.broadcast %parallel_loop3A_383 : i32 to vector<16xi32>
      %parallel_loop3A_385 = arith.andi %parallel_loop3A_370, %parallel_loop3A_384 : vector<16xi32>
      %parallel_loop3A_386 = vector.bitcast %parallel_loop3A_385 : vector<16xi32> to vector<16xf32>
      %parallel_loop3A_387 = arith.mulf %parallel_loop3A_374, %parallel_loop3A_382 : vector<16xf32>
      %parallel_loop3A_388 = arith.mulf %parallel_loop3A_387, %parallel_loop3A_294 : vector<16xf32>
      %parallel_loop3A_389 = arith.index_cast %parallel_loop3A_179 : i32 to index
      %parallel_loop3A_390 = arith.constant 64 : index
      %parallel_loop3A_391 = tpu.vector_load %arg22[%parallel_loop3A_389, %parallel_loop3A_390] {strides = array<i32>} : memref<80x128xf32, #tpu.memory_space<vmem>>, vector<16xf32>,
      tpu.vector_store %arg22[%parallel_loop3A_389, %parallel_loop3A_390], %parallel_loop3A_388 {strides = array<i32>} : memref<80x128xf32, #tpu.memory_space<vmem>>, vector<16xf32>,
      %parallel_loop3A_392 = arith.mulf %parallel_loop3A_378, %parallel_loop3A_386 : vector<16xf32>
      %parallel_loop3A_393 = arith.mulf %parallel_loop3A_392, %parallel_loop3A_294 : vector<16xf32>
      %parallel_loop3A_394 = arith.index_cast %parallel_loop3A_179 : i32 to index
      %parallel_loop3A_395 = arith.constant 80 : index
      %parallel_loop3A_396 = tpu.vector_load %arg22[%parallel_loop3A_394, %parallel_loop3A_395] {strides = array<i32>} : memref<80x128xf32, #tpu.memory_space<vmem>>, vector<16xf32>,
      tpu.vector_store %arg22[%parallel_loop3A_394, %parallel_loop3A_395], %parallel_loop3A_393 {strides = array<i32>} : memref<80x128xf32, #tpu.memory_space<vmem>>, vector<16xf32>,
      %parallel_loop3A_397 = arith.index_cast %and3A_122 : i32 to index
      %parallel_loop3A_398 = arith.index_cast %parallel_loop3A_179 : i32 to index
      %parallel_loop3A_399 = arith.constant 48 : index
      %parallel_loop3A_400 = tpu.vector_load %arg17[%parallel_loop3A_397, %parallel_loop3A_398, %parallel_loop3A_399] {strides = array<i32>} : memref<2x80x64xi32, #tpu.memory_space<vmem>>, vector<16xi32>,
      %parallel_loop3A_401 = arith.index_cast %and3A_122 : i32 to index
      %parallel_loop3A_402 = arith.index_cast %parallel_loop3A_179 : i32 to index
      %parallel_loop3A_403 = arith.constant 48 : index
      %parallel_loop3A_404 = tpu.vector_load %arg19[%parallel_loop3A_401, %parallel_loop3A_402, %parallel_loop3A_403] {strides = array<i32>} : memref<2x80x64xi32, #tpu.memory_space<vmem>>, vector<16xi32>,
      %parallel_loop3A_405 = arith.constant 16 : i32
      %parallel_loop3A_406 = vector.broadcast %parallel_loop3A_405 : i32 to vector<16xi32>
      %parallel_loop3A_407 = arith.shli %parallel_loop3A_400, %parallel_loop3A_406 : vector<16xi32>
      %parallel_loop3A_408 = vector.bitcast %parallel_loop3A_407 : vector<16xi32> to vector<16xf32>
      %parallel_loop3A_409 = arith.constant -65536 : i32
      %parallel_loop3A_410 = vector.broadcast %parallel_loop3A_409 : i32 to vector<16xi32>
      %parallel_loop3A_411 = arith.andi %parallel_loop3A_400, %parallel_loop3A_410 : vector<16xi32>
      %parallel_loop3A_412 = vector.bitcast %parallel_loop3A_411 : vector<16xi32> to vector<16xf32>
      %parallel_loop3A_413 = arith.constant 16 : i32
      %parallel_loop3A_414 = vector.broadcast %parallel_loop3A_413 : i32 to vector<16xi32>
      %parallel_loop3A_415 = arith.shli %parallel_loop3A_404, %parallel_loop3A_414 : vector<16xi32>
      %parallel_loop3A_416 = vector.bitcast %parallel_loop3A_415 : vector<16xi32> to vector<16xf32>
      %parallel_loop3A_417 = arith.constant -65536 : i32
      %parallel_loop3A_418 = vector.broadcast %parallel_loop3A_417 : i32 to vector<16xi32>
      %parallel_loop3A_419 = arith.andi %parallel_loop3A_404, %parallel_loop3A_418 : vector<16xi32>
      %parallel_loop3A_420 = vector.bitcast %parallel_loop3A_419 : vector<16xi32> to vector<16xf32>
      %parallel_loop3A_421 = arith.mulf %parallel_loop3A_408, %parallel_loop3A_416 : vector<16xf32>
      %parallel_loop3A_422 = arith.mulf %parallel_loop3A_421, %parallel_loop3A_294 : vector<16xf32>
      %parallel_loop3A_423 = arith.index_cast %parallel_loop3A_179 : i32 to index
      %parallel_loop3A_424 = arith.constant 96 : index
      %parallel_loop3A_425 = tpu.vector_load %arg22[%parallel_loop3A_423, %parallel_loop3A_424] {strides = array<i32>} : memref<80x128xf32, #tpu.memory_space<vmem>>, vector<16xf32>,
      tpu.vector_store %arg22[%parallel_loop3A_423, %parallel_loop3A_424], %parallel_loop3A_422 {strides = array<i32>} : memref<80x128xf32, #tpu.memory_space<vmem>>, vector<16xf32>,
      %parallel_loop3A_426 = arith.mulf %parallel_loop3A_412, %parallel_loop3A_420 : vector<16xf32>
      %parallel_loop3A_427 = arith.mulf %parallel_loop3A_426, %parallel_loop3A_294 : vector<16xf32>
      %parallel_loop3A_428 = arith.index_cast %parallel_loop3A_179 : i32 to index
      %parallel_loop3A_429 = arith.constant 112 : index
      %parallel_loop3A_430 = tpu.vector_load %arg22[%parallel_loop3A_428, %parallel_loop3A_429] {strides = array<i32>} : memref<80x128xf32, #tpu.memory_space<vmem>>, vector<16xf32>,
      tpu.vector_store %arg22[%parallel_loop3A_428, %parallel_loop3A_429], %parallel_loop3A_427 {strides = array<i32>} : memref<80x128xf32, #tpu.memory_space<vmem>>, vector<16xf32>,
    } {sc.loop_unroll_factor = 2 : i64, sc.parallel_access}
    %get3A_125 = arith.index_cast %and3A_122 : i32 to index
    %get3A_126 = arith.constant 240 : index
    %get3A_127 = tpu.vector_load %arg14[%get3A_125, %get3A_126] {strides = array<i32>} : memref<2x320xi32, #tpu.memory_space<vmem>>, vector<16xi32>,
    %swap3A = arith.index_cast %and3A_122 : i32 to index
    %swap3A_128 = arith.constant 0 : index
    %swap3A_129 = tpu.vector_load %arg15[%swap3A, %swap3A_128] {strides = array<i32>} : memref<2x80xi32, #tpu.memory_space<vmem>>, vector<16xi32>,
    tpu.vector_store %arg15[%swap3A, %swap3A_128], %get3A_127 {strides = array<i32>} : memref<2x80xi32, #tpu.memory_space<vmem>>, vector<16xi32>,
    %get3A_130 = arith.index_cast %and3A_122 : i32 to index
    %get3A_131 = arith.constant 256 : index
    %get3A_132 = tpu.vector_load %arg14[%get3A_130, %get3A_131] {strides = array<i32>} : memref<2x320xi32, #tpu.memory_space<vmem>>, vector<16xi32>,
    %swap3A_133 = arith.index_cast %and3A_122 : i32 to index
    %swap3A_134 = arith.constant 16 : index
    %swap3A_135 = tpu.vector_load %arg15[%swap3A_133, %swap3A_134] {strides = array<i32>} : memref<2x80xi32, #tpu.memory_space<vmem>>, vector<16xi32>,
    tpu.vector_store %arg15[%swap3A_133, %swap3A_134], %get3A_132 {strides = array<i32>} : memref<2x80xi32, #tpu.memory_space<vmem>>, vector<16xi32>,
    %get3A_136 = arith.index_cast %and3A_122 : i32 to index
    %get3A_137 = arith.constant 272 : index
    %get3A_138 = tpu.vector_load %arg14[%get3A_136, %get3A_137] {strides = array<i32>} : memref<2x320xi32, #tpu.memory_space<vmem>>, vector<16xi32>,
    %swap3A_139 = arith.index_cast %and3A_122 : i32 to index
    %swap3A_140 = arith.constant 32 : index
    %swap3A_141 = tpu.vector_load %arg15[%swap3A_139, %swap3A_140] {strides = array<i32>} : memref<2x80xi32, #tpu.memory_space<vmem>>, vector<16xi32>,
    tpu.vector_store %arg15[%swap3A_139, %swap3A_140], %get3A_138 {strides = array<i32>} : memref<2x80xi32, #tpu.memory_space<vmem>>, vector<16xi32>,
    %get3A_142 = arith.index_cast %and3A_122 : i32 to index
    %get3A_143 = arith.constant 288 : index
    %get3A_144 = tpu.vector_load %arg14[%get3A_142, %get3A_143] {strides = array<i32>} : memref<2x320xi32, #tpu.memory_space<vmem>>, vector<16xi32>,
    %swap3A_145 = arith.index_cast %and3A_122 : i32 to index
    %swap3A_146 = arith.constant 48 : index
    %swap3A_147 = tpu.vector_load %arg15[%swap3A_145, %swap3A_146] {strides = array<i32>} : memref<2x80xi32, #tpu.memory_space<vmem>>, vector<16xi32>,
    tpu.vector_store %arg15[%swap3A_145, %swap3A_146], %get3A_144 {strides = array<i32>} : memref<2x80xi32, #tpu.memory_space<vmem>>, vector<16xi32>,
    %get3A_148 = arith.index_cast %and3A_122 : i32 to index
    %get3A_149 = arith.constant 304 : index
    %get3A_150 = tpu.vector_load %arg14[%get3A_148, %get3A_149] {strides = array<i32>} : memref<2x320xi32, #tpu.memory_space<vmem>>, vector<16xi32>,
    %swap3A_151 = arith.index_cast %and3A_122 : i32 to index
    %swap3A_152 = arith.constant 64 : index
    %swap3A_153 = tpu.vector_load %arg15[%swap3A_151, %swap3A_152] {strides = array<i32>} : memref<2x80xi32, #tpu.memory_space<vmem>>, vector<16xi32>,
    tpu.vector_store %arg15[%swap3A_151, %swap3A_152], %get3A_150 {strides = array<i32>} : memref<2x80xi32, #tpu.memory_space<vmem>>, vector<16xi32>,
    %dma_start3A_154 = arith.constant 0 : i32
    %dma_start3A_155 = tpu.memref_slice %arg15[%and3A_122, %dma_start3A_154] : memref<2x80xi32, #tpu.memory_space<vmem>> -> memref<1x80xi32, #tpu.memory_space<vmem>>
    %dma_start3A_156 = tpu.memref_squeeze %dma_start3A_155 : memref<1x80xi32, #tpu.memory_space<vmem>> -> memref<80xi32, #tpu.memory_space<vmem>>
    %dma_start3A_157 = arith.constant 0 : i32
    %dma_start3A_158 = arith.constant 0 : i32
    %dma_start3A_159 = tpu.memref_slice %arg23[%dma_start3A_157, %dma_start3A_158] : memref<10000x128xf32, #tpu.memory_space<vmem_shared>> -> memref<10000x128xf32, #tpu.memory_space<vmem_shared>>
    tpu.enqueue_indirect_dma source(%arg22 : memref<80x128xf32, #tpu.memory_space<vmem>>) target(%dma_start3A_159 : memref<10000x128xf32, #tpu.memory_space<vmem_shared>>) offsets(%dma_start3A_156 : memref<80xi32, #tpu.memory_space<vmem>>) semaphore(%arg26 : memref<!tpu.dma_semaphore, #tpu.memory_space<semaphore_mem>>) {add = true}
    %dma_wait3A_160 = arith.constant 0 : i32
    %dma_wait3A_161 = tpu.memref_slice %arg15[%and3A_122, %dma_wait3A_160] : memref<2x80xi32, #tpu.memory_space<vmem>> -> memref<1x80xi32, #tpu.memory_space<vmem>>
    %dma_wait3A_162 = tpu.memref_squeeze %dma_wait3A_161 : memref<1x80xi32, #tpu.memory_space<vmem>> -> memref<80xi32, #tpu.memory_space<vmem>>
    %dma_wait3A_163 = arith.constant 0 : i32
    %dma_wait3A_164 = arith.constant 0 : i32
    %dma_wait3A_165 = tpu.memref_slice %arg23[%dma_wait3A_163, %dma_wait3A_164] : memref<10000x128xf32, #tpu.memory_space<vmem_shared>> -> memref<10000x128xf32, #tpu.memory_space<vmem_shared>>
    tpu.wait_indirect_dma semaphore(%arg26 : memref<!tpu.dma_semaphore, #tpu.memory_space<semaphore_mem>>) src(%arg22 : memref<80x128xf32, #tpu.memory_space<vmem>>) dst(%dma_wait3A_165 : memref<10000x128xf32, #tpu.memory_space<vmem_shared>>)
    %barrier3A_166 = arith.constant 0 : index
    tpu.barrier barrier_id(%barrier3A_166)
    %mul3A_167 = arith.constant 624 : i32
    %mul3A_168 = arith.muli %arg1, %mul3A_167 : i32
    %mul3A_169 = arith.constant 10000 : i32
    %mul3A_170 = arith.muli %arg0, %mul3A_169 : i32
    %mul3A_171 = arith.constant 624 : i32
    %mul3A_172 = arith.muli %arg1, %mul3A_171 : i32
    %add3A_173 = arith.addi %mul3A_170, %mul3A_172 : i32
    "tpu.region"() ({
      %run_scoped3A = tpu.sem_alloc : memref<!tpu.dma_semaphore, #tpu.memory_space<semaphore_mem>>
      %dma_start3A_179 = arith.constant 0 : i32
      %dma_start3A_180 = tpu.memref_slice %arg13[%add3A_173, %dma_start3A_179] : memref<20000x128xf32, #tpu.memory_space<hbm>> -> memref<624x128xf32, #tpu.memory_space<hbm>>
      %dma_start3A_181 = arith.constant 0 : i32
      %dma_start3A_182 = tpu.memref_slice %arg23[%mul3A_168, %dma_start3A_181] : memref<10000x128xf32, #tpu.memory_space<vmem_shared>> -> memref<624x128xf32, #tpu.memory_space<vmem_shared>>
      tpu.enqueue_dma source(%dma_start3A_182 : memref<624x128xf32, #tpu.memory_space<vmem_shared>>) target(%dma_start3A_180 : memref<624x128xf32, #tpu.memory_space<hbm>>) target_semaphore(%run_scoped3A : memref<!tpu.dma_semaphore, #tpu.memory_space<semaphore_mem>>)
      %dma_wait3A_183 = arith.constant 0 : i32
      %dma_wait3A_184 = tpu.memref_slice %arg13[%add3A_173, %dma_wait3A_183] : memref<20000x128xf32, #tpu.memory_space<hbm>> -> memref<624x128xf32, #tpu.memory_space<hbm>>
      %dma_wait3A_185 = arith.constant 0 : i32
      %dma_wait3A_186 = tpu.memref_slice %arg23[%mul3A_168, %dma_wait3A_185] : memref<10000x128xf32, #tpu.memory_space<vmem_shared>> -> memref<624x128xf32, #tpu.memory_space<vmem_shared>>
      tpu.wait_dma2 semaphore(%run_scoped3A : memref<!tpu.dma_semaphore, #tpu.memory_space<semaphore_mem>>) src(%dma_wait3A_186 : memref<624x128xf32, #tpu.memory_space<vmem_shared>>) dst(%dma_wait3A_184 : memref<624x128xf32, #tpu.memory_space<hbm>>)
      tpu.yield
    }) : () -> ()
    %eq3A_174 = arith.constant 0 : i32
    %eq3A_175 = arith.cmpi eq, %arg1, %eq3A_174 : i32
    %convert_element_type3A_176 = arith.extui %eq3A_175 : i1 to i32
    %cond3A_177 = arith.constant 0 : i32
    %cond3A_178 = arith.cmpi ne, %convert_element_type3A_176, %cond3A_177 : i32
    scf.if %cond3A_178 {
      %mul3A_179 = arith.constant 10000 : i32
      %mul3A_180 = arith.muli %arg0, %mul3A_179 : i32
      %add3A_181 = arith.constant 9984 : i32
      %add3A_182 = arith.addi %mul3A_180, %add3A_181 : i32
      "tpu.region"() ({
        %run_scoped3A = tpu.sem_alloc : memref<!tpu.dma_semaphore, #tpu.memory_space<semaphore_mem>>
        %dma_start3A_183 = arith.constant 0 : i32
        %dma_start3A_184 = tpu.memref_slice %arg13[%add3A_182, %dma_start3A_183] : memref<20000x128xf32, #tpu.memory_space<hbm>> -> memref<16x128xf32, #tpu.memory_space<hbm>>
        %dma_start3A_185 = arith.constant 9984 : i32
        %dma_start3A_186 = arith.constant 0 : i32
        %dma_start3A_187 = tpu.memref_slice %arg23[%dma_start3A_185, %dma_start3A_186] : memref<10000x128xf32, #tpu.memory_space<vmem_shared>> -> memref<16x128xf32, #tpu.memory_space<vmem_shared>>
        tpu.enqueue_dma source(%dma_start3A_187 : memref<16x128xf32, #tpu.memory_space<vmem_shared>>) target(%dma_start3A_184 : memref<16x128xf32, #tpu.memory_space<hbm>>) target_semaphore(%run_scoped3A : memref<!tpu.dma_semaphore, #tpu.memory_space<semaphore_mem>>)
        %dma_wait3A_188 = arith.constant 0 : i32
        %dma_wait3A_189 = tpu.memref_slice %arg13[%add3A_182, %dma_wait3A_188] : memref<20000x128xf32, #tpu.memory_space<hbm>> -> memref<16x128xf32, #tpu.memory_space<hbm>>
        %dma_wait3A_190 = arith.constant 9984 : i32
        %dma_wait3A_191 = arith.constant 0 : i32
        %dma_wait3A_192 = tpu.memref_slice %arg23[%dma_wait3A_190, %dma_wait3A_191] : memref<10000x128xf32, #tpu.memory_space<vmem_shared>> -> memref<16x128xf32, #tpu.memory_space<vmem_shared>>
        tpu.wait_dma2 semaphore(%run_scoped3A : memref<!tpu.dma_semaphore, #tpu.memory_space<semaphore_mem>>) src(%dma_wait3A_192 : memref<16x128xf32, #tpu.memory_space<vmem_shared>>) dst(%dma_wait3A_189 : memref<16x128xf32, #tpu.memory_space<hbm>>)
        tpu.yield
      }) : () -> ()
    } else {
    }
    return
  }
}

module attributes {stable_mosaic.version = 14 : i64} {
  func.func @_tables_kernel(%arg0: i32, %arg1: memref<1000x128xf32, #tpu.memory_space<vmem>>, %arg2: memref<1024x128xf32, #tpu.memory_space<vmem>>, %arg3: memref<128x64xf32, #tpu.memory_space<vmem>>, %arg4: memref<128x64xf32, #tpu.memory_space<vmem>>, %arg5: memref<128x64xf32, #tpu.memory_space<vmem>>, %arg6: memref<1x64xf32, #tpu.memory_space<vmem>>, %arg7: memref<1000x64xbf16, #tpu.memory_space<vmem>>, %arg8: memref<1024x64xbf16, #tpu.memory_space<vmem>>, %arg9: memref<1024x64xbf16, #tpu.memory_space<vmem>>, %arg10: memref<1000x128xbf16, #tpu.memory_space<vmem>>, %arg11: memref<1024x128xbf16, #tpu.memory_space<vmem>>, %arg12: memref<1000x128xf32, #tpu.memory_space<vmem>>) attributes {dimension_semantics = [#tpu.dimension_semantics<arbitrary>], iteration_bounds = array<i64: 10>, scalar_prefetch = 0 : i64, scratch_operands = 0 : i64, tpu.core_type = #tpu.core_type<tc>, window_params = [{transform_indices = @transform_0, window_bounds = array<i64: 1000, 128>}, {transform_indices = @transform_1, window_bounds = array<i64: 1024, 128>}, {pipeline_mode = #tpu.pipeline_mode<synchronous>, transform_indices = @transform_2, window_bounds = array<i64: 128, 64>}, {pipeline_mode = #tpu.pipeline_mode<synchronous>, transform_indices = @transform_3, window_bounds = array<i64: 128, 64>}, {pipeline_mode = #tpu.pipeline_mode<synchronous>, transform_indices = @transform_4, window_bounds = array<i64: 128, 64>}, {pipeline_mode = #tpu.pipeline_mode<synchronous>, transform_indices = @transform_5, window_bounds = array<i64: 1, 64>}, {transform_indices = @transform_6, window_bounds = array<i64: 1000, 64>}, {transform_indices = @transform_7, window_bounds = array<i64: 1024, 64>}, {transform_indices = @transform_8, window_bounds = array<i64: 1024, 64>}, {transform_indices = @transform_9, window_bounds = array<i64: 1000, 128>}, {transform_indices = @transform_10, window_bounds = array<i64: 1024, 128>}, {transform_indices = @transform_11, window_bounds = array<i64: 1000, 128>}]} {
    %get3A = arith.constant 0 : index
    %get3A_0 = arith.constant 0 : index
    %get3A_1 = vector.load %arg1[%get3A, %get3A_0] : memref<1000x128xf32, #tpu.memory_space<vmem>>, vector<1000x128xf32>
    %get3A_2 = arith.constant 0 : index
    %get3A_3 = arith.constant 0 : index
    %get3A_4 = vector.load %arg2[%get3A_2, %get3A_3] : memref<1024x128xf32, #tpu.memory_space<vmem>>, vector<1024x128xf32>
    %get3A_5 = arith.constant 0 : index
    %get3A_6 = arith.constant 0 : index
    %get3A_7 = vector.load %arg3[%get3A_5, %get3A_6] : memref<128x64xf32, #tpu.memory_space<vmem>>, vector<128x64xf32>
    %dot_general3A = arith.constant dense<0.000000e+00> : vector<1000x64xf32>
    %dot_general3A_8 = tpu.matmul %get3A_1, %get3A_7, %dot_general3A {dimension_numbers = #tpu.dot_dimension_numbers<[1], [0], [0], [1], [0, 0, 1, 1], [], []>, transpose_lhs_hint = false} : vector<1000x128xf32>, vector<128x64xf32>, vector<1000x64xf32> -> vector<1000x64xf32>
    %convert_element_type3A = arith.truncf %dot_general3A_8 : vector<1000x64xf32> to vector<1000x64xbf16>
    %swap3A = arith.constant 0 : index
    %swap3A_9 = arith.constant 0 : index
    %swap3A_10 = vector.load %arg7[%swap3A, %swap3A_9] : memref<1000x64xbf16, #tpu.memory_space<vmem>>, vector<1000x64xbf16>
    tpu.vector_store %arg7[%swap3A, %swap3A_9], %convert_element_type3A {strides = array<i32>} : memref<1000x64xbf16, #tpu.memory_space<vmem>>, vector<1000x64xbf16>,
    %get3A_11 = arith.constant 0 : index
    %get3A_12 = arith.constant 0 : index
    %get3A_13 = vector.load %arg4[%get3A_11, %get3A_12] : memref<128x64xf32, #tpu.memory_space<vmem>>, vector<128x64xf32>
    %dot_general3A_14 = arith.constant dense<0.000000e+00> : vector<1024x64xf32>
    %dot_general3A_15 = tpu.matmul %get3A_4, %get3A_13, %dot_general3A_14 {dimension_numbers = #tpu.dot_dimension_numbers<[1], [0], [0], [1], [0, 0, 1, 1], [], []>, transpose_lhs_hint = false} : vector<1024x128xf32>, vector<128x64xf32>, vector<1024x64xf32> -> vector<1024x64xf32>
    %convert_element_type3A_16 = arith.truncf %dot_general3A_15 : vector<1024x64xf32> to vector<1024x64xbf16>
    %swap3A_17 = arith.constant 0 : index
    %swap3A_18 = arith.constant 0 : index
    %swap3A_19 = vector.load %arg8[%swap3A_17, %swap3A_18] : memref<1024x64xbf16, #tpu.memory_space<vmem>>, vector<1024x64xbf16>
    tpu.vector_store %arg8[%swap3A_17, %swap3A_18], %convert_element_type3A_16 {strides = array<i32>} : memref<1024x64xbf16, #tpu.memory_space<vmem>>, vector<1024x64xbf16>,
    %get3A_20 = arith.constant 0 : index
    %get3A_21 = arith.constant 0 : index
    %get3A_22 = vector.load %arg5[%get3A_20, %get3A_21] : memref<128x64xf32, #tpu.memory_space<vmem>>, vector<128x64xf32>
    %dot_general3A_23 = arith.constant dense<0.000000e+00> : vector<1024x64xf32>
    %dot_general3A_24 = tpu.matmul %get3A_4, %get3A_22, %dot_general3A_23 {dimension_numbers = #tpu.dot_dimension_numbers<[1], [0], [0], [1], [0, 0, 1, 1], [], []>, transpose_lhs_hint = false} : vector<1024x128xf32>, vector<128x64xf32>, vector<1024x64xf32> -> vector<1024x64xf32>
    %get3A_25 = arith.constant 0 : index
    %get3A_26 = arith.constant 0 : index
    %get3A_27 = vector.load %arg6[%get3A_25, %get3A_26] : memref<1x64xf32, #tpu.memory_space<vmem>>, vector<1x64xf32>
    %add3A = vector.broadcast %get3A_27 : vector<1x64xf32> to vector<1024x64xf32>
    %add3A_28 = arith.addf %dot_general3A_24, %add3A : vector<1024x64xf32>
    %convert_element_type3A_29 = arith.truncf %add3A_28 : vector<1024x64xf32> to vector<1024x64xbf16>
    %swap3A_30 = arith.constant 0 : index
    %swap3A_31 = arith.constant 0 : index
    %swap3A_32 = vector.load %arg9[%swap3A_30, %swap3A_31] : memref<1024x64xbf16, #tpu.memory_space<vmem>>, vector<1024x64xbf16>
    tpu.vector_store %arg9[%swap3A_30, %swap3A_31], %convert_element_type3A_29 {strides = array<i32>} : memref<1024x64xbf16, #tpu.memory_space<vmem>>, vector<1024x64xbf16>,
    %convert_element_type3A_33 = arith.truncf %get3A_1 : vector<1000x128xf32> to vector<1000x128xbf16>
    %swap3A_34 = arith.constant 0 : index
    %swap3A_35 = arith.constant 0 : index
    %swap3A_36 = vector.load %arg10[%swap3A_34, %swap3A_35] : memref<1000x128xbf16, #tpu.memory_space<vmem>>, vector<1000x128xbf16>
    tpu.vector_store %arg10[%swap3A_34, %swap3A_35], %convert_element_type3A_33 {strides = array<i32>} : memref<1000x128xbf16, #tpu.memory_space<vmem>>, vector<1000x128xbf16>,
    %convert_element_type3A_37 = arith.truncf %get3A_4 : vector<1024x128xf32> to vector<1024x128xbf16>
    %swap3A_38 = arith.constant 0 : index
    %swap3A_39 = arith.constant 0 : index
    %swap3A_40 = vector.load %arg11[%swap3A_38, %swap3A_39] : memref<1024x128xbf16, #tpu.memory_space<vmem>>, vector<1024x128xbf16>
    tpu.vector_store %arg11[%swap3A_38, %swap3A_39], %convert_element_type3A_37 {strides = array<i32>} : memref<1024x128xbf16, #tpu.memory_space<vmem>>, vector<1024x128xbf16>,
    %broadcast_in_dim3A = arith.constant 0.000000e+00 : f32
    %broadcast_in_dim3A_41 = vector.broadcast %broadcast_in_dim3A : f32 to vector<1000x128xf32>
    %swap3A_42 = arith.constant 0 : index
    %swap3A_43 = arith.constant 0 : index
    %swap3A_44 = vector.load %arg12[%swap3A_42, %swap3A_43] : memref<1000x128xf32, #tpu.memory_space<vmem>>, vector<1000x128xf32>
    tpu.vector_store %arg12[%swap3A_42, %swap3A_43], %broadcast_in_dim3A_41 {strides = array<i32>} : memref<1000x128xf32, #tpu.memory_space<vmem>>, vector<1000x128xf32>,
    return
  }
  func.func @transform_0(%arg0: i32) -> (i32, i32) {
    %c0_i32 = arith.constant 0 : i32
    %c0_i32_0 = arith.constant 0 : i32
    return %arg0, %c0_i32 : i32, i32
  }
  func.func @transform_1(%arg0: i32) -> (i32, i32) {
    %c0_i32 = arith.constant 0 : i32
    %c0_i32_0 = arith.constant 0 : i32
    return %arg0, %c0_i32 : i32, i32
  }
  func.func @transform_2(%arg0: i32) -> (i32, i32) {
    %c0_i32 = arith.constant 0 : i32
    %c0_i32_0 = arith.constant 0 : i32
    %c0_i32_1 = arith.constant 0 : i32
    return %c0_i32, %c0_i32_0 : i32, i32
  }
  func.func @transform_3(%arg0: i32) -> (i32, i32) {
    %c0_i32 = arith.constant 0 : i32
    %c0_i32_0 = arith.constant 0 : i32
    %c0_i32_1 = arith.constant 0 : i32
    return %c0_i32, %c0_i32_0 : i32, i32
  }
  func.func @transform_4(%arg0: i32) -> (i32, i32) {
    %c0_i32 = arith.constant 0 : i32
    %c0_i32_0 = arith.constant 0 : i32
    %c0_i32_1 = arith.constant 0 : i32
    return %c0_i32, %c0_i32_0 : i32, i32
  }
  func.func @transform_5(%arg0: i32) -> (i32, i32) {
    %c0_i32 = arith.constant 0 : i32
    %c0_i32_0 = arith.constant 0 : i32
    %c0_i32_1 = arith.constant 0 : i32
    return %c0_i32, %c0_i32_0 : i32, i32
  }
  func.func @transform_6(%arg0: i32) -> (i32, i32) {
    %c0_i32 = arith.constant 0 : i32
    %c0_i32_0 = arith.constant 0 : i32
    return %arg0, %c0_i32 : i32, i32
  }
  func.func @transform_7(%arg0: i32) -> (i32, i32) {
    %c0_i32 = arith.constant 0 : i32
    %c0_i32_0 = arith.constant 0 : i32
    return %arg0, %c0_i32 : i32, i32
  }
  func.func @transform_8(%arg0: i32) -> (i32, i32) {
    %c0_i32 = arith.constant 0 : i32
    %c0_i32_0 = arith.constant 0 : i32
    return %arg0, %c0_i32 : i32, i32
  }
  func.func @transform_9(%arg0: i32) -> (i32, i32) {
    %c0_i32 = arith.constant 0 : i32
    %c0_i32_0 = arith.constant 0 : i32
    return %arg0, %c0_i32 : i32, i32
  }
  func.func @transform_10(%arg0: i32) -> (i32, i32) {
    %c0_i32 = arith.constant 0 : i32
    %c0_i32_0 = arith.constant 0 : i32
    return %arg0, %c0_i32 : i32, i32
  }
  func.func @transform_11(%arg0: i32) -> (i32, i32) {
    %c0_i32 = arith.constant 0 : i32
    %c0_i32_0 = arith.constant 0 : i32
    return %arg0, %c0_i32 : i32, i32
  }
}

module attributes {stable_mosaic.version = 14 : i64} {
  func.func @_final_kernel(%arg0: i32, %arg1: memref<2x1000x128xf32, #tpu.memory_space<vmem>>, %arg2: memref<128x128xf32, #tpu.memory_space<vmem>>, %arg3: memref<1000x128xf32, #tpu.memory_space<vmem>>) attributes {dimension_semantics = [#tpu.dimension_semantics<arbitrary>], iteration_bounds = array<i64: 10>, scalar_prefetch = 0 : i64, scratch_operands = 0 : i64, tpu.core_type = #tpu.core_type<tc>, window_params = [{transform_indices = @transform_0, window_bounds = array<i64: 2, 1000, 128>}, {pipeline_mode = #tpu.pipeline_mode<synchronous>, transform_indices = @transform_1, window_bounds = array<i64: 128, 128>}, {transform_indices = @transform_2, window_bounds = array<i64: 1000, 128>}]} {
    %get3A = arith.constant 0 : index
    %get3A_0 = arith.constant 0 : index
    %get3A_1 = arith.constant 0 : index
    %get3A_2 = vector.load %arg1[%get3A, %get3A_0, %get3A_1] : memref<2x1000x128xf32, #tpu.memory_space<vmem>>, vector<1x1000x128xf32>
    %get3A_3 = vector.shape_cast %get3A_2 : vector<1x1000x128xf32> to vector<1000x128xf32>
    %get3A_4 = arith.constant 1 : index
    %get3A_5 = arith.constant 0 : index
    %get3A_6 = arith.constant 0 : index
    %get3A_7 = vector.load %arg1[%get3A_4, %get3A_5, %get3A_6] : memref<2x1000x128xf32, #tpu.memory_space<vmem>>, vector<1x1000x128xf32>
    %get3A_8 = vector.shape_cast %get3A_7 : vector<1x1000x128xf32> to vector<1000x128xf32>
    %add3A = arith.addf %get3A_3, %get3A_8 : vector<1000x128xf32>
    %get3A_9 = arith.constant 0 : index
    %get3A_10 = arith.constant 0 : index
    %get3A_11 = vector.load %arg2[%get3A_9, %get3A_10] : memref<128x128xf32, #tpu.memory_space<vmem>>, vector<128x128xf32>
    %dot_general3A = arith.constant dense<0.000000e+00> : vector<1000x128xf32>
    %dot_general3A_12 = tpu.matmul %add3A, %get3A_11, %dot_general3A {dimension_numbers = #tpu.dot_dimension_numbers<[1], [0], [0], [1], [0, 0, 1, 1], [], []>, transpose_lhs_hint = false} : vector<1000x128xf32>, vector<128x128xf32>, vector<1000x128xf32> -> vector<1000x128xf32>
    %swap3A = arith.constant 0 : index
    %swap3A_13 = arith.constant 0 : index
    %swap3A_14 = vector.load %arg3[%swap3A, %swap3A_13] : memref<1000x128xf32, #tpu.memory_space<vmem>>, vector<1000x128xf32>
    tpu.vector_store %arg3[%swap3A, %swap3A_13], %dot_general3A_12 {strides = array<i32>} : memref<1000x128xf32, #tpu.memory_space<vmem>>, vector<1000x128xf32>,
    return
  }
  func.func @transform_0(%arg0: i32) -> (i32, i32, i32) {
    %c0_i32 = arith.constant 0 : i32
    %c0_i32_0 = arith.constant 0 : i32
    %c0_i32_1 = arith.constant 0 : i32
    return %c0_i32, %arg0, %c0_i32_0 : i32, i32, i32
  }
  func.func @transform_1(%arg0: i32) -> (i32, i32) {
    %c0_i32 = arith.constant 0 : i32
    %c0_i32_0 = arith.constant 0 : i32
    %c0_i32_1 = arith.constant 0 : i32
    return %c0_i32, %c0_i32_0 : i32, i32
  }
  func.func @transform_2(%arg0: i32) -> (i32, i32) {
    %c0_i32 = arith.constant 0 : i32
    %c0_i32_0 = arith.constant 0 : i32
    return %arg0, %c0_i32 : i32, i32
  }
}

</mosaic_0001>

<sc_bundles>
// kernel: kernel.5.cloned.1.call-start
scs
__scs_entry_jumppad:
0x0: {  	(pc) =	sbr.rel $0x88, $3  }
0x1: {  	(tag) =	ssettag $0x0;
	lr =	simm.s32 $0x1  }
0x2: {  	[smem:$0x3F94] =	sst lr;
	_ =	strace $0xD0000000  }
0x3: {  	_ = 	snop  }
0x4: {  	_ = 	snop  }
0x5: {  	_ = 	snop  }
0x6: {  	_ = 	snop  }
0x7: {  	_ = 	snop  }
__scs_overlays_trampoline_lowered:
0x8: {  	[smem:$0x3FA3] =	sst s0  }
0x9: {  	[smem:$0x3FA4] =	sst s1  }
0xa: {  	[smem:$0x3FA5] =	sst s2  }
0xb: {  	[smem:$0x3FA6] =	sst s3  }
0xc: {  	[smem:$0x3FA7] =	sst s4  }
0xd: {  	[smem:$0x3FA8] =	sst s5  }
0xe: {  	[smem:$0x3FA9] =	sst s6  }
0xf: {  	[smem:$0x3FAA] =	sst s7  }
0x10: {  	[smem:$0x3FAB] =	sst s8  }
0x11: {  	[smem:$0x3FAC] =	sst s9;
	s0 =	simm.s32 @!p0 $0x0  }
0x12: {  	s1 =	sld [smem:$0x3F92];
	s0 =	simm.s32 @p0 $0x1  }
0x13: {  	[smem:$0x3FAD] =	sst s0;
	s0 =	simm.s32 @!p1 $0x0  }
0x14: {  	s2 =	sld [smem:$0x3F91];
	s0 =	simm.s32 @p1 $0x1  }
0x15: {  	[smem:$0x3FAE] =	sst s0;
	s0 =	simm.s32 @!p2 $0x0  }
0x16: {  	s3 =	sld [smem:$0x3FDB];
	s0 =	simm.s32 @p2 $0x1  }
0x17: {  	s4 =	simm.s32 $0x1BF5;
	[smem:$0x3FB0] =	sst s0  }
0x18: {  	s0 =	sld [smem:$0x3F93];
	_ =	swait.ge [sflag:s4], $0x0  }
0x19: {  	s7 =	sld [smem:$0x3F94]  }
0x1a: {  	s8 =	sadd.s32 $0xFFFFE003, lr  }
0x1b: {  	s9 =	sadd.s32 $0xFFFFFEF7, lr;
	s5 =	simm.s32 $0xFFFFFFFF;
	p2 =	slt.u32 s8, $0xFFFFF086  }
0x1c: {  	p1 =	slt.u32 s9, $0xF7A;
	s5 =	simm.s32 @!p2 $0x0  }
0x1d: {  	s5 =	simm.s32 @p1 $0x1;
	p0 =	seq.s32 s7, s2  }
0x1e: {  	s7 =	smul.u32 @!p0 $0xF7A, s2;
	p2 =	seq.s32 @!p0 s5, $0x0  }
0x1f: {  	s9 =	smul.u32 $0xF7A, s1;
	s8 =	simm.s32 @!p0 $0x1BF5;
	p2 =	por !p2, p0  }
0x20: {  	[sflag:s8] =	ssyncset.s32 @!p0 $0xFFFFF086;
	s6 =	sadd.s32 @!p0 s3, s7;
	s7 =	simm.s32 @!p0 $0x108  }
0x21: {  	s3 =	sadd.s32 s3, s9;
	s6 =	sadd.s32 @!p0 $0x88, s6;
	s7 =	simm.s32 @p2 $0x1082  }
0x22: {  	[simem:s7], [sflag:s8] =	dma.local @!p0 [hbm:s6], $0xF7A  }
0x23: {  	s9 =	sor.u32 $0xD0000000, s2;
	s6 =	simm.s32 $0x108;
	_ =	swait.ge @!p0 [sflag:s8], $0x0  }
0x24: {  	s3 =	sadd.s32 $0x88, s3;
	s6 =	simm.s32 @!p1 $0x1082;
	[sflag:s4] =	ssyncset.s32 $0xFFFFF086  }
0x25: {  	[simem:s6], [sflag:s4] =	dma.local [hbm:s3], $0xF7A  }
0x26: {  	[smem:$0x3F94] =	sst s1;
	(tag) =	ssettag s2;
	_ =	strace s9  }
0x27: {  	s1 =	sld [smem:$0x3FA4]  }
0x28: {  	s2 =	sld [smem:$0x3FA5]  }
0x29: {  	s4 =	sld [smem:$0x3FA7]  }
0x2a: {  	p0 =	seq.s32 s5, $0x0;
	s5 =	sld [smem:$0x3FA8]  }
0x2b: {  	s6 =	sld [smem:$0x3FA9]  }
0x2c: {  	s7 =	sld [smem:$0x3FAA]  }
0x2d: {  	s3 =	simm.s32 $0x108;
	s8 =	sld [smem:$0x3FAB]  }
0x2e: {  	s3 =	simm.s32 @!p0 $0x1082;
	s9 =	sld [smem:$0x3FAC]  }
0x2f: {  	lr =	sadd.s32 s0, s3;
	s0 =	sld [smem:$0x3FA3]  }
0x30: {  	s3 =	sld [smem:$0x3FA6]  }
0x31: {  	[smem:$0x3FAF] =	sst s10  }
0x32: {  	s10 =	sld [smem:$0x3FAD];
	_ =	sdelay $0x3  }
0x33: {  	p0 =	seq.s32 s10, $0x1;
	s10 =	sld [smem:$0x3FAF];
	_ =	sdelay $0x3  }
0x34: {  	[smem:$0x3FAF] =	sst s10  }
0x35: {  	s10 =	sld [smem:$0x3FAE];
	_ =	sdelay $0x3  }
0x36: {  	p1 =	seq.s32 s10, $0x1;
	s10 =	sld [smem:$0x3FAF];
	_ =	sdelay $0x3  }
0x37: {  	[smem:$0x3FAF] =	sst s10  }
0x38: {  	s10 =	sld [smem:$0x3FB0]  }
0x39: {  	_ = 	snop;
	(pc) =	sbr.ind lr, $3  }
0x3a: {  	_ = 	snop  }
0x3b: {  	_ = 	snop  }
0x3c: {  	p2 =	seq.s32 s10, $0x1;
	s10 =	sld [smem:$0x3FAF]  }
0x3d: {  	_ =	shalt  }
0x3e: {  	_ =	shalt  }
0x3f: {  	_ =	shalt  }
0x40: {  	_ =	shalt  }
0x41: {  	_ =	shalt  }
0x42: {  	_ =	shalt  }
0x43: {  	_ =	shalt  }
0x44: {  	_ =	shalt  }
0x45: {  	_ =	shalt  }
0x46: {  	_ =	shalt  }
0x47: {  	_ =	shalt  }
0x48: {  	_ =	shalt  }
0x49: {  	_ =	shalt  }
0x4a: {  	_ =	shalt  }
0x4b: {  	_ =	shalt  }
0x4c: {  	_ =	shalt  }
0x4d: {  	_ =	shalt  }
0x4e: {  	_ =	shalt  }
0x4f: {  	_ =	shalt  }
0x50: {  	_ =	shalt  }
0x51: {  	_ =	shalt  }
0x52: {  	_ =	shalt  }
0x53: {  	_ =	shalt  }
0x54: {  	_ =	shalt  }
0x55: {  	_ =	shalt  }
0x56: {  	_ =	shalt  }
0x57: {  	_ =	shalt  }
0x58: {  	_ =	shalt  }
0x59: {  	_ =	shalt  }
0x5a: {  	_ =	shalt  }
0x5b: {  	_ =	shalt  }
0x5c: {  	_ =	shalt  }
0x5d: {  	_ =	shalt  }
0x5e: {  	_ =	shalt  }
0x5f: {  	_ =	shalt  }
0x60: {  	_ =	shalt  }
0x61: {  	_ =	shalt  }
0x62: {  	_ =	shalt  }
0x63: {  	_ =	shalt  }
0x64: {  	_ =	shalt  }
0x65: {  	_ =	shalt  }
0x66: {  	_ =	shalt  }
0x67: {  	_ =	shalt  }
0x68: {  	_ =	shalt  }
0x69: {  	_ =	shalt  }
0x6a: {  	_ =	shalt  }
0x6b: {  	_ =	shalt  }
0x6c: {  	_ =	shalt  }
0x6d: {  	_ =	shalt  }
0x6e: {  	_ =	shalt  }
0x6f: {  	_ =	shalt  }
0x70: {  	_ =	shalt  }
0x71: {  	_ =	shalt  }
0x72: {  	_ =	shalt  }
0x73: {  	_ =	shalt  }
0x74: {  	_ =	shalt  }
0x75: {  	_ =	shalt  }
0x76: {  	_ =	shalt  }
0x77: {  	_ =	shalt  }
0x78: {  	_ =	shalt  }
0x79: {  	_ =	shalt  }
0x7a: {  	_ =	shalt  }
0x7b: {  	_ =	shalt  }
0x7c: {  	_ =	shalt  }
0x7d: {  	_ =	shalt  }
0x7e: {  	_ =	shalt  }
0x7f: {  	_ =	shalt  }
0x80: {  	_ =	shalt  }
0x81: {  	_ =	shalt  }
0x82: {  	_ =	shalt  }
0x83: {  	_ =	shalt  }
0x84: {  	_ =	shalt  }
0x85: {  	_ =	shalt  }
0x86: {  	_ =	shalt  }
0x87: {  	_ =	shalt  }
.Lfunc_end0:
.L_simem_size_0:
called_computation_lowered:
.L_overlay_start_0:
0x88: {  	s2 =	sld [smem:$0x3FD9]  }
0x89: {  	s3 =	sld [smem:$0x3FFE];
	_ =	sdelay $0x1  }
0x8a: {  	s1 =	srdreg.scid  }
0x8b: {  	s0 =	sand.u32 $0x1, s1  }
0x8c: {  	s17 =	sshll.u32 s0, $0xA;
	s2 =	sadd.s32 s3, s2  }
0x8d: {  	s2 =	sadd.s32 s2, s17  }
0x8e: {  	[smem:$0x3FBB] =	sst s2  }
0x8f: {  	_ = 	snop  }
0x90: {  	s2 =	sld [smem:$0x3FC8]  }
0x91: {  	s18 =	sld [smem:$0x3FD0];
	(tm) =	ssettm $0x1  }
0x92: {  	s4 =	sld [smem:$0x3FFB];
	_ =	sdelay $0x3  }
0x93: {  	_ =	strace s4  }
0x94: {  	s4 =	sld [smem:$0x3FFC];
	_ =	sdelay $0x3  }
0x95: {  	_ =	strace s4  }
0x96: {  	s4 =	sld [smem:$0x3FFD];
	_ =	sdelay $0x3  }
0x97: {  	_ =	strace s4  }
0x98: {  	_ =	strace $0x8FFFFFFF  }
0x99: {  	s19 =	sld [smem:$0x3FDB];
	_ =	sdelay $0x1  }
0x9a: {  	s5 =	simm.s32 $_scs_section_size  }
0x9b: {  	s6 =	simm.s32 $_size__tile_overlayer_lowered;
	s7 =	simm.s32 $_tile_overlayer_lowered  }
0x9c: {  	s22 =	simm.s32 $0x1BFF;
	s21 =	sshll.u32 s7, $0x1;
	s4 =	sadd.s32 s5, s19  }
0x9d: {  	s8 =	simm.s32 $0x0;
	s20 =	sshll.u32 s6, $0x1;
	s6 =	sadd.s32 s21, s4  }
0x9e: {  	[timem:s8], [sflag:s22] =	dma.local [hbm:s6], s20  }
0x9f: {  	_ =	swait.ge [sflag:s22], s20  }
0xa0: {  	s5 =	ssub.s32 $0x0, s20;
	[sflag:s22] =	ssyncset.done $0x0  }
0xa1: {  	[sflag:s22] =	ssyncadd.s32 s5;
	_ =	sdelay $0x1  }
0xa2: {  	s23 =	simm.s32 $0x1B8B  }
0xa3: {  	_ =	swait.ge [sflag:s23], $0x1  }
0xa4: {  	[sflag:s23] =	ssyncset.done $0x0  }
0xa5: {  	s25 =	simm.s32 $0x1B8E;
	s24 =	sld [smem:$0x3FFE];
	[sflag:s23] =	ssyncadd.s32 $0xFFFFFFFF  }
0xa6: {  	s26 =	simm.s32 $execute0_lowered;
	[smem:$0x3FD2] =	sst s25  }
0xa7: {  	s6 =	sshll.u32 s26, $0x1;
	_ =	strace $0x80000046;
	[dreg:$0x1] =	wrdreg $0xFFFFFFFF  }
0xa8: {  	s28 =	simm.s32 $_size_execute0_lowered;
	s4 =	sadd.s32 s4, s6;
	[dreg:$0x0] =	wrdreg $0x0  }
0xa9: {  	s6 =	sshll.u32 s28, $0x1;
	[dreg:$0x2] =	wrdreg s4  }
0xaa: {  	[dreg:$0x3] =	wrdreg s6  }
0xab: {  	[dreg:$0x4] =	wrdreg $0xC0  }
0xac: {  	_ =	task [dreg:s8], $0x5FFFF  }
0xad: {  	[dreg:$0x1] =	wrdreg $0xFFFFFFFF  }
0xae: {  	[dreg:$0x0] =	wrdreg $0x60  }
0xaf: {  	[dreg:$0x2] =	wrdreg s24  }
0xb0: {  	[dreg:$0x3] =	wrdreg s2  }
0xb1: {  	[dreg:$0x4] =	wrdreg s18  }
0xb2: {  	[dreg:$0x5] =	wrdreg $0xB7700  }
0xb3: {  	[dreg:$0x6] =	wrdreg $0x9  }
0xb4: {  	_ =	task.clear_ibuf [dreg:s8], $0x7FFFF;
	_ =	strace $0x90000046  }
0xb5: {  	s29 =	simm.s32 $0x9;
	_ =	strace $0x80000048  }
0xb6: {  	_ =	swait.ge [sflag:s29], $0x1  }
0xb7: {  	[sflag:s29] =	ssyncadd.s32 $0xFFFFFFFF  }
0xb8: {  	_ =	strace $0x90000048  }
0xb9: {  	_ =	sfence  }
0xba: {  	s30 =	sld [smem:$0x0];
	_ =	sdelay $0x2  }
0xbb: {  	s31 =	sshll.u32 s1, $0xD;
	s1 =	sshrl.u32 s1, $0x2  }
0xbc: {  	s3 =	sand.u32 $0x4000, s31;
	s1 =	sadd.s32 s1, s30  }
0xbd: {  	s0 =	sor.u32 s3, s0;
	s1 =	sshll.u32 s1, $0x11  }
0xbe: {  	s0 =	sor.u32 s1, s0  }
0xbf: {  	s0 =	sadd.s32 $0x8F2B, s0  }
0xc0: {  	[sflag:s0] =	ssyncadd.remote.s32 $0x1  }
0xc1: {  	_ =	sfence.sel $0xFFFF  }
0xc2: {  	[dreg:$0x0] =	wrdreg $0xFFFFFFFF;
	(pc) =	sbr.abs _section_cstart, $3  }
0xc3: {  	[dreg:$0x1] =	wrdreg $0xFFFFFFFF  }
0xc4: {  	_ =	task.clear_ibuf [dreg:s8], $0x2FFFF;
	_ =	strace $0x9FFFFFFF  }
0xc5: {  	(tm) =	ssettm $0x7FFFFFFF  }
tec
execute0_lowered:
.L_overlay_start_1:
0x0: {  	(tag) =	ssettag $0x1  }
0x1: {  	s14 =	rddreg [dreg:$0x0]  }
0x2: {  	s15 =	rddreg [dreg:$0x1]  }
0x3: {  	s0 =	rddreg [dreg:$0x2]  }
0x4: {  	s16 =	rddreg [dreg:$0x3]  }
0x5: {  	s4 =	simm.s32 $0x0;
	s1 =	srdreg.scid;
	s2 =	stileid.u32  }
0x6: {  	[smem:$0x7FF] =	sst s4;
	s17 =	sadd.s32 $0x4F000, s14;
	s19 =	sadd.s32 $0x45200, s14  }
0x7: {  	s20 =	sadd.s32 $0x3B400, s14;
	s8 =	sadd.s32 $0x1DA00, s14;
	s1 =	sand.u32 $0x1, s1  }
0x8: {  	s9 =	sadd.s32 $0x31400, s14;
	s10 =	sshll.u32 s2, $0x1;
	s11 =	smul.u32 $0x13800, s2  }
0x9: {  	s12 =	sadd.s32 $0x59000, s14;
	s24 =	smul.u32 $0x2700, s2;
	s26 =	sshll.u32 s2, $0x6  }
0xa: {  	p0 =	sne.s32 s2, $0x0;
	s28 =	sadd.s32 $0x9E00, s14;
	_ =	strace $0x80000047  }
0xb: {  	s3 =	ssub.s32 $0x2, s1;
	s23 =	sor.u32 s1, s10;
	s7 =	smul.u32 $0x27100, s1  }
0xc: {  	s21 =	sor.u32 $0x1C04, s26;
	s1 =	smul.u32 $0x138800, s1;
	s10 =	simm.s32 $0x2  }
0xd: {  	s6 =	sadd.s32 s11, s16;
	s11 =	sshrl.u32 s11, $0x3;
	[dreg:$0x7] =	wrdreg s21  }
0xe: {  	s5 =	sshrl.u32 s3, $0x1;
	[dreg:$0x5] =	wrdreg s6;
	s25 =	sadd.s32 s0, s11  }
0xf: {  	s13 =	smul.u32 $0xA, s23;
	s0 =	sadd.s32 $0x27000, s0;
	[dreg:$0x6] =	wrdreg s25  }
0x10: {  	s3 =	ssub.s32 s3, s5;
	s5 =	sor.u32 $0x20, s23;
	[dreg:$0x8] =	wrdreg s0  }
0x11: {  	s29 =	smul.u32 $0x50, s23;
	s30 =	sadd.s32 s17, s13;
	[dreg:$0xd] =	wrdreg s5  }
0x12: {  	s23 =	sadd.s32 s24, s7;
	s31 =	sadd.s32 s19, s13;
	[dreg:$0x9] =	wrdreg s30  }
0x13: {  	s6 =	smov.u32 s17;
	s18 =	sadd.s32 s15, s13;
	[dreg:$0xa] =	wrdreg s31  }
0x14: {  	s1 =	sshrl.u32 s1, $0x3;
	s22 =	sadd.s32 s20, s13;
	[dreg:$0xb] =	wrdreg s18  }
0x15: {  	s0 =	sshrl.u32 s29, $0x3;
	s5 =	sadd.s32 s12, s23;
	[dreg:$0xc] =	wrdreg s22  }
0x16: {  	s1 =	sadd.s32 s12, s1;
	s29 =	smax.u32 s3, $0x1;
	[dreg:$0xf] =	wrdreg s5  }
0x17: {  	s11 =	simm.s32 $0x1;
	s26 =	sadd.s32 $0x27000, s1;
	[dreg:$0x14] =	wrdreg s29  }
0x18: {  	s3 =	simm.s32 $0x4;
	s30 =	sadd.s32 $0x58E00, s14;
	[dreg:$0x13] =	wrdreg s26  }
0x19: {  	s0 =	sadd.s32 $0x140, s0;
	s31 =	sadd.s32 $0x138000, s16;
	[dreg:$0x15] =	wrdreg s30  }
0x1a: {  	s18 =	smov.u32 s20;
	s7 =	sadd.s32 s17, s0;
	[dreg:$0x16] =	wrdreg s31  }
0x1b: {  	s5 =	simm.s32 $0x0;
	s24 =	sadd.s32 s19, s0;
	[dreg:$0xe] =	wrdreg s7  }
0x1c: {  	s25 =	sadd.s32 s15, s0;
	s0 =	sadd.s32 s20, s0;
	[dreg:$0x10] =	wrdreg s24  }
0x1d: {  	s26 =	sadd.s32 $0xA000, s14;
	s15 =	simm.s32 $0x3;
	[dreg:$0x11] =	wrdreg s25  }
0x1e: {  	s7 =	smov.u32 s19;
	[dreg:$0x12] =	wrdreg s0;
	s0 =	simm.s32 $0x50  }
.LBB2_1:
0x1f: {  	[dreg:$0x17] =	wrdreg s5  }
0x20: {  	s1 =	rddreg [dreg:$0x5]  }
0x21: {  	s20 =	rddreg [dreg:$0x6];
	s2 =	sshrl.u32 s1, $0x3  }
0x22: {  	[dreg:$0x18] =	wrdreg s2  }
0x23: {  	[spmem:s2], [sflag:s21] =	dma.local [hbm:s20], $0x2700  }
0x24: {  	_ =	swait.ge [sflag:s3], $0x2700  }
0x25: {  	s1 =	rddreg [dreg:$0x16]  }
0x26: {  	[sflag:s3] =	ssyncset.done $0x0;
	s2 =	sshrl.u32 @!p0 s1, $0x3;
	s1 =	rddreg [dreg:$0x8]  }
0x27: {  	[sflag:s3] =	ssyncadd.s32 $0xFFFFD900;
	[dreg:$0x19] =	wrdreg s2  }
0x28: {  	[spmem:s2], [sflag:s21] =	dma.local @!p0 [hbm:s1], $0x100  }
0x29: {  	s1 =	simm.s32 @!p0 $0x4  }
0x2a: {  	_ =	swait.ge @!p0 [sflag:s1], $0x100  }
0x2b: {  	[sflag:s1] =	ssyncset.done @!p0 $0x0  }
0x2c: {  	s22 =	simm.s32 $0x320;
	s21 =	rddreg [dreg:$0x15];
	[sflag:s1] =	ssyncadd.s32 @!p0 $0xFFFFFF00  }
0x2d: {  	[tilespmem:s22], [sflag:$0x4] =	stream.linear.gather [hbm4b:s21+s4], $0x50, $0x38;
	[tilespmem:$0x1EFF0] =	vst v63  }
0x2e: {  	_ =	swait.ge [sflag:s3], $0x50  }
0x2f: {  	[sflag:s3] =	ssyncset.done $0x0  }
0x30: {  	[sflag:s3] =	ssyncadd.s32 $0xFFFFFFB0  }
0x31: {  	[bflag:$0x0] =	sbarrier.arrive $0xFFFF  }
0x32: {  	v0 =	vld [tilespmem:$0x320]  }
0x33: {  	v2 =	vld [tilespmem:$0x330]  }
0x34: {  	v3 =	vld [tilespmem:$0x340]  }
0x35: {  	v4 =	vld [tilespmem:$0x350];
	s23 =	rddreg [dreg:$0x9]  }
0x36: {  	v1 =	vld [tilespmem:$0x360];
	[tilespmem:s4], [sflag:$0x2] =	stream.linear.gather [hbm4b:s23+s4], $0x50, $0x38  }
0x37: {  	s24 =	rddreg [dreg:$0xa]  }
0x38: {  	[tilespmem:s0], [sflag:$0x2] =	stream.linear.gather [hbm4b:s24+s4], $0x50, $0x38;
	[tilespmem:$0x1EFF0] =	vst v63  }
0x39: {  	s29 =	simm.s32 $0xA0;
	s25 =	rddreg [dreg:$0xb]  }
0x3a: {  	[tilespmem:s29], [sflag:$0x2] =	stream.linear.gather [hbm4b:s25+s4], $0x50, $0x38;
	[tilespmem:$0x1EFF0] =	vst v63  }
0x3b: {  	s31 =	simm.s32 $0xF0;
	s30 =	rddreg [dreg:$0xc]  }
0x3c: {  	[tilespmem:s31], [sflag:$0x2] =	stream.linear.gather [hbm4b:s30+s4], $0x50, $0x38;
	[tilespmem:$0x1EFF0] =	vst v63  }
0x3d: {  	_ =	swait.ge [sflag:s10], $0x50  }
0x3e: {  	[sflag:s10] =	ssyncset.done $0x0  }
0x3f: {  	[sflag:s10] =	ssyncadd.s32 $0xFFFFFFB0  }
0x40: {  	_ =	swait.ge [sflag:s10], $0x50  }
0x41: {  	[sflag:s10] =	ssyncset.done $0x0  }
0x42: {  	[sflag:s10] =	ssyncadd.s32 $0xFFFFFFB0  }
0x43: {  	_ =	swait.ge [sflag:s10], $0x50  }
.Ltmp0:
0x44: {  	[sflag:s10] =	ssyncset.done $0x0;
	(pc) =	sbr.rel .LBB2_2-.Ltmp0, $4  }
0x45: {  	[sflag:s10] =	ssyncadd.s32 $0xFFFFFFB0  }
0x46: {  	_ =	swait.ge [sflag:s10], $0x50  }
0x47: {  	[sflag:s10] =	ssyncset.done $0x0  }
0x48: {  	p1 =	por $0x1, $0x1;
	s24 =	simm.s32 $0x0;
	[sflag:s10] =	ssyncadd.s32 $0xFFFFFFB0  }
.LBB2_6:
0x49: {  	s1 =	rddreg [dreg:$0xe]  }
0x4a: {  	[tilespmem:s25], [sflag:$0x2] =	stream.linear.gather [hbm4b:s1+s4], $0x50, $0x38;
	[tilespmem:$0x1EFF0] =	vst v63  }
0x4b: {  	s22 =	sadd.s32 $0x50, s25;
	s2 =	rddreg [dreg:$0x10]  }
0x4c: {  	[tilespmem:s22], [sflag:$0x2] =	stream.linear.gather [hbm4b:s2+s4], $0x50, $0x38;
	[tilespmem:$0x1EFF0] =	vst v63  }
0x4d: {  	s23 =	rddreg [dreg:$0x11];
	s29 =	simm.s32 $0x1E0  }
0x4e: {  	[tilespmem:s29], [sflag:$0x2] =	stream.linear.gather [hbm4b:s23+s4], $0x50, $0x38;
	[tilespmem:$0x1EFF0] =	vst v63  }
0x4f: {  	s30 =	sadd.s32 $0xF0, s25;
	s31 =	rddreg [dreg:$0x12]  }
0x50: {  	[tilespmem:s30], [sflag:$0x2] =	stream.linear.gather [hbm4b:s31+s4], $0x50, $0x38;
	[tilespmem:$0x1EFF0] =	vst v63  }
0x51: {  	_ =	swait.ge [sflag:s10], $0x50  }
0x52: {  	[sflag:s10] =	ssyncset.done $0x0  }
0x53: {  	[sflag:s10] =	ssyncadd.s32 $0xFFFFFFB0  }
0x54: {  	_ =	swait.ge [sflag:s10], $0x50  }
0x55: {  	[sflag:s10] =	ssyncset.done $0x0  }
0x56: {  	[sflag:s10] =	ssyncadd.s32 $0xFFFFFFB0  }
0x57: {  	_ =	swait.ge [sflag:s10], $0x50  }
0x58: {  	[sflag:s10] =	ssyncset.done $0x0  }
0x59: {  	[sflag:s10] =	ssyncadd.s32 $0xFFFFFFB0  }
0x5a: {  	_ =	swait.ge [sflag:s10], $0x50  }
0x5b: {  	[sflag:s10] =	ssyncset.done $0x0  }
0x5c: {  	[sflag:s10] =	ssyncadd.s32 $0xFFFFFFB0  }
0x5d: {  	_ =	swait.ge [sflag:s11], $0x1400  }
0x5e: {  	[sflag:s11] =	ssyncset.done $0x0  }
0x5f: {  	[sflag:s11] =	ssyncadd.s32 $0xFFFFEC00  }
0x60: {  	_ =	swait.ge [sflag:s11], $0xA00  }
0x61: {  	[sflag:s11] =	ssyncset.done $0x0  }
0x62: {  	[sflag:s11] =	ssyncadd.s32 $0xFFFFF600  }
0x63: {  	_ =	swait.ge [sflag:s11], $0x1400  }
0x64: {  	[sflag:s11] =	ssyncset.done $0x0  }
0x65: {  	[sflag:s11] =	ssyncadd.s32 $0xFFFFEC00  }
0x66: {  	_ =	swait.ge [sflag:s11], $0xA00  }
0x67: {  	[sflag:s11] =	ssyncset.done $0x0  }
0x68: {  	[sflag:s11] =	ssyncadd.s32 $0xFFFFF600  }
0x69: {  	_ =	swait.ge [sflag:s11], $0xA00  }
0x6a: {  	[sflag:s11] =	ssyncset.done $0x0  }
0x6b: {  	[sflag:s11] =	ssyncadd.s32 $0xFFFFF600  }
.LBB2_7:
0x6c: {  	s24 =	sadd.s32 $0x1, s24  }
0x6d: {  	p2 =	sne.s32 s24, $0x7D  }
.Ltmp1:
0x6e: {  	_ = 	snop;
	(pc) =	sbr.rel @!p2 .LBB2_8-.Ltmp1, $2  }
0x6f: {  	_ =	sdelay $0x2  }
0x70: {  	p1 =	por !p1, !p1  }
.LBB2_2:
0x71: {  	s1 =	sand.u32 $0x1, s24  }
0x72: {  	s2 =	smul.u32 $0x1400, s1  }
0x73: {  	s3 =	smul.u32 $0x500, s1;
	_ =	sdelay $0x1  }
0x74: {  	s12 =	smul.u32 $0xA00, s1;
	s5 =	sor.u32 $0x370, s2;
	s3 =	sshrl.u32 s3, $0x2  }
0x75: {  	[tilespmem:s5], [sflag:$0x1] =	stream.indirect.gather [hbm4b:s8+s0], $0x40, s3, s0, $0xb8;
	[tilespmem:$0x1EFF0] =	vst v63  }
0x76: {  	s13 =	rddreg [dreg:$0x0];
	s21 =	sadd.s32 $0x2B70, s12  }
0x77: {  	[tilespmem:s21], [sflag:$0x1] =	stream.indirect.gather [hbm4b:s9+s0], $0x20, s3, s0, $0xb8;
	[tilespmem:$0x1EFF0] =	vst v63  }
0x78: {  	p2 =	seq.s32 s24, $0x0;
	s2 =	sadd.s32 $0x3F70, s2;
	s22 =	sadd.s32 $0x50, s3  }
0x79: {  	[tilespmem:s2], [sflag:$0x1] =	stream.indirect.gather [hbm4b:s26+s0], $0x40, s22, s0, $0xb8;
	[tilespmem:$0x1EFF0] =	vst v63  }
.Ltmp2:
0x7a: {  	s29 =	sxor.u32 $0x1, s1;
	s23 =	sadd.s32 $0x6770, s12;
	(pc) =	sbr.rel @p2 .LBB2_6-.Ltmp2, $4  }
0x7b: {  	[tilespmem:s23], [sflag:$0x1] =	stream.indirect.gather [hbm4b:s13+s0], $0x20, s22, s0, $0xb8;
	[tilespmem:$0x1EFF0] =	vst v63  }
0x7c: {  	s31 =	smul.u32 $0x500, s29;
	s25 =	sadd.s32 $0x7B70, s12;
	s30 =	sadd.s32 $0xA0, s3  }
0x7d: {  	[tilespmem:s25], [sflag:$0x1] =	stream.indirect.gather [hbm4b:s28+s0], $0x20, s30, s0, $0xb8;
	[tilespmem:$0x1EFF0] =	vst v63  }
0x7e: {  	s25 =	sshrl.u32 s31, $0x2  }
0x7f: {  	s3 =	simm.s32 $0x1  }
0x80: {  	s3 =	simm.s32 @!p1 $0x0  }
0x81: {  	s1 =	smul.u32 $0x2800, s3;
	_ =	sdelay $0x1  }
0x82: {  	s2 =	sshrl.u32 s1, $0x2  }
0x83: {  	s1 =	sadd.s32 $0x7B90, s2  }
0x84: {  	s5 =	sadd.s32 $0x2B90, s2;
	v5 =	vld [tilespmem:s1+$0x0]  }
0x85: {  	s2 =	sadd.s32 $0x6790, s2;
	v6 =	vld [tilespmem:s5+$0x0]  }
0x86: {  	v7 =	vld [tilespmem:s2+$0x0]  }
0x87: {  	v8 =	vld [tilespmem:s5+$0x10]  }
0x88: {  	v9 =	vld [tilespmem:s2+$0x10];
	_ =	sdelay $0x2  }
0x89: {  	v10 =	vld [tilespmem:s1+$0x10];
	v11 =	vshll.u32 v5, $0x10;
	v12 =	vshll.u32 v6, $0x10;
	v6 =	vand.u32 $0xFFFF0000, v6  }
0x8a: {  	v13 =	vshll.u32 v7, $0x10;
	v7 =	vand.u32 $0xFFFF0000, v7;
	v14 =	vshll.u32 v8, $0x10  }
0x8b: {  	v8 =	vand.u32 $0xFFFF0000, v8;
	v12 =	vadd.f32 v13, v12;
	v13 =	vshll.u32 v9, $0x10  }
0x8c: {  	v6 =	vadd.f32 v7, v6;
	v7 =	vand.u32 $0xFFFF0000, v9;
	v9 =	vadd.f32 v13, v14  }
0x8d: {  	v5 =	vand.u32 $0xFFFF0000, v5;
	v7 =	vadd.f32 v7, v8;
	v11 =	vadd.f32 v11, v12  }
0x8e: {  	v8 =	vshll.u32 v10, $0x10;
	v10 =	vand.u32 $0xFFFF0000, v10;
	v5 =	vadd.f32 v5, v6  }
0x8f: {  	v6 =	vadd.f32 v8, v9;
	v7 =	vadd.f32 v10, v7;
	v8 =	vmax.f32 v11, $0.0e+00  }
0x90: {  	v5 =	vmax.f32 v5, $0.0e+00;
	v8 =	vmul.f32 v8, v0  }
0x91: {  	v6 =	vmax.f32 v6, $0.0e+00;
	v5 =	vmul.f32 v5, v2;
	v7 =	vmax.f32 v7, $0.0e+00  }
0x92: {  	v6 =	vmul.f32 v6, v3;
	v7 =	vmul.f32 v7, v4;
	_ =	sdelay $0x1  }
0x93: {  	v5 =	vadd.f32 v5, v8;
	v6 =	vadd.f32 v7, v6;
	_ =	sdelay $0x1  }
0x94: {  	v5 =	vadd.f32 v6, v5;
	_ =	sdelay $0x1  }
0x95: {  	(xrf2) =	vadd.scan.msk.f32 $0xffff, v5;
	_ =	sdelay $0x7  }
0x96: {  	v9 =	vld [tilespmem:s2+$0xFFFFFFF0]  }
0x97: {  	v8 =	vld [tilespmem:s5+$0xFFFFFFF0]  }
0x98: {  	v7 =	vld [tilespmem:s5+$0xFFFFFFE0];
	v5, _, _ =	vpop (xrf2)  }
0x99: {  	v11 =	vld [tilespmem:s1+$0xFFFFFFF0];
	v5 =	vbroadcast v5, $0xF  }
0x9a: {  	v6 =	vld [tilespmem:s2+$0xFFFFFFE0]  }
0x9b: {  	v5 =	vadd.f32 v5, v1  }
0x9c: {  	v15 =	vshll.u32 v9, $0x10;
	v9 =	vand.u32 $0xFFFF0000, v9;
	v14 =	vshll.u32 v8, $0x10  }
0x9d: {  	v10 =	vld [tilespmem:s1+$0xFFFFFFE0];
	v8 =	vand.u32 $0xFFFF0000, v8;
	v12 =	vshll.u32 v7, $0x10;
	v5 =	vsub.f32 $0.0e+00, v5  }
0x9e: {  	v7 =	vand.u32 $0xFFFF0000, v7;
	v8 =	vadd.f32 v9, v8;
	v9 =	vand.u32 $0xFFFF0000, v11  }
0x9f: {  	s5 =	sadd.s32 $0x40, s5;
	v13 =	vshll.u32 v6, $0x10;
	v6 =	vand.u32 $0xFFFF0000, v6;
	v5 =	vmul.f32 $1.442695020e+00, v5  }
0xa0: {  	v8 =	vadd.f32 v9, v8;
	v9 =	vld [tilespmem:s5+$0x0];
	v6 =	vadd.f32 v6, v7  }
0xa1: {  	s2 =	sadd.s32 $0x40, s2;
	v7 =	vadd.f32 v15, v14;
	(erf) = vpow2.f32 v5;
	v5 =	vadd.f32 v13, v12  }
0xa2: {  	s1 =	sadd.s32 $0x40, s1;
	v12 =	vshll.u32 v10, $0x10;
	v10 =	vand.u32 $0xFFFF0000, v10;
	v13 =	vshll.u32 v11, $0x10;
	v11 =	vld [tilespmem:s2+$0x0]  }
0xa3: {  	v6 =	vadd.f32 v10, v6;
	v7 =	vadd.f32 v13, v7;
	v10 =	vld [tilespmem:s1+$0x0]  }
0xa4: {  	v8 =	vmax.f32 v8, $0.0e+00;
	v13 =	vld [tilespmem:s2+$0x10];
	v5 =	vadd.f32 v12, v5  }
0xa5: {  	v8 =	vmul.f32 v8, v4;
	v15 =	vshll.u32 v9, $0x10;
	v12 =	vld [tilespmem:s5+$0x10];
	v7 =	vmax.f32 v7, $0.0e+00  }
0xa6: {  	v6 =	vmax.f32 v6, $0.0e+00;
	v5 =	vmax.f32 v5, $0.0e+00;
	v7 =	vmul.f32 v7, v3  }
0xa7: {  	v9 =	vand.u32 $0xFFFF0000, v9;
	v6 =	vmul.f32 v6, v2;
	v5 =	vmul.f32 v5, v0  }
0xa8: {  	v16 =	vshll.u32 v11, $0x10;
	v11 =	vand.u32 $0xFFFF0000, v11;
	v7 =	vadd.f32 v8, v7  }
0xa9: {  	v8 =	vld [tilespmem:s1+$0x10];
	v14 =	vshll.u32 v10, $0x10;
	v15 =	vadd.f32 v16, v15;
	v16 =	vshll.u32 v13, $0x10  }
0xaa: {  	v9 =	vadd.f32 v11, v9;
	v11 =	vand.u32 $0xFFFF0000, v13;
	v17 =	vshll.u32 v12, $0x10  }
0xab: {  	v5 =	vadd.f32 v6, v5;
	v12 =	vand.u32 $0xFFFF0000, v12;
	v13 =	vadd.f32 v16, v17  }
0xac: {  	v10 =	vand.u32 $0xFFFF0000, v10;
	v14 =	vadd.f32 v14, v15;
	v11 =	vadd.f32 v11, v12  }
0xad: {  	v9 =	vadd.f32 v10, v9;
	v6 =	vpop (erf);
	v5 =	vadd.f32 v7, v5  }
0xae: {  	s3 =	smul.u32 $0x5000, s3;
	v6 =	vadd.f32 $1.000000000e+00, v6;
	v12 =	vshll.u32 v8, $0x10;
	v8 =	vand.u32 $0xFFFF0000, v8  }
0xaf: {  	v9 =	vmax.f32 v9, $0.0e+00;
	v10 =	vadd.f32 v12, v13;
	v8 =	vadd.f32 v8, v11  }
0xb0: {  	s3 =	sshrl.u32 s3, $0x2;
	v9 =	vmul.f32 v9, v2;
	v11 =	vmax.f32 v14, $0.0e+00;
	(erf) = vrcp.f32 v6  }
0xb1: {  	s19 =	sadd.s32 $0x3FB0, s3;
	v6 =	vmul.f32 v11, v0;
	v10 =	vmax.f32 v10, $0.0e+00;
	v8 =	vmax.f32 v8, $0.0e+00  }
0xb2: {  	s21 =	sor.u32 $0x3B0, s3;
	(xrf2) =	vadd.scan.msk.f32 $0xffff, v5;
	v5 =	vld [tilespmem:s19+$0x0];
	v7 =	vmul.f32 v10, v3;
	v8 =	vmul.f32 v8, v4  }
0xb3: {  	v10 =	vld [tilespmem:s21+$0x0]  }
0xb4: {  	v6 =	vadd.f32 v9, v6;
	v7 =	vadd.f32 v8, v7;
	_ =	sdelay $0x1  }
0xb5: {  	v6 =	vadd.f32 v7, v6;
	_ =	sdelay $0x1  }
0xb6: {  	v7 =	vshll.u32 v5, $0x10;
	v5 =	vand.u32 $0xFFFF0000, v5;
	v8 =	vand.u32 $0xFFFF0000, v10;
	(xrf2) =	vadd.scan.msk.f32 $0xffff, v6  }
0xb7: {  	v6 =	vshll.u32 v10, $0x10;
	v5 =	vmul.f32 v5, v8  }
0xb8: {  	v12 =	vld [tilespmem:s2+$0xFFFFFFF0];
	v9 =	vpop (erf);
	v6 =	vmul.f32 v7, v6  }
0xb9: {  	v8 =	vld [tilespmem:s5+$0xFFFFFFE0];
	v5 =	vmul.f32 v9, v5  }
0xba: {  	s30 =	simm.s32 $0x8FF0;
	v10 =	vld [tilespmem:s5+$0xFFFFFFF0];
	v6 =	vmul.f32 v9, v6  }
0xbb: {  	v7 =	vld [tilespmem:s2+$0xFFFFFFE0];
	[tilespmem:s30+$0x10] =	vst v5  }
0xbc: {  	[tilespmem:s30+$0x0] =	vst v6  }
0xbd: {  	v18 =	vshll.u32 v12, $0x10;
	v11, _, _ =	vpop (xrf2);
	v5 =	vld [tilespmem:s21+$0x10]  }
0xbe: {  	v12 =	vand.u32 $0xFFFF0000, v12;
	v6 =	vbroadcast v11, $0xF;
	v13 =	vshll.u32 v8, $0x10;
	v14 =	vld [tilespmem:s19+$0x10]  }
0xbf: {  	v8 =	vand.u32 $0xFFFF0000, v8;
	v16 =	vshll.u32 v10, $0x10;
	v10 =	vand.u32 $0xFFFF0000, v10  }
0xc0: {  	v15 =	vshll.u32 v7, $0x10;
	v7 =	vand.u32 $0xFFFF0000, v7;
	v6 =	vadd.f32 v6, v1;
	v17, _, _ =	vpop (xrf2)  }
0xc1: {  	v11 =	vld [tilespmem:s1+$0xFFFFFFE0];
	v16 =	vadd.f32 v18, v16;
	v10 =	vadd.f32 v12, v10;
	v17 =	vbroadcast v17, $0xF  }
0xc2: {  	v7 =	vadd.f32 v7, v8;
	v6 =	vsub.f32 $0.0e+00, v6  }
0xc3: {  	v19 =	vshll.u32 v5, $0x10;
	v20 =	vshll.u32 v14, $0x10;
	v17 =	vadd.f32 v17, v1  }
0xc4: {  	v8 =	vld [tilespmem:s1+$0xFFFFFFF0];
	v5 =	vand.u32 $0xFFFF0000, v5;
	v14 =	vand.u32 $0xFFFF0000, v14;
	v19 =	vmul.f32 v20, v19  }
0xc5: {  	v13 =	vadd.f32 v15, v13;
	v5 =	vmul.f32 v14, v5;
	v17 =	vsub.f32 $0.0e+00, v17  }
0xc6: {  	v15 =	vshll.u32 v11, $0x10;
	v6 =	vmul.f32 $1.442695020e+00, v6;
	v14 =	vmul.f32 v9, v19  }
0xc7: {  	v11 =	vand.u32 $0xFFFF0000, v11;
	v5 =	vmul.f32 v9, v5;
	v17 =	vmul.f32 $1.442695020e+00, v17  }
0xc8: {  	v12 =	vadd.f32 v15, v13;
	v7 =	vadd.f32 v11, v7;
	(erf) = vpow2.f32 v6;
	[tilespmem:s30+$0x20] =	vst v14  }
0xc9: {  	v18 =	vshll.u32 v8, $0x10;
	v8 =	vand.u32 $0xFFFF0000, v8;
	v6 =	vld [tilespmem:s21+$0xFFFFFFC0];
	[tilespmem:s30+$0x30] =	vst v5;
	(erf) = vpow2.f32 v17  }
0xca: {  	v5 =	vadd.f32 v8, v10;
	v10 =	vld [tilespmem:s21+$0x20]  }
0xcb: {  	s16 =	sadd.s32 $0x40, s5;
	v11 =	vadd.f32 v18, v16;
	v7 =	vmax.f32 v7, $0.0e+00;
	v8 =	vmax.f32 v12, $0.0e+00;
	v12 =	vld [tilespmem:s19+$0x20]  }
0xcc: {  	v20 =	vld [tilespmem:s16+$0x10];
	v15 =	vmul.f32 v7, v2  }
0xcd: {  	s14 =	sadd.s32 $0x40, s1;
	v11 =	vmax.f32 v11, $0.0e+00;
	v14 =	vmul.f32 v8, v0;
	v5 =	vmax.f32 v5, $0.0e+00  }
0xce: {  	v16 =	vld [tilespmem:s14+$0x0];
	v11 =	vmul.f32 v11, v3;
	v5 =	vmul.f32 v5, v4  }
0xcf: {  	s2 =	sadd.s32 $0x40, s2;
	v8 =	vshll.u32 v6, $0x10;
	v7 =	vand.u32 $0xFFFF0000, v6;
	v6 =	vld [tilespmem:s16+$0x0];
	v14 =	vadd.f32 v15, v14  }
0xd0: {  	v5 =	vadd.f32 v5, v11;
	v11 =	vld [tilespmem:s2+$0x0];
	v15 =	vshll.u32 v10, $0x10;
	v18 =	vshll.u32 v12, $0x10  }
0xd1: {  	v22 =	vshll.u32 v20, $0x10;
	v10 =	vand.u32 $0xFFFF0000, v10;
	v19 =	vpop (erf);
	v15 =	vmul.f32 v18, v15  }
0xd2: {  	v21 =	vld [tilespmem:s2+$0x10];
	v12 =	vand.u32 $0xFFFF0000, v12;
	v18 =	vadd.f32 $1.000000000e+00, v19;
	v5 =	vadd.f32 v5, v14;
	v19 =	vpop (erf)  }
0xd3: {  	v10 =	vmul.f32 v12, v10;
	v14 =	vmul.f32 v9, v15;
	v12 =	vadd.f32 $1.000000000e+00, v19  }
0xd4: {  	(erf) = vrcp.f32 v18;
	v15 =	vshll.u32 v16, $0x10;
	v18 =	vld [tilespmem:s14+$0x10];
	v16 =	vand.u32 $0xFFFF0000, v16  }
0xd5: {  	s20 =	sadd.s32 $0x80, s21;
	v19 =	vshll.u32 v11, $0x10;
	(erf) = vrcp.f32 v12;
	v12 =	vshll.u32 v6, $0x10  }
0xd6: {  	(xrf2) =	vadd.scan.msk.f32 $0xffff, v5;
	v5 =	vld [tilespmem:s20+$0x0];
	v11 =	vand.u32 $0xFFFF0000, v11;
	v6 =	vand.u32 $0xFFFF0000, v6;
	v12 =	vadd.f32 v19, v12  }
0xd7: {  	v19 =	vand.u32 $0xFFFF0000, v20;
	v6 =	vadd.f32 v11, v6;
	v11 =	vand.u32 $0xFFFF0000, v21  }
0xd8: {  	s12 =	sadd.s32 $0x80, s19;
	v20 =	vshll.u32 v21, $0x10;
	v11 =	vadd.f32 v11, v19;
	v12 =	vadd.f32 v15, v12  }
0xd9: {  	v21 =	vld [tilespmem:s12+$0x0];
	v15 =	vshll.u32 v18, $0x10;
	v18 =	vand.u32 $0xFFFF0000, v18;
	v6 =	vadd.f32 v16, v6  }
0xda: {  	v20 =	vadd.f32 v20, v22;
	v11 =	vadd.f32 v18, v11  }
0xdb: {  	v13 =	vld [tilespmem:s19+$0xFFFFFFC0];
	v16 =	vshll.u32 v5, $0x10;
	v6 =	vmax.f32 v6, $0.0e+00  }
0xdc: {  	v15 =	vadd.f32 v15, v20;
	v19 =	vmul.f32 v6, v2;
	v6 =	vmax.f32 v11, $0.0e+00  }
0xdd: {  	v12 =	vmax.f32 v12, $0.0e+00;
	v22 =	vmul.f32 v6, v4;
	v6 =	vand.u32 $0xFFFF0000, v5  }
0xde: {  	v20 =	vld [tilespmem:s16+$0xFFFFFFE0];
	v12 =	vmul.f32 v12, v0;
	v15 =	vmax.f32 v15, $0.0e+00;
	v11 =	vshll.u32 v21, $0x10  }
0xdf: {  	v18 =	vld [tilespmem:s2+$0xFFFFFFE0];
	v21 =	vand.u32 $0xFFFF0000, v21;
	v15 =	vmul.f32 v15, v3;
	v5 =	vpop (erf);
	v11 =	vmul.f32 v11, v16  }
0xe0: {  	v23 =	vld [tilespmem:s16+$0xFFFFFFF0];
	v17 =	vshll.u32 v13, $0x10;
	v21 =	vmul.f32 v21, v6;
	v6 =	vpop (erf)  }
0xe1: {  	v12 =	vadd.f32 v19, v12;
	v15 =	vadd.f32 v22, v15;
	v11 =	vmul.f32 v6, v11  }
0xe2: {  	s17 =	simm.s32 $0x90F0;
	v13 =	vand.u32 $0xFFFF0000, v13;
	v8 =	vmul.f32 v17, v8;
	v16 =	vld [tilespmem:s2+$0xFFFFFFF0];
	v21 =	vmul.f32 v6, v21  }
0xe3: {  	v7 =	vmul.f32 v13, v7;
	v22 =	vld [tilespmem:s14+$0xFFFFFFE0];
	v24 =	vshll.u32 v20, $0x10;
	v12 =	vadd.f32 v15, v12;
	[tilespmem:s17+$0x0] =	vst v11  }
0xe4: {  	v20 =	vand.u32 $0xFFFF0000, v20;
	v25 =	vshll.u32 v18, $0x10;
	v15 =	vld [tilespmem:s14+$0xFFFFFFF0];
	v11 =	vand.u32 $0xFFFF0000, v18;
	[tilespmem:s17+$0x10] =	vst v21  }
0xe5: {  	v19, _, _ =	vpop (xrf2);
	v18 =	vshll.u32 v23, $0x10;
	(xrf2) =	vadd.scan.msk.f32 $0xffff, v12;
	v12 =	vand.u32 $0xFFFF0000, v23;
	v23 =	vadd.f32 v25, v24;
	v24 =	vld [tilespmem:s20+$0x10]  }
0xe6: {  	v10 =	vmul.f32 v9, v10;
	v8 =	vmul.f32 v5, v8;
	v11 =	vadd.f32 v11, v20;
	v20 =	vld [tilespmem:s12+$0x10]  }
0xe7: {  	v7 =	vmul.f32 v5, v7;
	v19 =	vbroadcast v19, $0xF  }
0xe8: {  	v21 =	vshll.u32 v16, $0x10;
	v16 =	vand.u32 $0xFFFF0000, v16;
	v25 =	vshll.u32 v22, $0x10  }
0xe9: {  	v18 =	vadd.f32 v21, v18;
	v21 =	vand.u32 $0xFFFF0000, v22;
	v12 =	vadd.f32 v16, v12  }
0xea: {  	v22 =	vadd.f32 v25, v23;
	v16 =	vshll.u32 v15, $0x10;
	v11 =	vadd.f32 v21, v11  }
0xeb: {  	v16 =	vadd.f32 v16, v18;
	v18 =	vshll.u32 v24, $0x10;
	v21 =	vshll.u32 v20, $0x10  }
0xec: {  	v19 =	vadd.f32 v19, v1;
	v15 =	vand.u32 $0xFFFF0000, v15;
	v18 =	vmul.f32 v21, v18  }
0xed: {  	v12 =	vadd.f32 v15, v12;
	v15 =	vmax.f32 v22, $0.0e+00;
	v11 =	vmax.f32 v11, $0.0e+00  }
0xee: {  	[tilespmem:s30+$0x40] =	vst v14;
	v15 =	vmul.f32 v15, v0;
	v22 =	vand.u32 $0xFFFF0000, v24;
	v20 =	vand.u32 $0xFFFF0000, v20  }
0xef: {  	[tilespmem:s30+$0x50] =	vst v10;
	v14 =	vmax.f32 v16, $0.0e+00;
	v11 =	vmul.f32 v11, v2;
	v16 =	vmul.f32 v20, v22  }
0xf0: {  	[tilespmem:s30+$0xFFFFFF80] =	vst v8;
	v10 =	vmax.f32 v12, $0.0e+00;
	v14 =	vmul.f32 v14, v3;
	v12 =	vmul.f32 v6, v18;
	v18, _, _ =	vpop (xrf2)  }
0xf1: {  	v17 =	vld [tilespmem:s19+$0x30];
	[tilespmem:s30+$0xFFFFFF90] =	vst v7;
	v10 =	vmul.f32 v10, v4;
	v18 =	vbroadcast v18, $0xF  }
0xf2: {  	v7 =	vld [tilespmem:s21+$0xFFFFFFD0];
	v19 =	vsub.f32 $0.0e+00, v19;
	v11 =	vadd.f32 v11, v15  }
0xf3: {  	v20 =	vld [tilespmem:s21+$0x30];
	v16 =	vmul.f32 v6, v16;
	v10 =	vadd.f32 v10, v14;
	[tilespmem:s17+$0x20] =	vst v12;
	v12 =	vadd.f32 v18, v1  }
0xf4: {  	v15 =	vld [tilespmem:s20+$0xFFFFFFC0]  }
0xf5: {  	v19 =	vmul.f32 $1.442695020e+00, v19;
	v14 =	vld [tilespmem:s12+$0xFFFFFFC0];
	[tilespmem:s17+$0x30] =	vst v16;
	v10 =	vadd.f32 v10, v11;
	v11 =	vsub.f32 $0.0e+00, v12  }
0xf6: {  	v18 =	vld [tilespmem:s12+$0x20]  }
0xf7: {  	(erf) = vpow2.f32 v19;
	v16 =	vld [tilespmem:s20+$0x20];
	v8 =	vmul.f32 $1.442695020e+00, v11  }
0xf8: {  	s23 =	sadd.s32 $0x40, s2;
	v13 =	vand.u32 $0xFFFF0000, v17;
	v12 =	vand.u32 $0xFFFF0000, v20  }
0xf9: {  	v24 =	vld [tilespmem:s23+$0x0];
	(xrf2) =	vadd.scan.msk.f32 $0xffff, v10;
	v10 =	vmul.f32 v13, v12;
	(erf) = vpow2.f32 v8  }
0xfa: {  	v21 =	vshll.u32 v7, $0x10;
	v12 =	vld [tilespmem:s19+$0xFFFFFFD0];
	v11 =	vand.u32 $0xFFFF0000, v15  }
0xfb: {  	v13 =	vmul.f32 v10, v9;
	v10 =	vshll.u32 v14, $0x10;
	v19 =	vshll.u32 v18, $0x10  }
0xfc: {  	s13 =	sadd.s32 $0x80, s12;
	v27 =	vld [tilespmem:s23+$0x10];
	v14 =	vand.u32 $0xFFFF0000, v14;
	v8 =	vshll.u32 v15, $0x10;
	v15 =	vshll.u32 v16, $0x10  }
0xfd: {  	s31 =	sadd.s32 $0x80, s20;
	v11 =	vmul.f32 v14, v11;
	v14 =	vand.u32 $0xFFFF0000, v16;
	v16 =	vand.u32 $0xFFFF0000, v18;
	v18 =	vld [tilespmem:s13+$0x0]  }
0xfe: {  	s22 =	sadd.s32 $0x40, s14;
	v7 =	vand.u32 $0xFFFF0000, v7;
	v10 =	vmul.f32 v10, v8;
	v8 =	vmul.f32 v19, v15;
	v15 =	vld [tilespmem:s31+$0x0]  }
0xff: {  	s14 =	sadd.s32 $0x40, s16;
	v31 =	vshll.u32 v24, $0x10;
	v14 =	vmul.f32 v16, v14;
	v19 =	vld [tilespmem:s22+$0x0];
	v22 =	vshll.u32 v12, $0x10  }
0x100: {  	v24 =	vand.u32 $0xFFFF0000, v24;
	v12 =	vand.u32 $0xFFFF0000, v12;
	v16 =	vpop (erf);
	v21 =	vmul.f32 v22, v21;
	v22 =	vld [tilespmem:s14+$0x0]  }
0x101: {  	v8 =	vmul.f32 v6, v8;
	v14 =	vmul.f32 v6, v14;
	v16 =	vadd.f32 $1.000000000e+00, v16  }
0x102: {  	v12 =	vmul.f32 v12, v7;
	v7 =	vld [tilespmem:s14+$0x10];
	v28 =	vshll.u32 v18, $0x10;
	v18 =	vand.u32 $0xFFFF0000, v18;
	v25 =	vpop (erf)  }
0x103: {  	[tilespmem:s17+$0x50] =	vst v14;
	v14 =	vand.u32 $0xFFFF0000, v27;
	(erf) = vrcp.f32 v16;
	v25 =	vadd.f32 $1.000000000e+00, v25  }
0x104: {  	v23 =	vld [tilespmem:s22+$0x10];
	v26 =	vshll.u32 v15, $0x10;
	v15 =	vand.u32 $0xFFFF0000, v15;
	v29 =	vshll.u32 v19, $0x10  }
0x105: {  	v30 =	vand.u32 $0xFFFF0000, v19;
	v19 =	vshll.u32 v22, $0x10;
	(erf) = vrcp.f32 v25  }
0x106: {  	[tilespmem:s17+$0x40] =	vst v8;
	v15 =	vmul.f32 v18, v15;
	v22 =	vand.u32 $0xFFFF0000, v22;
	v8 =	vadd.f32 v31, v19  }
0x107: {  	v32 =	vshll.u32 v7, $0x10;
	v19 =	vshll.u32 v27, $0x10;
	v22 =	vadd.f32 v24, v22  }
0x108: {  	v7 =	vand.u32 $0xFFFF0000, v7;
	v24 =	vadd.f32 v19, v32;
	v8 =	vadd.f32 v29, v8  }
0x109: {  	v7 =	vadd.f32 v14, v7;
	v22 =	vadd.f32 v30, v22;
	v25 =	vshll.u32 v23, $0x10  }
0x10a: {  	v23 =	vand.u32 $0xFFFF0000, v23;
	v24 =	vadd.f32 v25, v24;
	v8 =	vmax.f32 v8, $0.0e+00  }
0x10b: {  	v18 =	vld [tilespmem:s14+$0xFFFFFFE0];
	v16, _, _ =	vpop (xrf2);
	v23 =	vadd.f32 v23, v7;
	v27 =	vmul.f32 v8, v0;
	v8 =	vmax.f32 v22, $0.0e+00  }
0x10c: {  	v17 =	vshll.u32 v17, $0x10;
	v16 =	vbroadcast v16, $0xF;
	v29 =	vld [tilespmem:s23+$0xFFFFFFF0];
	v25 =	vmul.f32 v28, v26  }
0x10d: {  	v26 =	vld [tilespmem:s23+$0xFFFFFFE0];
	v7 =	vpop (erf);
	v22 =	vmax.f32 v24, $0.0e+00;
	v28 =	vmul.f32 v8, v2;
	v23 =	vmax.f32 v23, $0.0e+00  }
0x10e: {  	v20 =	vshll.u32 v20, $0x10;
	v24 =	vld [tilespmem:s14+$0xFFFFFFF0];
	v22 =	vmul.f32 v22, v3;
	v23 =	vmul.f32 v23, v4;
	v8 =	vpop (erf)  }
0x10f: {  	v21 =	vmul.f32 v5, v21;
	v16 =	vadd.f32 v16, v1;
	v25 =	vmul.f32 v8, v25  }
0x110: {  	s16 =	simm.s32 $0x91F0;
	v30 =	vld [tilespmem:s22+$0xFFFFFFE0];
	v27 =	vadd.f32 v28, v27;
	v22 =	vadd.f32 v23, v22;
	v15 =	vmul.f32 v8, v15  }
0x111: {  	v12 =	vmul.f32 v5, v12;
	v16 =	vsub.f32 $0.0e+00, v16;
	v33 =	vshll.u32 v29, $0x10;
	[tilespmem:s16+$0x0] =	vst v25  }
0x112: {  	v28 =	vshll.u32 v18, $0x10;
	v18 =	vand.u32 $0xFFFF0000, v18;
	v22 =	vadd.f32 v22, v27;
	v25 =	vld [tilespmem:s22+$0xFFFFFFF0];
	[tilespmem:s16+$0x10] =	vst v15  }
0x113: {  	v46 =	vshll.u32 v24, $0x10;
	v15 =	vshll.u32 v26, $0x10;
	v26 =	vand.u32 $0xFFFF0000, v26;
	v27 =	vld [tilespmem:s31+$0x10]  }
0x114: {  	v24 =	vand.u32 $0xFFFF0000, v24;
	(xrf2) =	vadd.scan.msk.f32 $0xffff, v22;
	v22 =	vadd.f32 v33, v46;
	v34 =	vld [tilespmem:s13+$0x10];
	v18 =	vadd.f32 v26, v18  }
0x115: {  	v15 =	vadd.f32 v15, v28;
	v28 =	vand.u32 $0xFFFF0000, v29;
	v26 =	vand.u32 $0xFFFF0000, v30  }
0x116: {  	v10 =	vmul.f32 v7, v10;
	v24 =	vadd.f32 v28, v24;
	v18 =	vadd.f32 v26, v18  }
0x117: {  	v19 =	vld [tilespmem:s20+$0x30];
	v29 =	vshll.u32 v30, $0x10;
	v30 =	vshll.u32 v25, $0x10;
	v25 =	vand.u32 $0xFFFF0000, v25  }
0x118: {  	v15 =	vadd.f32 v29, v15;
	v18 =	vmax.f32 v18, $0.0e+00;
	v24 =	vadd.f32 v25, v24  }
0x119: {  	v25 =	vshll.u32 v27, $0x10;
	v26 =	vshll.u32 v34, $0x10;
	v27 =	vand.u32 $0xFFFF0000, v27  }
0x11a: {  	[tilespmem:s30+$0xFFFFFFA0] =	vst v21;
	v14 =	vld [tilespmem:s12+$0x30];
	v28 =	vand.u32 $0xFFFF0000, v34;
	v18 =	vmul.f32 v18, v2;
	v25 =	vmul.f32 v26, v25  }
0x11b: {  	[tilespmem:s30+$0xFFFFFFB0] =	vst v12;
	v15 =	vmax.f32 v15, $0.0e+00;
	v22 =	vadd.f32 v30, v22;
	v26 =	vmul.f32 v28, v27  }
0x11c: {  	v31 =	vand.u32 $0xFFFF0000, v19;
	v15 =	vmul.f32 v15, v0;
	v27 =	vld [tilespmem:s21+$0xFFFFFFE0];
	v25 =	vmul.f32 v8, v25  }
0x11d: {  	v21 =	vld [tilespmem:s31+$0xFFFFFFC0];
	v22 =	vmax.f32 v22, $0.0e+00;
	v24 =	vmax.f32 v24, $0.0e+00;
	v26 =	vmul.f32 v8, v26  }
0x11e: {  	v12 =	vld [tilespmem:s13+$0xFFFFFFC0];
	v15 =	vadd.f32 v18, v15;
	v22 =	vmul.f32 v22, v3;
	v24 =	vmul.f32 v24, v4;
	v18, _, _ =	vpop (xrf2);
	[tilespmem:s16+$0x20] =	vst v25  }
0x11f: {  	v23 =	vand.u32 $0xFFFF0000, v14;
	v25 =	vmul.f32 v17, v20;
	v20 =	vld [tilespmem:s19+$0xFFFFFFE0];
	[tilespmem:s16+$0x30] =	vst v26;
	v18 =	vbroadcast v18, $0xF  }
0x120: {  	v11 =	vmul.f32 v7, v11;
	v17 =	vmul.f32 v23, v31;
	v22 =	vadd.f32 v24, v22;
	v24 =	vld [tilespmem:s31+$0x20]  }
0x121: {  	[tilespmem:s17+$0xFFFFFF80] =	vst v10;
	v23 =	vmul.f32 $1.442695020e+00, v16;
	v26 =	vld [tilespmem:s13+$0x20];
	v10 =	vshll.u32 v27, $0x10;
	v18 =	vadd.f32 v18, v1  }
0x122: {  	v16 =	vmul.f32 v17, v6;
	v17 =	vshll.u32 v21, $0x10;
	v21 =	vand.u32 $0xFFFF0000, v21  }
0x123: {  	s23 =	sadd.s32 $0x40, s23;
	v22 =	vadd.f32 v22, v15;
	v15 =	vshll.u32 v12, $0x10;
	v18 =	vsub.f32 $0.0e+00, v18  }
0x124: {  	v47 =	vld [tilespmem:s23+$0x10];
	(erf) = vpow2.f32 v23;
	v12 =	vand.u32 $0xFFFF0000, v12;
	v15 =	vmul.f32 v15, v17  }
0x125: {  	v53 =	vld [tilespmem:s23+$0xFFFFFFF0];
	[tilespmem:s17+$0xFFFFFF90] =	vst v11;
	v17 =	vmul.f32 v12, v21;
	v12 =	vshll.u32 v20, $0x10;
	v11 =	vmul.f32 $1.442695020e+00, v18  }
0x126: {  	(xrf2) =	vadd.scan.msk.f32 $0xffff, v22;
	v22 =	vld [tilespmem:s20+$0xFFFFFFD0];
	v18 =	vshll.u32 v24, $0x10;
	v21 =	vshll.u32 v26, $0x10;
	v23 =	vand.u32 $0xFFFF0000, v24  }
0x127: {  	v24 =	vand.u32 $0xFFFF0000, v26;
	v10 =	vmul.f32 v12, v10;
	v12 =	vld [tilespmem:s12+$0xFFFFFFD0];
	v18 =	vmul.f32 v21, v18  }
0x128: {  	v21 =	vmul.f32 v24, v23  }
0x129: {  	(erf) = vpow2.f32 v11;
	v11 =	vmul.f32 v8, v18  }
0x12a: {  	s5 =	sadd.s32 $0x40, s22;
	v19 =	vshll.u32 v19, $0x10;
	v21 =	vmul.f32 v8, v21  }
0x12b: {  	v14 =	vshll.u32 v14, $0x10;
	v32 =	vand.u32 $0xFFFF0000, v47;
	v56 =	vshll.u32 v53, $0x10;
	v26 =	vld [tilespmem:s5+$0x0];
	[tilespmem:s16+$0x40] =	vst v11  }
0x12c: {  	s3 =	sadd.s32 $0x80, s13;
	v34 =	vand.u32 $0xFFFF0000, v53;
	v11 =	vshll.u32 v22, $0x10;
	[tilespmem:s16+$0x50] =	vst v21;
	v21 =	vshll.u32 v12, $0x10  }
0x12d: {  	s2 =	sadd.s32 $0x80, s31;
	v20 =	vand.u32 $0xFFFF0000, v20;
	v24 =	vld [tilespmem:s3+$0x0];
	v18 =	vand.u32 $0xFFFF0000, v27;
	v11 =	vmul.f32 v21, v11  }
0x12e: {  	v23 =	vld [tilespmem:s2+$0x0];
	v18 =	vmul.f32 v20, v18;
	v20 =	vmul.f32 v5, v10;
	v22 =	vand.u32 $0xFFFF0000, v22  }
0x12f: {  	s22 =	sadd.s32 $0x40, s14;
	v10 =	vpop (erf);
	v12 =	vand.u32 $0xFFFF0000, v12;
	v28 =	vmul.f32 v7, v11;
	v11 =	vmul.f32 v14, v19;
	v14 =	vld [tilespmem:s23+$0x0]  }
0x130: {  	v35 =	vshll.u32 v26, $0x10;
	v10 =	vadd.f32 $1.000000000e+00, v10;
	v19 =	vmul.f32 v25, v9;
	v9 =	vld [tilespmem:s22+$0x10]  }
0x131: {  	v29 =	vld [tilespmem:s22+$0x0];
	v26 =	vand.u32 $0xFFFF0000, v26;
	v27 =	vmul.f32 v5, v18;
	v21 =	vmul.f32 v12, v22  }
0x132: {  	v30 =	vshll.u32 v24, $0x10;
	v24 =	vand.u32 $0xFFFF0000, v24;
	(erf) = vrcp.f32 v10;
	v31 =	vpop (erf)  }
0x133: {  	v10 =	vld [tilespmem:s5+$0x10];
	v21 =	vmul.f32 v7, v21;
	v25 =	vshll.u32 v23, $0x10;
	v31 =	vadd.f32 $1.000000000e+00, v31  }
0x134: {  	v23 =	vand.u32 $0xFFFF0000, v23;
	v36 =	vshll.u32 v14, $0x10;
	v14 =	vand.u32 $0xFFFF0000, v14  }
0x135: {  	v51 =	vshll.u32 v9, $0x10;
	v9 =	vand.u32 $0xFFFF0000, v9;
	(erf) = vrcp.f32 v31  }
0x136: {  	v18 =	vld [tilespmem:s31+$0x30];
	v31 =	vshll.u32 v29, $0x10;
	v29 =	vand.u32 $0xFFFF0000, v29;
	v9 =	vadd.f32 v32, v9  }
0x137: {  	v31 =	vadd.f32 v36, v31;
	v14 =	vadd.f32 v14, v29;
	v29 =	vshll.u32 v47, $0x10  }
0x138: {  	v22, _, _ =	vpop (xrf2);
	v50 =	vshll.u32 v10, $0x10;
	v10 =	vand.u32 $0xFFFF0000, v10;
	v29 =	vadd.f32 v29, v51  }
0x139: {  	v12 =	vld [tilespmem:s13+$0x30];
	v22 =	vbroadcast v22, $0xF;
	v10 =	vadd.f32 v10, v9;
	v31 =	vadd.f32 v35, v31  }
0x13a: {  	v52 =	vld [tilespmem:s22+$0xFFFFFFF0];
	v25 =	vmul.f32 v30, v25;
	v14 =	vadd.f32 v26, v14;
	v29 =	vadd.f32 v50, v29  }
0x13b: {  	v23 =	vmul.f32 v24, v23;
	v22 =	vadd.f32 v22, v1;
	v48 =	vand.u32 $0xFFFF0000, v18  }
0x13c: {  	v54 =	vld [tilespmem:s5+$0xFFFFFFE0];
	v31 =	vmax.f32 v31, $0.0e+00;
	v14 =	vmax.f32 v14, $0.0e+00;
	v29 =	vmax.f32 v29, $0.0e+00  }
0x13d: {  	v26 =	vld [tilespmem:s22+$0xFFFFFFE0];
	v9 =	vpop (erf);
	v31 =	vmul.f32 v31, v0;
	v24 =	vmul.f32 v29, v3;
	v29 =	vmax.f32 v10, $0.0e+00  }
0x13e: {  	v30 =	vld [tilespmem:s23+$0xFFFFFFE0];
	v49 =	vand.u32 $0xFFFF0000, v12;
	v14 =	vmul.f32 v14, v2;
	v29 =	vmul.f32 v29, v4;
	v10 =	vpop (erf)  }
0x13f: {  	v22 =	vsub.f32 $0.0e+00, v22;
	v32 =	vand.u32 $0xFFFF0000, v52;
	v25 =	vmul.f32 v10, v25  }
0x140: {  	s14 =	simm.s32 $0x92F0;
	v14 =	vadd.f32 v14, v31;
	v23 =	vmul.f32 v10, v23;
	v24 =	vadd.f32 v29, v24  }
0x141: {  	v33 =	vmul.f32 v49, v48;
	v32 =	vadd.f32 v34, v32;
	v22 =	vmul.f32 $1.442695020e+00, v22;
	v31 =	vld [tilespmem:s5+$0xFFFFFFF0];
	[tilespmem:s14+$0x0] =	vst v25  }
0x142: {  	v35 =	vand.u32 $0xFFFF0000, v54;
	v55 =	vshll.u32 v26, $0x10;
	[tilespmem:s14+$0x10] =	vst v23;
	v14 =	vadd.f32 v24, v14  }
0x143: {  	v26 =	vand.u32 $0xFFFF0000, v26;
	v29 =	vshll.u32 v30, $0x10;
	v30 =	vand.u32 $0xFFFF0000, v30;
	v24 =	vld [tilespmem:s2+$0x10]  }
0x144: {  	v29 =	vadd.f32 v29, v55;
	v26 =	vadd.f32 v30, v26;
	v23 =	vshll.u32 v52, $0x10;
	v57 =	vld [tilespmem:s3+$0x10];
	(xrf2) =	vadd.scan.msk.f32 $0xffff, v14  }
0x145: {  	v17 =	vmul.f32 v9, v17;
	v30 =	vshll.u32 v54, $0x10;
	v23 =	vadd.f32 v56, v23  }
0x146: {  	v58 =	vshll.u32 v31, $0x10;
	v26 =	vadd.f32 v35, v26;
	v14 =	vadd.f32 v30, v29  }
0x147: {  	(erf) = vpow2.f32 v22;
	v29 =	vand.u32 $0xFFFF0000, v31;
	v23 =	vadd.f32 v58, v23  }
0x148: {  	v25 =	vld [tilespmem:s2+$0xFFFFFFC0];
	v29 =	vadd.f32 v29, v32;
	v26 =	vmax.f32 v26, $0.0e+00;
	v14 =	vmax.f32 v14, $0.0e+00  }
0x149: {  	v31 =	vld [tilespmem:s3+$0xFFFFFFC0];
	v26 =	vmul.f32 v26, v2;
	v59 =	vshll.u32 v24, $0x10;
	v60 =	vshll.u32 v57, $0x10  }
0x14a: {  	[tilespmem:s17+$0xFFFFFFA0] =	vst v28;
	v24 =	vand.u32 $0xFFFF0000, v24;
	v28 =	vand.u32 $0xFFFF0000, v57;
	v32 =	vmul.f32 v60, v59  }
0x14b: {  	[tilespmem:s17+$0xFFFFFFB0] =	vst v21;
	v23 =	vmax.f32 v23, $0.0e+00;
	v14 =	vmul.f32 v14, v0;
	v24 =	vmul.f32 v28, v24  }
0x14c: {  	[tilespmem:s30+$0xFFFFFFC0] =	vst v20;
	v20 =	vld [tilespmem:s20+$0xFFFFFFE0];
	v21 =	vmax.f32 v29, $0.0e+00;
	v23 =	vmul.f32 v23, v3;
	v28 =	vmul.f32 v10, v32  }
0x14d: {  	[tilespmem:s30+$0xFFFFFFD0] =	vst v27;
	v27 =	vld [tilespmem:s12+$0xFFFFFFE0];
	v21 =	vmul.f32 v21, v4;
	v24 =	vmul.f32 v10, v24  }
0x14e: {  	v61 =	vld [tilespmem:s21+$0xFFFFFFF0];
	v30 =	vshll.u32 v25, $0x10;
	v29 =	vshll.u32 v31, $0x10;
	v26 =	vadd.f32 v26, v14;
	[tilespmem:s14+$0x20] =	vst v28;
	v62, _, _ =	vpop (xrf2)  }
0x14f: {  	v21 =	vadd.f32 v21, v23;
	v28 =	vld [tilespmem:s19+$0xFFFFFFF0];
	[tilespmem:s14+$0x30] =	vst v24;
	v24 =	vmul.f32 v9, v15;
	v23 =	vbroadcast v62, $0xF  }
0x150: {  	v25 =	vand.u32 $0xFFFF0000, v25;
	v31 =	vand.u32 $0xFFFF0000, v31;
	v14 =	vmul.f32 v29, v30;
	v29 =	vld [tilespmem:s2+$0x20]  }
0x151: {  	v15 =	vmul.f32 v31, v25;
	v25 =	vld [tilespmem:s3+$0x20];
	[tilespmem:s16+$0xFFFFFF80] =	vst v24;
	v24 =	vadd.f32 v21, v26;
	v21 =	vadd.f32 v23, v1  }
0x152: {  	v33 =	vmul.f32 v33, v8;
	[tilespmem:s16+$0xFFFFFF90] =	vst v17;
	v17 =	vshll.u32 v27, $0x10;
	v22 =	vshll.u32 v20, $0x10  }
0x153: {  	[tilespmem:s30+$0x70] =	vst v13;
	v26 =	vand.u32 $0xFFFF0000, v27;
	v23 =	vand.u32 $0xFFFF0000, v20;
	v27 =	vsub.f32 $0.0e+00, v21  }
0x154: {  	v31 =	vmul.f32 v17, v22;
	v30 =	vld [tilespmem:s31+$0xFFFFFFD0];
	v20 =	vshll.u32 v61, $0x10;
	(xrf2) =	vadd.scan.msk.f32 $0xffff, v24;
	v63 =	vmul.f32 v26, v23  }
0x155: {  	[tilespmem:s17+$0x70] =	vst v16;
	v16 =	vld [tilespmem:s13+$0xFFFFFFD0];
	v23 =	vshll.u32 v28, $0x10;
	v22 =	vand.u32 $0xFFFF0000, v28;
	v13 =	vmul.f32 $1.442695020e+00, v27  }
0x156: {  	v21 =	vand.u32 $0xFFFF0000, v61;
	v17 =	vshll.u32 v29, $0x10;
	v26 =	vshll.u32 v25, $0x10  }
0x157: {  	[tilespmem:s30+$0x60] =	vst v19;
	v19 =	vand.u32 $0xFFFF0000, v29;
	v25 =	vand.u32 $0xFFFF0000, v25;
	v26 =	vmul.f32 v26, v17  }
0x158: {  	v19 =	vmul.f32 v25, v19;
	v17 =	vshll.u32 v18, $0x10;
	v18 =	vmul.f32 v7, v31  }
0x159: {  	[tilespmem:s16+$0x70] =	vst v33;
	s19 =	sadd.s32 $0x80, s2;
	v27 =	vand.u32 $0xFFFF0000, v30;
	v28 =	vmul.f32 v10, v26;
	(erf) = vpow2.f32 v13;
	v13 =	vpop (erf)  }
0x15a: {  	s21 =	sadd.s32 $0x80, s3;
	v24 =	vld [tilespmem:s19+$0x0];
	v29 =	vshll.u32 v16, $0x10;
	v25 =	vmul.f32 v10, v19;
	[tilespmem:s17+$0xFFFFFFC0] =	vst v18;
	v13 =	vadd.f32 $1.000000000e+00, v13  }
0x15b: {  	s1 =	simm.s32 $0x8;
	s5 =	sadd.s32 $0x40, s5;
	v26 =	vshll.u32 v30, $0x10;
	v19 =	vld [tilespmem:s21+$0x0];
	v18 =	vmul.f32 v7, v63;
	[tilespmem:s14+$0x40] =	vst v28;
	v28 =	vand.u32 $0xFFFF0000, v16  }
.LBB2_4:
0x15c: {  	v30 =	vld [tilespmem:s5+$0x0];
	[tilespmem:s14+$0x50] =	vst v25;
	(erf) = vrcp.f32 v13;
	v16 =	vmul.f32 v29, v26;
	v25 =	vshll.u32 v12, $0x10  }
0x15d: {  	v26 =	vmul.f32 v28, v27;
	v13 =	vld [tilespmem:s2+$0x30];
	[tilespmem:s17+$0xFFFFFFD0] =	vst v18;
	v18 =	vmul.f32 v23, v20  }
0x15e: {  	v21 =	vmul.f32 v22, v21;
	v20, _, _ =	vpop (xrf2);
	v12 =	vld [tilespmem:s3+$0x30];
	v16 =	vmul.f32 v9, v16  }
0x15f: {  	s22 =	sadd.s32 $0x40, s22;
	v23 =	vmul.f32 v9, v26;
	v22 =	vld [tilespmem:s5+$0x10];
	v20 =	vbroadcast v20, $0xF  }
0x160: {  	s23 =	sadd.s32 $0x40, s23;
	v17 =	vmul.f32 v25, v17;
	v18 =	vmul.f32 v18, v5;
	v26 =	vld [tilespmem:s22+$0x0];
	[tilespmem:s16+$0xFFFFFFA0] =	vst v16  }
0x161: {  	v32 =	vmul.f32 v11, v6;
	v31 =	vmul.f32 v21, v5;
	v25 =	vld [tilespmem:s23+$0x0];
	v16 =	vadd.f32 v20, v1;
	[tilespmem:s16+$0xFFFFFFB0] =	vst v23  }
0x162: {  	v21 =	vshll.u32 v24, $0x10;
	v23 =	vand.u32 $0xFFFF0000, v24;
	v24 =	vshll.u32 v19, $0x10;
	v20 =	vld [tilespmem:s22+$0x10];
	v11 =	vpop (erf);
	[tilespmem:s30+$0xFFFFFFE0] =	vst v18  }
0x163: {  	v5 =	vmovc v7;
	v28 =	vand.u32 $0xFFFF0000, v13;
	v18 =	vld [tilespmem:s23+$0x10];
	v27 =	vadd.f32 $1.000000000e+00, v11;
	v29 =	vand.u32 $0xFFFF0000, v12;
	[tilespmem:s30+$0xFFFFFFF0] =	vst v31;
	v11 =	vmovc v17;
	s30 =	smov.u32 s17;
	s17 =	smov.u32 s16;
	s16 =	smov.u32 s14  }
0x164: {  	v6 =	vmovc v8;
	v7 =	vmovc v9;
	v19 =	vand.u32 $0xFFFF0000, v19;
	v31 =	vshll.u32 v30, $0x10;
	v17 =	vld [tilespmem:s23+$0xFFFFFFE0];
	v28 =	vmul.f32 v29, v28;
	[tilespmem:s30+$0x60] =	vst v32  }
0x165: {  	v30 =	vand.u32 $0xFFFF0000, v30;
	v32 =	vshll.u32 v22, $0x10;
	v29 =	vld [tilespmem:s22+$0xFFFFFFF0];
	(erf) = vrcp.f32 v27;
	v9 =	vpop (erf)  }
0x166: {  	v8 =	vmovc v10;
	v33 =	vshll.u32 v26, $0x10;
	v26 =	vand.u32 $0xFFFF0000, v26;
	v27 =	vld [tilespmem:s23+$0xFFFFFFF0];
	v28 =	vmul.f32 v28, v10  }
0x167: {  	v10 =	vshll.u32 v25, $0x10;
	v25 =	vand.u32 $0xFFFF0000, v25;
	v34 =	vld [tilespmem:s22+$0xFFFFFFE0];
	v35 =	vshll.u32 v20, $0x10  }
0x168: {  	v10 =	vadd.f32 v10, v33;
	v20 =	vand.u32 $0xFFFF0000, v20;
	v36 =	vld [tilespmem:s5+$0xFFFFFFE0];
	v33 =	vshll.u32 v18, $0x10;
	[tilespmem:s14+$0x70] =	vst v28  }
0x169: {  	v25 =	vadd.f32 v25, v26;
	v18 =	vand.u32 $0xFFFF0000, v18;
	v28 =	vld [tilespmem:s5+$0xFFFFFFF0];
	v26 =	vadd.f32 v33, v35  }
0x16a: {  	v22 =	vand.u32 $0xFFFF0000, v22;
	v10 =	vadd.f32 v31, v10;
	v18 =	vadd.f32 v18, v20;
	v20 =	vld [tilespmem:s19+$0xFFFFFFC0]  }
0x16b: {  	s1 =	sadd.s32 $0x2, s1;
	v21 =	vmul.f32 v24, v21;
	v25 =	vadd.f32 v30, v25;
	v26 =	vadd.f32 v32, v26;
	v30 =	vld [tilespmem:s21+$0xFFFFFFC0]  }
0x16c: {  	p2 =	slt.u32 s1, $0x4E;
	v19 =	vmul.f32 v19, v23;
	v18 =	vadd.f32 v22, v18;
	v32 =	vmax.f32 v10, $0.0e+00;
	v22 =	vld [tilespmem:s31+$0xFFFFFFE0]  }
0x16d: {  	v31 =	vmax.f32 v25, $0.0e+00;
	v23 =	vmul.f32 v32, v0;
	v24 =	vmax.f32 v26, $0.0e+00;
	v25 =	vld [tilespmem:s13+$0xFFFFFFE0]  }
0x16e: {  	v26 =	vmul.f32 v31, v2;
	v18 =	vmax.f32 v18, $0.0e+00;
	v24 =	vmul.f32 v24, v3;
	v10 =	vpop (erf);
	v31 =	vld [tilespmem:s20+$0xFFFFFFF0];
	s20 =	smov.u32 s31;
	s31 =	smov.u32 s2;
	s2 =	smov.u32 s19  }
0x16f: {  	v32 =	vshll.u32 v34, $0x10;
	v18 =	vmul.f32 v18, v4;
	v21 =	vmul.f32 v10, v21;
	v33 =	vld [tilespmem:s12+$0xFFFFFFF0];
	s12 =	smov.u32 s13;
	s13 =	smov.u32 s3;
	s3 =	smov.u32 s21  }
0x170: {  	s14 =	sadd.s32 $0x100, s14;
	v35 =	vshll.u32 v17, $0x10;
	v34 =	vand.u32 $0xFFFF0000, v34;
	v19 =	vmul.f32 v10, v19  }
0x171: {  	v17 =	vand.u32 $0xFFFF0000, v17;
	v23 =	vadd.f32 v26, v23;
	v18 =	vadd.f32 v18, v24;
	[tilespmem:s14+$0x0] =	vst v21  }
0x172: {  	v26 =	vshll.u32 v27, $0x10;
	v24 =	vand.u32 $0xFFFF0000, v29;
	v21 =	vshll.u32 v29, $0x10;
	[tilespmem:s14+$0x10] =	vst v19  }
0x173: {  	v27 =	vand.u32 $0xFFFF0000, v27;
	v19 =	vadd.f32 v35, v32;
	v18 =	vadd.f32 v18, v23;
	v23 =	vld [tilespmem:s19+$0x10]  }
0x174: {  	v17 =	vadd.f32 v17, v34;
	v29 =	vshll.u32 v36, $0x10;
	v21 =	vadd.f32 v26, v21;
	v26 =	vld [tilespmem:s21+$0x10]  }
0x175: {  	v34 =	vshll.u32 v28, $0x10;
	v24 =	vadd.f32 v27, v24;
	v32 =	vand.u32 $0xFFFF0000, v36;
	(xrf2) =	vadd.scan.msk.f32 $0xffff, v18  }
0x176: {  	v17 =	vadd.f32 v32, v17;
	v18 =	vadd.f32 v29, v19;
	v19 =	vand.u32 $0xFFFF0000, v28  }
0x177: {  	v21 =	vadd.f32 v34, v21;
	v19 =	vadd.f32 v19, v24;
	v24 =	vshll.u32 v20, $0x10  }
0x178: {  	v16 =	vsub.f32 $0.0e+00, v16;
	v17 =	vmax.f32 v17, $0.0e+00;
	v18 =	vmax.f32 v18, $0.0e+00  }
0x179: {  	v21 =	vmax.f32 v21, $0.0e+00;
	v27 =	vshll.u32 v23, $0x10;
	v28 =	vshll.u32 v26, $0x10  }
0x17a: {  	v23 =	vand.u32 $0xFFFF0000, v23;
	v26 =	vand.u32 $0xFFFF0000, v26;
	v27 =	vmul.f32 v28, v27  }
0x17b: {  	v18 =	vmul.f32 v18, v0;
	v19 =	vmax.f32 v19, $0.0e+00;
	v23 =	vmul.f32 v26, v23  }
0x17c: {  	v17 =	vmul.f32 v17, v2;
	v20 =	vand.u32 $0xFFFF0000, v20;
	v26 =	vmul.f32 v10, v27  }
0x17d: {  	v21 =	vmul.f32 v21, v3;
	v27 =	vshll.u32 v30, $0x10;
	v23 =	vmul.f32 v10, v23  }
0x17e: {  	v16 =	vmul.f32 $1.442695020e+00, v16;
	v19 =	vmul.f32 v19, v4;
	v17 =	vadd.f32 v17, v18;
	[tilespmem:s14+$0x20] =	vst v26  }
0x17f: {  	v26 =	vand.u32 $0xFFFF0000, v30;
	v18, _, _ =	vpop (xrf2);
	[tilespmem:s14+$0x30] =	vst v23;
	v23 =	vmul.f32 v9, v14;
	v14 =	vmul.f32 v27, v24  }
0x180: {  	v19 =	vadd.f32 v19, v21;
	v18 =	vbroadcast v18, $0xF;
	v24 =	vld [tilespmem:s19+$0x20];
	(erf) = vpow2.f32 v16  }
0x181: {  	v21 =	vmul.f32 v9, v15;
	v15 =	vmul.f32 v26, v20;
	v16 =	vld [tilespmem:s21+$0x20];
	[tilespmem:s16+$0xFFFFFF80] =	vst v23;
	v23 =	vshll.u32 v22, $0x10  }
0x182: {  	v17 =	vadd.f32 v19, v17;
	v19 =	vand.u32 $0xFFFF0000, v22;
	v18 =	vadd.f32 v18, v1  }
0x183: {  	v20 =	vshll.u32 v31, $0x10;
	v22 =	vand.u32 $0xFFFF0000, v25;
	[tilespmem:s16+$0xFFFFFF90] =	vst v21;
	v21 =	vshll.u32 v25, $0x10  }
0x184: {  	v30 =	vmul.f32 v22, v19;
	v18 =	vsub.f32 $0.0e+00, v18;
	(xrf2) =	vadd.scan.msk.f32 $0xffff, v17;
	v27 =	vld [tilespmem:s31+$0xFFFFFFD0];
	v25 =	vmul.f32 v21, v23  }
0x185: {  	v22 =	vand.u32 $0xFFFF0000, v33;
	v21 =	vand.u32 $0xFFFF0000, v31;
	v23 =	vshll.u32 v33, $0x10;
	v28 =	vld [tilespmem:s13+$0xFFFFFFD0]  }
0x186: {  	v17 =	vshll.u32 v24, $0x10;
	v18 =	vmul.f32 $1.442695020e+00, v18;
	v19 =	vshll.u32 v16, $0x10  }
.Ltmp3:
0x187: {  	v24 =	vand.u32 $0xFFFF0000, v24;
	v16 =	vand.u32 $0xFFFF0000, v16;
	v19 =	vmul.f32 v19, v17;
	(pc) =	sbr.rel @p2 .LBB2_4-.Ltmp3, $4  }
0x188: {  	v29 =	vmul.f32 v7, v25;
	v16 =	vmul.f32 v16, v24;
	v17 =	vshll.u32 v13, $0x10  }
0x189: {  	s19 =	sadd.s32 $0x80, s19;
	(erf) = vpow2.f32 v18;
	v18 =	vmul.f32 v10, v19;
	v13 =	vpop (erf);
	v26 =	vshll.u32 v27, $0x10  }
0x18a: {  	s21 =	sadd.s32 $0x80, s21;
	v25 =	vmul.f32 v10, v16;
	v27 =	vand.u32 $0xFFFF0000, v27;
	v24 =	vld [tilespmem:s19+$0x0];
	v13 =	vadd.f32 $1.000000000e+00, v13;
	[tilespmem:s17+$0xFFFFFFC0] =	vst v29  }
0x18b: {  	s5 =	sadd.s32 $0x40, s5;
	v29 =	vshll.u32 v28, $0x10;
	v28 =	vand.u32 $0xFFFF0000, v28;
	v19 =	vld [tilespmem:s21+$0x0];
	[tilespmem:s14+$0x40] =	vst v18;
	v18 =	vmul.f32 v7, v30  }
0x18c: {  	_ =	sdelay $0x1  }
0x18d: {  	v16, _, _ =	vpop (xrf2)  }
0x18e: {  	v16 =	vbroadcast v16, $0xF;
	_ =	sdelay $0x1  }
0x18f: {  	v16 =	vadd.f32 v16, v1;
	_ =	sdelay $0x1  }
0x190: {  	v30 =	vpop (erf);
	v16 =	vsub.f32 $0.0e+00, v16  }
0x191: {  	v30 =	vadd.f32 $1.000000000e+00, v30  }
0x192: {  	(erf) = vrcp.f32 v13;
	v43 =	vmul.f32 $1.442695020e+00, v16  }
0x193: {  	(erf) = vrcp.f32 v30  }
0x194: {  	(erf) = vpow2.f32 v43;
	_ =	sdelay $0x6  }
0x195: {  	v16 =	vpop (erf)  }
0x196: {  	v13 =	vpop (erf)  }
0x197: {  	v44 =	vshll.u32 v24, $0x10;
	v31 =	vshll.u32 v19, $0x10;
	v45 =	vpop (erf)  }
0x198: {  	v30 =	vmul.f32 v31, v44;
	v31 =	vadd.f32 $1.000000000e+00, v45;
	_ =	sdelay $0x1  }
0x199: {  	v46 =	vand.u32 $0xFFFF0000, v24;
	v47 =	vand.u32 $0xFFFF0000, v19;
	(erf) = vrcp.f32 v31  }
0x19a: {  	v49 =	vld [tilespmem:s19+$0xFFFFFFC0];
	v19 =	vmul.f32 v47, v46  }
0x19b: {  	v50 =	vld [tilespmem:s21+$0xFFFFFFC0];
	v48 =	vmul.f32 v13, v30  }
0x19c: {  	s1 =	sadd.s32 $0x100, s14;
	[tilespmem:s14+$0x50] =	vst v25;
	v19 =	vmul.f32 v13, v19  }
0x19d: {  	v26 =	vmul.f32 v29, v26;
	v51 =	vmul.f32 v28, v27;
	[tilespmem:s1+$0x0] =	vst v48  }
0x19e: {  	v21 =	vmul.f32 v22, v21;
	v25 =	vld [tilespmem:s2+$0x30];
	v56 =	vmul.f32 v16, v14;
	[tilespmem:s1+$0x10] =	vst v19  }
0x19f: {  	v6 =	vmul.f32 v11, v6;
	[tilespmem:s17+$0xFFFFFFD0] =	vst v18;
	v15 =	vmul.f32 v16, v15;
	v52 =	vld [tilespmem:s19+$0x10]  }
0x1a0: {  	v53 =	vmul.f32 v9, v26;
	v57 =	vshll.u32 v49, $0x10;
	v58 =	vshll.u32 v50, $0x10;
	[tilespmem:s14+$0xFFFFFF80] =	vst v56;
	v54 =	vld [tilespmem:s21+$0x10]  }
0x1a1: {  	v22 =	vld [tilespmem:s3+$0x30];
	v59 =	vand.u32 $0xFFFF0000, v49;
	v24 =	vand.u32 $0xFFFF0000, v50;
	v14 =	vmul.f32 v58, v57;
	[tilespmem:s14+$0xFFFFFF90] =	vst v15  }
0x1a2: {  	v55 =	vshll.u32 v12, $0x10;
	[tilespmem:s17+$0x60] =	vst v6;
	v24 =	vmul.f32 v24, v59;
	v63 =	vld [tilespmem:s2+$0xFFFFFFD0];
	v19 =	vmul.f32 v9, v51;
	v12 =	vpop (erf)  }
0x1a3: {  	v17 =	vmul.f32 v55, v17;
	[tilespmem:s16+$0xFFFFFFA0] =	vst v53;
	v34 =	vld [tilespmem:s3+$0xFFFFFFD0];
	v14 =	vmul.f32 v12, v14  }
0x1a4: {  	v20 =	vmul.f32 v23, v20;
	v51 =	vld [tilespmem:s20+$0xFFFFFFF0];
	[tilespmem:s16+$0xFFFFFFB0] =	vst v19;
	v24 =	vmul.f32 v12, v24  }
0x1a5: {  	v6 =	vmul.f32 v17, v8;
	v35 =	vld [tilespmem:s31+$0xFFFFFFE0];
	v60 =	vshll.u32 v52, $0x10;
	v61 =	vshll.u32 v54, $0x10;
	[tilespmem:s1+$0xFFFFFF80] =	vst v14  }
0x1a6: {  	v62 =	vand.u32 $0xFFFF0000, v52;
	v33 =	vand.u32 $0xFFFF0000, v54;
	v52 =	vld [tilespmem:s12+$0xFFFFFFF0];
	v15 =	vmul.f32 v61, v60;
	[tilespmem:s1+$0xFFFFFF90] =	vst v24  }
0x1a7: {  	v37 =	vand.u32 $0xFFFF0000, v25;
	v38 =	vand.u32 $0xFFFF0000, v22;
	v19 =	vmul.f32 v33, v62;
	v39 =	vld [tilespmem:s19+$0xFFFFFFD0]  }
0x1a8: {  	v40 =	vmul.f32 v38, v37;
	v15 =	vmul.f32 v13, v15;
	v41 =	vld [tilespmem:s21+$0xFFFFFFD0]  }
0x1a9: {  	v27 =	vand.u32 $0xFFFF0000, v63;
	v26 =	vand.u32 $0xFFFF0000, v34;
	v19 =	vmul.f32 v13, v19  }
0x1aa: {  	v36 =	vld [tilespmem:s13+$0xFFFFFFE0];
	v42 =	vshll.u32 v63, $0x10;
	v43 =	vshll.u32 v34, $0x10;
	v26 =	vmul.f32 v26, v27;
	[tilespmem:s1+$0x20] =	vst v15  }
0x1ab: {  	v57 =	vshll.u32 v51, $0x10;
	[tilespmem:s1+$0x30] =	vst v19;
	v19 =	vmul.f32 v43, v42;
	v59 =	vshll.u32 v52, $0x10  }
0x1ac: {  	v26 =	vmul.f32 v16, v26;
	v45 =	vshll.u32 v35, $0x10;
	v44 =	vld [tilespmem:s19+$0x20];
	v63 =	vmul.f32 v59, v57  }
0x1ad: {  	v46 =	vld [tilespmem:s21+$0x20];
	v48 =	vmul.f32 v16, v19;
	v49 =	vshll.u32 v39, $0x10;
	v50 =	vshll.u32 v41, $0x10  }
0x1ae: {  	[tilespmem:s14+$0xFFFFFFB0] =	vst v26;
	v29 =	vand.u32 $0xFFFF0000, v39;
	v15 =	vand.u32 $0xFFFF0000, v41;
	v19 =	vmul.f32 v50, v49  }
0x1af: {  	v47 =	vshll.u32 v36, $0x10;
	v14 =	vmul.f32 v20, v5;
	[tilespmem:s14+$0xFFFFFFA0] =	vst v48;
	v15 =	vmul.f32 v15, v29  }
0x1b0: {  	v28 =	vand.u32 $0xFFFF0000, v35;
	v5 =	vmul.f32 v21, v5;
	v55 =	vld [tilespmem:s2+$0xFFFFFFE0];
	v19 =	vmul.f32 v12, v19  }
0x1b1: {  	v24 =	vmul.f32 v47, v45;
	v20 =	vand.u32 $0xFFFF0000, v36;
	v56 =	vld [tilespmem:s3+$0xFFFFFFE0];
	v15 =	vmul.f32 v12, v15  }
0x1b2: {  	v20 =	vmul.f32 v20, v28;
	v53 =	vshll.u32 v44, $0x10;
	v54 =	vshll.u32 v46, $0x10;
	[tilespmem:s1+$0xFFFFFFA0] =	vst v19  }
0x1b3: {  	v23 =	vand.u32 $0xFFFF0000, v44;
	v21 =	vand.u32 $0xFFFF0000, v46;
	v18 =	vmul.f32 v54, v53;
	[tilespmem:s1+$0xFFFFFFB0] =	vst v15  }
0x1b4: {  	v24 =	vmul.f32 v9, v24;
	v21 =	vmul.f32 v21, v23;
	v61 =	vld [tilespmem:s19+$0xFFFFFFE0]  }
0x1b5: {  	v25 =	vshll.u32 v25, $0x10;
	v20 =	vmul.f32 v9, v20;
	v18 =	vmul.f32 v13, v18;
	v32 =	vld [tilespmem:s21+$0xFFFFFFE0]  }
0x1b6: {  	[tilespmem:s16+$0xFFFFFFC0] =	vst v24;
	v21 =	vmul.f32 v13, v21;
	v26 =	vand.u32 $0xFFFF0000, v55;
	v23 =	vand.u32 $0xFFFF0000, v56  }
0x1b7: {  	[tilespmem:s16+$0xFFFFFFD0] =	vst v20;
	v34 =	vshll.u32 v55, $0x10;
	v35 =	vshll.u32 v56, $0x10;
	v23 =	vmul.f32 v23, v26  }
0x1b8: {  	v11 =	vmul.f32 v40, v10;
	v58 =	vand.u32 $0xFFFF0000, v51;
	v38 =	vld [tilespmem:s31+$0xFFFFFFF0];
	[tilespmem:s1+$0x40] =	vst v18;
	v19 =	vmul.f32 v35, v34  }
0x1b9: {  	v62 =	vshll.u32 v22, $0x10;
	v37 =	vmul.f32 v63, v7;
	v42 =	vld [tilespmem:s13+$0xFFFFFFF0];
	[tilespmem:s1+$0x50] =	vst v21;
	v39 =	vmul.f32 v16, v23  }
0x1ba: {  	v33 =	vld [tilespmem:s19+$0x30];
	v19 =	vmul.f32 v16, v19;
	v40 =	vshll.u32 v61, $0x10;
	v41 =	vshll.u32 v32, $0x10  }
0x1bb: {  	v36 =	vld [tilespmem:s21+$0x30];
	[tilespmem:s14+$0xFFFFFFD0] =	vst v39;
	v18 =	vand.u32 $0xFFFF0000, v61;
	v43 =	vand.u32 $0xFFFF0000, v32;
	v23 =	vmul.f32 v41, v40  }
0x1bc: {  	v60 =	vand.u32 $0xFFFF0000, v52;
	v21 =	vmul.f32 v62, v25;
	[tilespmem:s14+$0xFFFFFFC0] =	vst v19;
	v18 =	vmul.f32 v43, v18  }
0x1bd: {  	[tilespmem:s16+$0x60] =	vst v6;
	v15 =	vmul.f32 v60, v58;
	v46 =	vld [tilespmem:s2+$0xFFFFFFF0];
	v47 =	vmul.f32 v12, v23  }
0x1be: {  	[tilespmem:s30+$0xFFFFFFE0] =	vst v14;
	v59 =	vmul.f32 v21, v10;
	v48 =	vld [tilespmem:s3+$0xFFFFFFF0];
	v49 =	vmul.f32 v12, v18  }
0x1bf: {  	v50 =	vshll.u32 v38, $0x10;
	v51 =	vshll.u32 v42, $0x10;
	v7 =	vmul.f32 v15, v7;
	[tilespmem:s1+$0xFFFFFFC0] =	vst v47  }
0x1c0: {  	v15 =	vmul.f32 v51, v50;
	v44 =	vand.u32 $0xFFFF0000, v33;
	v45 =	vand.u32 $0xFFFF0000, v36;
	[tilespmem:s1+$0xFFFFFFD0] =	vst v49  }
0x1c1: {  	[tilespmem:s30+$0xFFFFFFF0] =	vst v5;
	v14 =	vand.u32 $0xFFFF0000, v38;
	v52 =	vand.u32 $0xFFFF0000, v42;
	v5 =	vmul.f32 v45, v44;
	v55 =	vld [tilespmem:s19+$0xFFFFFFF0]  }
0x1c2: {  	v14 =	vmul.f32 v52, v14;
	v53 =	vshll.u32 v33, $0x10;
	[tilespmem:s17+$0xFFFFFFF0] =	vst v7;
	v7 =	vmul.f32 v15, v9;
	v56 =	vld [tilespmem:s21+$0xFFFFFFF0]  }
0x1c3: {  	[tilespmem:s14+$0x70] =	vst v11;
	v5 =	vmul.f32 v5, v13;
	v57 =	vshll.u32 v46, $0x10;
	v58 =	vshll.u32 v48, $0x10  }
0x1c4: {  	[tilespmem:s17+$0xFFFFFFE0] =	vst v37;
	v6 =	vand.u32 $0xFFFF0000, v46;
	v8 =	vand.u32 $0xFFFF0000, v48;
	v15 =	vmul.f32 v58, v57  }
0x1c5: {  	v54 =	vshll.u32 v36, $0x10;
	[tilespmem:s1+$0x70] =	vst v5;
	v5 =	vmul.f32 v14, v9;
	v6 =	vmul.f32 v8, v6  }
0x1c6: {  	v11 =	vmul.f32 v54, v53;
	[tilespmem:s16+$0xFFFFFFE0] =	vst v7;
	v7 =	vmul.f32 v15, v16  }
0x1c7: {  	[tilespmem:s16+$0xFFFFFFF0] =	vst v5;
	v5 =	vmul.f32 v6, v16;
	v6 =	vshll.u32 v55, $0x10;
	v60 =	vshll.u32 v56, $0x10  }
0x1c8: {  	[tilespmem:s14+$0x60] =	vst v59;
	v61 =	vand.u32 $0xFFFF0000, v55;
	v62 =	vand.u32 $0xFFFF0000, v56;
	v6 =	vmul.f32 v60, v6  }
0x1c9: {  	v63 =	vmul.f32 v11, v13;
	[tilespmem:s14+$0xFFFFFFE0] =	vst v7;
	v7 =	vmul.f32 v62, v61  }
0x1ca: {  	[tilespmem:s14+$0xFFFFFFF0] =	vst v5;
	v5 =	vmul.f32 v6, v12  }
0x1cb: {  	[tilespmem:s1+$0x60] =	vst v63;
	v6 =	vmul.f32 v7, v12  }
0x1cc: {  	[tilespmem:s1+$0xFFFFFFE0] =	vst v5  }
0x1cd: {  	[tilespmem:s1+$0xFFFFFFF0] =	vst v6  }
0x1ce: {  	v5 =	vld [tilespmem:s25+$0xF0];
	_ =	sdelay $0x1  }
0x1cf: {  	s29 =	smul.u32 $0x140, s29;
	_ =	sdelay $0x1  }
0x1d0: {  	s1 =	sshrl.u32 s29, $0x2  }
0x1d1: {  	[tilespmem:s1+$0x280] =	vst v5  }
0x1d2: {  	v5 =	vld [tilespmem:s25+$0x100];
	_ =	sdelay $0x4  }
0x1d3: {  	[tilespmem:s1+$0x290] =	vst v5  }
0x1d4: {  	v5 =	vld [tilespmem:s25+$0x110];
	_ =	sdelay $0x4  }
0x1d5: {  	[tilespmem:s1+$0x2A0] =	vst v5  }
0x1d6: {  	v5 =	vld [tilespmem:s25+$0x120];
	_ =	sdelay $0x4  }
0x1d7: {  	[tilespmem:s1+$0x2B0] =	vst v5  }
0x1d8: {  	v5 =	vld [tilespmem:s25+$0x130];
	_ =	sdelay $0x1  }
0x1d9: {  	p2 =	seq.s32 s24, $0x7C  }
0x1da: {  	s2 =	sshll.u32 @!p2 s24, $0x5;
	s3 =	rddreg [dreg:$0xd]  }
0x1db: {  	s5 =	simm.s32 $0x8F70;
	s2 =	sadd.s32 @!p2 s3, s2  }
0x1dc: {  	s31 =	rddreg [dreg:$0x3];
	s30 =	sor.u32 $0x280, s1;
	[tilespmem:s1+$0x2C0] =	vst v5;
	s1 =	smul.u32 @!p2 $0xA, s2  }
0x1dd: {  	[spmem:s31] =	stream.indirect.scatter.add.f32 [tilespmem:s5], [sflag:$0x3], $0x80, s30, s0, $0xb8;
	[tilespmem:$0x1EFF0] =	vst v63  }
0x1de: {  	s3 =	simm.s32 @!p2 $0x0;
	s2 =	sadd.s32 @!p2 s6, s1  }
0x1df: {  	[tilespmem:s25], [sflag:$0x2] =	stream.linear.gather @!p2 [hbm4b:s2+s3], $0x50, $0x38;
	[tilespmem:$0x1EFF0] =	vst v63  }
0x1e0: {  	s5 =	sadd.s32 @!p2 s7, s1;
	s2 =	sadd.s32 @!p2 $0x50, s25  }
0x1e1: {  	[tilespmem:s2], [sflag:$0x2] =	stream.linear.gather @!p2 [hbm4b:s5+s3], $0x50, $0x38;
	[tilespmem:$0x1EFF0] =	vst v63  }
0x1e2: {  	s5 =	rddreg [dreg:$0x1]  }
0x1e3: {  	s2 =	sadd.s32 @!p2 $0xA0, s25;
	s5 =	sadd.s32 @!p2 s5, s1  }
0x1e4: {  	[tilespmem:s2], [sflag:$0x2] =	stream.linear.gather @!p2 [hbm4b:s5+s3], $0x50, $0x38;
	[tilespmem:$0x1EFF0] =	vst v63  }
0x1e5: {  	s1 =	sadd.s32 @!p2 s18, s1;
	s2 =	sadd.s32 $0xF0, s25  }
0x1e6: {  	[tilespmem:s2], [sflag:$0x2] =	stream.linear.gather @!p2 [hbm4b:s1+s3], $0x50, $0x38;
	[tilespmem:$0x1EFF0] =	vst v63  }
0x1e7: {  	s1 =	simm.s32 @!p2 $0x2  }
0x1e8: {  	_ =	swait.ge @!p2 [sflag:s1], $0x50  }
0x1e9: {  	[sflag:s1] =	ssyncset.done @!p2 $0x0  }
0x1ea: {  	[sflag:s1] =	ssyncadd.s32 @!p2 $0xFFFFFFB0  }
0x1eb: {  	_ =	swait.ge @!p2 [sflag:s1], $0x50  }
0x1ec: {  	[sflag:s1] =	ssyncset.done @!p2 $0x0  }
0x1ed: {  	[sflag:s1] =	ssyncadd.s32 @!p2 $0xFFFFFFB0  }
0x1ee: {  	_ =	swait.ge @!p2 [sflag:s1], $0x50  }
0x1ef: {  	[sflag:s1] =	ssyncset.done @!p2 $0x0  }
0x1f0: {  	[sflag:s1] =	ssyncadd.s32 @!p2 $0xFFFFFFB0  }
0x1f1: {  	_ =	swait.ge @!p2 [sflag:s1], $0x50  }
0x1f2: {  	[sflag:s1] =	ssyncset.done @!p2 $0x0  }
0x1f3: {  	[sflag:s1] =	ssyncadd.s32 @!p2 $0xFFFFFFB0  }
0x1f4: {  	_ =	swait.ge [sflag:s11], $0x1400  }
0x1f5: {  	[sflag:s11] =	ssyncset.done $0x0  }
0x1f6: {  	[sflag:s11] =	ssyncadd.s32 $0xFFFFEC00  }
0x1f7: {  	_ =	swait.ge [sflag:s11], $0xA00  }
0x1f8: {  	[sflag:s11] =	ssyncset.done $0x0  }
0x1f9: {  	[sflag:s11] =	ssyncadd.s32 $0xFFFFF600  }
0x1fa: {  	_ =	swait.ge [sflag:s11], $0x1400  }
0x1fb: {  	[sflag:s11] =	ssyncset.done $0x0  }
0x1fc: {  	[sflag:s11] =	ssyncadd.s32 $0xFFFFEC00  }
0x1fd: {  	_ =	swait.ge [sflag:s11], $0xA00  }
0x1fe: {  	[sflag:s11] =	ssyncset.done $0x0  }
0x1ff: {  	[sflag:s11] =	ssyncadd.s32 $0xFFFFF600  }
0x200: {  	_ =	swait.ge [sflag:s11], $0xA00  }
.Ltmp4:
0x201: {  	[sflag:s11] =	ssyncset.done $0x0;
	(pc) =	sbr.rel .LBB2_7-.Ltmp4, $4  }
0x202: {  	[sflag:s11] =	ssyncadd.s32 $0xFFFFF600  }
0x203: {  	_ =	swait.ge [sflag:s15], $0x2800  }
0x204: {  	[sflag:s15] =	ssyncset.done $0x0  }
0x205: {  	[sflag:s15] =	ssyncadd.s32 $0xFFFFD800  }
.LBB2_8:
0x206: {  	s1 =	simm.s32 $0x7B90  }
0x207: {  	s2 =	simm.s32 $0x2B90;
	v5 =	vld [tilespmem:s1+$0x0]  }
0x208: {  	s3 =	simm.s32 $0x6790;
	v6 =	vld [tilespmem:s2+$0x0]  }
0x209: {  	v7 =	vld [tilespmem:s3+$0x0]  }
0x20a: {  	v8 =	vld [tilespmem:s2+$0x10]  }
0x20b: {  	v9 =	vld [tilespmem:s3+$0x10];
	_ =	sdelay $0x2  }
0x20c: {  	v10 =	vld [tilespmem:s1+$0x10];
	v11 =	vshll.u32 v5, $0x10;
	v12 =	vshll.u32 v6, $0x10;
	v6 =	vand.u32 $0xFFFF0000, v6  }
0x20d: {  	v13 =	vshll.u32 v7, $0x10;
	v7 =	vand.u32 $0xFFFF0000, v7;
	v14 =	vshll.u32 v8, $0x10  }
0x20e: {  	v8 =	vand.u32 $0xFFFF0000, v8;
	v12 =	vadd.f32 v13, v12;
	v13 =	vshll.u32 v9, $0x10  }
0x20f: {  	v6 =	vadd.f32 v7, v6;
	v7 =	vand.u32 $0xFFFF0000, v9;
	v9 =	vadd.f32 v13, v14  }
0x210: {  	v5 =	vand.u32 $0xFFFF0000, v5;
	v7 =	vadd.f32 v7, v8;
	v11 =	vadd.f32 v11, v12  }
0x211: {  	v8 =	vshll.u32 v10, $0x10;
	v10 =	vand.u32 $0xFFFF0000, v10;
	v5 =	vadd.f32 v5, v6  }
0x212: {  	v6 =	vadd.f32 v8, v9;
	v7 =	vadd.f32 v10, v7;
	v8 =	vmax.f32 v11, $0.0e+00  }
0x213: {  	v5 =	vmax.f32 v5, $0.0e+00;
	v8 =	vmul.f32 v8, v0  }
0x214: {  	v6 =	vmax.f32 v6, $0.0e+00;
	v5 =	vmul.f32 v5, v2;
	v7 =	vmax.f32 v7, $0.0e+00  }
0x215: {  	v6 =	vmul.f32 v6, v3;
	v7 =	vmul.f32 v7, v4;
	_ =	sdelay $0x1  }
0x216: {  	v5 =	vadd.f32 v5, v8;
	v6 =	vadd.f32 v7, v6;
	_ =	sdelay $0x1  }
0x217: {  	v5 =	vadd.f32 v6, v5;
	_ =	sdelay $0x1  }
0x218: {  	(xrf2) =	vadd.scan.msk.f32 $0xffff, v5;
	_ =	sdelay $0x7  }
0x219: {  	v9 =	vld [tilespmem:s3+$0xFFFFFFF0]  }
0x21a: {  	v8 =	vld [tilespmem:s2+$0xFFFFFFF0]  }
0x21b: {  	v7 =	vld [tilespmem:s2+$0xFFFFFFE0];
	v5, _, _ =	vpop (xrf2)  }
0x21c: {  	v11 =	vld [tilespmem:s1+$0xFFFFFFF0];
	v5 =	vbroadcast v5, $0xF  }
0x21d: {  	v6 =	vld [tilespmem:s3+$0xFFFFFFE0]  }
0x21e: {  	v5 =	vadd.f32 v5, v1  }
0x21f: {  	v15 =	vshll.u32 v9, $0x10;
	v9 =	vand.u32 $0xFFFF0000, v9;
	v14 =	vshll.u32 v8, $0x10  }
0x220: {  	v10 =	vld [tilespmem:s1+$0xFFFFFFE0];
	v8 =	vand.u32 $0xFFFF0000, v8;
	v12 =	vshll.u32 v7, $0x10;
	v5 =	vsub.f32 $0.0e+00, v5  }
0x221: {  	v7 =	vand.u32 $0xFFFF0000, v7;
	v8 =	vadd.f32 v9, v8;
	v9 =	vand.u32 $0xFFFF0000, v11  }
0x222: {  	s13 =	simm.s32 $0x2BD0;
	v13 =	vshll.u32 v6, $0x10;
	v6 =	vand.u32 $0xFFFF0000, v6;
	v5 =	vmul.f32 $1.442695020e+00, v5  }
0x223: {  	v8 =	vadd.f32 v9, v8;
	v9 =	vld [tilespmem:s13+$0x0];
	v6 =	vadd.f32 v6, v7  }
0x224: {  	s14 =	simm.s32 $0x67D0;
	v7 =	vadd.f32 v15, v14;
	(erf) = vpow2.f32 v5;
	v5 =	vadd.f32 v13, v12  }
0x225: {  	s12 =	simm.s32 $0x7BD0;
	v12 =	vshll.u32 v10, $0x10;
	v10 =	vand.u32 $0xFFFF0000, v10;
	v13 =	vshll.u32 v11, $0x10;
	v11 =	vld [tilespmem:s14+$0x0]  }
0x226: {  	v6 =	vadd.f32 v10, v6;
	v7 =	vadd.f32 v13, v7;
	v10 =	vld [tilespmem:s12+$0x0]  }
0x227: {  	v8 =	vmax.f32 v8, $0.0e+00;
	v13 =	vld [tilespmem:s14+$0x10];
	v5 =	vadd.f32 v12, v5  }
0x228: {  	v8 =	vmul.f32 v8, v4;
	v15 =	vshll.u32 v9, $0x10;
	v12 =	vld [tilespmem:s13+$0x10];
	v7 =	vmax.f32 v7, $0.0e+00  }
0x229: {  	v6 =	vmax.f32 v6, $0.0e+00;
	v5 =	vmax.f32 v5, $0.0e+00;
	v7 =	vmul.f32 v7, v3  }
0x22a: {  	v9 =	vand.u32 $0xFFFF0000, v9;
	v6 =	vmul.f32 v6, v2;
	v5 =	vmul.f32 v5, v0  }
0x22b: {  	v16 =	vshll.u32 v11, $0x10;
	v11 =	vand.u32 $0xFFFF0000, v11;
	v7 =	vadd.f32 v8, v7  }
0x22c: {  	v8 =	vld [tilespmem:s12+$0x10];
	v14 =	vshll.u32 v10, $0x10;
	v15 =	vadd.f32 v16, v15;
	v16 =	vshll.u32 v13, $0x10  }
0x22d: {  	v9 =	vadd.f32 v11, v9;
	v11 =	vand.u32 $0xFFFF0000, v13;
	v17 =	vshll.u32 v12, $0x10  }
0x22e: {  	v5 =	vadd.f32 v6, v5;
	v12 =	vand.u32 $0xFFFF0000, v12;
	v13 =	vadd.f32 v16, v17  }
0x22f: {  	v10 =	vand.u32 $0xFFFF0000, v10;
	v14 =	vadd.f32 v14, v15;
	v11 =	vadd.f32 v11, v12  }
0x230: {  	v9 =	vadd.f32 v10, v9;
	v6 =	vpop (erf);
	v5 =	vadd.f32 v7, v5  }
0x231: {  	v6 =	vadd.f32 $1.000000000e+00, v6;
	v12 =	vshll.u32 v8, $0x10;
	v8 =	vand.u32 $0xFFFF0000, v8  }
0x232: {  	v9 =	vmax.f32 v9, $0.0e+00;
	v10 =	vadd.f32 v12, v13;
	v8 =	vadd.f32 v8, v11  }
0x233: {  	v9 =	vmul.f32 v9, v2;
	v11 =	vmax.f32 v14, $0.0e+00;
	(erf) = vrcp.f32 v6  }
0x234: {  	s19 =	simm.s32 $0x3FB0;
	v6 =	vmul.f32 v11, v0;
	v10 =	vmax.f32 v10, $0.0e+00;
	v8 =	vmax.f32 v8, $0.0e+00  }
0x235: {  	s21 =	simm.s32 $0x3B0;
	(xrf2) =	vadd.scan.msk.f32 $0xffff, v5;
	v5 =	vld [tilespmem:s19+$0x0];
	v7 =	vmul.f32 v10, v3;
	v8 =	vmul.f32 v8, v4  }
0x236: {  	v10 =	vld [tilespmem:s21+$0x0]  }
0x237: {  	v6 =	vadd.f32 v9, v6;
	v7 =	vadd.f32 v8, v7;
	_ =	sdelay $0x1  }
0x238: {  	v6 =	vadd.f32 v7, v6;
	_ =	sdelay $0x1  }
0x239: {  	v7 =	vshll.u32 v5, $0x10;
	v5 =	vand.u32 $0xFFFF0000, v5;
	v8 =	vand.u32 $0xFFFF0000, v10;
	(xrf2) =	vadd.scan.msk.f32 $0xffff, v6  }
0x23a: {  	v6 =	vshll.u32 v10, $0x10;
	v5 =	vmul.f32 v5, v8  }
0x23b: {  	v12 =	vld [tilespmem:s14+$0xFFFFFFF0];
	v9 =	vpop (erf);
	v6 =	vmul.f32 v7, v6  }
0x23c: {  	v8 =	vld [tilespmem:s13+$0xFFFFFFE0];
	v5 =	vmul.f32 v9, v5  }
0x23d: {  	s24 =	simm.s32 $0x8FF0;
	v10 =	vld [tilespmem:s13+$0xFFFFFFF0];
	v6 =	vmul.f32 v9, v6  }
0x23e: {  	v7 =	vld [tilespmem:s14+$0xFFFFFFE0];
	[tilespmem:s24+$0x10] =	vst v5  }
0x23f: {  	[tilespmem:s24+$0x0] =	vst v6  }
0x240: {  	v18 =	vshll.u32 v12, $0x10;
	v11, _, _ =	vpop (xrf2);
	v5 =	vld [tilespmem:s21+$0x10]  }
0x241: {  	v12 =	vand.u32 $0xFFFF0000, v12;
	v6 =	vbroadcast v11, $0xF;
	v13 =	vshll.u32 v8, $0x10;
	v14 =	vld [tilespmem:s19+$0x10]  }
0x242: {  	v8 =	vand.u32 $0xFFFF0000, v8;
	v16 =	vshll.u32 v10, $0x10;
	v10 =	vand.u32 $0xFFFF0000, v10  }
0x243: {  	v15 =	vshll.u32 v7, $0x10;
	v7 =	vand.u32 $0xFFFF0000, v7;
	v6 =	vadd.f32 v6, v1;
	v17, _, _ =	vpop (xrf2)  }
0x244: {  	v11 =	vld [tilespmem:s12+$0xFFFFFFE0];
	v16 =	vadd.f32 v18, v16;
	v10 =	vadd.f32 v12, v10;
	v17 =	vbroadcast v17, $0xF  }
0x245: {  	v7 =	vadd.f32 v7, v8;
	v6 =	vsub.f32 $0.0e+00, v6  }
0x246: {  	v19 =	vshll.u32 v5, $0x10;
	v20 =	vshll.u32 v14, $0x10;
	v17 =	vadd.f32 v17, v1  }
0x247: {  	v8 =	vld [tilespmem:s12+$0xFFFFFFF0];
	v5 =	vand.u32 $0xFFFF0000, v5;
	v14 =	vand.u32 $0xFFFF0000, v14;
	v19 =	vmul.f32 v20, v19  }
0x248: {  	v13 =	vadd.f32 v15, v13;
	v5 =	vmul.f32 v14, v5;
	v17 =	vsub.f32 $0.0e+00, v17  }
0x249: {  	v15 =	vshll.u32 v11, $0x10;
	v6 =	vmul.f32 $1.442695020e+00, v6;
	v14 =	vmul.f32 v9, v19  }
0x24a: {  	v11 =	vand.u32 $0xFFFF0000, v11;
	v5 =	vmul.f32 v9, v5;
	v17 =	vmul.f32 $1.442695020e+00, v17  }
0x24b: {  	v12 =	vadd.f32 v15, v13;
	v7 =	vadd.f32 v11, v7;
	(erf) = vpow2.f32 v6;
	[tilespmem:s24+$0x20] =	vst v14  }
0x24c: {  	v18 =	vshll.u32 v8, $0x10;
	v8 =	vand.u32 $0xFFFF0000, v8;
	v6 =	vld [tilespmem:s21+$0xFFFFFFC0];
	[tilespmem:s24+$0x30] =	vst v5;
	(erf) = vpow2.f32 v17  }
0x24d: {  	v5 =	vadd.f32 v8, v10;
	v10 =	vld [tilespmem:s21+$0x20]  }
0x24e: {  	s17 =	simm.s32 $0x2C10;
	v11 =	vadd.f32 v18, v16;
	v7 =	vmax.f32 v7, $0.0e+00;
	v8 =	vmax.f32 v12, $0.0e+00;
	v12 =	vld [tilespmem:s19+$0x20]  }
0x24f: {  	v20 =	vld [tilespmem:s17+$0x10];
	v15 =	vmul.f32 v7, v2  }
0x250: {  	s16 =	simm.s32 $0x7C10;
	v11 =	vmax.f32 v11, $0.0e+00;
	v14 =	vmul.f32 v8, v0;
	v5 =	vmax.f32 v5, $0.0e+00  }
0x251: {  	v16 =	vld [tilespmem:s16+$0x0];
	v11 =	vmul.f32 v11, v3;
	v5 =	vmul.f32 v5, v4  }
0x252: {  	s22 =	simm.s32 $0x6810;
	v8 =	vshll.u32 v6, $0x10;
	v7 =	vand.u32 $0xFFFF0000, v6;
	v6 =	vld [tilespmem:s17+$0x0];
	v14 =	vadd.f32 v15, v14  }
0x253: {  	v5 =	vadd.f32 v5, v11;
	v11 =	vld [tilespmem:s22+$0x0];
	v15 =	vshll.u32 v10, $0x10;
	v18 =	vshll.u32 v12, $0x10  }
0x254: {  	v22 =	vshll.u32 v20, $0x10;
	v10 =	vand.u32 $0xFFFF0000, v10;
	v19 =	vpop (erf);
	v15 =	vmul.f32 v18, v15  }
0x255: {  	v21 =	vld [tilespmem:s22+$0x10];
	v12 =	vand.u32 $0xFFFF0000, v12;
	v18 =	vadd.f32 $1.000000000e+00, v19;
	v5 =	vadd.f32 v5, v14;
	v19 =	vpop (erf)  }
0x256: {  	v10 =	vmul.f32 v12, v10;
	v14 =	vmul.f32 v9, v15;
	v12 =	vadd.f32 $1.000000000e+00, v19  }
0x257: {  	(erf) = vrcp.f32 v18;
	v15 =	vshll.u32 v16, $0x10;
	v18 =	vld [tilespmem:s16+$0x10];
	v16 =	vand.u32 $0xFFFF0000, v16  }
0x258: {  	s20 =	simm.s32 $0x430;
	v19 =	vshll.u32 v11, $0x10;
	(erf) = vrcp.f32 v12;
	v12 =	vshll.u32 v6, $0x10  }
0x259: {  	(xrf2) =	vadd.scan.msk.f32 $0xffff, v5;
	v5 =	vld [tilespmem:s20+$0x0];
	v11 =	vand.u32 $0xFFFF0000, v11;
	v6 =	vand.u32 $0xFFFF0000, v6;
	v12 =	vadd.f32 v19, v12  }
0x25a: {  	v19 =	vand.u32 $0xFFFF0000, v20;
	v6 =	vadd.f32 v11, v6;
	v11 =	vand.u32 $0xFFFF0000, v21  }
0x25b: {  	s12 =	simm.s32 $0x4030;
	v20 =	vshll.u32 v21, $0x10;
	v11 =	vadd.f32 v11, v19;
	v12 =	vadd.f32 v15, v12  }
0x25c: {  	v21 =	vld [tilespmem:s12+$0x0];
	v15 =	vshll.u32 v18, $0x10;
	v18 =	vand.u32 $0xFFFF0000, v18;
	v6 =	vadd.f32 v16, v6  }
0x25d: {  	v20 =	vadd.f32 v20, v22;
	v11 =	vadd.f32 v18, v11  }
0x25e: {  	v13 =	vld [tilespmem:s19+$0xFFFFFFC0];
	v16 =	vshll.u32 v5, $0x10;
	v6 =	vmax.f32 v6, $0.0e+00  }
0x25f: {  	v15 =	vadd.f32 v15, v20;
	v19 =	vmul.f32 v6, v2;
	v6 =	vmax.f32 v11, $0.0e+00  }
0x260: {  	v12 =	vmax.f32 v12, $0.0e+00;
	v22 =	vmul.f32 v6, v4;
	v6 =	vand.u32 $0xFFFF0000, v5  }
0x261: {  	v20 =	vld [tilespmem:s17+$0xFFFFFFE0];
	v12 =	vmul.f32 v12, v0;
	v15 =	vmax.f32 v15, $0.0e+00;
	v11 =	vshll.u32 v21, $0x10  }
0x262: {  	v18 =	vld [tilespmem:s22+$0xFFFFFFE0];
	v21 =	vand.u32 $0xFFFF0000, v21;
	v15 =	vmul.f32 v15, v3;
	v5 =	vpop (erf);
	v11 =	vmul.f32 v11, v16  }
0x263: {  	v23 =	vld [tilespmem:s17+$0xFFFFFFF0];
	v17 =	vshll.u32 v13, $0x10;
	v21 =	vmul.f32 v21, v6;
	v6 =	vpop (erf)  }
0x264: {  	v12 =	vadd.f32 v19, v12;
	v15 =	vadd.f32 v22, v15;
	v11 =	vmul.f32 v6, v11  }
0x265: {  	v13 =	vand.u32 $0xFFFF0000, v13;
	v8 =	vmul.f32 v17, v8;
	s17 =	simm.s32 $0x90F0;
	v16 =	vld [tilespmem:s22+$0xFFFFFFF0];
	v21 =	vmul.f32 v6, v21  }
0x266: {  	v7 =	vmul.f32 v13, v7;
	v22 =	vld [tilespmem:s16+$0xFFFFFFE0];
	v24 =	vshll.u32 v20, $0x10;
	v12 =	vadd.f32 v15, v12;
	[tilespmem:s17+$0x0] =	vst v11  }
0x267: {  	v20 =	vand.u32 $0xFFFF0000, v20;
	v25 =	vshll.u32 v18, $0x10;
	v15 =	vld [tilespmem:s16+$0xFFFFFFF0];
	v11 =	vand.u32 $0xFFFF0000, v18;
	[tilespmem:s17+$0x10] =	vst v21  }
0x268: {  	v19, _, _ =	vpop (xrf2);
	v18 =	vshll.u32 v23, $0x10;
	(xrf2) =	vadd.scan.msk.f32 $0xffff, v12;
	v12 =	vand.u32 $0xFFFF0000, v23;
	v23 =	vadd.f32 v25, v24;
	v24 =	vld [tilespmem:s20+$0x10]  }
0x269: {  	v10 =	vmul.f32 v9, v10;
	v8 =	vmul.f32 v5, v8;
	v11 =	vadd.f32 v11, v20;
	v20 =	vld [tilespmem:s12+$0x10]  }
0x26a: {  	v7 =	vmul.f32 v5, v7;
	v19 =	vbroadcast v19, $0xF  }
0x26b: {  	v21 =	vshll.u32 v16, $0x10;
	v16 =	vand.u32 $0xFFFF0000, v16;
	v25 =	vshll.u32 v22, $0x10  }
0x26c: {  	v18 =	vadd.f32 v21, v18;
	v21 =	vand.u32 $0xFFFF0000, v22;
	v12 =	vadd.f32 v16, v12  }
0x26d: {  	v22 =	vadd.f32 v25, v23;
	v16 =	vshll.u32 v15, $0x10;
	v11 =	vadd.f32 v21, v11  }
0x26e: {  	v16 =	vadd.f32 v16, v18;
	v18 =	vshll.u32 v24, $0x10;
	v21 =	vshll.u32 v20, $0x10  }
0x26f: {  	v19 =	vadd.f32 v19, v1;
	v15 =	vand.u32 $0xFFFF0000, v15;
	v18 =	vmul.f32 v21, v18  }
0x270: {  	v12 =	vadd.f32 v15, v12;
	v15 =	vmax.f32 v22, $0.0e+00;
	v11 =	vmax.f32 v11, $0.0e+00  }
0x271: {  	[tilespmem:s24+$0x40] =	vst v14;
	v15 =	vmul.f32 v15, v0;
	v22 =	vand.u32 $0xFFFF0000, v24;
	v20 =	vand.u32 $0xFFFF0000, v20  }
0x272: {  	[tilespmem:s24+$0x50] =	vst v10;
	v14 =	vmax.f32 v16, $0.0e+00;
	v11 =	vmul.f32 v11, v2;
	v16 =	vmul.f32 v20, v22  }
0x273: {  	[tilespmem:s24+$0xFFFFFF80] =	vst v8;
	v10 =	vmax.f32 v12, $0.0e+00;
	v14 =	vmul.f32 v14, v3;
	v12 =	vmul.f32 v6, v18;
	v18, _, _ =	vpop (xrf2)  }
0x274: {  	v17 =	vld [tilespmem:s19+$0x30];
	[tilespmem:s24+$0xFFFFFF90] =	vst v7;
	v10 =	vmul.f32 v10, v4;
	v18 =	vbroadcast v18, $0xF  }
0x275: {  	v7 =	vld [tilespmem:s21+$0xFFFFFFD0];
	v19 =	vsub.f32 $0.0e+00, v19;
	v11 =	vadd.f32 v11, v15  }
0x276: {  	v20 =	vld [tilespmem:s21+$0x30];
	v16 =	vmul.f32 v6, v16;
	v10 =	vadd.f32 v10, v14;
	[tilespmem:s17+$0x20] =	vst v12;
	v12 =	vadd.f32 v18, v1  }
0x277: {  	v15 =	vld [tilespmem:s20+$0xFFFFFFC0]  }
0x278: {  	v19 =	vmul.f32 $1.442695020e+00, v19;
	v14 =	vld [tilespmem:s12+$0xFFFFFFC0];
	[tilespmem:s17+$0x30] =	vst v16;
	v10 =	vadd.f32 v10, v11;
	v11 =	vsub.f32 $0.0e+00, v12  }
0x279: {  	v18 =	vld [tilespmem:s12+$0x20]  }
0x27a: {  	(erf) = vpow2.f32 v19;
	v16 =	vld [tilespmem:s20+$0x20];
	v8 =	vmul.f32 $1.442695020e+00, v11  }
0x27b: {  	s30 =	simm.s32 $0x6850;
	v13 =	vand.u32 $0xFFFF0000, v17;
	v12 =	vand.u32 $0xFFFF0000, v20  }
0x27c: {  	v24 =	vld [tilespmem:s30+$0x0];
	(xrf2) =	vadd.scan.msk.f32 $0xffff, v10;
	v10 =	vmul.f32 v13, v12;
	(erf) = vpow2.f32 v8  }
0x27d: {  	v21 =	vshll.u32 v7, $0x10;
	v12 =	vld [tilespmem:s19+$0xFFFFFFD0];
	v11 =	vand.u32 $0xFFFF0000, v15  }
0x27e: {  	v13 =	vmul.f32 v10, v9;
	v10 =	vshll.u32 v14, $0x10;
	v19 =	vshll.u32 v18, $0x10  }
0x27f: {  	v27 =	vld [tilespmem:s30+$0x10];
	s13 =	simm.s32 $0x40B0;
	v14 =	vand.u32 $0xFFFF0000, v14;
	v8 =	vshll.u32 v15, $0x10;
	v15 =	vshll.u32 v16, $0x10  }
0x280: {  	s25 =	simm.s32 $0x4B0;
	v11 =	vmul.f32 v14, v11;
	v14 =	vand.u32 $0xFFFF0000, v16;
	v16 =	vand.u32 $0xFFFF0000, v18;
	v18 =	vld [tilespmem:s13+$0x0]  }
0x281: {  	s23 =	simm.s32 $0x7C50;
	v7 =	vand.u32 $0xFFFF0000, v7;
	v10 =	vmul.f32 v10, v8;
	v8 =	vmul.f32 v19, v15;
	v15 =	vld [tilespmem:s25+$0x0]  }
0x282: {  	s29 =	simm.s32 $0x2C50;
	v31 =	vshll.u32 v24, $0x10;
	v14 =	vmul.f32 v16, v14;
	v19 =	vld [tilespmem:s23+$0x0];
	v22 =	vshll.u32 v12, $0x10  }
0x283: {  	v24 =	vand.u32 $0xFFFF0000, v24;
	v12 =	vand.u32 $0xFFFF0000, v12;
	v16 =	vpop (erf);
	v21 =	vmul.f32 v22, v21;
	v22 =	vld [tilespmem:s29+$0x0]  }
0x284: {  	v8 =	vmul.f32 v6, v8;
	v14 =	vmul.f32 v6, v14;
	v16 =	vadd.f32 $1.000000000e+00, v16  }
0x285: {  	v12 =	vmul.f32 v12, v7;
	v7 =	vld [tilespmem:s29+$0x10];
	v28 =	vshll.u32 v18, $0x10;
	v18 =	vand.u32 $0xFFFF0000, v18;
	v25 =	vpop (erf)  }
0x286: {  	[tilespmem:s17+$0x50] =	vst v14;
	v14 =	vand.u32 $0xFFFF0000, v27;
	(erf) = vrcp.f32 v16;
	v25 =	vadd.f32 $1.000000000e+00, v25  }
0x287: {  	v23 =	vld [tilespmem:s23+$0x10];
	v26 =	vshll.u32 v15, $0x10;
	v15 =	vand.u32 $0xFFFF0000, v15;
	v29 =	vshll.u32 v19, $0x10  }
0x288: {  	v30 =	vand.u32 $0xFFFF0000, v19;
	v19 =	vshll.u32 v22, $0x10;
	(erf) = vrcp.f32 v25  }
0x289: {  	[tilespmem:s17+$0x40] =	vst v8;
	v15 =	vmul.f32 v18, v15;
	v22 =	vand.u32 $0xFFFF0000, v22;
	v8 =	vadd.f32 v31, v19  }
0x28a: {  	v32 =	vshll.u32 v7, $0x10;
	v19 =	vshll.u32 v27, $0x10;
	v22 =	vadd.f32 v24, v22  }
0x28b: {  	v7 =	vand.u32 $0xFFFF0000, v7;
	v24 =	vadd.f32 v19, v32;
	v8 =	vadd.f32 v29, v8  }
0x28c: {  	v7 =	vadd.f32 v14, v7;
	v22 =	vadd.f32 v30, v22;
	v25 =	vshll.u32 v23, $0x10  }
0x28d: {  	v23 =	vand.u32 $0xFFFF0000, v23;
	v24 =	vadd.f32 v25, v24;
	v8 =	vmax.f32 v8, $0.0e+00  }
0x28e: {  	v18 =	vld [tilespmem:s29+$0xFFFFFFE0];
	v16, _, _ =	vpop (xrf2);
	v23 =	vadd.f32 v23, v7;
	v27 =	vmul.f32 v8, v0;
	v8 =	vmax.f32 v22, $0.0e+00  }
0x28f: {  	v17 =	vshll.u32 v17, $0x10;
	v16 =	vbroadcast v16, $0xF;
	v29 =	vld [tilespmem:s30+$0xFFFFFFF0];
	v25 =	vmul.f32 v28, v26  }
0x290: {  	v26 =	vld [tilespmem:s30+$0xFFFFFFE0];
	v7 =	vpop (erf);
	v22 =	vmax.f32 v24, $0.0e+00;
	v28 =	vmul.f32 v8, v2;
	v23 =	vmax.f32 v23, $0.0e+00  }
0x291: {  	v20 =	vshll.u32 v20, $0x10;
	v24 =	vld [tilespmem:s29+$0xFFFFFFF0];
	v22 =	vmul.f32 v22, v3;
	v23 =	vmul.f32 v23, v4;
	v8 =	vpop (erf)  }
0x292: {  	v21 =	vmul.f32 v5, v21;
	v16 =	vadd.f32 v16, v1;
	v25 =	vmul.f32 v8, v25  }
0x293: {  	s16 =	simm.s32 $0x91F0;
	v30 =	vld [tilespmem:s23+$0xFFFFFFE0];
	v27 =	vadd.f32 v28, v27;
	v22 =	vadd.f32 v23, v22;
	v15 =	vmul.f32 v8, v15  }
0x294: {  	v12 =	vmul.f32 v5, v12;
	v16 =	vsub.f32 $0.0e+00, v16;
	v33 =	vshll.u32 v29, $0x10;
	[tilespmem:s16+$0x0] =	vst v25  }
0x295: {  	v28 =	vshll.u32 v18, $0x10;
	v18 =	vand.u32 $0xFFFF0000, v18;
	v22 =	vadd.f32 v22, v27;
	v25 =	vld [tilespmem:s23+$0xFFFFFFF0];
	[tilespmem:s16+$0x10] =	vst v15  }
0x296: {  	v47 =	vshll.u32 v24, $0x10;
	v15 =	vshll.u32 v26, $0x10;
	v26 =	vand.u32 $0xFFFF0000, v26;
	v27 =	vld [tilespmem:s25+$0x10]  }
0x297: {  	v24 =	vand.u32 $0xFFFF0000, v24;
	(xrf2) =	vadd.scan.msk.f32 $0xffff, v22;
	v22 =	vadd.f32 v33, v47;
	v34 =	vld [tilespmem:s13+$0x10];
	v18 =	vadd.f32 v26, v18  }
0x298: {  	v15 =	vadd.f32 v15, v28;
	v28 =	vand.u32 $0xFFFF0000, v29;
	v26 =	vand.u32 $0xFFFF0000, v30  }
0x299: {  	v10 =	vmul.f32 v7, v10;
	v24 =	vadd.f32 v28, v24;
	v18 =	vadd.f32 v26, v18  }
0x29a: {  	v19 =	vld [tilespmem:s20+$0x30];
	v29 =	vshll.u32 v30, $0x10;
	v30 =	vshll.u32 v25, $0x10;
	v25 =	vand.u32 $0xFFFF0000, v25  }
0x29b: {  	v15 =	vadd.f32 v29, v15;
	v18 =	vmax.f32 v18, $0.0e+00;
	v24 =	vadd.f32 v25, v24  }
0x29c: {  	v25 =	vshll.u32 v27, $0x10;
	v26 =	vshll.u32 v34, $0x10;
	v27 =	vand.u32 $0xFFFF0000, v27  }
0x29d: {  	[tilespmem:s24+$0xFFFFFFA0] =	vst v21;
	v14 =	vld [tilespmem:s12+$0x30];
	v28 =	vand.u32 $0xFFFF0000, v34;
	v18 =	vmul.f32 v18, v2;
	v25 =	vmul.f32 v26, v25  }
0x29e: {  	[tilespmem:s24+$0xFFFFFFB0] =	vst v12;
	v15 =	vmax.f32 v15, $0.0e+00;
	v22 =	vadd.f32 v30, v22;
	v26 =	vmul.f32 v28, v27  }
0x29f: {  	v31 =	vand.u32 $0xFFFF0000, v19;
	v15 =	vmul.f32 v15, v0;
	v27 =	vld [tilespmem:s21+$0xFFFFFFE0];
	v25 =	vmul.f32 v8, v25  }
0x2a0: {  	v21 =	vld [tilespmem:s25+$0xFFFFFFC0];
	v22 =	vmax.f32 v22, $0.0e+00;
	v24 =	vmax.f32 v24, $0.0e+00;
	v26 =	vmul.f32 v8, v26  }
0x2a1: {  	v12 =	vld [tilespmem:s13+$0xFFFFFFC0];
	v15 =	vadd.f32 v18, v15;
	v22 =	vmul.f32 v22, v3;
	v24 =	vmul.f32 v24, v4;
	v18, _, _ =	vpop (xrf2);
	[tilespmem:s16+$0x20] =	vst v25  }
0x2a2: {  	v23 =	vand.u32 $0xFFFF0000, v14;
	v25 =	vmul.f32 v17, v20;
	v20 =	vld [tilespmem:s19+$0xFFFFFFE0];
	[tilespmem:s16+$0x30] =	vst v26;
	v18 =	vbroadcast v18, $0xF  }
0x2a3: {  	v11 =	vmul.f32 v7, v11;
	v17 =	vmul.f32 v23, v31;
	v22 =	vadd.f32 v24, v22;
	v24 =	vld [tilespmem:s25+$0x20]  }
0x2a4: {  	[tilespmem:s17+$0xFFFFFF80] =	vst v10;
	v23 =	vmul.f32 $1.442695020e+00, v16;
	v26 =	vld [tilespmem:s13+$0x20];
	v10 =	vshll.u32 v27, $0x10;
	v18 =	vadd.f32 v18, v1  }
0x2a5: {  	v16 =	vmul.f32 v17, v6;
	v17 =	vshll.u32 v21, $0x10;
	v21 =	vand.u32 $0xFFFF0000, v21  }
0x2a6: {  	s23 =	simm.s32 $0x6890;
	v22 =	vadd.f32 v22, v15;
	v15 =	vshll.u32 v12, $0x10;
	v18 =	vsub.f32 $0.0e+00, v18  }
0x2a7: {  	v48 =	vld [tilespmem:s23+$0x10];
	(erf) = vpow2.f32 v23;
	v12 =	vand.u32 $0xFFFF0000, v12;
	v15 =	vmul.f32 v15, v17  }
0x2a8: {  	[tilespmem:s17+$0xFFFFFF90] =	vst v11;
	v54 =	vld [tilespmem:s23+$0xFFFFFFF0];
	v17 =	vmul.f32 v12, v21;
	v12 =	vshll.u32 v20, $0x10;
	v11 =	vmul.f32 $1.442695020e+00, v18  }
0x2a9: {  	(xrf2) =	vadd.scan.msk.f32 $0xffff, v22;
	v22 =	vld [tilespmem:s20+$0xFFFFFFD0];
	v18 =	vshll.u32 v24, $0x10;
	v21 =	vshll.u32 v26, $0x10;
	v23 =	vand.u32 $0xFFFF0000, v24  }
0x2aa: {  	v24 =	vand.u32 $0xFFFF0000, v26;
	v10 =	vmul.f32 v12, v10;
	v12 =	vld [tilespmem:s12+$0xFFFFFFD0];
	v18 =	vmul.f32 v21, v18  }
0x2ab: {  	v21 =	vmul.f32 v24, v23  }
0x2ac: {  	(erf) = vpow2.f32 v11;
	v11 =	vmul.f32 v8, v18  }
0x2ad: {  	s31 =	simm.s32 $0x7C90;
	v19 =	vshll.u32 v19, $0x10;
	v21 =	vmul.f32 v8, v21  }
0x2ae: {  	v14 =	vshll.u32 v14, $0x10;
	v32 =	vand.u32 $0xFFFF0000, v48;
	v57 =	vshll.u32 v54, $0x10;
	v26 =	vld [tilespmem:s31+$0x0];
	[tilespmem:s16+$0x40] =	vst v11  }
0x2af: {  	s3 =	simm.s32 $0x4130;
	v34 =	vand.u32 $0xFFFF0000, v54;
	v11 =	vshll.u32 v22, $0x10;
	[tilespmem:s16+$0x50] =	vst v21;
	v21 =	vshll.u32 v12, $0x10  }
0x2b0: {  	s2 =	simm.s32 $0x530;
	v20 =	vand.u32 $0xFFFF0000, v20;
	v24 =	vld [tilespmem:s3+$0x0];
	v18 =	vand.u32 $0xFFFF0000, v27;
	v11 =	vmul.f32 v21, v11  }
0x2b1: {  	v23 =	vld [tilespmem:s2+$0x0];
	v18 =	vmul.f32 v20, v18;
	v20 =	vmul.f32 v5, v10;
	v22 =	vand.u32 $0xFFFF0000, v22  }
0x2b2: {  	s22 =	simm.s32 $0x2C90;
	v10 =	vpop (erf);
	v12 =	vand.u32 $0xFFFF0000, v12;
	v28 =	vmul.f32 v7, v11;
	v11 =	vmul.f32 v14, v19;
	v14 =	vld [tilespmem:s23+$0x0]  }
0x2b3: {  	v35 =	vshll.u32 v26, $0x10;
	v10 =	vadd.f32 $1.000000000e+00, v10;
	v19 =	vmul.f32 v25, v9;
	v9 =	vld [tilespmem:s22+$0x10]  }
0x2b4: {  	v29 =	vld [tilespmem:s22+$0x0];
	v26 =	vand.u32 $0xFFFF0000, v26;
	v27 =	vmul.f32 v5, v18;
	v21 =	vmul.f32 v12, v22  }
0x2b5: {  	v30 =	vshll.u32 v24, $0x10;
	v24 =	vand.u32 $0xFFFF0000, v24;
	(erf) = vrcp.f32 v10;
	v31 =	vpop (erf)  }
0x2b6: {  	v10 =	vld [tilespmem:s31+$0x10];
	v21 =	vmul.f32 v7, v21;
	v25 =	vshll.u32 v23, $0x10;
	v31 =	vadd.f32 $1.000000000e+00, v31  }
0x2b7: {  	v23 =	vand.u32 $0xFFFF0000, v23;
	v36 =	vshll.u32 v14, $0x10;
	v14 =	vand.u32 $0xFFFF0000, v14  }
0x2b8: {  	v52 =	vshll.u32 v9, $0x10;
	v9 =	vand.u32 $0xFFFF0000, v9;
	(erf) = vrcp.f32 v31  }
0x2b9: {  	v18 =	vld [tilespmem:s25+$0x30];
	v31 =	vshll.u32 v29, $0x10;
	v29 =	vand.u32 $0xFFFF0000, v29;
	v9 =	vadd.f32 v32, v9  }
0x2ba: {  	v31 =	vadd.f32 v36, v31;
	v14 =	vadd.f32 v14, v29;
	v29 =	vshll.u32 v48, $0x10  }
0x2bb: {  	v22, _, _ =	vpop (xrf2);
	v51 =	vshll.u32 v10, $0x10;
	v10 =	vand.u32 $0xFFFF0000, v10;
	v29 =	vadd.f32 v29, v52  }
0x2bc: {  	v12 =	vld [tilespmem:s13+$0x30];
	v22 =	vbroadcast v22, $0xF;
	v10 =	vadd.f32 v10, v9;
	v31 =	vadd.f32 v35, v31  }
0x2bd: {  	v53 =	vld [tilespmem:s22+$0xFFFFFFF0];
	v25 =	vmul.f32 v30, v25;
	v14 =	vadd.f32 v26, v14;
	v29 =	vadd.f32 v51, v29  }
0x2be: {  	v23 =	vmul.f32 v24, v23;
	v22 =	vadd.f32 v22, v1;
	v49 =	vand.u32 $0xFFFF0000, v18  }
0x2bf: {  	v55 =	vld [tilespmem:s31+$0xFFFFFFE0];
	v31 =	vmax.f32 v31, $0.0e+00;
	v14 =	vmax.f32 v14, $0.0e+00;
	v29 =	vmax.f32 v29, $0.0e+00  }
0x2c0: {  	v26 =	vld [tilespmem:s22+$0xFFFFFFE0];
	v9 =	vpop (erf);
	v31 =	vmul.f32 v31, v0;
	v24 =	vmul.f32 v29, v3;
	v29 =	vmax.f32 v10, $0.0e+00  }
0x2c1: {  	v30 =	vld [tilespmem:s23+$0xFFFFFFE0];
	v50 =	vand.u32 $0xFFFF0000, v12;
	v14 =	vmul.f32 v14, v2;
	v29 =	vmul.f32 v29, v4;
	v10 =	vpop (erf)  }
0x2c2: {  	v22 =	vsub.f32 $0.0e+00, v22;
	v32 =	vand.u32 $0xFFFF0000, v53;
	v25 =	vmul.f32 v10, v25  }
0x2c3: {  	s14 =	simm.s32 $0x92F0;
	v14 =	vadd.f32 v14, v31;
	v23 =	vmul.f32 v10, v23;
	v24 =	vadd.f32 v29, v24  }
0x2c4: {  	v33 =	vmul.f32 v50, v49;
	v32 =	vadd.f32 v34, v32;
	v22 =	vmul.f32 $1.442695020e+00, v22;
	v31 =	vld [tilespmem:s31+$0xFFFFFFF0];
	[tilespmem:s14+$0x0] =	vst v25  }
0x2c5: {  	v35 =	vand.u32 $0xFFFF0000, v55;
	v56 =	vshll.u32 v26, $0x10;
	[tilespmem:s14+$0x10] =	vst v23;
	v14 =	vadd.f32 v24, v14  }
0x2c6: {  	v26 =	vand.u32 $0xFFFF0000, v26;
	v29 =	vshll.u32 v30, $0x10;
	v30 =	vand.u32 $0xFFFF0000, v30;
	v24 =	vld [tilespmem:s2+$0x10]  }
0x2c7: {  	v29 =	vadd.f32 v29, v56;
	v26 =	vadd.f32 v30, v26;
	v23 =	vshll.u32 v53, $0x10;
	v58 =	vld [tilespmem:s3+$0x10];
	(xrf2) =	vadd.scan.msk.f32 $0xffff, v14  }
0x2c8: {  	v17 =	vmul.f32 v9, v17;
	v30 =	vshll.u32 v55, $0x10;
	v23 =	vadd.f32 v57, v23  }
0x2c9: {  	v59 =	vshll.u32 v31, $0x10;
	v26 =	vadd.f32 v35, v26;
	v14 =	vadd.f32 v30, v29  }
0x2ca: {  	(erf) = vpow2.f32 v22;
	v29 =	vand.u32 $0xFFFF0000, v31;
	v23 =	vadd.f32 v59, v23  }
0x2cb: {  	v25 =	vld [tilespmem:s2+$0xFFFFFFC0];
	v29 =	vadd.f32 v29, v32;
	v26 =	vmax.f32 v26, $0.0e+00;
	v14 =	vmax.f32 v14, $0.0e+00  }
0x2cc: {  	[tilespmem:s24+$0xFFFFFFC0] =	vst v20;
	v31 =	vld [tilespmem:s3+$0xFFFFFFC0];
	v26 =	vmul.f32 v26, v2;
	v60 =	vshll.u32 v24, $0x10;
	v61 =	vshll.u32 v58, $0x10  }
0x2cd: {  	[tilespmem:s17+$0xFFFFFFA0] =	vst v28;
	v24 =	vand.u32 $0xFFFF0000, v24;
	v28 =	vand.u32 $0xFFFF0000, v58;
	v32 =	vmul.f32 v61, v60  }
0x2ce: {  	[tilespmem:s24+$0xFFFFFFD0] =	vst v27;
	v23 =	vmax.f32 v23, $0.0e+00;
	v14 =	vmul.f32 v14, v0;
	v24 =	vmul.f32 v28, v24  }
0x2cf: {  	v62 =	vld [tilespmem:s21+$0xFFFFFFF0];
	[tilespmem:s17+$0xFFFFFFB0] =	vst v21;
	v21 =	vmax.f32 v29, $0.0e+00;
	v23 =	vmul.f32 v23, v3;
	v28 =	vmul.f32 v10, v32  }
0x2d0: {  	v20 =	vld [tilespmem:s20+$0xFFFFFFE0];
	v21 =	vmul.f32 v21, v4;
	v24 =	vmul.f32 v10, v24  }
0x2d1: {  	v27 =	vld [tilespmem:s12+$0xFFFFFFE0];
	v30 =	vshll.u32 v25, $0x10;
	v29 =	vshll.u32 v31, $0x10;
	v26 =	vadd.f32 v26, v14;
	[tilespmem:s14+$0x20] =	vst v28;
	v63, _, _ =	vpop (xrf2)  }
0x2d2: {  	v21 =	vadd.f32 v21, v23;
	v28 =	vld [tilespmem:s19+$0xFFFFFFF0];
	[tilespmem:s14+$0x30] =	vst v24;
	v24 =	vmul.f32 v9, v15;
	v23 =	vbroadcast v63, $0xF  }
0x2d3: {  	v25 =	vand.u32 $0xFFFF0000, v25;
	v31 =	vand.u32 $0xFFFF0000, v31;
	v14 =	vmul.f32 v29, v30;
	v29 =	vld [tilespmem:s2+$0x20]  }
0x2d4: {  	v15 =	vmul.f32 v31, v25;
	v25 =	vld [tilespmem:s3+$0x20];
	[tilespmem:s16+$0xFFFFFF80] =	vst v24;
	v24 =	vadd.f32 v21, v26;
	v21 =	vadd.f32 v23, v1  }
0x2d5: {  	v33 =	vmul.f32 v33, v8;
	v22 =	vshll.u32 v20, $0x10;
	v20 =	vand.u32 $0xFFFF0000, v20  }
0x2d6: {  	[tilespmem:s16+$0xFFFFFF90] =	vst v17;
	v26 =	vand.u32 $0xFFFF0000, v27;
	v23 =	vshll.u32 v27, $0x10;
	v27 =	vsub.f32 $0.0e+00, v21  }
0x2d7: {  	v17 =	vshll.u32 v62, $0x10;
	v30 =	vld [tilespmem:s25+$0xFFFFFFD0];
	v31 =	vmul.f32 v26, v20;
	v20 =	vand.u32 $0xFFFF0000, v62;
	(xrf2) =	vadd.scan.msk.f32 $0xffff, v24  }
0x2d8: {  	[tilespmem:s24+$0x70] =	vst v13;
	v23 =	vmul.f32 v23, v22;
	v22 =	vshll.u32 v28, $0x10;
	v13 =	vmul.f32 $1.442695020e+00, v27  }
0x2d9: {  	[tilespmem:s17+$0x70] =	vst v16;
	v26 =	vld [tilespmem:s13+$0xFFFFFFD0];
	v21 =	vand.u32 $0xFFFF0000, v28;
	v16 =	vshll.u32 v29, $0x10;
	v27 =	vshll.u32 v25, $0x10  }
0x2da: {  	[tilespmem:s24+$0x60] =	vst v19;
	v19 =	vand.u32 $0xFFFF0000, v29;
	v25 =	vand.u32 $0xFFFF0000, v25;
	v27 =	vmul.f32 v27, v16  }
0x2db: {  	v19 =	vmul.f32 v25, v19;
	v16 =	vshll.u32 v18, $0x10;
	v18 =	vmul.f32 v7, v23  }
0x2dc: {  	[tilespmem:s16+$0x70] =	vst v33;
	s19 =	simm.s32 $0x5B0;
	v24 =	vshll.u32 v30, $0x10;
	(erf) = vpow2.f32 v13;
	v27 =	vmul.f32 v10, v27;
	v13 =	vpop (erf)  }
0x2dd: {  	s21 =	simm.s32 $0x41B0;
	v23 =	vld [tilespmem:s19+$0x0];
	v25 =	vand.u32 $0xFFFF0000, v30;
	[tilespmem:s17+$0xFFFFFFC0] =	vst v18;
	v28 =	vadd.f32 $1.000000000e+00, v13;
	v13 =	vmul.f32 v10, v19  }
0x2de: {  	s5 =	simm.s32 $0x7CD0;
	s1 =	simm.s32 $0x8;
	v18 =	vmul.f32 v7, v31;
	v19 =	vld [tilespmem:s21+$0x0];
	[tilespmem:s14+$0x40] =	vst v27;
	v27 =	vshll.u32 v26, $0x10;
	v26 =	vand.u32 $0xFFFF0000, v26  }
.LBB2_9:
0x2df: {  	v29 =	vld [tilespmem:s5+$0x0];
	[tilespmem:s14+$0x50] =	vst v13;
	(erf) = vrcp.f32 v28;
	v24 =	vmul.f32 v27, v24;
	v27 =	vshll.u32 v12, $0x10  }
0x2e0: {  	v25 =	vmul.f32 v26, v25;
	v17 =	vmul.f32 v22, v17;
	v13 =	vld [tilespmem:s2+$0x30];
	[tilespmem:s17+$0xFFFFFFD0] =	vst v18  }
0x2e1: {  	v20 =	vmul.f32 v21, v20;
	v18, _, _ =	vpop (xrf2);
	v12 =	vld [tilespmem:s3+$0x30];
	v22 =	vmul.f32 v9, v24  }
0x2e2: {  	s22 =	sadd.s32 $0x40, s22;
	v24 =	vmul.f32 v9, v25;
	v21 =	vld [tilespmem:s5+$0x10];
	v18 =	vbroadcast v18, $0xF  }
0x2e3: {  	s23 =	sadd.s32 $0x40, s23;
	v17 =	vmul.f32 v17, v5;
	v25 =	vld [tilespmem:s22+$0x0];
	[tilespmem:s16+$0xFFFFFFA0] =	vst v22;
	v22 =	vmul.f32 v27, v16  }
0x2e4: {  	v32 =	vmul.f32 v11, v6;
	v31 =	vmul.f32 v20, v5;
	v26 =	vld [tilespmem:s23+$0x0];
	v16 =	vadd.f32 v18, v1;
	[tilespmem:s16+$0xFFFFFFB0] =	vst v24  }
0x2e5: {  	v20 =	vshll.u32 v23, $0x10;
	v23 =	vand.u32 $0xFFFF0000, v23;
	v24 =	vshll.u32 v19, $0x10;
	v18 =	vld [tilespmem:s22+$0x10];
	v11 =	vpop (erf);
	[tilespmem:s24+$0xFFFFFFE0] =	vst v17  }
0x2e6: {  	v5 =	vmovc v7;
	v28 =	vand.u32 $0xFFFF0000, v13;
	v17 =	vld [tilespmem:s23+$0x10];
	v27 =	vadd.f32 $1.000000000e+00, v11;
	v30 =	vand.u32 $0xFFFF0000, v12;
	[tilespmem:s24+$0xFFFFFFF0] =	vst v31;
	v11 =	vmovc v22;
	s24 =	smov.u32 s17;
	s17 =	smov.u32 s16;
	s16 =	smov.u32 s14  }
0x2e7: {  	v6 =	vmovc v8;
	v7 =	vmovc v9;
	v19 =	vand.u32 $0xFFFF0000, v19;
	v31 =	vshll.u32 v29, $0x10;
	v22 =	vld [tilespmem:s23+$0xFFFFFFE0];
	v28 =	vmul.f32 v30, v28;
	[tilespmem:s24+$0x60] =	vst v32  }
0x2e8: {  	v29 =	vand.u32 $0xFFFF0000, v29;
	v32 =	vshll.u32 v21, $0x10;
	v30 =	vld [tilespmem:s22+$0xFFFFFFF0];
	(erf) = vrcp.f32 v27;
	v9 =	vpop (erf)  }
0x2e9: {  	v8 =	vmovc v10;
	v33 =	vshll.u32 v25, $0x10;
	v25 =	vand.u32 $0xFFFF0000, v25;
	v27 =	vld [tilespmem:s23+$0xFFFFFFF0];
	v28 =	vmul.f32 v28, v10  }
0x2ea: {  	v10 =	vshll.u32 v26, $0x10;
	v26 =	vand.u32 $0xFFFF0000, v26;
	v34 =	vld [tilespmem:s22+$0xFFFFFFE0];
	v35 =	vshll.u32 v18, $0x10  }
0x2eb: {  	v10 =	vadd.f32 v10, v33;
	v18 =	vand.u32 $0xFFFF0000, v18;
	v36 =	vld [tilespmem:s5+$0xFFFFFFE0];
	v33 =	vshll.u32 v17, $0x10;
	[tilespmem:s14+$0x70] =	vst v28  }
0x2ec: {  	v25 =	vadd.f32 v26, v25;
	v17 =	vand.u32 $0xFFFF0000, v17;
	v28 =	vld [tilespmem:s5+$0xFFFFFFF0];
	v26 =	vadd.f32 v33, v35  }
0x2ed: {  	v21 =	vand.u32 $0xFFFF0000, v21;
	v10 =	vadd.f32 v31, v10;
	v17 =	vadd.f32 v17, v18;
	v18 =	vld [tilespmem:s19+$0xFFFFFFC0]  }
0x2ee: {  	s1 =	sadd.s32 $0x2, s1;
	v20 =	vmul.f32 v24, v20;
	v25 =	vadd.f32 v29, v25;
	v26 =	vadd.f32 v32, v26;
	v29 =	vld [tilespmem:s21+$0xFFFFFFC0]  }
0x2ef: {  	p1 =	slt.u32 s1, $0x4E;
	v19 =	vmul.f32 v19, v23;
	v17 =	vadd.f32 v21, v17;
	v32 =	vmax.f32 v10, $0.0e+00;
	v21 =	vld [tilespmem:s25+$0xFFFFFFE0]  }
0x2f0: {  	v31 =	vmax.f32 v25, $0.0e+00;
	v23 =	vmul.f32 v32, v0;
	v24 =	vmax.f32 v26, $0.0e+00;
	v25 =	vld [tilespmem:s13+$0xFFFFFFE0]  }
0x2f1: {  	v26 =	vmul.f32 v31, v2;
	v17 =	vmax.f32 v17, $0.0e+00;
	v24 =	vmul.f32 v24, v3;
	v10 =	vpop (erf);
	v31 =	vld [tilespmem:s20+$0xFFFFFFF0];
	s20 =	smov.u32 s25;
	s25 =	smov.u32 s2;
	s2 =	smov.u32 s19  }
0x2f2: {  	v32 =	vshll.u32 v34, $0x10;
	v17 =	vmul.f32 v17, v4;
	v20 =	vmul.f32 v10, v20;
	v33 =	vld [tilespmem:s12+$0xFFFFFFF0];
	s12 =	smov.u32 s13;
	s13 =	smov.u32 s3;
	s3 =	smov.u32 s21  }
0x2f3: {  	s14 =	sadd.s32 $0x100, s14;
	v35 =	vshll.u32 v22, $0x10;
	v34 =	vand.u32 $0xFFFF0000, v34;
	v19 =	vmul.f32 v10, v19  }
0x2f4: {  	v22 =	vand.u32 $0xFFFF0000, v22;
	v23 =	vadd.f32 v26, v23;
	v17 =	vadd.f32 v17, v24;
	[tilespmem:s14+$0x0] =	vst v20  }
0x2f5: {  	v26 =	vshll.u32 v27, $0x10;
	v24 =	vand.u32 $0xFFFF0000, v30;
	v20 =	vshll.u32 v30, $0x10;
	[tilespmem:s14+$0x10] =	vst v19  }
0x2f6: {  	v27 =	vand.u32 $0xFFFF0000, v27;
	v19 =	vadd.f32 v35, v32;
	v17 =	vadd.f32 v17, v23;
	v23 =	vld [tilespmem:s19+$0x10]  }
0x2f7: {  	v22 =	vadd.f32 v22, v34;
	v30 =	vshll.u32 v36, $0x10;
	v20 =	vadd.f32 v26, v20;
	v26 =	vld [tilespmem:s21+$0x10]  }
0x2f8: {  	v34 =	vshll.u32 v28, $0x10;
	v24 =	vadd.f32 v27, v24;
	v32 =	vand.u32 $0xFFFF0000, v36;
	(xrf2) =	vadd.scan.msk.f32 $0xffff, v17  }
0x2f9: {  	v17 =	vadd.f32 v30, v19;
	v19 =	vadd.f32 v32, v22;
	v22 =	vand.u32 $0xFFFF0000, v28  }
0x2fa: {  	v20 =	vadd.f32 v34, v20;
	v22 =	vadd.f32 v22, v24;
	v24 =	vshll.u32 v18, $0x10  }
0x2fb: {  	v16 =	vsub.f32 $0.0e+00, v16;
	v17 =	vmax.f32 v17, $0.0e+00;
	v19 =	vmax.f32 v19, $0.0e+00  }
0x2fc: {  	v20 =	vmax.f32 v20, $0.0e+00;
	v27 =	vshll.u32 v23, $0x10;
	v28 =	vshll.u32 v26, $0x10  }
0x2fd: {  	v23 =	vand.u32 $0xFFFF0000, v23;
	v26 =	vand.u32 $0xFFFF0000, v26;
	v27 =	vmul.f32 v28, v27  }
0x2fe: {  	v17 =	vmul.f32 v17, v0;
	v22 =	vmax.f32 v22, $0.0e+00;
	v23 =	vmul.f32 v26, v23  }
0x2ff: {  	v18 =	vand.u32 $0xFFFF0000, v18;
	v28 =	vmul.f32 v19, v2;
	v26 =	vmul.f32 v10, v27  }
0x300: {  	v20 =	vmul.f32 v20, v3;
	v27 =	vshll.u32 v29, $0x10;
	v23 =	vmul.f32 v10, v23  }
0x301: {  	v16 =	vmul.f32 $1.442695020e+00, v16;
	v22 =	vmul.f32 v22, v4;
	v17 =	vadd.f32 v28, v17;
	[tilespmem:s14+$0x20] =	vst v26  }
0x302: {  	v26 =	vand.u32 $0xFFFF0000, v29;
	v19, _, _ =	vpop (xrf2);
	[tilespmem:s14+$0x30] =	vst v23;
	v23 =	vmul.f32 v9, v14;
	v14 =	vmul.f32 v27, v24  }
0x303: {  	v20 =	vadd.f32 v22, v20;
	v19 =	vbroadcast v19, $0xF;
	v24 =	vld [tilespmem:s19+$0x20];
	(erf) = vpow2.f32 v16  }
0x304: {  	v22 =	vmul.f32 v9, v15;
	v15 =	vmul.f32 v26, v18;
	v18 =	vshll.u32 v21, $0x10;
	v16 =	vld [tilespmem:s21+$0x20];
	[tilespmem:s16+$0xFFFFFF80] =	vst v23  }
0x305: {  	v20 =	vadd.f32 v20, v17;
	v21 =	vand.u32 $0xFFFF0000, v21;
	v19 =	vadd.f32 v19, v1  }
0x306: {  	v17 =	vshll.u32 v31, $0x10;
	v23 =	vand.u32 $0xFFFF0000, v25;
	[tilespmem:s16+$0xFFFFFF90] =	vst v22;
	v22 =	vshll.u32 v25, $0x10  }
0x307: {  	v29 =	vmul.f32 v23, v21;
	v19 =	vsub.f32 $0.0e+00, v19;
	(xrf2) =	vadd.scan.msk.f32 $0xffff, v20;
	v25 =	vld [tilespmem:s25+$0xFFFFFFD0];
	v18 =	vmul.f32 v22, v18  }
0x308: {  	v21 =	vand.u32 $0xFFFF0000, v33;
	v20 =	vand.u32 $0xFFFF0000, v31;
	v22 =	vshll.u32 v33, $0x10;
	v26 =	vld [tilespmem:s13+$0xFFFFFFD0]  }
0x309: {  	v23 =	vshll.u32 v24, $0x10;
	v19 =	vmul.f32 $1.442695020e+00, v19;
	v27 =	vshll.u32 v16, $0x10  }
.Ltmp5:
0x30a: {  	v24 =	vand.u32 $0xFFFF0000, v24;
	v16 =	vand.u32 $0xFFFF0000, v16;
	v23 =	vmul.f32 v27, v23;
	(pc) =	sbr.rel @p1 .LBB2_9-.Ltmp5, $4  }
0x30b: {  	v18 =	vmul.f32 v7, v18;
	v27 =	vmul.f32 v16, v24;
	v16 =	vshll.u32 v13, $0x10  }
0x30c: {  	s19 =	sadd.s32 $0x80, s19;
	(erf) = vpow2.f32 v19;
	v30 =	vmul.f32 v10, v23;
	v13 =	vpop (erf);
	v24 =	vshll.u32 v25, $0x10  }
0x30d: {  	s21 =	sadd.s32 $0x80, s21;
	v25 =	vand.u32 $0xFFFF0000, v25;
	v23 =	vld [tilespmem:s19+$0x0];
	v28 =	vadd.f32 $1.000000000e+00, v13;
	v13 =	vmul.f32 v10, v27;
	[tilespmem:s17+$0xFFFFFFC0] =	vst v18  }
0x30e: {  	s5 =	sadd.s32 $0x40, s5;
	v27 =	vshll.u32 v26, $0x10;
	v26 =	vand.u32 $0xFFFF0000, v26;
	v18 =	vmul.f32 v7, v29;
	v19 =	vld [tilespmem:s21+$0x0];
	[tilespmem:s14+$0x40] =	vst v30  }
0x30f: {  	_ =	sdelay $0x1  }
0x310: {  	v0, _, _ =	vpop (xrf2)  }
0x311: {  	v0 =	vbroadcast v0, $0xF;
	_ =	sdelay $0x1  }
0x312: {  	v0 =	vadd.f32 v0, v1;
	_ =	sdelay $0x1  }
0x313: {  	v47 =	vpop (erf);
	v0 =	vsub.f32 $0.0e+00, v0  }
0x314: {  	v1 =	vadd.f32 $1.000000000e+00, v47  }
0x315: {  	(erf) = vrcp.f32 v28;
	v0 =	vmul.f32 $1.442695020e+00, v0  }
0x316: {  	(erf) = vrcp.f32 v1  }
0x317: {  	(erf) = vpow2.f32 v0;
	_ =	sdelay $0x6  }
0x318: {  	v1 =	vpop (erf)  }
0x319: {  	v0 =	vpop (erf)  }
0x31a: {  	v2 =	vshll.u32 v23, $0x10;
	v3 =	vshll.u32 v19, $0x10;
	v48 =	vpop (erf)  }
0x31b: {  	v2 =	vmul.f32 v3, v2;
	v3 =	vadd.f32 $1.000000000e+00, v48;
	_ =	sdelay $0x1  }
0x31c: {  	(erf) = vrcp.f32 v3  }
0x31d: {  	v51 =	vld [tilespmem:s21+$0xFFFFFFC0];
	v4 =	vand.u32 $0xFFFF0000, v23;
	v49 =	vand.u32 $0xFFFF0000, v19  }
0x31e: {  	v50 =	vld [tilespmem:s19+$0xFFFFFFC0];
	v4 =	vmul.f32 v49, v4  }
0x31f: {  	v20 =	vmul.f32 v21, v20;
	[tilespmem:s14+$0x50] =	vst v13;
	v2 =	vmul.f32 v0, v2  }
0x320: {  	s1 =	sadd.s32 $0x100, s14;
	v52 =	vmul.f32 v27, v24;
	[tilespmem:s17+$0xFFFFFFD0] =	vst v18;
	v4 =	vmul.f32 v0, v4  }
0x321: {  	v53 =	vmul.f32 v26, v25;
	v37 =	vmul.f32 v20, v5;
	[tilespmem:s1+$0x0] =	vst v2  }
0x322: {  	v17 =	vmul.f32 v22, v17;
	v58 =	vld [tilespmem:s2+$0x30];
	v14 =	vmul.f32 v1, v14;
	[tilespmem:s1+$0x10] =	vst v4;
	v2 =	vand.u32 $0xFFFF0000, v51  }
0x323: {  	[tilespmem:s24+$0xFFFFFFF0] =	vst v37;
	v56 =	vshll.u32 v50, $0x10;
	v57 =	vshll.u32 v51, $0x10;
	v15 =	vmul.f32 v1, v15;
	v54 =	vld [tilespmem:s19+$0x10]  }
0x324: {  	v19 =	vmul.f32 v9, v52;
	v13 =	vmul.f32 v57, v56;
	[tilespmem:s14+$0xFFFFFF80] =	vst v14;
	v55 =	vld [tilespmem:s21+$0x10];
	v3 =	vand.u32 $0xFFFF0000, v50  }
0x325: {  	v12 =	vshll.u32 v12, $0x10;
	v59 =	vld [tilespmem:s3+$0x30];
	[tilespmem:s14+$0xFFFFFF90] =	vst v15;
	v4 =	vmul.f32 v9, v53;
	v3 =	vmul.f32 v2, v3;
	v2 =	vpop (erf)  }
0x326: {  	v12 =	vmul.f32 v12, v16;
	[tilespmem:s16+$0xFFFFFFA0] =	vst v19;
	v63 =	vld [tilespmem:s2+$0xFFFFFFD0];
	v13 =	vmul.f32 v2, v13  }
0x327: {  	v6 =	vmul.f32 v11, v6;
	v29 =	vld [tilespmem:s3+$0xFFFFFFD0];
	[tilespmem:s16+$0xFFFFFFB0] =	vst v4;
	v3 =	vmul.f32 v2, v3  }
0x328: {  	v31 =	vmul.f32 v17, v5;
	v46 =	vld [tilespmem:s20+$0xFFFFFFF0];
	v37 =	vmul.f32 v12, v8;
	[tilespmem:s1+$0xFFFFFF80] =	vst v13  }
0x329: {  	v33 =	vand.u32 $0xFFFF0000, v58;
	v30 =	vld [tilespmem:s25+$0xFFFFFFE0];
	v62 =	vand.u32 $0xFFFF0000, v54;
	v28 =	vand.u32 $0xFFFF0000, v55;
	[tilespmem:s1+$0xFFFFFF90] =	vst v3  }
0x32a: {  	v60 =	vshll.u32 v54, $0x10;
	v61 =	vshll.u32 v55, $0x10;
	v4 =	vmul.f32 v28, v62;
	v35 =	vld [tilespmem:s19+$0xFFFFFFD0]  }
0x32b: {  	v56 =	vshll.u32 v58, $0x10;
	v38 =	vshll.u32 v63, $0x10;
	v15 =	vmul.f32 v61, v60;
	v36 =	vld [tilespmem:s21+$0xFFFFFFD0]  }
0x32c: {  	v23 =	vand.u32 $0xFFFF0000, v63;
	v21 =	vand.u32 $0xFFFF0000, v29;
	v4 =	vmul.f32 v0, v4  }
0x32d: {  	v32 =	vld [tilespmem:s13+$0xFFFFFFE0];
	v39 =	vshll.u32 v29, $0x10;
	v21 =	vmul.f32 v21, v23;
	v15 =	vmul.f32 v0, v15  }
0x32e: {  	v52 =	vshll.u32 v46, $0x10;
	v14 =	vshll.u32 v59, $0x10;
	[tilespmem:s1+$0x30] =	vst v4;
	v4 =	vmul.f32 v39, v38  }
0x32f: {  	v47 =	vld [tilespmem:s12+$0xFFFFFFF0];
	v14 =	vmul.f32 v14, v56;
	v21 =	vmul.f32 v1, v21;
	v41 =	vshll.u32 v30, $0x10;
	[tilespmem:s1+$0x20] =	vst v15  }
0x330: {  	v40 =	vld [tilespmem:s19+$0x20];
	v4 =	vmul.f32 v1, v4;
	v44 =	vshll.u32 v35, $0x10;
	v45 =	vshll.u32 v36, $0x10  }
0x331: {  	[tilespmem:s14+$0xFFFFFFB0] =	vst v21;
	v42 =	vld [tilespmem:s21+$0x20];
	v22 =	vand.u32 $0xFFFF0000, v35;
	v11 =	vand.u32 $0xFFFF0000, v36;
	v18 =	vmul.f32 v45, v44  }
0x332: {  	v43 =	vshll.u32 v32, $0x10;
	v16 =	vand.u32 $0xFFFF0000, v30;
	[tilespmem:s14+$0xFFFFFFA0] =	vst v4;
	v11 =	vmul.f32 v11, v22  }
0x333: {  	v17 =	vand.u32 $0xFFFF0000, v32;
	v20 =	vmul.f32 v43, v41;
	v50 =	vld [tilespmem:s2+$0xFFFFFFE0];
	v18 =	vmul.f32 v2, v18  }
0x334: {  	v54 =	vshll.u32 v47, $0x10;
	v16 =	vmul.f32 v17, v16;
	v51 =	vld [tilespmem:s3+$0xFFFFFFE0];
	v11 =	vmul.f32 v2, v11  }
0x335: {  	v34 =	vand.u32 $0xFFFF0000, v59;
	v58 =	vmul.f32 v54, v52;
	v20 =	vmul.f32 v9, v20;
	[tilespmem:s1+$0xFFFFFFA0] =	vst v18  }
0x336: {  	v16 =	vmul.f32 v9, v16;
	v48 =	vshll.u32 v40, $0x10;
	v49 =	vshll.u32 v42, $0x10;
	[tilespmem:s1+$0xFFFFFFB0] =	vst v11  }
0x337: {  	[tilespmem:s16+$0xFFFFFFC0] =	vst v20;
	v19 =	vand.u32 $0xFFFF0000, v40;
	v15 =	vand.u32 $0xFFFF0000, v42;
	v4 =	vmul.f32 v49, v48;
	v57 =	vld [tilespmem:s19+$0xFFFFFFE0]  }
0x338: {  	[tilespmem:s16+$0xFFFFFFD0] =	vst v16;
	v3 =	vmul.f32 v34, v33;
	v15 =	vmul.f32 v15, v19;
	v59 =	vld [tilespmem:s21+$0xFFFFFFE0]  }
0x339: {  	v26 =	vld [tilespmem:s25+$0xFFFFFFF0];
	v4 =	vmul.f32 v0, v4;
	v21 =	vand.u32 $0xFFFF0000, v50;
	v19 =	vand.u32 $0xFFFF0000, v51  }
0x33a: {  	v30 =	vld [tilespmem:s13+$0xFFFFFFF0];
	v61 =	vshll.u32 v50, $0x10;
	v62 =	vshll.u32 v51, $0x10;
	v19 =	vmul.f32 v19, v21  }
0x33b: {  	v15 =	vmul.f32 v0, v15;
	v18 =	vmul.f32 v62, v61  }
0x33c: {  	v53 =	vand.u32 $0xFFFF0000, v46;
	v3 =	vmul.f32 v3, v10;
	[tilespmem:s1+$0x40] =	vst v4;
	v27 =	vmul.f32 v1, v19  }
0x33d: {  	[tilespmem:s1+$0x50] =	vst v15;
	v25 =	vmul.f32 v1, v18;
	v28 =	vshll.u32 v57, $0x10;
	v29 =	vshll.u32 v59, $0x10  }
0x33e: {  	[tilespmem:s24+$0xFFFFFFE0] =	vst v31;
	v60 =	vld [tilespmem:s19+$0x30];
	v4 =	vand.u32 $0xFFFF0000, v57;
	v31 =	vand.u32 $0xFFFF0000, v59;
	v32 =	vmul.f32 v29, v28  }
0x33f: {  	v41 =	vand.u32 $0xFFFF0000, v26;
	v43 =	vand.u32 $0xFFFF0000, v30;
	v63 =	vld [tilespmem:s21+$0x30];
	[tilespmem:s14+$0xFFFFFFD0] =	vst v27;
	v4 =	vmul.f32 v31, v4  }
0x340: {  	v55 =	vand.u32 $0xFFFF0000, v47;
	v12 =	vmul.f32 v43, v41;
	[tilespmem:s14+$0xFFFFFFC0] =	vst v25;
	v17 =	vmul.f32 v2, v32  }
0x341: {  	[tilespmem:s17+$0x60] =	vst v6;
	v11 =	vmul.f32 v55, v53;
	v36 =	vld [tilespmem:s2+$0xFFFFFFF0];
	v4 =	vmul.f32 v2, v4  }
0x342: {  	v40 =	vshll.u32 v26, $0x10;
	v15 =	vmul.f32 v58, v7;
	v52 =	vmul.f32 v12, v9;
	v38 =	vld [tilespmem:s3+$0xFFFFFFF0];
	[tilespmem:s1+$0xFFFFFFC0] =	vst v17  }
0x343: {  	v42 =	vshll.u32 v30, $0x10;
	v53 =	vmul.f32 v14, v10;
	v39 =	vmul.f32 v11, v7;
	[tilespmem:s1+$0xFFFFFFD0] =	vst v4  }
0x344: {  	[tilespmem:s16+$0x60] =	vst v37;
	v11 =	vmul.f32 v42, v40;
	v33 =	vand.u32 $0xFFFF0000, v60;
	v34 =	vand.u32 $0xFFFF0000, v63;
	v46 =	vld [tilespmem:s19+$0xFFFFFFF0]  }
0x345: {  	[tilespmem:s14+$0x70] =	vst v3;
	v44 =	vshll.u32 v60, $0x10;
	v45 =	vshll.u32 v63, $0x10;
	v35 =	vmul.f32 v34, v33;
	v47 =	vld [tilespmem:s21+$0xFFFFFFF0]  }
0x346: {  	[tilespmem:s17+$0xFFFFFFE0] =	vst v15;
	v3 =	vmul.f32 v45, v44;
	v48 =	vmul.f32 v11, v9  }
0x347: {  	[tilespmem:s16+$0xFFFFFFF0] =	vst v52;
	v5 =	vmul.f32 v35, v0;
	v49 =	vshll.u32 v36, $0x10;
	v50 =	vshll.u32 v38, $0x10  }
0x348: {  	[tilespmem:s14+$0x60] =	vst v53;
	v51 =	vand.u32 $0xFFFF0000, v36;
	v8 =	vand.u32 $0xFFFF0000, v38;
	v11 =	vmul.f32 v50, v49  }
0x349: {  	[tilespmem:s17+$0xFFFFFFF0] =	vst v39;
	v0 =	vmul.f32 v3, v0;
	v6 =	vmul.f32 v8, v51  }
0x34a: {  	[tilespmem:s16+$0xFFFFFFE0] =	vst v48;
	v54 =	vmul.f32 v11, v1;
	v55 =	vshll.u32 v46, $0x10;
	v56 =	vshll.u32 v47, $0x10  }
0x34b: {  	[tilespmem:s1+$0x70] =	vst v5;
	v57 =	vand.u32 $0xFFFF0000, v46;
	v4 =	vand.u32 $0xFFFF0000, v47;
	v5 =	vmul.f32 v56, v55  }
0x34c: {  	[tilespmem:s1+$0x60] =	vst v0;
	v1 =	vmul.f32 v6, v1;
	v58 =	vmul.f32 v4, v57  }
0x34d: {  	[tilespmem:s14+$0xFFFFFFE0] =	vst v54;
	v59 =	vmul.f32 v5, v2  }
0x34e: {  	[tilespmem:s14+$0xFFFFFFF0] =	vst v1;
	v60 =	vmul.f32 v58, v2  }
0x34f: {  	[tilespmem:s1+$0xFFFFFFE0] =	vst v59  }
0x350: {  	[tilespmem:s1+$0xFFFFFFF0] =	vst v60  }
0x351: {  	v0 =	vld [tilespmem:$0xF0]  }
0x352: {  	v1 =	vld [tilespmem:$0x100]  }
0x353: {  	v61 =	vld [tilespmem:$0x110]  }
0x354: {  	v62 =	vld [tilespmem:$0x120]  }
0x355: {  	v63 =	vld [tilespmem:$0x130]  }
0x356: {  	[tilespmem:$0x280] =	vst v0  }
0x357: {  	[tilespmem:$0x290] =	vst v1  }
0x358: {  	[tilespmem:$0x2A0] =	vst v61  }
0x359: {  	[tilespmem:$0x2B0] =	vst v62  }
0x35a: {  	s23 =	rddreg [dreg:$0x3];
	s24 =	simm.s32 $0x280;
	s25 =	simm.s32 $0x8F70;
	[tilespmem:$0x2C0] =	vst v63  }
0x35b: {  	[spmem:s23] =	stream.indirect.scatter.add.f32 [tilespmem:s25], [sflag:$0x3], $0x80, s24, s0, $0xb8;
	[tilespmem:$0x1EFF0] =	vst v63  }
0x35c: {  	_ =	swait.ge [sflag:s15], $0x2800  }
0x35d: {  	[sflag:s15] =	ssyncset.done $0x0  }
0x35e: {  	[sflag:s15] =	ssyncadd.s32 $0xFFFFD800  }
0x35f: {  	[bflag:$0x0] =	sbarrier.arrive $0xFFFF  }
0x360: {  	s21 =	rddreg [dreg:$0x7]  }
0x361: {  	s29 =	rddreg [dreg:$0xf]  }
0x362: {  	s3 =	simm.s32 $0x4;
	s30 =	rddreg [dreg:$0x18]  }
0x363: {  	[hbm:s29], [sflag:s21] =	dma.local [spmem:s30], $0x2700  }
0x364: {  	_ =	swait.ge [sflag:s3], $0x2700  }
0x365: {  	[sflag:s3] =	ssyncset.done $0x0;
	s1 =	rddreg [dreg:$0x13]  }
0x366: {  	s2 =	rddreg [dreg:$0x19];
	[sflag:s3] =	ssyncadd.s32 $0xFFFFD900  }
0x367: {  	[hbm:s1], [sflag:s21] =	dma.local @!p0 [spmem:s2], $0x100  }
0x368: {  	s1 =	simm.s32 @!p0 $0x4  }
0x369: {  	_ =	swait.ge @!p0 [sflag:s1], $0x100  }
0x36a: {  	s5 =	rddreg [dreg:$0x17]  }
0x36b: {  	s31 =	rddreg [dreg:$0x14];
	s5 =	sadd.s32 $0x1, s5  }
0x36c: {  	p1 =	sne.s32 s5, s31  }
.Ltmp6:
0x36d: {  	_ = 	snop;
	(pc) =	sbr.rel @p1 .LBB2_1-.Ltmp6, $3  }
0x36e: {  	_ =	sdelay $0x1  }
0x36f: {  	[sflag:s1] =	ssyncset.done @!p0 $0x0  }
0x370: {  	[sflag:s1] =	ssyncadd.s32 @!p0 $0xFFFFFF00  }
0x371: {  	_ =	sfence.sel $0x180000  }
0x372: {  	[bflag:$0x0] =	sbarrier.arrive $0xFFFF  }
0x373: {  	_ =	strace $0x90000047  }
0x374: {  	[bflag:$0x2] =	sbarrier.arrive $0xFFFF  }
0x375: {  	s0 =	rddreg [dreg:$0x4]  }
0x376: {  	s0 =	sadd.s32 @!p0 $0x100000, s0  }
0x377: {  	[sflag:s0] =	ssyncadd.tile.s32 @!p0 $0x1;
	_ =	shalt  }
.Lfunc_end2:
_tile_overlayer_lowered:
.L_overlay_start_2:
0x378: {  	(tag) =	ssettag $0x2  }
0x379: {  	s0 =	rddreg [dreg:$0x0];
	s2 =	stileid.u32  }
0x37a: {  	s1 =	rddreg [dreg:$0x1];
	p0 =	sne.s32 s2, $0x0  }
0x37b: {  	s3 =	rddreg [dreg:$0x2];
	[bflag:$0x3] =	sbarrier.arrive $0xFFFF;
	s2 =	simm.s32 @!p0 $0x1C04  }
0x37c: {  	[timem:s3], [sflag:s2] =	dma.local @!p0 [hbm:s0], s1  }
0x37d: {  	s0 =	simm.s32 @!p0 $0x4  }
0x37e: {  	_ =	swait.ge @!p0 [sflag:s0], s1  }
0x37f: {  	s1 =	ssub.s32 @!p0 $0x0, s1;
	[sflag:s0] =	ssyncset.done @!p0 $0x0  }
0x380: {  	[sflag:s0] =	ssyncadd.s32 @!p0 s1  }
0x381: {  	[bflag:$0x3] =	sbarrier.arrive $0xFFFF  }
0x382: {  	_ =	shalt  }

</sc_bundles>
